<compile_context>
chip_gen: v7x
topology: tpu7x:2x2x1
jax: 0.10.2.dev20260603
libtpu: 0.0.44.dev20260713+nightly
codegen_flags: <defaults>
</compile_context>

<pallas_src>
import functools

import numpy as np
import jax
import jax.numpy as jnp
from jax import lax
from jax.experimental import pallas as pl
from jax.experimental.pallas import tpu as pltpu
from jax.experimental.pallas import tpu_sc as plsc

_N_BINS = 15
_C = 32
_STEP = np.float32(1.0) / np.float32(15.0)

_NC = 2
_NS = 16
_NW = _NC * _NS
_CHUNK = 16384
_CROWS = 128
_UNROLL = 4
_ACC = 1536


def _sc_body(rows_per_tile, lg, tg, out, lb0, lb1, tb0, tb1,
             acc0, acc1, acc2, acc3, ls0, ls1, ts0, ts1):
    wid = lax.axis_index("s") * _NC + lax.axis_index("c")
    base = wid * rows_per_tile
    iota = lax.iota(jnp.int32, 16)
    ones = jnp.full((16,), 1.0, jnp.float32)
    zeros = jnp.zeros((16,), jnp.float32)

    accs = (acc0, acc1, acc2, acc3)
    for a in accs:
        for i in range(_ACC // 16):
            a[pl.ds(i * 16, 16)] = zeros

    lbufs = (lb0, lb1)
    tbufs = (tb0, tb1)
    lsems = (ls0, ls1)
    tsems = (ts0, ts1)

    def start(k, b):
        off = base + k * _CROWS
        pltpu.async_copy(lg.at[pl.ds(off, _CROWS), :], lbufs[b], lsems[b])
        pltpu.async_copy(tg.at[pl.ds(off, _CROWS), :], tbufs[b], tsems[b])

    def wait(k, b):
        off = base + k * _CROWS
        pltpu.make_async_copy(lg.at[pl.ds(off, _CROWS), :], lbufs[b],
                              lsems[b]).wait()
        pltpu.make_async_copy(tg.at[pl.ds(off, _CROWS), :], tbufs[b],
                              tsems[b]).wait()

    def process(b):
        lb = lbufs[b]
        tb = tbufs[b]

        @plsc.parallel_loop(0, _CROWS * 2, 2, unroll=_UNROLL)
        def _(v):
            r = v >> 1
            for j in range(2):
                cvec = iota if j == 0 else iota + 16
                x = lb[r, pl.ds(j * 16, 16)]
                tv = tb[r, pl.ds(j * 16, 16)]
                p = 1.0 / (1.0 + jnp.exp(-x))
                b0 = jnp.minimum((p * 15.0).astype(jnp.int32), 14)
                b0f = b0.astype(jnp.float32)
                blo = b0f * _STEP
                bhi = (b0f + 1.0) * _STEP
                adj = jnp.where(p >= bhi, 1, 0) - jnp.where(p < blo, 1, 0)
                bi = jnp.minimum(b0 + adj, 14)
                idx = (bi << 5) + cvec
                plsc.addupdate_scatter(accs[2 * j], [idx + (tv << 9)], ones)
                plsc.addupdate_scatter(accs[2 * j + 1], [idx + 1024], p)

    nch = rows_per_tile // _CROWS
    start(0, 0)
    start(1, 1)

    def outer(i, carry):
        k0 = i * 2
        wait(k0, 0)
        process(0)

        @pl.when(k0 + 2 < nch)
        def _():
            start(k0 + 2, 0)

        wait(k0 + 1, 1)
        process(1)

        @pl.when(k0 + 3 < nch)
        def _():
            start(k0 + 3, 1)

        return carry

    lax.fori_loop(0, nch // 2, outer, 0)
    for i in range(_ACC // 16):
        sl = pl.ds(i * 16, 16)
        acc0[sl] = (acc0[sl] + acc1[sl]) + (acc2[sl] + acc3[sl])
    pltpu.sync_copy(acc0, out.at[wid])


@functools.cache
def _make_sc_partials(n_rows):
    rows_per_tile = n_rows // _NW
    assert rows_per_tile % (2 * _CROWS) == 0

    return pl.kernel(
        functools.partial(_sc_body, rows_per_tile),
        out_type=jax.ShapeDtypeStruct((_NW, _ACC), jnp.float32),
        mesh=plsc.VectorSubcoreMesh(core_axis_name="c", subcore_axis_name="s",
                                    num_cores=_NC, num_subcores=_NS),
        compiler_params=pltpu.CompilerParams(needs_layout_passes=False,
                                             use_tc_tiling_on_sc=True),
        scratch_types=[
            pltpu.VMEM((_CROWS, _C), jnp.float32),
            pltpu.VMEM((_CROWS, _C), jnp.float32),
            pltpu.VMEM((_CROWS, _C), jnp.int32),
            pltpu.VMEM((_CROWS, _C), jnp.int32),
            pltpu.VMEM((_ACC,), jnp.float32),
            pltpu.VMEM((_ACC,), jnp.float32),
            pltpu.VMEM((_ACC,), jnp.float32),
            pltpu.VMEM((_ACC,), jnp.float32),
            pltpu.SemaphoreType.DMA,
            pltpu.SemaphoreType.DMA,
            pltpu.SemaphoreType.DMA,
            pltpu.SemaphoreType.DMA,
        ],
    )


def _finish_body(n_rows, x_ref, o_ref):
    x = x_ref[:]
    s = jnp.sum(x, axis=0, keepdims=True)
    a0 = s[:, 0:512]
    a1 = s[:, 512:1024]
    bs = s[:, 1024:1536]
    cnt = a0 + a1
    nonempty = cnt > 0
    safe = jnp.where(nonempty, cnt, 1.0)
    w = cnt / np.float32(n_rows)
    terms = jnp.where(nonempty, jnp.abs(bs / safe - a1 / safe) * w, 0.0)
    ece = jnp.sum(terms)
    count = jnp.sum(jnp.where(nonempty, 1.0, 0.0))
    o_ref[...] = jnp.broadcast_to(jnp.where(count > 0, ece / count, ece),
                                  (1, 1))


_N_PARTS = 1


@jax.jit
def _impl(logits, targets):
    n_rows, n_cols = logits.shape
    assert n_cols == _C
    part_rows = n_rows // _N_PARTS
    call = _make_sc_partials(part_rows)
    parts = [
        call(logits[i * part_rows:(i + 1) * part_rows],
             targets[i * part_rows:(i + 1) * part_rows])
        for i in range(_N_PARTS)
    ]
    partials = jnp.concatenate(parts, axis=0)
    out = pl.pallas_call(
        functools.partial(_finish_body, n_rows),
        out_shape=jax.ShapeDtypeStruct((1, 1), jnp.float32),
    )(partials)
    return out[0, 0]


def kernel(logits, targets):
    return _impl(logits, targets)

# --- scband reference (transcript-rebuilt; emitter-appended) ---
"""Pipeline reference for scband-eceloss-17093969838131 (READ-ONLY COPY).

The authoritative reference and input builder live on the scoring server;
editing this copy changes nothing except your own understanding.
"""

import jax, jax.numpy as jnp
import numpy as np

N_BINS = 15

def setup_inputs(seed: int = 0) -> dict:
    key = jax.random.key(seed)
    k1, k2 = jax.random.split(key)
    logits = jax.random.normal(k1, (1048576, 32), dtype=jnp.float32) * 2.0
    targets = jax.random.randint(k2, (1048576, 32), 0, 2).astype(jnp.int32)
    return {"logits": logits, "targets": targets}

def reference(logits, targets):
    n_bins = N_BINS
    B, C = logits.shape
    probs = jax.nn.sigmoid(logits)
    boundaries = jnp.linspace(0.0, 1.0, n_bins + 1, dtype=probs.dtype)
    # bin b satisfies boundaries[b] <= p < boundaries[b+1]  (matches >= start & < end)
    bin_idx = jnp.clip(jnp.searchsorted(boundaries, probs, side='right') - 1, 0, n_bins - 1)
    seg = (bin_idx + jnp.arange(C, dtype=bin_idx.dtype)[None, :] * n_bins).reshape(-1)
    pf = probs.reshape(-1)
    tf = targets.astype(jnp.float32).reshape(-1)
    num_seg = C * n_bins
    cnt = jax.ops.segment_sum(jnp.ones_like(pf), seg, num_segments=num_seg)
    sum_p = jax.ops.segment_sum(pf, seg, num_segments=num_seg)
    sum_t = jax.ops.segment_sum(tf, seg, num_segments=num_seg)
    nonempty = cnt > 0
    safe_cnt = jnp.where(nonempty, cnt, 1.0)
    avg_conf = sum_p / safe_cnt
    accuracy = sum_t / safe_cnt
    weight = cnt / B  # mask.float().mean()
    ece = jnp.sum(jnp.where(nonempty, jnp.abs(avg_conf - accuracy) * weight, 0.0))
    count = jnp.sum(nonempty.astype(jnp.float32))
    ece = jnp.where(count > 0, ece / count, ece)
    return ece

if __name__ == "__main__":
    import jax
    _d = setup_inputs()
    print(jax.jit(kernel)(*tuple(_d.values())))

</pallas_src>

<mosaic_0001>
#map = affine_map<(d0, d1) -> (0, 0)>
module attributes {stable_mosaic.version = 14 : i64} {
  func.func @_sc_body(%arg0: i32, %arg1: i32, %arg2: memref<1048576x32xf32, #tpu.memory_space<hbm>>, %arg3: memref<1048576x32xi32, #tpu.memory_space<hbm>>, %arg4: memref<32x1536xf32, #tpu.memory_space<hbm>>, %arg5: memref<128x32xf32, #tpu.memory_space<vmem>>, %arg6: memref<128x32xf32, #tpu.memory_space<vmem>>, %arg7: memref<128x32xi32, #tpu.memory_space<vmem>>, %arg8: memref<128x32xi32, #tpu.memory_space<vmem>>, %arg9: memref<1536xf32, #tpu.memory_space<vmem>>, %arg10: memref<1536xf32, #tpu.memory_space<vmem>>, %arg11: memref<1536xf32, #tpu.memory_space<vmem>>, %arg12: memref<1536xf32, #tpu.memory_space<vmem>>, %arg13: memref<!tpu.dma_semaphore, #tpu.memory_space<semaphore_mem>>, %arg14: memref<!tpu.dma_semaphore, #tpu.memory_space<semaphore_mem>>, %arg15: memref<!tpu.dma_semaphore, #tpu.memory_space<semaphore_mem>>, %arg16: memref<!tpu.dma_semaphore, #tpu.memory_space<semaphore_mem>>) attributes {dimension_semantics = [#tpu.dimension_semantics<core_parallel>, #tpu.dimension_semantics<subcore_parallel>], iteration_bounds = array<i64: 2, 16>, scalar_prefetch = 0 : i64, scratch_operands = 12 : i64, tpu.core_type = #tpu.core_type<sc_vector_subcore>, window_params = [{transform_indices = #map}, {transform_indices = #map}, {transform_indices = #map}]} {
    %mul3A = arith.constant 2 : i32
    %mul3A_0 = arith.muli %arg1, %mul3A : i32
    %add3A = arith.addi %mul3A_0, %arg0 : i32
    %mul3A_1 = arith.constant 32768 : i32
    %mul3A_2 = arith.muli %add3A, %mul3A_1 : i32
    %iota3A = tpu.iota {dimensions = array<i32: 0>} : vector<16xi32>
    %broadcast_in_dim3A = arith.constant 1.000000e+00 : f32
    %broadcast_in_dim3A_3 = vector.broadcast %broadcast_in_dim3A : f32 to vector<16xf32>
    %broadcast_in_dim3A_4 = arith.constant 0.000000e+00 : f32
    %broadcast_in_dim3A_5 = vector.broadcast %broadcast_in_dim3A_4 : f32 to vector<16xf32>
    %swap3A = arith.constant 0 : index
    %swap3A_6 = tpu.vector_load %arg9[%swap3A] {strides = array<i32>} : memref<1536xf32, #tpu.memory_space<vmem>>, vector<16xf32>,
    tpu.vector_store %arg9[%swap3A], %broadcast_in_dim3A_5 {strides = array<i32>} : memref<1536xf32, #tpu.memory_space<vmem>>, vector<16xf32>,
    %swap3A_7 = arith.constant 16 : index
    %swap3A_8 = tpu.vector_load %arg9[%swap3A_7] {strides = array<i32>} : memref<1536xf32, #tpu.memory_space<vmem>>, vector<16xf32>,
    tpu.vector_store %arg9[%swap3A_7], %broadcast_in_dim3A_5 {strides = array<i32>} : memref<1536xf32, #tpu.memory_space<vmem>>, vector<16xf32>,
    %swap3A_9 = arith.constant 32 : index
    %swap3A_10 = tpu.vector_load %arg9[%swap3A_9] {strides = array<i32>} : memref<1536xf32, #tpu.memory_space<vmem>>, vector<16xf32>,
    tpu.vector_store %arg9[%swap3A_9], %broadcast_in_dim3A_5 {strides = array<i32>} : memref<1536xf32, #tpu.memory_space<vmem>>, vector<16xf32>,
    %swap3A_11 = arith.constant 48 : index
    %swap3A_12 = tpu.vector_load %arg9[%swap3A_11] {strides = array<i32>} : memref<1536xf32, #tpu.memory_space<vmem>>, vector<16xf32>,
    tpu.vector_store %arg9[%swap3A_11], %broadcast_in_dim3A_5 {strides = array<i32>} : memref<1536xf32, #tpu.memory_space<vmem>>, vector<16xf32>,
    %swap3A_13 = arith.constant 64 : index
    %swap3A_14 = tpu.vector_load %arg9[%swap3A_13] {strides = array<i32>} : memref<1536xf32, #tpu.memory_space<vmem>>, vector<16xf32>,
    tpu.vector_store %arg9[%swap3A_13], %broadcast_in_dim3A_5 {strides = array<i32>} : memref<1536xf32, #tpu.memory_space<vmem>>, vector<16xf32>,
    %swap3A_15 = arith.constant 80 : index
    %swap3A_16 = tpu.vector_load %arg9[%swap3A_15] {strides = array<i32>} : memref<1536xf32, #tpu.memory_space<vmem>>, vector<16xf32>,
    tpu.vector_store %arg9[%swap3A_15], %broadcast_in_dim3A_5 {strides = array<i32>} : memref<1536xf32, #tpu.memory_space<vmem>>, vector<16xf32>,
    %swap3A_17 = arith.constant 96 : index
    %swap3A_18 = tpu.vector_load %arg9[%swap3A_17] {strides = array<i32>} : memref<1536xf32, #tpu.memory_space<vmem>>, vector<16xf32>,
    tpu.vector_store %arg9[%swap3A_17], %broadcast_in_dim3A_5 {strides = array<i32>} : memref<1536xf32, #tpu.memory_space<vmem>>, vector<16xf32>,
    %swap3A_19 = arith.constant 112 : index
    %swap3A_20 = tpu.vector_load %arg9[%swap3A_19] {strides = array<i32>} : memref<1536xf32, #tpu.memory_space<vmem>>, vector<16xf32>,
    tpu.vector_store %arg9[%swap3A_19], %broadcast_in_dim3A_5 {strides = array<i32>} : memref<1536xf32, #tpu.memory_space<vmem>>, vector<16xf32>,
    %swap3A_21 = arith.constant 128 : index
    %swap3A_22 = tpu.vector_load %arg9[%swap3A_21] {strides = array<i32>} : memref<1536xf32, #tpu.memory_space<vmem>>, vector<16xf32>,
    tpu.vector_store %arg9[%swap3A_21], %broadcast_in_dim3A_5 {strides = array<i32>} : memref<1536xf32, #tpu.memory_space<vmem>>, vector<16xf32>,
    %swap3A_23 = arith.constant 144 : index
    %swap3A_24 = tpu.vector_load %arg9[%swap3A_23] {strides = array<i32>} : memref<1536xf32, #tpu.memory_space<vmem>>, vector<16xf32>,
    tpu.vector_store %arg9[%swap3A_23], %broadcast_in_dim3A_5 {strides = array<i32>} : memref<1536xf32, #tpu.memory_space<vmem>>, vector<16xf32>,
    %swap3A_25 = arith.constant 160 : index
    %swap3A_26 = tpu.vector_load %arg9[%swap3A_25] {strides = array<i32>} : memref<1536xf32, #tpu.memory_space<vmem>>, vector<16xf32>,
    tpu.vector_store %arg9[%swap3A_25], %broadcast_in_dim3A_5 {strides = array<i32>} : memref<1536xf32, #tpu.memory_space<vmem>>, vector<16xf32>,
    %swap3A_27 = arith.constant 176 : index
    %swap3A_28 = tpu.vector_load %arg9[%swap3A_27] {strides = array<i32>} : memref<1536xf32, #tpu.memory_space<vmem>>, vector<16xf32>,
    tpu.vector_store %arg9[%swap3A_27], %broadcast_in_dim3A_5 {strides = array<i32>} : memref<1536xf32, #tpu.memory_space<vmem>>, vector<16xf32>,
    %swap3A_29 = arith.constant 192 : index
    %swap3A_30 = tpu.vector_load %arg9[%swap3A_29] {strides = array<i32>} : memref<1536xf32, #tpu.memory_space<vmem>>, vector<16xf32>,
    tpu.vector_store %arg9[%swap3A_29], %broadcast_in_dim3A_5 {strides = array<i32>} : memref<1536xf32, #tpu.memory_space<vmem>>, vector<16xf32>,
    %swap3A_31 = arith.constant 208 : index
    %swap3A_32 = tpu.vector_load %arg9[%swap3A_31] {strides = array<i32>} : memref<1536xf32, #tpu.memory_space<vmem>>, vector<16xf32>,
    tpu.vector_store %arg9[%swap3A_31], %broadcast_in_dim3A_5 {strides = array<i32>} : memref<1536xf32, #tpu.memory_space<vmem>>, vector<16xf32>,
    %swap3A_33 = arith.constant 224 : index
    %swap3A_34 = tpu.vector_load %arg9[%swap3A_33] {strides = array<i32>} : memref<1536xf32, #tpu.memory_space<vmem>>, vector<16xf32>,
    tpu.vector_store %arg9[%swap3A_33], %broadcast_in_dim3A_5 {strides = array<i32>} : memref<1536xf32, #tpu.memory_space<vmem>>, vector<16xf32>,
    %swap3A_35 = arith.constant 240 : index
    %swap3A_36 = tpu.vector_load %arg9[%swap3A_35] {strides = array<i32>} : memref<1536xf32, #tpu.memory_space<vmem>>, vector<16xf32>,
    tpu.vector_store %arg9[%swap3A_35], %broadcast_in_dim3A_5 {strides = array<i32>} : memref<1536xf32, #tpu.memory_space<vmem>>, vector<16xf32>,
    %swap3A_37 = arith.constant 256 : index
    %swap3A_38 = tpu.vector_load %arg9[%swap3A_37] {strides = array<i32>} : memref<1536xf32, #tpu.memory_space<vmem>>, vector<16xf32>,
    tpu.vector_store %arg9[%swap3A_37], %broadcast_in_dim3A_5 {strides = array<i32>} : memref<1536xf32, #tpu.memory_space<vmem>>, vector<16xf32>,
    %swap3A_39 = arith.constant 272 : index
    %swap3A_40 = tpu.vector_load %arg9[%swap3A_39] {strides = array<i32>} : memref<1536xf32, #tpu.memory_space<vmem>>, vector<16xf32>,
    tpu.vector_store %arg9[%swap3A_39], %broadcast_in_dim3A_5 {strides = array<i32>} : memref<1536xf32, #tpu.memory_space<vmem>>, vector<16xf32>,
    %swap3A_41 = arith.constant 288 : index
    %swap3A_42 = tpu.vector_load %arg9[%swap3A_41] {strides = array<i32>} : memref<1536xf32, #tpu.memory_space<vmem>>, vector<16xf32>,
    tpu.vector_store %arg9[%swap3A_41], %broadcast_in_dim3A_5 {strides = array<i32>} : memref<1536xf32, #tpu.memory_space<vmem>>, vector<16xf32>,
    %swap3A_43 = arith.constant 304 : index
    %swap3A_44 = tpu.vector_load %arg9[%swap3A_43] {strides = array<i32>} : memref<1536xf32, #tpu.memory_space<vmem>>, vector<16xf32>,
    tpu.vector_store %arg9[%swap3A_43], %broadcast_in_dim3A_5 {strides = array<i32>} : memref<1536xf32, #tpu.memory_space<vmem>>, vector<16xf32>,
    %swap3A_45 = arith.constant 320 : index
    %swap3A_46 = tpu.vector_load %arg9[%swap3A_45] {strides = array<i32>} : memref<1536xf32, #tpu.memory_space<vmem>>, vector<16xf32>,
    tpu.vector_store %arg9[%swap3A_45], %broadcast_in_dim3A_5 {strides = array<i32>} : memref<1536xf32, #tpu.memory_space<vmem>>, vector<16xf32>,
    %swap3A_47 = arith.constant 336 : index
    %swap3A_48 = tpu.vector_load %arg9[%swap3A_47] {strides = array<i32>} : memref<1536xf32, #tpu.memory_space<vmem>>, vector<16xf32>,
    tpu.vector_store %arg9[%swap3A_47], %broadcast_in_dim3A_5 {strides = array<i32>} : memref<1536xf32, #tpu.memory_space<vmem>>, vector<16xf32>,
    %swap3A_49 = arith.constant 352 : index
    %swap3A_50 = tpu.vector_load %arg9[%swap3A_49] {strides = array<i32>} : memref<1536xf32, #tpu.memory_space<vmem>>, vector<16xf32>,
    tpu.vector_store %arg9[%swap3A_49], %broadcast_in_dim3A_5 {strides = array<i32>} : memref<1536xf32, #tpu.memory_space<vmem>>, vector<16xf32>,
    %swap3A_51 = arith.constant 368 : index
    %swap3A_52 = tpu.vector_load %arg9[%swap3A_51] {strides = array<i32>} : memref<1536xf32, #tpu.memory_space<vmem>>, vector<16xf32>,
    tpu.vector_store %arg9[%swap3A_51], %broadcast_in_dim3A_5 {strides = array<i32>} : memref<1536xf32, #tpu.memory_space<vmem>>, vector<16xf32>,
    %swap3A_53 = arith.constant 384 : index
    %swap3A_54 = tpu.vector_load %arg9[%swap3A_53] {strides = array<i32>} : memref<1536xf32, #tpu.memory_space<vmem>>, vector<16xf32>,
    tpu.vector_store %arg9[%swap3A_53], %broadcast_in_dim3A_5 {strides = array<i32>} : memref<1536xf32, #tpu.memory_space<vmem>>, vector<16xf32>,
    %swap3A_55 = arith.constant 400 : index
    %swap3A_56 = tpu.vector_load %arg9[%swap3A_55] {strides = array<i32>} : memref<1536xf32, #tpu.memory_space<vmem>>, vector<16xf32>,
    tpu.vector_store %arg9[%swap3A_55], %broadcast_in_dim3A_5 {strides = array<i32>} : memref<1536xf32, #tpu.memory_space<vmem>>, vector<16xf32>,
    %swap3A_57 = arith.constant 416 : index
    %swap3A_58 = tpu.vector_load %arg9[%swap3A_57] {strides = array<i32>} : memref<1536xf32, #tpu.memory_space<vmem>>, vector<16xf32>,
    tpu.vector_store %arg9[%swap3A_57], %broadcast_in_dim3A_5 {strides = array<i32>} : memref<1536xf32, #tpu.memory_space<vmem>>, vector<16xf32>,
    %swap3A_59 = arith.constant 432 : index
    %swap3A_60 = tpu.vector_load %arg9[%swap3A_59] {strides = array<i32>} : memref<1536xf32, #tpu.memory_space<vmem>>, vector<16xf32>,
    tpu.vector_store %arg9[%swap3A_59], %broadcast_in_dim3A_5 {strides = array<i32>} : memref<1536xf32, #tpu.memory_space<vmem>>, vector<16xf32>,
    %swap3A_61 = arith.constant 448 : index
    %swap3A_62 = tpu.vector_load %arg9[%swap3A_61] {strides = array<i32>} : memref<1536xf32, #tpu.memory_space<vmem>>, vector<16xf32>,
    tpu.vector_store %arg9[%swap3A_61], %broadcast_in_dim3A_5 {strides = array<i32>} : memref<1536xf32, #tpu.memory_space<vmem>>, vector<16xf32>,
    %swap3A_63 = arith.constant 464 : index
    %swap3A_64 = tpu.vector_load %arg9[%swap3A_63] {strides = array<i32>} : memref<1536xf32, #tpu.memory_space<vmem>>, vector<16xf32>,
    tpu.vector_store %arg9[%swap3A_63], %broadcast_in_dim3A_5 {strides = array<i32>} : memref<1536xf32, #tpu.memory_space<vmem>>, vector<16xf32>,
    %swap3A_65 = arith.constant 480 : index
    %swap3A_66 = tpu.vector_load %arg9[%swap3A_65] {strides = array<i32>} : memref<1536xf32, #tpu.memory_space<vmem>>, vector<16xf32>,
    tpu.vector_store %arg9[%swap3A_65], %broadcast_in_dim3A_5 {strides = array<i32>} : memref<1536xf32, #tpu.memory_space<vmem>>, vector<16xf32>,
    %swap3A_67 = arith.constant 496 : index
    %swap3A_68 = tpu.vector_load %arg9[%swap3A_67] {strides = array<i32>} : memref<1536xf32, #tpu.memory_space<vmem>>, vector<16xf32>,
    tpu.vector_store %arg9[%swap3A_67], %broadcast_in_dim3A_5 {strides = array<i32>} : memref<1536xf32, #tpu.memory_space<vmem>>, vector<16xf32>,
    %swap3A_69 = arith.constant 512 : index
    %swap3A_70 = tpu.vector_load %arg9[%swap3A_69] {strides = array<i32>} : memref<1536xf32, #tpu.memory_space<vmem>>, vector<16xf32>,
    tpu.vector_store %arg9[%swap3A_69], %broadcast_in_dim3A_5 {strides = array<i32>} : memref<1536xf32, #tpu.memory_space<vmem>>, vector<16xf32>,
    %swap3A_71 = arith.constant 528 : index
    %swap3A_72 = tpu.vector_load %arg9[%swap3A_71] {strides = array<i32>} : memref<1536xf32, #tpu.memory_space<vmem>>, vector<16xf32>,
    tpu.vector_store %arg9[%swap3A_71], %broadcast_in_dim3A_5 {strides = array<i32>} : memref<1536xf32, #tpu.memory_space<vmem>>, vector<16xf32>,
    %swap3A_73 = arith.constant 544 : index
    %swap3A_74 = tpu.vector_load %arg9[%swap3A_73] {strides = array<i32>} : memref<1536xf32, #tpu.memory_space<vmem>>, vector<16xf32>,
    tpu.vector_store %arg9[%swap3A_73], %broadcast_in_dim3A_5 {strides = array<i32>} : memref<1536xf32, #tpu.memory_space<vmem>>, vector<16xf32>,
    %swap3A_75 = arith.constant 560 : index
    %swap3A_76 = tpu.vector_load %arg9[%swap3A_75] {strides = array<i32>} : memref<1536xf32, #tpu.memory_space<vmem>>, vector<16xf32>,
    tpu.vector_store %arg9[%swap3A_75], %broadcast_in_dim3A_5 {strides = array<i32>} : memref<1536xf32, #tpu.memory_space<vmem>>, vector<16xf32>,
    %swap3A_77 = arith.constant 576 : index
    %swap3A_78 = tpu.vector_load %arg9[%swap3A_77] {strides = array<i32>} : memref<1536xf32, #tpu.memory_space<vmem>>, vector<16xf32>,
    tpu.vector_store %arg9[%swap3A_77], %broadcast_in_dim3A_5 {strides = array<i32>} : memref<1536xf32, #tpu.memory_space<vmem>>, vector<16xf32>,
    %swap3A_79 = arith.constant 592 : index
    %swap3A_80 = tpu.vector_load %arg9[%swap3A_79] {strides = array<i32>} : memref<1536xf32, #tpu.memory_space<vmem>>, vector<16xf32>,
    tpu.vector_store %arg9[%swap3A_79], %broadcast_in_dim3A_5 {strides = array<i32>} : memref<1536xf32, #tpu.memory_space<vmem>>, vector<16xf32>,
    %swap3A_81 = arith.constant 608 : index
    %swap3A_82 = tpu.vector_load %arg9[%swap3A_81] {strides = array<i32>} : memref<1536xf32, #tpu.memory_space<vmem>>, vector<16xf32>,
    tpu.vector_store %arg9[%swap3A_81], %broadcast_in_dim3A_5 {strides = array<i32>} : memref<1536xf32, #tpu.memory_space<vmem>>, vector<16xf32>,
    %swap3A_83 = arith.constant 624 : index
    %swap3A_84 = tpu.vector_load %arg9[%swap3A_83] {strides = array<i32>} : memref<1536xf32, #tpu.memory_space<vmem>>, vector<16xf32>,
    tpu.vector_store %arg9[%swap3A_83], %broadcast_in_dim3A_5 {strides = array<i32>} : memref<1536xf32, #tpu.memory_space<vmem>>, vector<16xf32>,
    %swap3A_85 = arith.constant 640 : index
    %swap3A_86 = tpu.vector_load %arg9[%swap3A_85] {strides = array<i32>} : memref<1536xf32, #tpu.memory_space<vmem>>, vector<16xf32>,
    tpu.vector_store %arg9[%swap3A_85], %broadcast_in_dim3A_5 {strides = array<i32>} : memref<1536xf32, #tpu.memory_space<vmem>>, vector<16xf32>,
    %swap3A_87 = arith.constant 656 : index
    %swap3A_88 = tpu.vector_load %arg9[%swap3A_87] {strides = array<i32>} : memref<1536xf32, #tpu.memory_space<vmem>>, vector<16xf32>,
    tpu.vector_store %arg9[%swap3A_87], %broadcast_in_dim3A_5 {strides = array<i32>} : memref<1536xf32, #tpu.memory_space<vmem>>, vector<16xf32>,
    %swap3A_89 = arith.constant 672 : index
    %swap3A_90 = tpu.vector_load %arg9[%swap3A_89] {strides = array<i32>} : memref<1536xf32, #tpu.memory_space<vmem>>, vector<16xf32>,
    tpu.vector_store %arg9[%swap3A_89], %broadcast_in_dim3A_5 {strides = array<i32>} : memref<1536xf32, #tpu.memory_space<vmem>>, vector<16xf32>,
    %swap3A_91 = arith.constant 688 : index
    %swap3A_92 = tpu.vector_load %arg9[%swap3A_91] {strides = array<i32>} : memref<1536xf32, #tpu.memory_space<vmem>>, vector<16xf32>,
    tpu.vector_store %arg9[%swap3A_91], %broadcast_in_dim3A_5 {strides = array<i32>} : memref<1536xf32, #tpu.memory_space<vmem>>, vector<16xf32>,
    %swap3A_93 = arith.constant 704 : index
    %swap3A_94 = tpu.vector_load %arg9[%swap3A_93] {strides = array<i32>} : memref<1536xf32, #tpu.memory_space<vmem>>, vector<16xf32>,
    tpu.vector_store %arg9[%swap3A_93], %broadcast_in_dim3A_5 {strides = array<i32>} : memref<1536xf32, #tpu.memory_space<vmem>>, vector<16xf32>,
    %swap3A_95 = arith.constant 720 : index
    %swap3A_96 = tpu.vector_load %arg9[%swap3A_95] {strides = array<i32>} : memref<1536xf32, #tpu.memory_space<vmem>>, vector<16xf32>,
    tpu.vector_store %arg9[%swap3A_95], %broadcast_in_dim3A_5 {strides = array<i32>} : memref<1536xf32, #tpu.memory_space<vmem>>, vector<16xf32>,
    %swap3A_97 = arith.constant 736 : index
    %swap3A_98 = tpu.vector_load %arg9[%swap3A_97] {strides = array<i32>} : memref<1536xf32, #tpu.memory_space<vmem>>, vector<16xf32>,
    tpu.vector_store %arg9[%swap3A_97], %broadcast_in_dim3A_5 {strides = array<i32>} : memref<1536xf32, #tpu.memory_space<vmem>>, vector<16xf32>,
    %swap3A_99 = arith.constant 752 : index
    %swap3A_100 = tpu.vector_load %arg9[%swap3A_99] {strides = array<i32>} : memref<1536xf32, #tpu.memory_space<vmem>>, vector<16xf32>,
    tpu.vector_store %arg9[%swap3A_99], %broadcast_in_dim3A_5 {strides = array<i32>} : memref<1536xf32, #tpu.memory_space<vmem>>, vector<16xf32>,
    %swap3A_101 = arith.constant 768 : index
    %swap3A_102 = tpu.vector_load %arg9[%swap3A_101] {strides = array<i32>} : memref<1536xf32, #tpu.memory_space<vmem>>, vector<16xf32>,
    tpu.vector_store %arg9[%swap3A_101], %broadcast_in_dim3A_5 {strides = array<i32>} : memref<1536xf32, #tpu.memory_space<vmem>>, vector<16xf32>,
    %swap3A_103 = arith.constant 784 : index
    %swap3A_104 = tpu.vector_load %arg9[%swap3A_103] {strides = array<i32>} : memref<1536xf32, #tpu.memory_space<vmem>>, vector<16xf32>,
    tpu.vector_store %arg9[%swap3A_103], %broadcast_in_dim3A_5 {strides = array<i32>} : memref<1536xf32, #tpu.memory_space<vmem>>, vector<16xf32>,
    %swap3A_105 = arith.constant 800 : index
    %swap3A_106 = tpu.vector_load %arg9[%swap3A_105] {strides = array<i32>} : memref<1536xf32, #tpu.memory_space<vmem>>, vector<16xf32>,
    tpu.vector_store %arg9[%swap3A_105], %broadcast_in_dim3A_5 {strides = array<i32>} : memref<1536xf32, #tpu.memory_space<vmem>>, vector<16xf32>,
    %swap3A_107 = arith.constant 816 : index
    %swap3A_108 = tpu.vector_load %arg9[%swap3A_107] {strides = array<i32>} : memref<1536xf32, #tpu.memory_space<vmem>>, vector<16xf32>,
    tpu.vector_store %arg9[%swap3A_107], %broadcast_in_dim3A_5 {strides = array<i32>} : memref<1536xf32, #tpu.memory_space<vmem>>, vector<16xf32>,
    %swap3A_109 = arith.constant 832 : index
    %swap3A_110 = tpu.vector_load %arg9[%swap3A_109] {strides = array<i32>} : memref<1536xf32, #tpu.memory_space<vmem>>, vector<16xf32>,
    tpu.vector_store %arg9[%swap3A_109], %broadcast_in_dim3A_5 {strides = array<i32>} : memref<1536xf32, #tpu.memory_space<vmem>>, vector<16xf32>,
    %swap3A_111 = arith.constant 848 : index
    %swap3A_112 = tpu.vector_load %arg9[%swap3A_111] {strides = array<i32>} : memref<1536xf32, #tpu.memory_space<vmem>>, vector<16xf32>,
    tpu.vector_store %arg9[%swap3A_111], %broadcast_in_dim3A_5 {strides = array<i32>} : memref<1536xf32, #tpu.memory_space<vmem>>, vector<16xf32>,
    %swap3A_113 = arith.constant 864 : index
    %swap3A_114 = tpu.vector_load %arg9[%swap3A_113] {strides = array<i32>} : memref<1536xf32, #tpu.memory_space<vmem>>, vector<16xf32>,
    tpu.vector_store %arg9[%swap3A_113], %broadcast_in_dim3A_5 {strides = array<i32>} : memref<1536xf32, #tpu.memory_space<vmem>>, vector<16xf32>,
    %swap3A_115 = arith.constant 880 : index
    %swap3A_116 = tpu.vector_load %arg9[%swap3A_115] {strides = array<i32>} : memref<1536xf32, #tpu.memory_space<vmem>>, vector<16xf32>,
    tpu.vector_store %arg9[%swap3A_115], %broadcast_in_dim3A_5 {strides = array<i32>} : memref<1536xf32, #tpu.memory_space<vmem>>, vector<16xf32>,
    %swap3A_117 = arith.constant 896 : index
    %swap3A_118 = tpu.vector_load %arg9[%swap3A_117] {strides = array<i32>} : memref<1536xf32, #tpu.memory_space<vmem>>, vector<16xf32>,
    tpu.vector_store %arg9[%swap3A_117], %broadcast_in_dim3A_5 {strides = array<i32>} : memref<1536xf32, #tpu.memory_space<vmem>>, vector<16xf32>,
    %swap3A_119 = arith.constant 912 : index
    %swap3A_120 = tpu.vector_load %arg9[%swap3A_119] {strides = array<i32>} : memref<1536xf32, #tpu.memory_space<vmem>>, vector<16xf32>,
    tpu.vector_store %arg9[%swap3A_119], %broadcast_in_dim3A_5 {strides = array<i32>} : memref<1536xf32, #tpu.memory_space<vmem>>, vector<16xf32>,
    %swap3A_121 = arith.constant 928 : index
    %swap3A_122 = tpu.vector_load %arg9[%swap3A_121] {strides = array<i32>} : memref<1536xf32, #tpu.memory_space<vmem>>, vector<16xf32>,
    tpu.vector_store %arg9[%swap3A_121], %broadcast_in_dim3A_5 {strides = array<i32>} : memref<1536xf32, #tpu.memory_space<vmem>>, vector<16xf32>,
    %swap3A_123 = arith.constant 944 : index
    %swap3A_124 = tpu.vector_load %arg9[%swap3A_123] {strides = array<i32>} : memref<1536xf32, #tpu.memory_space<vmem>>, vector<16xf32>,
    tpu.vector_store %arg9[%swap3A_123], %broadcast_in_dim3A_5 {strides = array<i32>} : memref<1536xf32, #tpu.memory_space<vmem>>, vector<16xf32>,
    %swap3A_125 = arith.constant 960 : index
    %swap3A_126 = tpu.vector_load %arg9[%swap3A_125] {strides = array<i32>} : memref<1536xf32, #tpu.memory_space<vmem>>, vector<16xf32>,
    tpu.vector_store %arg9[%swap3A_125], %broadcast_in_dim3A_5 {strides = array<i32>} : memref<1536xf32, #tpu.memory_space<vmem>>, vector<16xf32>,
    %swap3A_127 = arith.constant 976 : index
    %swap3A_128 = tpu.vector_load %arg9[%swap3A_127] {strides = array<i32>} : memref<1536xf32, #tpu.memory_space<vmem>>, vector<16xf32>,
    tpu.vector_store %arg9[%swap3A_127], %broadcast_in_dim3A_5 {strides = array<i32>} : memref<1536xf32, #tpu.memory_space<vmem>>, vector<16xf32>,
    %swap3A_129 = arith.constant 992 : index
    %swap3A_130 = tpu.vector_load %arg9[%swap3A_129] {strides = array<i32>} : memref<1536xf32, #tpu.memory_space<vmem>>, vector<16xf32>,
    tpu.vector_store %arg9[%swap3A_129], %broadcast_in_dim3A_5 {strides = array<i32>} : memref<1536xf32, #tpu.memory_space<vmem>>, vector<16xf32>,
    %swap3A_131 = arith.constant 1008 : index
    %swap3A_132 = tpu.vector_load %arg9[%swap3A_131] {strides = array<i32>} : memref<1536xf32, #tpu.memory_space<vmem>>, vector<16xf32>,
    tpu.vector_store %arg9[%swap3A_131], %broadcast_in_dim3A_5 {strides = array<i32>} : memref<1536xf32, #tpu.memory_space<vmem>>, vector<16xf32>,
    %swap3A_133 = arith.constant 1024 : index
    %swap3A_134 = tpu.vector_load %arg9[%swap3A_133] {strides = array<i32>} : memref<1536xf32, #tpu.memory_space<vmem>>, vector<16xf32>,
    tpu.vector_store %arg9[%swap3A_133], %broadcast_in_dim3A_5 {strides = array<i32>} : memref<1536xf32, #tpu.memory_space<vmem>>, vector<16xf32>,
    %swap3A_135 = arith.constant 1040 : index
    %swap3A_136 = tpu.vector_load %arg9[%swap3A_135] {strides = array<i32>} : memref<1536xf32, #tpu.memory_space<vmem>>, vector<16xf32>,
    tpu.vector_store %arg9[%swap3A_135], %broadcast_in_dim3A_5 {strides = array<i32>} : memref<1536xf32, #tpu.memory_space<vmem>>, vector<16xf32>,
    %swap3A_137 = arith.constant 1056 : index
    %swap3A_138 = tpu.vector_load %arg9[%swap3A_137] {strides = array<i32>} : memref<1536xf32, #tpu.memory_space<vmem>>, vector<16xf32>,
    tpu.vector_store %arg9[%swap3A_137], %broadcast_in_dim3A_5 {strides = array<i32>} : memref<1536xf32, #tpu.memory_space<vmem>>, vector<16xf32>,
    %swap3A_139 = arith.constant 1072 : index
    %swap3A_140 = tpu.vector_load %arg9[%swap3A_139] {strides = array<i32>} : memref<1536xf32, #tpu.memory_space<vmem>>, vector<16xf32>,
    tpu.vector_store %arg9[%swap3A_139], %broadcast_in_dim3A_5 {strides = array<i32>} : memref<1536xf32, #tpu.memory_space<vmem>>, vector<16xf32>,
    %swap3A_141 = arith.constant 1088 : index
    %swap3A_142 = tpu.vector_load %arg9[%swap3A_141] {strides = array<i32>} : memref<1536xf32, #tpu.memory_space<vmem>>, vector<16xf32>,
    tpu.vector_store %arg9[%swap3A_141], %broadcast_in_dim3A_5 {strides = array<i32>} : memref<1536xf32, #tpu.memory_space<vmem>>, vector<16xf32>,
    %swap3A_143 = arith.constant 1104 : index
    %swap3A_144 = tpu.vector_load %arg9[%swap3A_143] {strides = array<i32>} : memref<1536xf32, #tpu.memory_space<vmem>>, vector<16xf32>,
    tpu.vector_store %arg9[%swap3A_143], %broadcast_in_dim3A_5 {strides = array<i32>} : memref<1536xf32, #tpu.memory_space<vmem>>, vector<16xf32>,
    %swap3A_145 = arith.constant 1120 : index
    %swap3A_146 = tpu.vector_load %arg9[%swap3A_145] {strides = array<i32>} : memref<1536xf32, #tpu.memory_space<vmem>>, vector<16xf32>,
    tpu.vector_store %arg9[%swap3A_145], %broadcast_in_dim3A_5 {strides = array<i32>} : memref<1536xf32, #tpu.memory_space<vmem>>, vector<16xf32>,
    %swap3A_147 = arith.constant 1136 : index
    %swap3A_148 = tpu.vector_load %arg9[%swap3A_147] {strides = array<i32>} : memref<1536xf32, #tpu.memory_space<vmem>>, vector<16xf32>,
    tpu.vector_store %arg9[%swap3A_147], %broadcast_in_dim3A_5 {strides = array<i32>} : memref<1536xf32, #tpu.memory_space<vmem>>, vector<16xf32>,
    %swap3A_149 = arith.constant 1152 : index
    %swap3A_150 = tpu.vector_load %arg9[%swap3A_149] {strides = array<i32>} : memref<1536xf32, #tpu.memory_space<vmem>>, vector<16xf32>,
    tpu.vector_store %arg9[%swap3A_149], %broadcast_in_dim3A_5 {strides = array<i32>} : memref<1536xf32, #tpu.memory_space<vmem>>, vector<16xf32>,
    %swap3A_151 = arith.constant 1168 : index
    %swap3A_152 = tpu.vector_load %arg9[%swap3A_151] {strides = array<i32>} : memref<1536xf32, #tpu.memory_space<vmem>>, vector<16xf32>,
    tpu.vector_store %arg9[%swap3A_151], %broadcast_in_dim3A_5 {strides = array<i32>} : memref<1536xf32, #tpu.memory_space<vmem>>, vector<16xf32>,
    %swap3A_153 = arith.constant 1184 : index
    %swap3A_154 = tpu.vector_load %arg9[%swap3A_153] {strides = array<i32>} : memref<1536xf32, #tpu.memory_space<vmem>>, vector<16xf32>,
    tpu.vector_store %arg9[%swap3A_153], %broadcast_in_dim3A_5 {strides = array<i32>} : memref<1536xf32, #tpu.memory_space<vmem>>, vector<16xf32>,
    %swap3A_155 = arith.constant 1200 : index
    %swap3A_156 = tpu.vector_load %arg9[%swap3A_155] {strides = array<i32>} : memref<1536xf32, #tpu.memory_space<vmem>>, vector<16xf32>,
    tpu.vector_store %arg9[%swap3A_155], %broadcast_in_dim3A_5 {strides = array<i32>} : memref<1536xf32, #tpu.memory_space<vmem>>, vector<16xf32>,
    %swap3A_157 = arith.constant 1216 : index
    %swap3A_158 = tpu.vector_load %arg9[%swap3A_157] {strides = array<i32>} : memref<1536xf32, #tpu.memory_space<vmem>>, vector<16xf32>,
    tpu.vector_store %arg9[%swap3A_157], %broadcast_in_dim3A_5 {strides = array<i32>} : memref<1536xf32, #tpu.memory_space<vmem>>, vector<16xf32>,
    %swap3A_159 = arith.constant 1232 : index
    %swap3A_160 = tpu.vector_load %arg9[%swap3A_159] {strides = array<i32>} : memref<1536xf32, #tpu.memory_space<vmem>>, vector<16xf32>,
    tpu.vector_store %arg9[%swap3A_159], %broadcast_in_dim3A_5 {strides = array<i32>} : memref<1536xf32, #tpu.memory_space<vmem>>, vector<16xf32>,
    %swap3A_161 = arith.constant 1248 : index
    %swap3A_162 = tpu.vector_load %arg9[%swap3A_161] {strides = array<i32>} : memref<1536xf32, #tpu.memory_space<vmem>>, vector<16xf32>,
    tpu.vector_store %arg9[%swap3A_161], %broadcast_in_dim3A_5 {strides = array<i32>} : memref<1536xf32, #tpu.memory_space<vmem>>, vector<16xf32>,
    %swap3A_163 = arith.constant 1264 : index
    %swap3A_164 = tpu.vector_load %arg9[%swap3A_163] {strides = array<i32>} : memref<1536xf32, #tpu.memory_space<vmem>>, vector<16xf32>,
    tpu.vector_store %arg9[%swap3A_163], %broadcast_in_dim3A_5 {strides = array<i32>} : memref<1536xf32, #tpu.memory_space<vmem>>, vector<16xf32>,
    %swap3A_165 = arith.constant 1280 : index
    %swap3A_166 = tpu.vector_load %arg9[%swap3A_165] {strides = array<i32>} : memref<1536xf32, #tpu.memory_space<vmem>>, vector<16xf32>,
    tpu.vector_store %arg9[%swap3A_165], %broadcast_in_dim3A_5 {strides = array<i32>} : memref<1536xf32, #tpu.memory_space<vmem>>, vector<16xf32>,
    %swap3A_167 = arith.constant 1296 : index
    %swap3A_168 = tpu.vector_load %arg9[%swap3A_167] {strides = array<i32>} : memref<1536xf32, #tpu.memory_space<vmem>>, vector<16xf32>,
    tpu.vector_store %arg9[%swap3A_167], %broadcast_in_dim3A_5 {strides = array<i32>} : memref<1536xf32, #tpu.memory_space<vmem>>, vector<16xf32>,
    %swap3A_169 = arith.constant 1312 : index
    %swap3A_170 = tpu.vector_load %arg9[%swap3A_169] {strides = array<i32>} : memref<1536xf32, #tpu.memory_space<vmem>>, vector<16xf32>,
    tpu.vector_store %arg9[%swap3A_169], %broadcast_in_dim3A_5 {strides = array<i32>} : memref<1536xf32, #tpu.memory_space<vmem>>, vector<16xf32>,
    %swap3A_171 = arith.constant 1328 : index
    %swap3A_172 = tpu.vector_load %arg9[%swap3A_171] {strides = array<i32>} : memref<1536xf32, #tpu.memory_space<vmem>>, vector<16xf32>,
    tpu.vector_store %arg9[%swap3A_171], %broadcast_in_dim3A_5 {strides = array<i32>} : memref<1536xf32, #tpu.memory_space<vmem>>, vector<16xf32>,
    %swap3A_173 = arith.constant 1344 : index
    %swap3A_174 = tpu.vector_load %arg9[%swap3A_173] {strides = array<i32>} : memref<1536xf32, #tpu.memory_space<vmem>>, vector<16xf32>,
    tpu.vector_store %arg9[%swap3A_173], %broadcast_in_dim3A_5 {strides = array<i32>} : memref<1536xf32, #tpu.memory_space<vmem>>, vector<16xf32>,
    %swap3A_175 = arith.constant 1360 : index
    %swap3A_176 = tpu.vector_load %arg9[%swap3A_175] {strides = array<i32>} : memref<1536xf32, #tpu.memory_space<vmem>>, vector<16xf32>,
    tpu.vector_store %arg9[%swap3A_175], %broadcast_in_dim3A_5 {strides = array<i32>} : memref<1536xf32, #tpu.memory_space<vmem>>, vector<16xf32>,
    %swap3A_177 = arith.constant 1376 : index
    %swap3A_178 = tpu.vector_load %arg9[%swap3A_177] {strides = array<i32>} : memref<1536xf32, #tpu.memory_space<vmem>>, vector<16xf32>,
    tpu.vector_store %arg9[%swap3A_177], %broadcast_in_dim3A_5 {strides = array<i32>} : memref<1536xf32, #tpu.memory_space<vmem>>, vector<16xf32>,
    %swap3A_179 = arith.constant 1392 : index
    %swap3A_180 = tpu.vector_load %arg9[%swap3A_179] {strides = array<i32>} : memref<1536xf32, #tpu.memory_space<vmem>>, vector<16xf32>,
    tpu.vector_store %arg9[%swap3A_179], %broadcast_in_dim3A_5 {strides = array<i32>} : memref<1536xf32, #tpu.memory_space<vmem>>, vector<16xf32>,
    %swap3A_181 = arith.constant 1408 : index
    %swap3A_182 = tpu.vector_load %arg9[%swap3A_181] {strides = array<i32>} : memref<1536xf32, #tpu.memory_space<vmem>>, vector<16xf32>,
    tpu.vector_store %arg9[%swap3A_181], %broadcast_in_dim3A_5 {strides = array<i32>} : memref<1536xf32, #tpu.memory_space<vmem>>, vector<16xf32>,
    %swap3A_183 = arith.constant 1424 : index
    %swap3A_184 = tpu.vector_load %arg9[%swap3A_183] {strides = array<i32>} : memref<1536xf32, #tpu.memory_space<vmem>>, vector<16xf32>,
    tpu.vector_store %arg9[%swap3A_183], %broadcast_in_dim3A_5 {strides = array<i32>} : memref<1536xf32, #tpu.memory_space<vmem>>, vector<16xf32>,
    %swap3A_185 = arith.constant 1440 : index
    %swap3A_186 = tpu.vector_load %arg9[%swap3A_185] {strides = array<i32>} : memref<1536xf32, #tpu.memory_space<vmem>>, vector<16xf32>,
    tpu.vector_store %arg9[%swap3A_185], %broadcast_in_dim3A_5 {strides = array<i32>} : memref<1536xf32, #tpu.memory_space<vmem>>, vector<16xf32>,
    %swap3A_187 = arith.constant 1456 : index
    %swap3A_188 = tpu.vector_load %arg9[%swap3A_187] {strides = array<i32>} : memref<1536xf32, #tpu.memory_space<vmem>>, vector<16xf32>,
    tpu.vector_store %arg9[%swap3A_187], %broadcast_in_dim3A_5 {strides = array<i32>} : memref<1536xf32, #tpu.memory_space<vmem>>, vector<16xf32>,
    %swap3A_189 = arith.constant 1472 : index
    %swap3A_190 = tpu.vector_load %arg9[%swap3A_189] {strides = array<i32>} : memref<1536xf32, #tpu.memory_space<vmem>>, vector<16xf32>,
    tpu.vector_store %arg9[%swap3A_189], %broadcast_in_dim3A_5 {strides = array<i32>} : memref<1536xf32, #tpu.memory_space<vmem>>, vector<16xf32>,
    %swap3A_191 = arith.constant 1488 : index
    %swap3A_192 = tpu.vector_load %arg9[%swap3A_191] {strides = array<i32>} : memref<1536xf32, #tpu.memory_space<vmem>>, vector<16xf32>,
    tpu.vector_store %arg9[%swap3A_191], %broadcast_in_dim3A_5 {strides = array<i32>} : memref<1536xf32, #tpu.memory_space<vmem>>, vector<16xf32>,
    %swap3A_193 = arith.constant 1504 : index
    %swap3A_194 = tpu.vector_load %arg9[%swap3A_193] {strides = array<i32>} : memref<1536xf32, #tpu.memory_space<vmem>>, vector<16xf32>,
    tpu.vector_store %arg9[%swap3A_193], %broadcast_in_dim3A_5 {strides = array<i32>} : memref<1536xf32, #tpu.memory_space<vmem>>, vector<16xf32>,
    %swap3A_195 = arith.constant 1520 : index
    %swap3A_196 = tpu.vector_load %arg9[%swap3A_195] {strides = array<i32>} : memref<1536xf32, #tpu.memory_space<vmem>>, vector<16xf32>,
    tpu.vector_store %arg9[%swap3A_195], %broadcast_in_dim3A_5 {strides = array<i32>} : memref<1536xf32, #tpu.memory_space<vmem>>, vector<16xf32>,
    %swap3A_197 = arith.constant 0 : index
    %swap3A_198 = tpu.vector_load %arg10[%swap3A_197] {strides = array<i32>} : memref<1536xf32, #tpu.memory_space<vmem>>, vector<16xf32>,
    tpu.vector_store %arg10[%swap3A_197], %broadcast_in_dim3A_5 {strides = array<i32>} : memref<1536xf32, #tpu.memory_space<vmem>>, vector<16xf32>,
    %swap3A_199 = arith.constant 16 : index
    %swap3A_200 = tpu.vector_load %arg10[%swap3A_199] {strides = array<i32>} : memref<1536xf32, #tpu.memory_space<vmem>>, vector<16xf32>,
    tpu.vector_store %arg10[%swap3A_199], %broadcast_in_dim3A_5 {strides = array<i32>} : memref<1536xf32, #tpu.memory_space<vmem>>, vector<16xf32>,
    %swap3A_201 = arith.constant 32 : index
    %swap3A_202 = tpu.vector_load %arg10[%swap3A_201] {strides = array<i32>} : memref<1536xf32, #tpu.memory_space<vmem>>, vector<16xf32>,
    tpu.vector_store %arg10[%swap3A_201], %broadcast_in_dim3A_5 {strides = array<i32>} : memref<1536xf32, #tpu.memory_space<vmem>>, vector<16xf32>,
    %swap3A_203 = arith.constant 48 : index
    %swap3A_204 = tpu.vector_load %arg10[%swap3A_203] {strides = array<i32>} : memref<1536xf32, #tpu.memory_space<vmem>>, vector<16xf32>,
    tpu.vector_store %arg10[%swap3A_203], %broadcast_in_dim3A_5 {strides = array<i32>} : memref<1536xf32, #tpu.memory_space<vmem>>, vector<16xf32>,
    %swap3A_205 = arith.constant 64 : index
    %swap3A_206 = tpu.vector_load %arg10[%swap3A_205] {strides = array<i32>} : memref<1536xf32, #tpu.memory_space<vmem>>, vector<16xf32>,
    tpu.vector_store %arg10[%swap3A_205], %broadcast_in_dim3A_5 {strides = array<i32>} : memref<1536xf32, #tpu.memory_space<vmem>>, vector<16xf32>,
    %swap3A_207 = arith.constant 80 : index
    %swap3A_208 = tpu.vector_load %arg10[%swap3A_207] {strides = array<i32>} : memref<1536xf32, #tpu.memory_space<vmem>>, vector<16xf32>,
    tpu.vector_store %arg10[%swap3A_207], %broadcast_in_dim3A_5 {strides = array<i32>} : memref<1536xf32, #tpu.memory_space<vmem>>, vector<16xf32>,
    %swap3A_209 = arith.constant 96 : index
    %swap3A_210 = tpu.vector_load %arg10[%swap3A_209] {strides = array<i32>} : memref<1536xf32, #tpu.memory_space<vmem>>, vector<16xf32>,
    tpu.vector_store %arg10[%swap3A_209], %broadcast_in_dim3A_5 {strides = array<i32>} : memref<1536xf32, #tpu.memory_space<vmem>>, vector<16xf32>,
    %swap3A_211 = arith.constant 112 : index
    %swap3A_212 = tpu.vector_load %arg10[%swap3A_211] {strides = array<i32>} : memref<1536xf32, #tpu.memory_space<vmem>>, vector<16xf32>,
    tpu.vector_store %arg10[%swap3A_211], %broadcast_in_dim3A_5 {strides = array<i32>} : memref<1536xf32, #tpu.memory_space<vmem>>, vector<16xf32>,
    %swap3A_213 = arith.constant 128 : index
    %swap3A_214 = tpu.vector_load %arg10[%swap3A_213] {strides = array<i32>} : memref<1536xf32, #tpu.memory_space<vmem>>, vector<16xf32>,
    tpu.vector_store %arg10[%swap3A_213], %broadcast_in_dim3A_5 {strides = array<i32>} : memref<1536xf32, #tpu.memory_space<vmem>>, vector<16xf32>,
    %swap3A_215 = arith.constant 144 : index
    %swap3A_216 = tpu.vector_load %arg10[%swap3A_215] {strides = array<i32>} : memref<1536xf32, #tpu.memory_space<vmem>>, vector<16xf32>,
    tpu.vector_store %arg10[%swap3A_215], %broadcast_in_dim3A_5 {strides = array<i32>} : memref<1536xf32, #tpu.memory_space<vmem>>, vector<16xf32>,
    %swap3A_217 = arith.constant 160 : index
    %swap3A_218 = tpu.vector_load %arg10[%swap3A_217] {strides = array<i32>} : memref<1536xf32, #tpu.memory_space<vmem>>, vector<16xf32>,
    tpu.vector_store %arg10[%swap3A_217], %broadcast_in_dim3A_5 {strides = array<i32>} : memref<1536xf32, #tpu.memory_space<vmem>>, vector<16xf32>,
    %swap3A_219 = arith.constant 176 : index
    %swap3A_220 = tpu.vector_load %arg10[%swap3A_219] {strides = array<i32>} : memref<1536xf32, #tpu.memory_space<vmem>>, vector<16xf32>,
    tpu.vector_store %arg10[%swap3A_219], %broadcast_in_dim3A_5 {strides = array<i32>} : memref<1536xf32, #tpu.memory_space<vmem>>, vector<16xf32>,
    %swap3A_221 = arith.constant 192 : index
    %swap3A_222 = tpu.vector_load %arg10[%swap3A_221] {strides = array<i32>} : memref<1536xf32, #tpu.memory_space<vmem>>, vector<16xf32>,
    tpu.vector_store %arg10[%swap3A_221], %broadcast_in_dim3A_5 {strides = array<i32>} : memref<1536xf32, #tpu.memory_space<vmem>>, vector<16xf32>,
    %swap3A_223 = arith.constant 208 : index
    %swap3A_224 = tpu.vector_load %arg10[%swap3A_223] {strides = array<i32>} : memref<1536xf32, #tpu.memory_space<vmem>>, vector<16xf32>,
    tpu.vector_store %arg10[%swap3A_223], %broadcast_in_dim3A_5 {strides = array<i32>} : memref<1536xf32, #tpu.memory_space<vmem>>, vector<16xf32>,
    %swap3A_225 = arith.constant 224 : index
    %swap3A_226 = tpu.vector_load %arg10[%swap3A_225] {strides = array<i32>} : memref<1536xf32, #tpu.memory_space<vmem>>, vector<16xf32>,
    tpu.vector_store %arg10[%swap3A_225], %broadcast_in_dim3A_5 {strides = array<i32>} : memref<1536xf32, #tpu.memory_space<vmem>>, vector<16xf32>,
    %swap3A_227 = arith.constant 240 : index
    %swap3A_228 = tpu.vector_load %arg10[%swap3A_227] {strides = array<i32>} : memref<1536xf32, #tpu.memory_space<vmem>>, vector<16xf32>,
    tpu.vector_store %arg10[%swap3A_227], %broadcast_in_dim3A_5 {strides = array<i32>} : memref<1536xf32, #tpu.memory_space<vmem>>, vector<16xf32>,
    %swap3A_229 = arith.constant 256 : index
    %swap3A_230 = tpu.vector_load %arg10[%swap3A_229] {strides = array<i32>} : memref<1536xf32, #tpu.memory_space<vmem>>, vector<16xf32>,
    tpu.vector_store %arg10[%swap3A_229], %broadcast_in_dim3A_5 {strides = array<i32>} : memref<1536xf32, #tpu.memory_space<vmem>>, vector<16xf32>,
    %swap3A_231 = arith.constant 272 : index
    %swap3A_232 = tpu.vector_load %arg10[%swap3A_231] {strides = array<i32>} : memref<1536xf32, #tpu.memory_space<vmem>>, vector<16xf32>,
    tpu.vector_store %arg10[%swap3A_231], %broadcast_in_dim3A_5 {strides = array<i32>} : memref<1536xf32, #tpu.memory_space<vmem>>, vector<16xf32>,
    %swap3A_233 = arith.constant 288 : index
    %swap3A_234 = tpu.vector_load %arg10[%swap3A_233] {strides = array<i32>} : memref<1536xf32, #tpu.memory_space<vmem>>, vector<16xf32>,
    tpu.vector_store %arg10[%swap3A_233], %broadcast_in_dim3A_5 {strides = array<i32>} : memref<1536xf32, #tpu.memory_space<vmem>>, vector<16xf32>,
    %swap3A_235 = arith.constant 304 : index
    %swap3A_236 = tpu.vector_load %arg10[%swap3A_235] {strides = array<i32>} : memref<1536xf32, #tpu.memory_space<vmem>>, vector<16xf32>,
    tpu.vector_store %arg10[%swap3A_235], %broadcast_in_dim3A_5 {strides = array<i32>} : memref<1536xf32, #tpu.memory_space<vmem>>, vector<16xf32>,
    %swap3A_237 = arith.constant 320 : index
    %swap3A_238 = tpu.vector_load %arg10[%swap3A_237] {strides = array<i32>} : memref<1536xf32, #tpu.memory_space<vmem>>, vector<16xf32>,
    tpu.vector_store %arg10[%swap3A_237], %broadcast_in_dim3A_5 {strides = array<i32>} : memref<1536xf32, #tpu.memory_space<vmem>>, vector<16xf32>,
    %swap3A_239 = arith.constant 336 : index
    %swap3A_240 = tpu.vector_load %arg10[%swap3A_239] {strides = array<i32>} : memref<1536xf32, #tpu.memory_space<vmem>>, vector<16xf32>,
    tpu.vector_store %arg10[%swap3A_239], %broadcast_in_dim3A_5 {strides = array<i32>} : memref<1536xf32, #tpu.memory_space<vmem>>, vector<16xf32>,
    %swap3A_241 = arith.constant 352 : index
    %swap3A_242 = tpu.vector_load %arg10[%swap3A_241] {strides = array<i32>} : memref<1536xf32, #tpu.memory_space<vmem>>, vector<16xf32>,
    tpu.vector_store %arg10[%swap3A_241], %broadcast_in_dim3A_5 {strides = array<i32>} : memref<1536xf32, #tpu.memory_space<vmem>>, vector<16xf32>,
    %swap3A_243 = arith.constant 368 : index
    %swap3A_244 = tpu.vector_load %arg10[%swap3A_243] {strides = array<i32>} : memref<1536xf32, #tpu.memory_space<vmem>>, vector<16xf32>,
    tpu.vector_store %arg10[%swap3A_243], %broadcast_in_dim3A_5 {strides = array<i32>} : memref<1536xf32, #tpu.memory_space<vmem>>, vector<16xf32>,
    %swap3A_245 = arith.constant 384 : index
    %swap3A_246 = tpu.vector_load %arg10[%swap3A_245] {strides = array<i32>} : memref<1536xf32, #tpu.memory_space<vmem>>, vector<16xf32>,
    tpu.vector_store %arg10[%swap3A_245], %broadcast_in_dim3A_5 {strides = array<i32>} : memref<1536xf32, #tpu.memory_space<vmem>>, vector<16xf32>,
    %swap3A_247 = arith.constant 400 : index
    %swap3A_248 = tpu.vector_load %arg10[%swap3A_247] {strides = array<i32>} : memref<1536xf32, #tpu.memory_space<vmem>>, vector<16xf32>,
    tpu.vector_store %arg10[%swap3A_247], %broadcast_in_dim3A_5 {strides = array<i32>} : memref<1536xf32, #tpu.memory_space<vmem>>, vector<16xf32>,
    %swap3A_249 = arith.constant 416 : index
    %swap3A_250 = tpu.vector_load %arg10[%swap3A_249] {strides = array<i32>} : memref<1536xf32, #tpu.memory_space<vmem>>, vector<16xf32>,
    tpu.vector_store %arg10[%swap3A_249], %broadcast_in_dim3A_5 {strides = array<i32>} : memref<1536xf32, #tpu.memory_space<vmem>>, vector<16xf32>,
    %swap3A_251 = arith.constant 432 : index
    %swap3A_252 = tpu.vector_load %arg10[%swap3A_251] {strides = array<i32>} : memref<1536xf32, #tpu.memory_space<vmem>>, vector<16xf32>,
    tpu.vector_store %arg10[%swap3A_251], %broadcast_in_dim3A_5 {strides = array<i32>} : memref<1536xf32, #tpu.memory_space<vmem>>, vector<16xf32>,
    %swap3A_253 = arith.constant 448 : index
    %swap3A_254 = tpu.vector_load %arg10[%swap3A_253] {strides = array<i32>} : memref<1536xf32, #tpu.memory_space<vmem>>, vector<16xf32>,
    tpu.vector_store %arg10[%swap3A_253], %broadcast_in_dim3A_5 {strides = array<i32>} : memref<1536xf32, #tpu.memory_space<vmem>>, vector<16xf32>,
    %swap3A_255 = arith.constant 464 : index
    %swap3A_256 = tpu.vector_load %arg10[%swap3A_255] {strides = array<i32>} : memref<1536xf32, #tpu.memory_space<vmem>>, vector<16xf32>,
    tpu.vector_store %arg10[%swap3A_255], %broadcast_in_dim3A_5 {strides = array<i32>} : memref<1536xf32, #tpu.memory_space<vmem>>, vector<16xf32>,
    %swap3A_257 = arith.constant 480 : index
    %swap3A_258 = tpu.vector_load %arg10[%swap3A_257] {strides = array<i32>} : memref<1536xf32, #tpu.memory_space<vmem>>, vector<16xf32>,
    tpu.vector_store %arg10[%swap3A_257], %broadcast_in_dim3A_5 {strides = array<i32>} : memref<1536xf32, #tpu.memory_space<vmem>>, vector<16xf32>,
    %swap3A_259 = arith.constant 496 : index
    %swap3A_260 = tpu.vector_load %arg10[%swap3A_259] {strides = array<i32>} : memref<1536xf32, #tpu.memory_space<vmem>>, vector<16xf32>,
    tpu.vector_store %arg10[%swap3A_259], %broadcast_in_dim3A_5 {strides = array<i32>} : memref<1536xf32, #tpu.memory_space<vmem>>, vector<16xf32>,
    %swap3A_261 = arith.constant 512 : index
    %swap3A_262 = tpu.vector_load %arg10[%swap3A_261] {strides = array<i32>} : memref<1536xf32, #tpu.memory_space<vmem>>, vector<16xf32>,
    tpu.vector_store %arg10[%swap3A_261], %broadcast_in_dim3A_5 {strides = array<i32>} : memref<1536xf32, #tpu.memory_space<vmem>>, vector<16xf32>,
    %swap3A_263 = arith.constant 528 : index
    %swap3A_264 = tpu.vector_load %arg10[%swap3A_263] {strides = array<i32>} : memref<1536xf32, #tpu.memory_space<vmem>>, vector<16xf32>,
    tpu.vector_store %arg10[%swap3A_263], %broadcast_in_dim3A_5 {strides = array<i32>} : memref<1536xf32, #tpu.memory_space<vmem>>, vector<16xf32>,
    %swap3A_265 = arith.constant 544 : index
    %swap3A_266 = tpu.vector_load %arg10[%swap3A_265] {strides = array<i32>} : memref<1536xf32, #tpu.memory_space<vmem>>, vector<16xf32>,
    tpu.vector_store %arg10[%swap3A_265], %broadcast_in_dim3A_5 {strides = array<i32>} : memref<1536xf32, #tpu.memory_space<vmem>>, vector<16xf32>,
    %swap3A_267 = arith.constant 560 : index
    %swap3A_268 = tpu.vector_load %arg10[%swap3A_267] {strides = array<i32>} : memref<1536xf32, #tpu.memory_space<vmem>>, vector<16xf32>,
    tpu.vector_store %arg10[%swap3A_267], %broadcast_in_dim3A_5 {strides = array<i32>} : memref<1536xf32, #tpu.memory_space<vmem>>, vector<16xf32>,
    %swap3A_269 = arith.constant 576 : index
    %swap3A_270 = tpu.vector_load %arg10[%swap3A_269] {strides = array<i32>} : memref<1536xf32, #tpu.memory_space<vmem>>, vector<16xf32>,
    tpu.vector_store %arg10[%swap3A_269], %broadcast_in_dim3A_5 {strides = array<i32>} : memref<1536xf32, #tpu.memory_space<vmem>>, vector<16xf32>,
    %swap3A_271 = arith.constant 592 : index
    %swap3A_272 = tpu.vector_load %arg10[%swap3A_271] {strides = array<i32>} : memref<1536xf32, #tpu.memory_space<vmem>>, vector<16xf32>,
    tpu.vector_store %arg10[%swap3A_271], %broadcast_in_dim3A_5 {strides = array<i32>} : memref<1536xf32, #tpu.memory_space<vmem>>, vector<16xf32>,
    %swap3A_273 = arith.constant 608 : index
    %swap3A_274 = tpu.vector_load %arg10[%swap3A_273] {strides = array<i32>} : memref<1536xf32, #tpu.memory_space<vmem>>, vector<16xf32>,
    tpu.vector_store %arg10[%swap3A_273], %broadcast_in_dim3A_5 {strides = array<i32>} : memref<1536xf32, #tpu.memory_space<vmem>>, vector<16xf32>,
    %swap3A_275 = arith.constant 624 : index
    %swap3A_276 = tpu.vector_load %arg10[%swap3A_275] {strides = array<i32>} : memref<1536xf32, #tpu.memory_space<vmem>>, vector<16xf32>,
    tpu.vector_store %arg10[%swap3A_275], %broadcast_in_dim3A_5 {strides = array<i32>} : memref<1536xf32, #tpu.memory_space<vmem>>, vector<16xf32>,
    %swap3A_277 = arith.constant 640 : index
    %swap3A_278 = tpu.vector_load %arg10[%swap3A_277] {strides = array<i32>} : memref<1536xf32, #tpu.memory_space<vmem>>, vector<16xf32>,
    tpu.vector_store %arg10[%swap3A_277], %broadcast_in_dim3A_5 {strides = array<i32>} : memref<1536xf32, #tpu.memory_space<vmem>>, vector<16xf32>,
    %swap3A_279 = arith.constant 656 : index
    %swap3A_280 = tpu.vector_load %arg10[%swap3A_279] {strides = array<i32>} : memref<1536xf32, #tpu.memory_space<vmem>>, vector<16xf32>,
    tpu.vector_store %arg10[%swap3A_279], %broadcast_in_dim3A_5 {strides = array<i32>} : memref<1536xf32, #tpu.memory_space<vmem>>, vector<16xf32>,
    %swap3A_281 = arith.constant 672 : index
    %swap3A_282 = tpu.vector_load %arg10[%swap3A_281] {strides = array<i32>} : memref<1536xf32, #tpu.memory_space<vmem>>, vector<16xf32>,
    tpu.vector_store %arg10[%swap3A_281], %broadcast_in_dim3A_5 {strides = array<i32>} : memref<1536xf32, #tpu.memory_space<vmem>>, vector<16xf32>,
    %swap3A_283 = arith.constant 688 : index
    %swap3A_284 = tpu.vector_load %arg10[%swap3A_283] {strides = array<i32>} : memref<1536xf32, #tpu.memory_space<vmem>>, vector<16xf32>,
    tpu.vector_store %arg10[%swap3A_283], %broadcast_in_dim3A_5 {strides = array<i32>} : memref<1536xf32, #tpu.memory_space<vmem>>, vector<16xf32>,
    %swap3A_285 = arith.constant 704 : index
    %swap3A_286 = tpu.vector_load %arg10[%swap3A_285] {strides = array<i32>} : memref<1536xf32, #tpu.memory_space<vmem>>, vector<16xf32>,
    tpu.vector_store %arg10[%swap3A_285], %broadcast_in_dim3A_5 {strides = array<i32>} : memref<1536xf32, #tpu.memory_space<vmem>>, vector<16xf32>,
    %swap3A_287 = arith.constant 720 : index
    %swap3A_288 = tpu.vector_load %arg10[%swap3A_287] {strides = array<i32>} : memref<1536xf32, #tpu.memory_space<vmem>>, vector<16xf32>,
    tpu.vector_store %arg10[%swap3A_287], %broadcast_in_dim3A_5 {strides = array<i32>} : memref<1536xf32, #tpu.memory_space<vmem>>, vector<16xf32>,
    %swap3A_289 = arith.constant 736 : index
    %swap3A_290 = tpu.vector_load %arg10[%swap3A_289] {strides = array<i32>} : memref<1536xf32, #tpu.memory_space<vmem>>, vector<16xf32>,
    tpu.vector_store %arg10[%swap3A_289], %broadcast_in_dim3A_5 {strides = array<i32>} : memref<1536xf32, #tpu.memory_space<vmem>>, vector<16xf32>,
    %swap3A_291 = arith.constant 752 : index
    %swap3A_292 = tpu.vector_load %arg10[%swap3A_291] {strides = array<i32>} : memref<1536xf32, #tpu.memory_space<vmem>>, vector<16xf32>,
    tpu.vector_store %arg10[%swap3A_291], %broadcast_in_dim3A_5 {strides = array<i32>} : memref<1536xf32, #tpu.memory_space<vmem>>, vector<16xf32>,
    %swap3A_293 = arith.constant 768 : index
    %swap3A_294 = tpu.vector_load %arg10[%swap3A_293] {strides = array<i32>} : memref<1536xf32, #tpu.memory_space<vmem>>, vector<16xf32>,
    tpu.vector_store %arg10[%swap3A_293], %broadcast_in_dim3A_5 {strides = array<i32>} : memref<1536xf32, #tpu.memory_space<vmem>>, vector<16xf32>,
    %swap3A_295 = arith.constant 784 : index
    %swap3A_296 = tpu.vector_load %arg10[%swap3A_295] {strides = array<i32>} : memref<1536xf32, #tpu.memory_space<vmem>>, vector<16xf32>,
    tpu.vector_store %arg10[%swap3A_295], %broadcast_in_dim3A_5 {strides = array<i32>} : memref<1536xf32, #tpu.memory_space<vmem>>, vector<16xf32>,
    %swap3A_297 = arith.constant 800 : index
    %swap3A_298 = tpu.vector_load %arg10[%swap3A_297] {strides = array<i32>} : memref<1536xf32, #tpu.memory_space<vmem>>, vector<16xf32>,
    tpu.vector_store %arg10[%swap3A_297], %broadcast_in_dim3A_5 {strides = array<i32>} : memref<1536xf32, #tpu.memory_space<vmem>>, vector<16xf32>,
    %swap3A_299 = arith.constant 816 : index
    %swap3A_300 = tpu.vector_load %arg10[%swap3A_299] {strides = array<i32>} : memref<1536xf32, #tpu.memory_space<vmem>>, vector<16xf32>,
    tpu.vector_store %arg10[%swap3A_299], %broadcast_in_dim3A_5 {strides = array<i32>} : memref<1536xf32, #tpu.memory_space<vmem>>, vector<16xf32>,
    %swap3A_301 = arith.constant 832 : index
    %swap3A_302 = tpu.vector_load %arg10[%swap3A_301] {strides = array<i32>} : memref<1536xf32, #tpu.memory_space<vmem>>, vector<16xf32>,
    tpu.vector_store %arg10[%swap3A_301], %broadcast_in_dim3A_5 {strides = array<i32>} : memref<1536xf32, #tpu.memory_space<vmem>>, vector<16xf32>,
    %swap3A_303 = arith.constant 848 : index
    %swap3A_304 = tpu.vector_load %arg10[%swap3A_303] {strides = array<i32>} : memref<1536xf32, #tpu.memory_space<vmem>>, vector<16xf32>,
    tpu.vector_store %arg10[%swap3A_303], %broadcast_in_dim3A_5 {strides = array<i32>} : memref<1536xf32, #tpu.memory_space<vmem>>, vector<16xf32>,
    %swap3A_305 = arith.constant 864 : index
    %swap3A_306 = tpu.vector_load %arg10[%swap3A_305] {strides = array<i32>} : memref<1536xf32, #tpu.memory_space<vmem>>, vector<16xf32>,
    tpu.vector_store %arg10[%swap3A_305], %broadcast_in_dim3A_5 {strides = array<i32>} : memref<1536xf32, #tpu.memory_space<vmem>>, vector<16xf32>,
    %swap3A_307 = arith.constant 880 : index
    %swap3A_308 = tpu.vector_load %arg10[%swap3A_307] {strides = array<i32>} : memref<1536xf32, #tpu.memory_space<vmem>>, vector<16xf32>,
    tpu.vector_store %arg10[%swap3A_307], %broadcast_in_dim3A_5 {strides = array<i32>} : memref<1536xf32, #tpu.memory_space<vmem>>, vector<16xf32>,
    %swap3A_309 = arith.constant 896 : index
    %swap3A_310 = tpu.vector_load %arg10[%swap3A_309] {strides = array<i32>} : memref<1536xf32, #tpu.memory_space<vmem>>, vector<16xf32>,
    tpu.vector_store %arg10[%swap3A_309], %broadcast_in_dim3A_5 {strides = array<i32>} : memref<1536xf32, #tpu.memory_space<vmem>>, vector<16xf32>,
    %swap3A_311 = arith.constant 912 : index
    %swap3A_312 = tpu.vector_load %arg10[%swap3A_311] {strides = array<i32>} : memref<1536xf32, #tpu.memory_space<vmem>>, vector<16xf32>,
    tpu.vector_store %arg10[%swap3A_311], %broadcast_in_dim3A_5 {strides = array<i32>} : memref<1536xf32, #tpu.memory_space<vmem>>, vector<16xf32>,
    %swap3A_313 = arith.constant 928 : index
    %swap3A_314 = tpu.vector_load %arg10[%swap3A_313] {strides = array<i32>} : memref<1536xf32, #tpu.memory_space<vmem>>, vector<16xf32>,
    tpu.vector_store %arg10[%swap3A_313], %broadcast_in_dim3A_5 {strides = array<i32>} : memref<1536xf32, #tpu.memory_space<vmem>>, vector<16xf32>,
    %swap3A_315 = arith.constant 944 : index
    %swap3A_316 = tpu.vector_load %arg10[%swap3A_315] {strides = array<i32>} : memref<1536xf32, #tpu.memory_space<vmem>>, vector<16xf32>,
    tpu.vector_store %arg10[%swap3A_315], %broadcast_in_dim3A_5 {strides = array<i32>} : memref<1536xf32, #tpu.memory_space<vmem>>, vector<16xf32>,
    %swap3A_317 = arith.constant 960 : index
    %swap3A_318 = tpu.vector_load %arg10[%swap3A_317] {strides = array<i32>} : memref<1536xf32, #tpu.memory_space<vmem>>, vector<16xf32>,
    tpu.vector_store %arg10[%swap3A_317], %broadcast_in_dim3A_5 {strides = array<i32>} : memref<1536xf32, #tpu.memory_space<vmem>>, vector<16xf32>,
    %swap3A_319 = arith.constant 976 : index
    %swap3A_320 = tpu.vector_load %arg10[%swap3A_319] {strides = array<i32>} : memref<1536xf32, #tpu.memory_space<vmem>>, vector<16xf32>,
    tpu.vector_store %arg10[%swap3A_319], %broadcast_in_dim3A_5 {strides = array<i32>} : memref<1536xf32, #tpu.memory_space<vmem>>, vector<16xf32>,
    %swap3A_321 = arith.constant 992 : index
    %swap3A_322 = tpu.vector_load %arg10[%swap3A_321] {strides = array<i32>} : memref<1536xf32, #tpu.memory_space<vmem>>, vector<16xf32>,
    tpu.vector_store %arg10[%swap3A_321], %broadcast_in_dim3A_5 {strides = array<i32>} : memref<1536xf32, #tpu.memory_space<vmem>>, vector<16xf32>,
    %swap3A_323 = arith.constant 1008 : index
    %swap3A_324 = tpu.vector_load %arg10[%swap3A_323] {strides = array<i32>} : memref<1536xf32, #tpu.memory_space<vmem>>, vector<16xf32>,
    tpu.vector_store %arg10[%swap3A_323], %broadcast_in_dim3A_5 {strides = array<i32>} : memref<1536xf32, #tpu.memory_space<vmem>>, vector<16xf32>,
    %swap3A_325 = arith.constant 1024 : index
    %swap3A_326 = tpu.vector_load %arg10[%swap3A_325] {strides = array<i32>} : memref<1536xf32, #tpu.memory_space<vmem>>, vector<16xf32>,
    tpu.vector_store %arg10[%swap3A_325], %broadcast_in_dim3A_5 {strides = array<i32>} : memref<1536xf32, #tpu.memory_space<vmem>>, vector<16xf32>,
    %swap3A_327 = arith.constant 1040 : index
    %swap3A_328 = tpu.vector_load %arg10[%swap3A_327] {strides = array<i32>} : memref<1536xf32, #tpu.memory_space<vmem>>, vector<16xf32>,
    tpu.vector_store %arg10[%swap3A_327], %broadcast_in_dim3A_5 {strides = array<i32>} : memref<1536xf32, #tpu.memory_space<vmem>>, vector<16xf32>,
    %swap3A_329 = arith.constant 1056 : index
    %swap3A_330 = tpu.vector_load %arg10[%swap3A_329] {strides = array<i32>} : memref<1536xf32, #tpu.memory_space<vmem>>, vector<16xf32>,
    tpu.vector_store %arg10[%swap3A_329], %broadcast_in_dim3A_5 {strides = array<i32>} : memref<1536xf32, #tpu.memory_space<vmem>>, vector<16xf32>,
    %swap3A_331 = arith.constant 1072 : index
    %swap3A_332 = tpu.vector_load %arg10[%swap3A_331] {strides = array<i32>} : memref<1536xf32, #tpu.memory_space<vmem>>, vector<16xf32>,
    tpu.vector_store %arg10[%swap3A_331], %broadcast_in_dim3A_5 {strides = array<i32>} : memref<1536xf32, #tpu.memory_space<vmem>>, vector<16xf32>,
    %swap3A_333 = arith.constant 1088 : index
    %swap3A_334 = tpu.vector_load %arg10[%swap3A_333] {strides = array<i32>} : memref<1536xf32, #tpu.memory_space<vmem>>, vector<16xf32>,
    tpu.vector_store %arg10[%swap3A_333], %broadcast_in_dim3A_5 {strides = array<i32>} : memref<1536xf32, #tpu.memory_space<vmem>>, vector<16xf32>,
    %swap3A_335 = arith.constant 1104 : index
    %swap3A_336 = tpu.vector_load %arg10[%swap3A_335] {strides = array<i32>} : memref<1536xf32, #tpu.memory_space<vmem>>, vector<16xf32>,
    tpu.vector_store %arg10[%swap3A_335], %broadcast_in_dim3A_5 {strides = array<i32>} : memref<1536xf32, #tpu.memory_space<vmem>>, vector<16xf32>,
    %swap3A_337 = arith.constant 1120 : index
    %swap3A_338 = tpu.vector_load %arg10[%swap3A_337] {strides = array<i32>} : memref<1536xf32, #tpu.memory_space<vmem>>, vector<16xf32>,
    tpu.vector_store %arg10[%swap3A_337], %broadcast_in_dim3A_5 {strides = array<i32>} : memref<1536xf32, #tpu.memory_space<vmem>>, vector<16xf32>,
    %swap3A_339 = arith.constant 1136 : index
    %swap3A_340 = tpu.vector_load %arg10[%swap3A_339] {strides = array<i32>} : memref<1536xf32, #tpu.memory_space<vmem>>, vector<16xf32>,
    tpu.vector_store %arg10[%swap3A_339], %broadcast_in_dim3A_5 {strides = array<i32>} : memref<1536xf32, #tpu.memory_space<vmem>>, vector<16xf32>,
    %swap3A_341 = arith.constant 1152 : index
    %swap3A_342 = tpu.vector_load %arg10[%swap3A_341] {strides = array<i32>} : memref<1536xf32, #tpu.memory_space<vmem>>, vector<16xf32>,
    tpu.vector_store %arg10[%swap3A_341], %broadcast_in_dim3A_5 {strides = array<i32>} : memref<1536xf32, #tpu.memory_space<vmem>>, vector<16xf32>,
    %swap3A_343 = arith.constant 1168 : index
    %swap3A_344 = tpu.vector_load %arg10[%swap3A_343] {strides = array<i32>} : memref<1536xf32, #tpu.memory_space<vmem>>, vector<16xf32>,
    tpu.vector_store %arg10[%swap3A_343], %broadcast_in_dim3A_5 {strides = array<i32>} : memref<1536xf32, #tpu.memory_space<vmem>>, vector<16xf32>,
    %swap3A_345 = arith.constant 1184 : index
    %swap3A_346 = tpu.vector_load %arg10[%swap3A_345] {strides = array<i32>} : memref<1536xf32, #tpu.memory_space<vmem>>, vector<16xf32>,
    tpu.vector_store %arg10[%swap3A_345], %broadcast_in_dim3A_5 {strides = array<i32>} : memref<1536xf32, #tpu.memory_space<vmem>>, vector<16xf32>,
    %swap3A_347 = arith.constant 1200 : index
    %swap3A_348 = tpu.vector_load %arg10[%swap3A_347] {strides = array<i32>} : memref<1536xf32, #tpu.memory_space<vmem>>, vector<16xf32>,
    tpu.vector_store %arg10[%swap3A_347], %broadcast_in_dim3A_5 {strides = array<i32>} : memref<1536xf32, #tpu.memory_space<vmem>>, vector<16xf32>,
    %swap3A_349 = arith.constant 1216 : index
    %swap3A_350 = tpu.vector_load %arg10[%swap3A_349] {strides = array<i32>} : memref<1536xf32, #tpu.memory_space<vmem>>, vector<16xf32>,
    tpu.vector_store %arg10[%swap3A_349], %broadcast_in_dim3A_5 {strides = array<i32>} : memref<1536xf32, #tpu.memory_space<vmem>>, vector<16xf32>,
    %swap3A_351 = arith.constant 1232 : index
    %swap3A_352 = tpu.vector_load %arg10[%swap3A_351] {strides = array<i32>} : memref<1536xf32, #tpu.memory_space<vmem>>, vector<16xf32>,
    tpu.vector_store %arg10[%swap3A_351], %broadcast_in_dim3A_5 {strides = array<i32>} : memref<1536xf32, #tpu.memory_space<vmem>>, vector<16xf32>,
    %swap3A_353 = arith.constant 1248 : index
    %swap3A_354 = tpu.vector_load %arg10[%swap3A_353] {strides = array<i32>} : memref<1536xf32, #tpu.memory_space<vmem>>, vector<16xf32>,
    tpu.vector_store %arg10[%swap3A_353], %broadcast_in_dim3A_5 {strides = array<i32>} : memref<1536xf32, #tpu.memory_space<vmem>>, vector<16xf32>,
    %swap3A_355 = arith.constant 1264 : index
    %swap3A_356 = tpu.vector_load %arg10[%swap3A_355] {strides = array<i32>} : memref<1536xf32, #tpu.memory_space<vmem>>, vector<16xf32>,
    tpu.vector_store %arg10[%swap3A_355], %broadcast_in_dim3A_5 {strides = array<i32>} : memref<1536xf32, #tpu.memory_space<vmem>>, vector<16xf32>,
    %swap3A_357 = arith.constant 1280 : index
    %swap3A_358 = tpu.vector_load %arg10[%swap3A_357] {strides = array<i32>} : memref<1536xf32, #tpu.memory_space<vmem>>, vector<16xf32>,
    tpu.vector_store %arg10[%swap3A_357], %broadcast_in_dim3A_5 {strides = array<i32>} : memref<1536xf32, #tpu.memory_space<vmem>>, vector<16xf32>,
    %swap3A_359 = arith.constant 1296 : index
    %swap3A_360 = tpu.vector_load %arg10[%swap3A_359] {strides = array<i32>} : memref<1536xf32, #tpu.memory_space<vmem>>, vector<16xf32>,
    tpu.vector_store %arg10[%swap3A_359], %broadcast_in_dim3A_5 {strides = array<i32>} : memref<1536xf32, #tpu.memory_space<vmem>>, vector<16xf32>,
    %swap3A_361 = arith.constant 1312 : index
    %swap3A_362 = tpu.vector_load %arg10[%swap3A_361] {strides = array<i32>} : memref<1536xf32, #tpu.memory_space<vmem>>, vector<16xf32>,
    tpu.vector_store %arg10[%swap3A_361], %broadcast_in_dim3A_5 {strides = array<i32>} : memref<1536xf32, #tpu.memory_space<vmem>>, vector<16xf32>,
    %swap3A_363 = arith.constant 1328 : index
    %swap3A_364 = tpu.vector_load %arg10[%swap3A_363] {strides = array<i32>} : memref<1536xf32, #tpu.memory_space<vmem>>, vector<16xf32>,
    tpu.vector_store %arg10[%swap3A_363], %broadcast_in_dim3A_5 {strides = array<i32>} : memref<1536xf32, #tpu.memory_space<vmem>>, vector<16xf32>,
    %swap3A_365 = arith.constant 1344 : index
    %swap3A_366 = tpu.vector_load %arg10[%swap3A_365] {strides = array<i32>} : memref<1536xf32, #tpu.memory_space<vmem>>, vector<16xf32>,
    tpu.vector_store %arg10[%swap3A_365], %broadcast_in_dim3A_5 {strides = array<i32>} : memref<1536xf32, #tpu.memory_space<vmem>>, vector<16xf32>,
    %swap3A_367 = arith.constant 1360 : index
    %swap3A_368 = tpu.vector_load %arg10[%swap3A_367] {strides = array<i32>} : memref<1536xf32, #tpu.memory_space<vmem>>, vector<16xf32>,
    tpu.vector_store %arg10[%swap3A_367], %broadcast_in_dim3A_5 {strides = array<i32>} : memref<1536xf32, #tpu.memory_space<vmem>>, vector<16xf32>,
    %swap3A_369 = arith.constant 1376 : index
    %swap3A_370 = tpu.vector_load %arg10[%swap3A_369] {strides = array<i32>} : memref<1536xf32, #tpu.memory_space<vmem>>, vector<16xf32>,
    tpu.vector_store %arg10[%swap3A_369], %broadcast_in_dim3A_5 {strides = array<i32>} : memref<1536xf32, #tpu.memory_space<vmem>>, vector<16xf32>,
    %swap3A_371 = arith.constant 1392 : index
    %swap3A_372 = tpu.vector_load %arg10[%swap3A_371] {strides = array<i32>} : memref<1536xf32, #tpu.memory_space<vmem>>, vector<16xf32>,
    tpu.vector_store %arg10[%swap3A_371], %broadcast_in_dim3A_5 {strides = array<i32>} : memref<1536xf32, #tpu.memory_space<vmem>>, vector<16xf32>,
    %swap3A_373 = arith.constant 1408 : index
    %swap3A_374 = tpu.vector_load %arg10[%swap3A_373] {strides = array<i32>} : memref<1536xf32, #tpu.memory_space<vmem>>, vector<16xf32>,
    tpu.vector_store %arg10[%swap3A_373], %broadcast_in_dim3A_5 {strides = array<i32>} : memref<1536xf32, #tpu.memory_space<vmem>>, vector<16xf32>,
    %swap3A_375 = arith.constant 1424 : index
    %swap3A_376 = tpu.vector_load %arg10[%swap3A_375] {strides = array<i32>} : memref<1536xf32, #tpu.memory_space<vmem>>, vector<16xf32>,
    tpu.vector_store %arg10[%swap3A_375], %broadcast_in_dim3A_5 {strides = array<i32>} : memref<1536xf32, #tpu.memory_space<vmem>>, vector<16xf32>,
    %swap3A_377 = arith.constant 1440 : index
    %swap3A_378 = tpu.vector_load %arg10[%swap3A_377] {strides = array<i32>} : memref<1536xf32, #tpu.memory_space<vmem>>, vector<16xf32>,
    tpu.vector_store %arg10[%swap3A_377], %broadcast_in_dim3A_5 {strides = array<i32>} : memref<1536xf32, #tpu.memory_space<vmem>>, vector<16xf32>,
    %swap3A_379 = arith.constant 1456 : index
    %swap3A_380 = tpu.vector_load %arg10[%swap3A_379] {strides = array<i32>} : memref<1536xf32, #tpu.memory_space<vmem>>, vector<16xf32>,
    tpu.vector_store %arg10[%swap3A_379], %broadcast_in_dim3A_5 {strides = array<i32>} : memref<1536xf32, #tpu.memory_space<vmem>>, vector<16xf32>,
    %swap3A_381 = arith.constant 1472 : index
    %swap3A_382 = tpu.vector_load %arg10[%swap3A_381] {strides = array<i32>} : memref<1536xf32, #tpu.memory_space<vmem>>, vector<16xf32>,
    tpu.vector_store %arg10[%swap3A_381], %broadcast_in_dim3A_5 {strides = array<i32>} : memref<1536xf32, #tpu.memory_space<vmem>>, vector<16xf32>,
    %swap3A_383 = arith.constant 1488 : index
    %swap3A_384 = tpu.vector_load %arg10[%swap3A_383] {strides = array<i32>} : memref<1536xf32, #tpu.memory_space<vmem>>, vector<16xf32>,
    tpu.vector_store %arg10[%swap3A_383], %broadcast_in_dim3A_5 {strides = array<i32>} : memref<1536xf32, #tpu.memory_space<vmem>>, vector<16xf32>,
    %swap3A_385 = arith.constant 1504 : index
    %swap3A_386 = tpu.vector_load %arg10[%swap3A_385] {strides = array<i32>} : memref<1536xf32, #tpu.memory_space<vmem>>, vector<16xf32>,
    tpu.vector_store %arg10[%swap3A_385], %broadcast_in_dim3A_5 {strides = array<i32>} : memref<1536xf32, #tpu.memory_space<vmem>>, vector<16xf32>,
    %swap3A_387 = arith.constant 1520 : index
    %swap3A_388 = tpu.vector_load %arg10[%swap3A_387] {strides = array<i32>} : memref<1536xf32, #tpu.memory_space<vmem>>, vector<16xf32>,
    tpu.vector_store %arg10[%swap3A_387], %broadcast_in_dim3A_5 {strides = array<i32>} : memref<1536xf32, #tpu.memory_space<vmem>>, vector<16xf32>,
    %swap3A_389 = arith.constant 0 : index
    %swap3A_390 = tpu.vector_load %arg11[%swap3A_389] {strides = array<i32>} : memref<1536xf32, #tpu.memory_space<vmem>>, vector<16xf32>,
    tpu.vector_store %arg11[%swap3A_389], %broadcast_in_dim3A_5 {strides = array<i32>} : memref<1536xf32, #tpu.memory_space<vmem>>, vector<16xf32>,
    %swap3A_391 = arith.constant 16 : index
    %swap3A_392 = tpu.vector_load %arg11[%swap3A_391] {strides = array<i32>} : memref<1536xf32, #tpu.memory_space<vmem>>, vector<16xf32>,
    tpu.vector_store %arg11[%swap3A_391], %broadcast_in_dim3A_5 {strides = array<i32>} : memref<1536xf32, #tpu.memory_space<vmem>>, vector<16xf32>,
    %swap3A_393 = arith.constant 32 : index
    %swap3A_394 = tpu.vector_load %arg11[%swap3A_393] {strides = array<i32>} : memref<1536xf32, #tpu.memory_space<vmem>>, vector<16xf32>,
    tpu.vector_store %arg11[%swap3A_393], %broadcast_in_dim3A_5 {strides = array<i32>} : memref<1536xf32, #tpu.memory_space<vmem>>, vector<16xf32>,
    %swap3A_395 = arith.constant 48 : index
    %swap3A_396 = tpu.vector_load %arg11[%swap3A_395] {strides = array<i32>} : memref<1536xf32, #tpu.memory_space<vmem>>, vector<16xf32>,
    tpu.vector_store %arg11[%swap3A_395], %broadcast_in_dim3A_5 {strides = array<i32>} : memref<1536xf32, #tpu.memory_space<vmem>>, vector<16xf32>,
    %swap3A_397 = arith.constant 64 : index
    %swap3A_398 = tpu.vector_load %arg11[%swap3A_397] {strides = array<i32>} : memref<1536xf32, #tpu.memory_space<vmem>>, vector<16xf32>,
    tpu.vector_store %arg11[%swap3A_397], %broadcast_in_dim3A_5 {strides = array<i32>} : memref<1536xf32, #tpu.memory_space<vmem>>, vector<16xf32>,
    %swap3A_399 = arith.constant 80 : index
    %swap3A_400 = tpu.vector_load %arg11[%swap3A_399] {strides = array<i32>} : memref<1536xf32, #tpu.memory_space<vmem>>, vector<16xf32>,
    tpu.vector_store %arg11[%swap3A_399], %broadcast_in_dim3A_5 {strides = array<i32>} : memref<1536xf32, #tpu.memory_space<vmem>>, vector<16xf32>,
    %swap3A_401 = arith.constant 96 : index
    %swap3A_402 = tpu.vector_load %arg11[%swap3A_401] {strides = array<i32>} : memref<1536xf32, #tpu.memory_space<vmem>>, vector<16xf32>,
    tpu.vector_store %arg11[%swap3A_401], %broadcast_in_dim3A_5 {strides = array<i32>} : memref<1536xf32, #tpu.memory_space<vmem>>, vector<16xf32>,
    %swap3A_403 = arith.constant 112 : index
    %swap3A_404 = tpu.vector_load %arg11[%swap3A_403] {strides = array<i32>} : memref<1536xf32, #tpu.memory_space<vmem>>, vector<16xf32>,
    tpu.vector_store %arg11[%swap3A_403], %broadcast_in_dim3A_5 {strides = array<i32>} : memref<1536xf32, #tpu.memory_space<vmem>>, vector<16xf32>,
    %swap3A_405 = arith.constant 128 : index
    %swap3A_406 = tpu.vector_load %arg11[%swap3A_405] {strides = array<i32>} : memref<1536xf32, #tpu.memory_space<vmem>>, vector<16xf32>,
    tpu.vector_store %arg11[%swap3A_405], %broadcast_in_dim3A_5 {strides = array<i32>} : memref<1536xf32, #tpu.memory_space<vmem>>, vector<16xf32>,
    %swap3A_407 = arith.constant 144 : index
    %swap3A_408 = tpu.vector_load %arg11[%swap3A_407] {strides = array<i32>} : memref<1536xf32, #tpu.memory_space<vmem>>, vector<16xf32>,
    tpu.vector_store %arg11[%swap3A_407], %broadcast_in_dim3A_5 {strides = array<i32>} : memref<1536xf32, #tpu.memory_space<vmem>>, vector<16xf32>,
    %swap3A_409 = arith.constant 160 : index
    %swap3A_410 = tpu.vector_load %arg11[%swap3A_409] {strides = array<i32>} : memref<1536xf32, #tpu.memory_space<vmem>>, vector<16xf32>,
    tpu.vector_store %arg11[%swap3A_409], %broadcast_in_dim3A_5 {strides = array<i32>} : memref<1536xf32, #tpu.memory_space<vmem>>, vector<16xf32>,
    %swap3A_411 = arith.constant 176 : index
    %swap3A_412 = tpu.vector_load %arg11[%swap3A_411] {strides = array<i32>} : memref<1536xf32, #tpu.memory_space<vmem>>, vector<16xf32>,
    tpu.vector_store %arg11[%swap3A_411], %broadcast_in_dim3A_5 {strides = array<i32>} : memref<1536xf32, #tpu.memory_space<vmem>>, vector<16xf32>,
    %swap3A_413 = arith.constant 192 : index
    %swap3A_414 = tpu.vector_load %arg11[%swap3A_413] {strides = array<i32>} : memref<1536xf32, #tpu.memory_space<vmem>>, vector<16xf32>,
    tpu.vector_store %arg11[%swap3A_413], %broadcast_in_dim3A_5 {strides = array<i32>} : memref<1536xf32, #tpu.memory_space<vmem>>, vector<16xf32>,
    %swap3A_415 = arith.constant 208 : index
    %swap3A_416 = tpu.vector_load %arg11[%swap3A_415] {strides = array<i32>} : memref<1536xf32, #tpu.memory_space<vmem>>, vector<16xf32>,
    tpu.vector_store %arg11[%swap3A_415], %broadcast_in_dim3A_5 {strides = array<i32>} : memref<1536xf32, #tpu.memory_space<vmem>>, vector<16xf32>,
    %swap3A_417 = arith.constant 224 : index
    %swap3A_418 = tpu.vector_load %arg11[%swap3A_417] {strides = array<i32>} : memref<1536xf32, #tpu.memory_space<vmem>>, vector<16xf32>,
    tpu.vector_store %arg11[%swap3A_417], %broadcast_in_dim3A_5 {strides = array<i32>} : memref<1536xf32, #tpu.memory_space<vmem>>, vector<16xf32>,
    %swap3A_419 = arith.constant 240 : index
    %swap3A_420 = tpu.vector_load %arg11[%swap3A_419] {strides = array<i32>} : memref<1536xf32, #tpu.memory_space<vmem>>, vector<16xf32>,
    tpu.vector_store %arg11[%swap3A_419], %broadcast_in_dim3A_5 {strides = array<i32>} : memref<1536xf32, #tpu.memory_space<vmem>>, vector<16xf32>,
    %swap3A_421 = arith.constant 256 : index
    %swap3A_422 = tpu.vector_load %arg11[%swap3A_421] {strides = array<i32>} : memref<1536xf32, #tpu.memory_space<vmem>>, vector<16xf32>,
    tpu.vector_store %arg11[%swap3A_421], %broadcast_in_dim3A_5 {strides = array<i32>} : memref<1536xf32, #tpu.memory_space<vmem>>, vector<16xf32>,
    %swap3A_423 = arith.constant 272 : index
    %swap3A_424 = tpu.vector_load %arg11[%swap3A_423] {strides = array<i32>} : memref<1536xf32, #tpu.memory_space<vmem>>, vector<16xf32>,
    tpu.vector_store %arg11[%swap3A_423], %broadcast_in_dim3A_5 {strides = array<i32>} : memref<1536xf32, #tpu.memory_space<vmem>>, vector<16xf32>,
    %swap3A_425 = arith.constant 288 : index
    %swap3A_426 = tpu.vector_load %arg11[%swap3A_425] {strides = array<i32>} : memref<1536xf32, #tpu.memory_space<vmem>>, vector<16xf32>,
    tpu.vector_store %arg11[%swap3A_425], %broadcast_in_dim3A_5 {strides = array<i32>} : memref<1536xf32, #tpu.memory_space<vmem>>, vector<16xf32>,
    %swap3A_427 = arith.constant 304 : index
    %swap3A_428 = tpu.vector_load %arg11[%swap3A_427] {strides = array<i32>} : memref<1536xf32, #tpu.memory_space<vmem>>, vector<16xf32>,
    tpu.vector_store %arg11[%swap3A_427], %broadcast_in_dim3A_5 {strides = array<i32>} : memref<1536xf32, #tpu.memory_space<vmem>>, vector<16xf32>,
    %swap3A_429 = arith.constant 320 : index
    %swap3A_430 = tpu.vector_load %arg11[%swap3A_429] {strides = array<i32>} : memref<1536xf32, #tpu.memory_space<vmem>>, vector<16xf32>,
    tpu.vector_store %arg11[%swap3A_429], %broadcast_in_dim3A_5 {strides = array<i32>} : memref<1536xf32, #tpu.memory_space<vmem>>, vector<16xf32>,
    %swap3A_431 = arith.constant 336 : index
    %swap3A_432 = tpu.vector_load %arg11[%swap3A_431] {strides = array<i32>} : memref<1536xf32, #tpu.memory_space<vmem>>, vector<16xf32>,
    tpu.vector_store %arg11[%swap3A_431], %broadcast_in_dim3A_5 {strides = array<i32>} : memref<1536xf32, #tpu.memory_space<vmem>>, vector<16xf32>,
    %swap3A_433 = arith.constant 352 : index
    %swap3A_434 = tpu.vector_load %arg11[%swap3A_433] {strides = array<i32>} : memref<1536xf32, #tpu.memory_space<vmem>>, vector<16xf32>,
    tpu.vector_store %arg11[%swap3A_433], %broadcast_in_dim3A_5 {strides = array<i32>} : memref<1536xf32, #tpu.memory_space<vmem>>, vector<16xf32>,
    %swap3A_435 = arith.constant 368 : index
    %swap3A_436 = tpu.vector_load %arg11[%swap3A_435] {strides = array<i32>} : memref<1536xf32, #tpu.memory_space<vmem>>, vector<16xf32>,
    tpu.vector_store %arg11[%swap3A_435], %broadcast_in_dim3A_5 {strides = array<i32>} : memref<1536xf32, #tpu.memory_space<vmem>>, vector<16xf32>,
    %swap3A_437 = arith.constant 384 : index
    %swap3A_438 = tpu.vector_load %arg11[%swap3A_437] {strides = array<i32>} : memref<1536xf32, #tpu.memory_space<vmem>>, vector<16xf32>,
    tpu.vector_store %arg11[%swap3A_437], %broadcast_in_dim3A_5 {strides = array<i32>} : memref<1536xf32, #tpu.memory_space<vmem>>, vector<16xf32>,
    %swap3A_439 = arith.constant 400 : index
    %swap3A_440 = tpu.vector_load %arg11[%swap3A_439] {strides = array<i32>} : memref<1536xf32, #tpu.memory_space<vmem>>, vector<16xf32>,
    tpu.vector_store %arg11[%swap3A_439], %broadcast_in_dim3A_5 {strides = array<i32>} : memref<1536xf32, #tpu.memory_space<vmem>>, vector<16xf32>,
    %swap3A_441 = arith.constant 416 : index
    %swap3A_442 = tpu.vector_load %arg11[%swap3A_441] {strides = array<i32>} : memref<1536xf32, #tpu.memory_space<vmem>>, vector<16xf32>,
    tpu.vector_store %arg11[%swap3A_441], %broadcast_in_dim3A_5 {strides = array<i32>} : memref<1536xf32, #tpu.memory_space<vmem>>, vector<16xf32>,
    %swap3A_443 = arith.constant 432 : index
    %swap3A_444 = tpu.vector_load %arg11[%swap3A_443] {strides = array<i32>} : memref<1536xf32, #tpu.memory_space<vmem>>, vector<16xf32>,
    tpu.vector_store %arg11[%swap3A_443], %broadcast_in_dim3A_5 {strides = array<i32>} : memref<1536xf32, #tpu.memory_space<vmem>>, vector<16xf32>,
    %swap3A_445 = arith.constant 448 : index
    %swap3A_446 = tpu.vector_load %arg11[%swap3A_445] {strides = array<i32>} : memref<1536xf32, #tpu.memory_space<vmem>>, vector<16xf32>,
    tpu.vector_store %arg11[%swap3A_445], %broadcast_in_dim3A_5 {strides = array<i32>} : memref<1536xf32, #tpu.memory_space<vmem>>, vector<16xf32>,
    %swap3A_447 = arith.constant 464 : index
    %swap3A_448 = tpu.vector_load %arg11[%swap3A_447] {strides = array<i32>} : memref<1536xf32, #tpu.memory_space<vmem>>, vector<16xf32>,
    tpu.vector_store %arg11[%swap3A_447], %broadcast_in_dim3A_5 {strides = array<i32>} : memref<1536xf32, #tpu.memory_space<vmem>>, vector<16xf32>,
    %swap3A_449 = arith.constant 480 : index
    %swap3A_450 = tpu.vector_load %arg11[%swap3A_449] {strides = array<i32>} : memref<1536xf32, #tpu.memory_space<vmem>>, vector<16xf32>,
    tpu.vector_store %arg11[%swap3A_449], %broadcast_in_dim3A_5 {strides = array<i32>} : memref<1536xf32, #tpu.memory_space<vmem>>, vector<16xf32>,
    %swap3A_451 = arith.constant 496 : index
    %swap3A_452 = tpu.vector_load %arg11[%swap3A_451] {strides = array<i32>} : memref<1536xf32, #tpu.memory_space<vmem>>, vector<16xf32>,
    tpu.vector_store %arg11[%swap3A_451], %broadcast_in_dim3A_5 {strides = array<i32>} : memref<1536xf32, #tpu.memory_space<vmem>>, vector<16xf32>,
    %swap3A_453 = arith.constant 512 : index
    %swap3A_454 = tpu.vector_load %arg11[%swap3A_453] {strides = array<i32>} : memref<1536xf32, #tpu.memory_space<vmem>>, vector<16xf32>,
    tpu.vector_store %arg11[%swap3A_453], %broadcast_in_dim3A_5 {strides = array<i32>} : memref<1536xf32, #tpu.memory_space<vmem>>, vector<16xf32>,
    %swap3A_455 = arith.constant 528 : index
    %swap3A_456 = tpu.vector_load %arg11[%swap3A_455] {strides = array<i32>} : memref<1536xf32, #tpu.memory_space<vmem>>, vector<16xf32>,
    tpu.vector_store %arg11[%swap3A_455], %broadcast_in_dim3A_5 {strides = array<i32>} : memref<1536xf32, #tpu.memory_space<vmem>>, vector<16xf32>,
    %swap3A_457 = arith.constant 544 : index
    %swap3A_458 = tpu.vector_load %arg11[%swap3A_457] {strides = array<i32>} : memref<1536xf32, #tpu.memory_space<vmem>>, vector<16xf32>,
    tpu.vector_store %arg11[%swap3A_457], %broadcast_in_dim3A_5 {strides = array<i32>} : memref<1536xf32, #tpu.memory_space<vmem>>, vector<16xf32>,
    %swap3A_459 = arith.constant 560 : index
    %swap3A_460 = tpu.vector_load %arg11[%swap3A_459] {strides = array<i32>} : memref<1536xf32, #tpu.memory_space<vmem>>, vector<16xf32>,
    tpu.vector_store %arg11[%swap3A_459], %broadcast_in_dim3A_5 {strides = array<i32>} : memref<1536xf32, #tpu.memory_space<vmem>>, vector<16xf32>,
    %swap3A_461 = arith.constant 576 : index
    %swap3A_462 = tpu.vector_load %arg11[%swap3A_461] {strides = array<i32>} : memref<1536xf32, #tpu.memory_space<vmem>>, vector<16xf32>,
    tpu.vector_store %arg11[%swap3A_461], %broadcast_in_dim3A_5 {strides = array<i32>} : memref<1536xf32, #tpu.memory_space<vmem>>, vector<16xf32>,
    %swap3A_463 = arith.constant 592 : index
    %swap3A_464 = tpu.vector_load %arg11[%swap3A_463] {strides = array<i32>} : memref<1536xf32, #tpu.memory_space<vmem>>, vector<16xf32>,
    tpu.vector_store %arg11[%swap3A_463], %broadcast_in_dim3A_5 {strides = array<i32>} : memref<1536xf32, #tpu.memory_space<vmem>>, vector<16xf32>,
    %swap3A_465 = arith.constant 608 : index
    %swap3A_466 = tpu.vector_load %arg11[%swap3A_465] {strides = array<i32>} : memref<1536xf32, #tpu.memory_space<vmem>>, vector<16xf32>,
    tpu.vector_store %arg11[%swap3A_465], %broadcast_in_dim3A_5 {strides = array<i32>} : memref<1536xf32, #tpu.memory_space<vmem>>, vector<16xf32>,
    %swap3A_467 = arith.constant 624 : index
    %swap3A_468 = tpu.vector_load %arg11[%swap3A_467] {strides = array<i32>} : memref<1536xf32, #tpu.memory_space<vmem>>, vector<16xf32>,
    tpu.vector_store %arg11[%swap3A_467], %broadcast_in_dim3A_5 {strides = array<i32>} : memref<1536xf32, #tpu.memory_space<vmem>>, vector<16xf32>,
    %swap3A_469 = arith.constant 640 : index
    %swap3A_470 = tpu.vector_load %arg11[%swap3A_469] {strides = array<i32>} : memref<1536xf32, #tpu.memory_space<vmem>>, vector<16xf32>,
    tpu.vector_store %arg11[%swap3A_469], %broadcast_in_dim3A_5 {strides = array<i32>} : memref<1536xf32, #tpu.memory_space<vmem>>, vector<16xf32>,
    %swap3A_471 = arith.constant 656 : index
    %swap3A_472 = tpu.vector_load %arg11[%swap3A_471] {strides = array<i32>} : memref<1536xf32, #tpu.memory_space<vmem>>, vector<16xf32>,
    tpu.vector_store %arg11[%swap3A_471], %broadcast_in_dim3A_5 {strides = array<i32>} : memref<1536xf32, #tpu.memory_space<vmem>>, vector<16xf32>,
    %swap3A_473 = arith.constant 672 : index
    %swap3A_474 = tpu.vector_load %arg11[%swap3A_473] {strides = array<i32>} : memref<1536xf32, #tpu.memory_space<vmem>>, vector<16xf32>,
    tpu.vector_store %arg11[%swap3A_473], %broadcast_in_dim3A_5 {strides = array<i32>} : memref<1536xf32, #tpu.memory_space<vmem>>, vector<16xf32>,
    %swap3A_475 = arith.constant 688 : index
    %swap3A_476 = tpu.vector_load %arg11[%swap3A_475] {strides = array<i32>} : memref<1536xf32, #tpu.memory_space<vmem>>, vector<16xf32>,
    tpu.vector_store %arg11[%swap3A_475], %broadcast_in_dim3A_5 {strides = array<i32>} : memref<1536xf32, #tpu.memory_space<vmem>>, vector<16xf32>,
    %swap3A_477 = arith.constant 704 : index
    %swap3A_478 = tpu.vector_load %arg11[%swap3A_477] {strides = array<i32>} : memref<1536xf32, #tpu.memory_space<vmem>>, vector<16xf32>,
    tpu.vector_store %arg11[%swap3A_477], %broadcast_in_dim3A_5 {strides = array<i32>} : memref<1536xf32, #tpu.memory_space<vmem>>, vector<16xf32>,
    %swap3A_479 = arith.constant 720 : index
    %swap3A_480 = tpu.vector_load %arg11[%swap3A_479] {strides = array<i32>} : memref<1536xf32, #tpu.memory_space<vmem>>, vector<16xf32>,
    tpu.vector_store %arg11[%swap3A_479], %broadcast_in_dim3A_5 {strides = array<i32>} : memref<1536xf32, #tpu.memory_space<vmem>>, vector<16xf32>,
    %swap3A_481 = arith.constant 736 : index
    %swap3A_482 = tpu.vector_load %arg11[%swap3A_481] {strides = array<i32>} : memref<1536xf32, #tpu.memory_space<vmem>>, vector<16xf32>,
    tpu.vector_store %arg11[%swap3A_481], %broadcast_in_dim3A_5 {strides = array<i32>} : memref<1536xf32, #tpu.memory_space<vmem>>, vector<16xf32>,
    %swap3A_483 = arith.constant 752 : index
    %swap3A_484 = tpu.vector_load %arg11[%swap3A_483] {strides = array<i32>} : memref<1536xf32, #tpu.memory_space<vmem>>, vector<16xf32>,
    tpu.vector_store %arg11[%swap3A_483], %broadcast_in_dim3A_5 {strides = array<i32>} : memref<1536xf32, #tpu.memory_space<vmem>>, vector<16xf32>,
    %swap3A_485 = arith.constant 768 : index
    %swap3A_486 = tpu.vector_load %arg11[%swap3A_485] {strides = array<i32>} : memref<1536xf32, #tpu.memory_space<vmem>>, vector<16xf32>,
    tpu.vector_store %arg11[%swap3A_485], %broadcast_in_dim3A_5 {strides = array<i32>} : memref<1536xf32, #tpu.memory_space<vmem>>, vector<16xf32>,
    %swap3A_487 = arith.constant 784 : index
    %swap3A_488 = tpu.vector_load %arg11[%swap3A_487] {strides = array<i32>} : memref<1536xf32, #tpu.memory_space<vmem>>, vector<16xf32>,
    tpu.vector_store %arg11[%swap3A_487], %broadcast_in_dim3A_5 {strides = array<i32>} : memref<1536xf32, #tpu.memory_space<vmem>>, vector<16xf32>,
    %swap3A_489 = arith.constant 800 : index
    %swap3A_490 = tpu.vector_load %arg11[%swap3A_489] {strides = array<i32>} : memref<1536xf32, #tpu.memory_space<vmem>>, vector<16xf32>,
    tpu.vector_store %arg11[%swap3A_489], %broadcast_in_dim3A_5 {strides = array<i32>} : memref<1536xf32, #tpu.memory_space<vmem>>, vector<16xf32>,
    %swap3A_491 = arith.constant 816 : index
    %swap3A_492 = tpu.vector_load %arg11[%swap3A_491] {strides = array<i32>} : memref<1536xf32, #tpu.memory_space<vmem>>, vector<16xf32>,
    tpu.vector_store %arg11[%swap3A_491], %broadcast_in_dim3A_5 {strides = array<i32>} : memref<1536xf32, #tpu.memory_space<vmem>>, vector<16xf32>,
    %swap3A_493 = arith.constant 832 : index
    %swap3A_494 = tpu.vector_load %arg11[%swap3A_493] {strides = array<i32>} : memref<1536xf32, #tpu.memory_space<vmem>>, vector<16xf32>,
    tpu.vector_store %arg11[%swap3A_493], %broadcast_in_dim3A_5 {strides = array<i32>} : memref<1536xf32, #tpu.memory_space<vmem>>, vector<16xf32>,
    %swap3A_495 = arith.constant 848 : index
    %swap3A_496 = tpu.vector_load %arg11[%swap3A_495] {strides = array<i32>} : memref<1536xf32, #tpu.memory_space<vmem>>, vector<16xf32>,
    tpu.vector_store %arg11[%swap3A_495], %broadcast_in_dim3A_5 {strides = array<i32>} : memref<1536xf32, #tpu.memory_space<vmem>>, vector<16xf32>,
    %swap3A_497 = arith.constant 864 : index
    %swap3A_498 = tpu.vector_load %arg11[%swap3A_497] {strides = array<i32>} : memref<1536xf32, #tpu.memory_space<vmem>>, vector<16xf32>,
    tpu.vector_store %arg11[%swap3A_497], %broadcast_in_dim3A_5 {strides = array<i32>} : memref<1536xf32, #tpu.memory_space<vmem>>, vector<16xf32>,
    %swap3A_499 = arith.constant 880 : index
    %swap3A_500 = tpu.vector_load %arg11[%swap3A_499] {strides = array<i32>} : memref<1536xf32, #tpu.memory_space<vmem>>, vector<16xf32>,
    tpu.vector_store %arg11[%swap3A_499], %broadcast_in_dim3A_5 {strides = array<i32>} : memref<1536xf32, #tpu.memory_space<vmem>>, vector<16xf32>,
    %swap3A_501 = arith.constant 896 : index
    %swap3A_502 = tpu.vector_load %arg11[%swap3A_501] {strides = array<i32>} : memref<1536xf32, #tpu.memory_space<vmem>>, vector<16xf32>,
    tpu.vector_store %arg11[%swap3A_501], %broadcast_in_dim3A_5 {strides = array<i32>} : memref<1536xf32, #tpu.memory_space<vmem>>, vector<16xf32>,
    %swap3A_503 = arith.constant 912 : index
    %swap3A_504 = tpu.vector_load %arg11[%swap3A_503] {strides = array<i32>} : memref<1536xf32, #tpu.memory_space<vmem>>, vector<16xf32>,
    tpu.vector_store %arg11[%swap3A_503], %broadcast_in_dim3A_5 {strides = array<i32>} : memref<1536xf32, #tpu.memory_space<vmem>>, vector<16xf32>,
    %swap3A_505 = arith.constant 928 : index
    %swap3A_506 = tpu.vector_load %arg11[%swap3A_505] {strides = array<i32>} : memref<1536xf32, #tpu.memory_space<vmem>>, vector<16xf32>,
    tpu.vector_store %arg11[%swap3A_505], %broadcast_in_dim3A_5 {strides = array<i32>} : memref<1536xf32, #tpu.memory_space<vmem>>, vector<16xf32>,
    %swap3A_507 = arith.constant 944 : index
    %swap3A_508 = tpu.vector_load %arg11[%swap3A_507] {strides = array<i32>} : memref<1536xf32, #tpu.memory_space<vmem>>, vector<16xf32>,
    tpu.vector_store %arg11[%swap3A_507], %broadcast_in_dim3A_5 {strides = array<i32>} : memref<1536xf32, #tpu.memory_space<vmem>>, vector<16xf32>,
    %swap3A_509 = arith.constant 960 : index
    %swap3A_510 = tpu.vector_load %arg11[%swap3A_509] {strides = array<i32>} : memref<1536xf32, #tpu.memory_space<vmem>>, vector<16xf32>,
    tpu.vector_store %arg11[%swap3A_509], %broadcast_in_dim3A_5 {strides = array<i32>} : memref<1536xf32, #tpu.memory_space<vmem>>, vector<16xf32>,
    %swap3A_511 = arith.constant 976 : index
    %swap3A_512 = tpu.vector_load %arg11[%swap3A_511] {strides = array<i32>} : memref<1536xf32, #tpu.memory_space<vmem>>, vector<16xf32>,
    tpu.vector_store %arg11[%swap3A_511], %broadcast_in_dim3A_5 {strides = array<i32>} : memref<1536xf32, #tpu.memory_space<vmem>>, vector<16xf32>,
    %swap3A_513 = arith.constant 992 : index
    %swap3A_514 = tpu.vector_load %arg11[%swap3A_513] {strides = array<i32>} : memref<1536xf32, #tpu.memory_space<vmem>>, vector<16xf32>,
    tpu.vector_store %arg11[%swap3A_513], %broadcast_in_dim3A_5 {strides = array<i32>} : memref<1536xf32, #tpu.memory_space<vmem>>, vector<16xf32>,
    %swap3A_515 = arith.constant 1008 : index
    %swap3A_516 = tpu.vector_load %arg11[%swap3A_515] {strides = array<i32>} : memref<1536xf32, #tpu.memory_space<vmem>>, vector<16xf32>,
    tpu.vector_store %arg11[%swap3A_515], %broadcast_in_dim3A_5 {strides = array<i32>} : memref<1536xf32, #tpu.memory_space<vmem>>, vector<16xf32>,
    %swap3A_517 = arith.constant 1024 : index
    %swap3A_518 = tpu.vector_load %arg11[%swap3A_517] {strides = array<i32>} : memref<1536xf32, #tpu.memory_space<vmem>>, vector<16xf32>,
    tpu.vector_store %arg11[%swap3A_517], %broadcast_in_dim3A_5 {strides = array<i32>} : memref<1536xf32, #tpu.memory_space<vmem>>, vector<16xf32>,
    %swap3A_519 = arith.constant 1040 : index
    %swap3A_520 = tpu.vector_load %arg11[%swap3A_519] {strides = array<i32>} : memref<1536xf32, #tpu.memory_space<vmem>>, vector<16xf32>,
    tpu.vector_store %arg11[%swap3A_519], %broadcast_in_dim3A_5 {strides = array<i32>} : memref<1536xf32, #tpu.memory_space<vmem>>, vector<16xf32>,
    %swap3A_521 = arith.constant 1056 : index
    %swap3A_522 = tpu.vector_load %arg11[%swap3A_521] {strides = array<i32>} : memref<1536xf32, #tpu.memory_space<vmem>>, vector<16xf32>,
    tpu.vector_store %arg11[%swap3A_521], %broadcast_in_dim3A_5 {strides = array<i32>} : memref<1536xf32, #tpu.memory_space<vmem>>, vector<16xf32>,
    %swap3A_523 = arith.constant 1072 : index
    %swap3A_524 = tpu.vector_load %arg11[%swap3A_523] {strides = array<i32>} : memref<1536xf32, #tpu.memory_space<vmem>>, vector<16xf32>,
    tpu.vector_store %arg11[%swap3A_523], %broadcast_in_dim3A_5 {strides = array<i32>} : memref<1536xf32, #tpu.memory_space<vmem>>, vector<16xf32>,
    %swap3A_525 = arith.constant 1088 : index
    %swap3A_526 = tpu.vector_load %arg11[%swap3A_525] {strides = array<i32>} : memref<1536xf32, #tpu.memory_space<vmem>>, vector<16xf32>,
    tpu.vector_store %arg11[%swap3A_525], %broadcast_in_dim3A_5 {strides = array<i32>} : memref<1536xf32, #tpu.memory_space<vmem>>, vector<16xf32>,
    %swap3A_527 = arith.constant 1104 : index
    %swap3A_528 = tpu.vector_load %arg11[%swap3A_527] {strides = array<i32>} : memref<1536xf32, #tpu.memory_space<vmem>>, vector<16xf32>,
    tpu.vector_store %arg11[%swap3A_527], %broadcast_in_dim3A_5 {strides = array<i32>} : memref<1536xf32, #tpu.memory_space<vmem>>, vector<16xf32>,
    %swap3A_529 = arith.constant 1120 : index
    %swap3A_530 = tpu.vector_load %arg11[%swap3A_529] {strides = array<i32>} : memref<1536xf32, #tpu.memory_space<vmem>>, vector<16xf32>,
    tpu.vector_store %arg11[%swap3A_529], %broadcast_in_dim3A_5 {strides = array<i32>} : memref<1536xf32, #tpu.memory_space<vmem>>, vector<16xf32>,
    %swap3A_531 = arith.constant 1136 : index
    %swap3A_532 = tpu.vector_load %arg11[%swap3A_531] {strides = array<i32>} : memref<1536xf32, #tpu.memory_space<vmem>>, vector<16xf32>,
    tpu.vector_store %arg11[%swap3A_531], %broadcast_in_dim3A_5 {strides = array<i32>} : memref<1536xf32, #tpu.memory_space<vmem>>, vector<16xf32>,
    %swap3A_533 = arith.constant 1152 : index
    %swap3A_534 = tpu.vector_load %arg11[%swap3A_533] {strides = array<i32>} : memref<1536xf32, #tpu.memory_space<vmem>>, vector<16xf32>,
    tpu.vector_store %arg11[%swap3A_533], %broadcast_in_dim3A_5 {strides = array<i32>} : memref<1536xf32, #tpu.memory_space<vmem>>, vector<16xf32>,
    %swap3A_535 = arith.constant 1168 : index
    %swap3A_536 = tpu.vector_load %arg11[%swap3A_535] {strides = array<i32>} : memref<1536xf32, #tpu.memory_space<vmem>>, vector<16xf32>,
    tpu.vector_store %arg11[%swap3A_535], %broadcast_in_dim3A_5 {strides = array<i32>} : memref<1536xf32, #tpu.memory_space<vmem>>, vector<16xf32>,
    %swap3A_537 = arith.constant 1184 : index
    %swap3A_538 = tpu.vector_load %arg11[%swap3A_537] {strides = array<i32>} : memref<1536xf32, #tpu.memory_space<vmem>>, vector<16xf32>,
    tpu.vector_store %arg11[%swap3A_537], %broadcast_in_dim3A_5 {strides = array<i32>} : memref<1536xf32, #tpu.memory_space<vmem>>, vector<16xf32>,
    %swap3A_539 = arith.constant 1200 : index
    %swap3A_540 = tpu.vector_load %arg11[%swap3A_539] {strides = array<i32>} : memref<1536xf32, #tpu.memory_space<vmem>>, vector<16xf32>,
    tpu.vector_store %arg11[%swap3A_539], %broadcast_in_dim3A_5 {strides = array<i32>} : memref<1536xf32, #tpu.memory_space<vmem>>, vector<16xf32>,
    %swap3A_541 = arith.constant 1216 : index
    %swap3A_542 = tpu.vector_load %arg11[%swap3A_541] {strides = array<i32>} : memref<1536xf32, #tpu.memory_space<vmem>>, vector<16xf32>,
    tpu.vector_store %arg11[%swap3A_541], %broadcast_in_dim3A_5 {strides = array<i32>} : memref<1536xf32, #tpu.memory_space<vmem>>, vector<16xf32>,
    %swap3A_543 = arith.constant 1232 : index
    %swap3A_544 = tpu.vector_load %arg11[%swap3A_543] {strides = array<i32>} : memref<1536xf32, #tpu.memory_space<vmem>>, vector<16xf32>,
    tpu.vector_store %arg11[%swap3A_543], %broadcast_in_dim3A_5 {strides = array<i32>} : memref<1536xf32, #tpu.memory_space<vmem>>, vector<16xf32>,
    %swap3A_545 = arith.constant 1248 : index
    %swap3A_546 = tpu.vector_load %arg11[%swap3A_545] {strides = array<i32>} : memref<1536xf32, #tpu.memory_space<vmem>>, vector<16xf32>,
    tpu.vector_store %arg11[%swap3A_545], %broadcast_in_dim3A_5 {strides = array<i32>} : memref<1536xf32, #tpu.memory_space<vmem>>, vector<16xf32>,
    %swap3A_547 = arith.constant 1264 : index
    %swap3A_548 = tpu.vector_load %arg11[%swap3A_547] {strides = array<i32>} : memref<1536xf32, #tpu.memory_space<vmem>>, vector<16xf32>,
    tpu.vector_store %arg11[%swap3A_547], %broadcast_in_dim3A_5 {strides = array<i32>} : memref<1536xf32, #tpu.memory_space<vmem>>, vector<16xf32>,
    %swap3A_549 = arith.constant 1280 : index
    %swap3A_550 = tpu.vector_load %arg11[%swap3A_549] {strides = array<i32>} : memref<1536xf32, #tpu.memory_space<vmem>>, vector<16xf32>,
    tpu.vector_store %arg11[%swap3A_549], %broadcast_in_dim3A_5 {strides = array<i32>} : memref<1536xf32, #tpu.memory_space<vmem>>, vector<16xf32>,
    %swap3A_551 = arith.constant 1296 : index
    %swap3A_552 = tpu.vector_load %arg11[%swap3A_551] {strides = array<i32>} : memref<1536xf32, #tpu.memory_space<vmem>>, vector<16xf32>,
    tpu.vector_store %arg11[%swap3A_551], %broadcast_in_dim3A_5 {strides = array<i32>} : memref<1536xf32, #tpu.memory_space<vmem>>, vector<16xf32>,
    %swap3A_553 = arith.constant 1312 : index
    %swap3A_554 = tpu.vector_load %arg11[%swap3A_553] {strides = array<i32>} : memref<1536xf32, #tpu.memory_space<vmem>>, vector<16xf32>,
    tpu.vector_store %arg11[%swap3A_553], %broadcast_in_dim3A_5 {strides = array<i32>} : memref<1536xf32, #tpu.memory_space<vmem>>, vector<16xf32>,
    %swap3A_555 = arith.constant 1328 : index
    %swap3A_556 = tpu.vector_load %arg11[%swap3A_555] {strides = array<i32>} : memref<1536xf32, #tpu.memory_space<vmem>>, vector<16xf32>,
    tpu.vector_store %arg11[%swap3A_555], %broadcast_in_dim3A_5 {strides = array<i32>} : memref<1536xf32, #tpu.memory_space<vmem>>, vector<16xf32>,
    %swap3A_557 = arith.constant 1344 : index
    %swap3A_558 = tpu.vector_load %arg11[%swap3A_557] {strides = array<i32>} : memref<1536xf32, #tpu.memory_space<vmem>>, vector<16xf32>,
    tpu.vector_store %arg11[%swap3A_557], %broadcast_in_dim3A_5 {strides = array<i32>} : memref<1536xf32, #tpu.memory_space<vmem>>, vector<16xf32>,
    %swap3A_559 = arith.constant 1360 : index
    %swap3A_560 = tpu.vector_load %arg11[%swap3A_559] {strides = array<i32>} : memref<1536xf32, #tpu.memory_space<vmem>>, vector<16xf32>,
    tpu.vector_store %arg11[%swap3A_559], %broadcast_in_dim3A_5 {strides = array<i32>} : memref<1536xf32, #tpu.memory_space<vmem>>, vector<16xf32>,
    %swap3A_561 = arith.constant 1376 : index
    %swap3A_562 = tpu.vector_load %arg11[%swap3A_561] {strides = array<i32>} : memref<1536xf32, #tpu.memory_space<vmem>>, vector<16xf32>,
    tpu.vector_store %arg11[%swap3A_561], %broadcast_in_dim3A_5 {strides = array<i32>} : memref<1536xf32, #tpu.memory_space<vmem>>, vector<16xf32>,
    %swap3A_563 = arith.constant 1392 : index
    %swap3A_564 = tpu.vector_load %arg11[%swap3A_563] {strides = array<i32>} : memref<1536xf32, #tpu.memory_space<vmem>>, vector<16xf32>,
    tpu.vector_store %arg11[%swap3A_563], %broadcast_in_dim3A_5 {strides = array<i32>} : memref<1536xf32, #tpu.memory_space<vmem>>, vector<16xf32>,
    %swap3A_565 = arith.constant 1408 : index
    %swap3A_566 = tpu.vector_load %arg11[%swap3A_565] {strides = array<i32>} : memref<1536xf32, #tpu.memory_space<vmem>>, vector<16xf32>,
    tpu.vector_store %arg11[%swap3A_565], %broadcast_in_dim3A_5 {strides = array<i32>} : memref<1536xf32, #tpu.memory_space<vmem>>, vector<16xf32>,
    %swap3A_567 = arith.constant 1424 : index
    %swap3A_568 = tpu.vector_load %arg11[%swap3A_567] {strides = array<i32>} : memref<1536xf32, #tpu.memory_space<vmem>>, vector<16xf32>,
    tpu.vector_store %arg11[%swap3A_567], %broadcast_in_dim3A_5 {strides = array<i32>} : memref<1536xf32, #tpu.memory_space<vmem>>, vector<16xf32>,
    %swap3A_569 = arith.constant 1440 : index
    %swap3A_570 = tpu.vector_load %arg11[%swap3A_569] {strides = array<i32>} : memref<1536xf32, #tpu.memory_space<vmem>>, vector<16xf32>,
    tpu.vector_store %arg11[%swap3A_569], %broadcast_in_dim3A_5 {strides = array<i32>} : memref<1536xf32, #tpu.memory_space<vmem>>, vector<16xf32>,
    %swap3A_571 = arith.constant 1456 : index
    %swap3A_572 = tpu.vector_load %arg11[%swap3A_571] {strides = array<i32>} : memref<1536xf32, #tpu.memory_space<vmem>>, vector<16xf32>,
    tpu.vector_store %arg11[%swap3A_571], %broadcast_in_dim3A_5 {strides = array<i32>} : memref<1536xf32, #tpu.memory_space<vmem>>, vector<16xf32>,
    %swap3A_573 = arith.constant 1472 : index
    %swap3A_574 = tpu.vector_load %arg11[%swap3A_573] {strides = array<i32>} : memref<1536xf32, #tpu.memory_space<vmem>>, vector<16xf32>,
    tpu.vector_store %arg11[%swap3A_573], %broadcast_in_dim3A_5 {strides = array<i32>} : memref<1536xf32, #tpu.memory_space<vmem>>, vector<16xf32>,
    %swap3A_575 = arith.constant 1488 : index
    %swap3A_576 = tpu.vector_load %arg11[%swap3A_575] {strides = array<i32>} : memref<1536xf32, #tpu.memory_space<vmem>>, vector<16xf32>,
    tpu.vector_store %arg11[%swap3A_575], %broadcast_in_dim3A_5 {strides = array<i32>} : memref<1536xf32, #tpu.memory_space<vmem>>, vector<16xf32>,
    %swap3A_577 = arith.constant 1504 : index
    %swap3A_578 = tpu.vector_load %arg11[%swap3A_577] {strides = array<i32>} : memref<1536xf32, #tpu.memory_space<vmem>>, vector<16xf32>,
    tpu.vector_store %arg11[%swap3A_577], %broadcast_in_dim3A_5 {strides = array<i32>} : memref<1536xf32, #tpu.memory_space<vmem>>, vector<16xf32>,
    %swap3A_579 = arith.constant 1520 : index
    %swap3A_580 = tpu.vector_load %arg11[%swap3A_579] {strides = array<i32>} : memref<1536xf32, #tpu.memory_space<vmem>>, vector<16xf32>,
    tpu.vector_store %arg11[%swap3A_579], %broadcast_in_dim3A_5 {strides = array<i32>} : memref<1536xf32, #tpu.memory_space<vmem>>, vector<16xf32>,
    %swap3A_581 = arith.constant 0 : index
    %swap3A_582 = tpu.vector_load %arg12[%swap3A_581] {strides = array<i32>} : memref<1536xf32, #tpu.memory_space<vmem>>, vector<16xf32>,
    tpu.vector_store %arg12[%swap3A_581], %broadcast_in_dim3A_5 {strides = array<i32>} : memref<1536xf32, #tpu.memory_space<vmem>>, vector<16xf32>,
    %swap3A_583 = arith.constant 16 : index
    %swap3A_584 = tpu.vector_load %arg12[%swap3A_583] {strides = array<i32>} : memref<1536xf32, #tpu.memory_space<vmem>>, vector<16xf32>,
    tpu.vector_store %arg12[%swap3A_583], %broadcast_in_dim3A_5 {strides = array<i32>} : memref<1536xf32, #tpu.memory_space<vmem>>, vector<16xf32>,
    %swap3A_585 = arith.constant 32 : index
    %swap3A_586 = tpu.vector_load %arg12[%swap3A_585] {strides = array<i32>} : memref<1536xf32, #tpu.memory_space<vmem>>, vector<16xf32>,
    tpu.vector_store %arg12[%swap3A_585], %broadcast_in_dim3A_5 {strides = array<i32>} : memref<1536xf32, #tpu.memory_space<vmem>>, vector<16xf32>,
    %swap3A_587 = arith.constant 48 : index
    %swap3A_588 = tpu.vector_load %arg12[%swap3A_587] {strides = array<i32>} : memref<1536xf32, #tpu.memory_space<vmem>>, vector<16xf32>,
    tpu.vector_store %arg12[%swap3A_587], %broadcast_in_dim3A_5 {strides = array<i32>} : memref<1536xf32, #tpu.memory_space<vmem>>, vector<16xf32>,
    %swap3A_589 = arith.constant 64 : index
    %swap3A_590 = tpu.vector_load %arg12[%swap3A_589] {strides = array<i32>} : memref<1536xf32, #tpu.memory_space<vmem>>, vector<16xf32>,
    tpu.vector_store %arg12[%swap3A_589], %broadcast_in_dim3A_5 {strides = array<i32>} : memref<1536xf32, #tpu.memory_space<vmem>>, vector<16xf32>,
    %swap3A_591 = arith.constant 80 : index
    %swap3A_592 = tpu.vector_load %arg12[%swap3A_591] {strides = array<i32>} : memref<1536xf32, #tpu.memory_space<vmem>>, vector<16xf32>,
    tpu.vector_store %arg12[%swap3A_591], %broadcast_in_dim3A_5 {strides = array<i32>} : memref<1536xf32, #tpu.memory_space<vmem>>, vector<16xf32>,
    %swap3A_593 = arith.constant 96 : index
    %swap3A_594 = tpu.vector_load %arg12[%swap3A_593] {strides = array<i32>} : memref<1536xf32, #tpu.memory_space<vmem>>, vector<16xf32>,
    tpu.vector_store %arg12[%swap3A_593], %broadcast_in_dim3A_5 {strides = array<i32>} : memref<1536xf32, #tpu.memory_space<vmem>>, vector<16xf32>,
    %swap3A_595 = arith.constant 112 : index
    %swap3A_596 = tpu.vector_load %arg12[%swap3A_595] {strides = array<i32>} : memref<1536xf32, #tpu.memory_space<vmem>>, vector<16xf32>,
    tpu.vector_store %arg12[%swap3A_595], %broadcast_in_dim3A_5 {strides = array<i32>} : memref<1536xf32, #tpu.memory_space<vmem>>, vector<16xf32>,
    %swap3A_597 = arith.constant 128 : index
    %swap3A_598 = tpu.vector_load %arg12[%swap3A_597] {strides = array<i32>} : memref<1536xf32, #tpu.memory_space<vmem>>, vector<16xf32>,
    tpu.vector_store %arg12[%swap3A_597], %broadcast_in_dim3A_5 {strides = array<i32>} : memref<1536xf32, #tpu.memory_space<vmem>>, vector<16xf32>,
    %swap3A_599 = arith.constant 144 : index
    %swap3A_600 = tpu.vector_load %arg12[%swap3A_599] {strides = array<i32>} : memref<1536xf32, #tpu.memory_space<vmem>>, vector<16xf32>,
    tpu.vector_store %arg12[%swap3A_599], %broadcast_in_dim3A_5 {strides = array<i32>} : memref<1536xf32, #tpu.memory_space<vmem>>, vector<16xf32>,
    %swap3A_601 = arith.constant 160 : index
    %swap3A_602 = tpu.vector_load %arg12[%swap3A_601] {strides = array<i32>} : memref<1536xf32, #tpu.memory_space<vmem>>, vector<16xf32>,
    tpu.vector_store %arg12[%swap3A_601], %broadcast_in_dim3A_5 {strides = array<i32>} : memref<1536xf32, #tpu.memory_space<vmem>>, vector<16xf32>,
    %swap3A_603 = arith.constant 176 : index
    %swap3A_604 = tpu.vector_load %arg12[%swap3A_603] {strides = array<i32>} : memref<1536xf32, #tpu.memory_space<vmem>>, vector<16xf32>,
    tpu.vector_store %arg12[%swap3A_603], %broadcast_in_dim3A_5 {strides = array<i32>} : memref<1536xf32, #tpu.memory_space<vmem>>, vector<16xf32>,
    %swap3A_605 = arith.constant 192 : index
    %swap3A_606 = tpu.vector_load %arg12[%swap3A_605] {strides = array<i32>} : memref<1536xf32, #tpu.memory_space<vmem>>, vector<16xf32>,
    tpu.vector_store %arg12[%swap3A_605], %broadcast_in_dim3A_5 {strides = array<i32>} : memref<1536xf32, #tpu.memory_space<vmem>>, vector<16xf32>,
    %swap3A_607 = arith.constant 208 : index
    %swap3A_608 = tpu.vector_load %arg12[%swap3A_607] {strides = array<i32>} : memref<1536xf32, #tpu.memory_space<vmem>>, vector<16xf32>,
    tpu.vector_store %arg12[%swap3A_607], %broadcast_in_dim3A_5 {strides = array<i32>} : memref<1536xf32, #tpu.memory_space<vmem>>, vector<16xf32>,
    %swap3A_609 = arith.constant 224 : index
    %swap3A_610 = tpu.vector_load %arg12[%swap3A_609] {strides = array<i32>} : memref<1536xf32, #tpu.memory_space<vmem>>, vector<16xf32>,
    tpu.vector_store %arg12[%swap3A_609], %broadcast_in_dim3A_5 {strides = array<i32>} : memref<1536xf32, #tpu.memory_space<vmem>>, vector<16xf32>,
    %swap3A_611 = arith.constant 240 : index
    %swap3A_612 = tpu.vector_load %arg12[%swap3A_611] {strides = array<i32>} : memref<1536xf32, #tpu.memory_space<vmem>>, vector<16xf32>,
    tpu.vector_store %arg12[%swap3A_611], %broadcast_in_dim3A_5 {strides = array<i32>} : memref<1536xf32, #tpu.memory_space<vmem>>, vector<16xf32>,
    %swap3A_613 = arith.constant 256 : index
    %swap3A_614 = tpu.vector_load %arg12[%swap3A_613] {strides = array<i32>} : memref<1536xf32, #tpu.memory_space<vmem>>, vector<16xf32>,
    tpu.vector_store %arg12[%swap3A_613], %broadcast_in_dim3A_5 {strides = array<i32>} : memref<1536xf32, #tpu.memory_space<vmem>>, vector<16xf32>,
    %swap3A_615 = arith.constant 272 : index
    %swap3A_616 = tpu.vector_load %arg12[%swap3A_615] {strides = array<i32>} : memref<1536xf32, #tpu.memory_space<vmem>>, vector<16xf32>,
    tpu.vector_store %arg12[%swap3A_615], %broadcast_in_dim3A_5 {strides = array<i32>} : memref<1536xf32, #tpu.memory_space<vmem>>, vector<16xf32>,
    %swap3A_617 = arith.constant 288 : index
    %swap3A_618 = tpu.vector_load %arg12[%swap3A_617] {strides = array<i32>} : memref<1536xf32, #tpu.memory_space<vmem>>, vector<16xf32>,
    tpu.vector_store %arg12[%swap3A_617], %broadcast_in_dim3A_5 {strides = array<i32>} : memref<1536xf32, #tpu.memory_space<vmem>>, vector<16xf32>,
    %swap3A_619 = arith.constant 304 : index
    %swap3A_620 = tpu.vector_load %arg12[%swap3A_619] {strides = array<i32>} : memref<1536xf32, #tpu.memory_space<vmem>>, vector<16xf32>,
    tpu.vector_store %arg12[%swap3A_619], %broadcast_in_dim3A_5 {strides = array<i32>} : memref<1536xf32, #tpu.memory_space<vmem>>, vector<16xf32>,
    %swap3A_621 = arith.constant 320 : index
    %swap3A_622 = tpu.vector_load %arg12[%swap3A_621] {strides = array<i32>} : memref<1536xf32, #tpu.memory_space<vmem>>, vector<16xf32>,
    tpu.vector_store %arg12[%swap3A_621], %broadcast_in_dim3A_5 {strides = array<i32>} : memref<1536xf32, #tpu.memory_space<vmem>>, vector<16xf32>,
    %swap3A_623 = arith.constant 336 : index
    %swap3A_624 = tpu.vector_load %arg12[%swap3A_623] {strides = array<i32>} : memref<1536xf32, #tpu.memory_space<vmem>>, vector<16xf32>,
    tpu.vector_store %arg12[%swap3A_623], %broadcast_in_dim3A_5 {strides = array<i32>} : memref<1536xf32, #tpu.memory_space<vmem>>, vector<16xf32>,
    %swap3A_625 = arith.constant 352 : index
    %swap3A_626 = tpu.vector_load %arg12[%swap3A_625] {strides = array<i32>} : memref<1536xf32, #tpu.memory_space<vmem>>, vector<16xf32>,
    tpu.vector_store %arg12[%swap3A_625], %broadcast_in_dim3A_5 {strides = array<i32>} : memref<1536xf32, #tpu.memory_space<vmem>>, vector<16xf32>,
    %swap3A_627 = arith.constant 368 : index
    %swap3A_628 = tpu.vector_load %arg12[%swap3A_627] {strides = array<i32>} : memref<1536xf32, #tpu.memory_space<vmem>>, vector<16xf32>,
    tpu.vector_store %arg12[%swap3A_627], %broadcast_in_dim3A_5 {strides = array<i32>} : memref<1536xf32, #tpu.memory_space<vmem>>, vector<16xf32>,
    %swap3A_629 = arith.constant 384 : index
    %swap3A_630 = tpu.vector_load %arg12[%swap3A_629] {strides = array<i32>} : memref<1536xf32, #tpu.memory_space<vmem>>, vector<16xf32>,
    tpu.vector_store %arg12[%swap3A_629], %broadcast_in_dim3A_5 {strides = array<i32>} : memref<1536xf32, #tpu.memory_space<vmem>>, vector<16xf32>,
    %swap3A_631 = arith.constant 400 : index
    %swap3A_632 = tpu.vector_load %arg12[%swap3A_631] {strides = array<i32>} : memref<1536xf32, #tpu.memory_space<vmem>>, vector<16xf32>,
    tpu.vector_store %arg12[%swap3A_631], %broadcast_in_dim3A_5 {strides = array<i32>} : memref<1536xf32, #tpu.memory_space<vmem>>, vector<16xf32>,
    %swap3A_633 = arith.constant 416 : index
    %swap3A_634 = tpu.vector_load %arg12[%swap3A_633] {strides = array<i32>} : memref<1536xf32, #tpu.memory_space<vmem>>, vector<16xf32>,
    tpu.vector_store %arg12[%swap3A_633], %broadcast_in_dim3A_5 {strides = array<i32>} : memref<1536xf32, #tpu.memory_space<vmem>>, vector<16xf32>,
    %swap3A_635 = arith.constant 432 : index
    %swap3A_636 = tpu.vector_load %arg12[%swap3A_635] {strides = array<i32>} : memref<1536xf32, #tpu.memory_space<vmem>>, vector<16xf32>,
    tpu.vector_store %arg12[%swap3A_635], %broadcast_in_dim3A_5 {strides = array<i32>} : memref<1536xf32, #tpu.memory_space<vmem>>, vector<16xf32>,
    %swap3A_637 = arith.constant 448 : index
    %swap3A_638 = tpu.vector_load %arg12[%swap3A_637] {strides = array<i32>} : memref<1536xf32, #tpu.memory_space<vmem>>, vector<16xf32>,
    tpu.vector_store %arg12[%swap3A_637], %broadcast_in_dim3A_5 {strides = array<i32>} : memref<1536xf32, #tpu.memory_space<vmem>>, vector<16xf32>,
    %swap3A_639 = arith.constant 464 : index
    %swap3A_640 = tpu.vector_load %arg12[%swap3A_639] {strides = array<i32>} : memref<1536xf32, #tpu.memory_space<vmem>>, vector<16xf32>,
    tpu.vector_store %arg12[%swap3A_639], %broadcast_in_dim3A_5 {strides = array<i32>} : memref<1536xf32, #tpu.memory_space<vmem>>, vector<16xf32>,
    %swap3A_641 = arith.constant 480 : index
    %swap3A_642 = tpu.vector_load %arg12[%swap3A_641] {strides = array<i32>} : memref<1536xf32, #tpu.memory_space<vmem>>, vector<16xf32>,
    tpu.vector_store %arg12[%swap3A_641], %broadcast_in_dim3A_5 {strides = array<i32>} : memref<1536xf32, #tpu.memory_space<vmem>>, vector<16xf32>,
    %swap3A_643 = arith.constant 496 : index
    %swap3A_644 = tpu.vector_load %arg12[%swap3A_643] {strides = array<i32>} : memref<1536xf32, #tpu.memory_space<vmem>>, vector<16xf32>,
    tpu.vector_store %arg12[%swap3A_643], %broadcast_in_dim3A_5 {strides = array<i32>} : memref<1536xf32, #tpu.memory_space<vmem>>, vector<16xf32>,
    %swap3A_645 = arith.constant 512 : index
    %swap3A_646 = tpu.vector_load %arg12[%swap3A_645] {strides = array<i32>} : memref<1536xf32, #tpu.memory_space<vmem>>, vector<16xf32>,
    tpu.vector_store %arg12[%swap3A_645], %broadcast_in_dim3A_5 {strides = array<i32>} : memref<1536xf32, #tpu.memory_space<vmem>>, vector<16xf32>,
    %swap3A_647 = arith.constant 528 : index
    %swap3A_648 = tpu.vector_load %arg12[%swap3A_647] {strides = array<i32>} : memref<1536xf32, #tpu.memory_space<vmem>>, vector<16xf32>,
    tpu.vector_store %arg12[%swap3A_647], %broadcast_in_dim3A_5 {strides = array<i32>} : memref<1536xf32, #tpu.memory_space<vmem>>, vector<16xf32>,
    %swap3A_649 = arith.constant 544 : index
    %swap3A_650 = tpu.vector_load %arg12[%swap3A_649] {strides = array<i32>} : memref<1536xf32, #tpu.memory_space<vmem>>, vector<16xf32>,
    tpu.vector_store %arg12[%swap3A_649], %broadcast_in_dim3A_5 {strides = array<i32>} : memref<1536xf32, #tpu.memory_space<vmem>>, vector<16xf32>,
    %swap3A_651 = arith.constant 560 : index
    %swap3A_652 = tpu.vector_load %arg12[%swap3A_651] {strides = array<i32>} : memref<1536xf32, #tpu.memory_space<vmem>>, vector<16xf32>,
    tpu.vector_store %arg12[%swap3A_651], %broadcast_in_dim3A_5 {strides = array<i32>} : memref<1536xf32, #tpu.memory_space<vmem>>, vector<16xf32>,
    %swap3A_653 = arith.constant 576 : index
    %swap3A_654 = tpu.vector_load %arg12[%swap3A_653] {strides = array<i32>} : memref<1536xf32, #tpu.memory_space<vmem>>, vector<16xf32>,
    tpu.vector_store %arg12[%swap3A_653], %broadcast_in_dim3A_5 {strides = array<i32>} : memref<1536xf32, #tpu.memory_space<vmem>>, vector<16xf32>,
    %swap3A_655 = arith.constant 592 : index
    %swap3A_656 = tpu.vector_load %arg12[%swap3A_655] {strides = array<i32>} : memref<1536xf32, #tpu.memory_space<vmem>>, vector<16xf32>,
    tpu.vector_store %arg12[%swap3A_655], %broadcast_in_dim3A_5 {strides = array<i32>} : memref<1536xf32, #tpu.memory_space<vmem>>, vector<16xf32>,
    %swap3A_657 = arith.constant 608 : index
    %swap3A_658 = tpu.vector_load %arg12[%swap3A_657] {strides = array<i32>} : memref<1536xf32, #tpu.memory_space<vmem>>, vector<16xf32>,
    tpu.vector_store %arg12[%swap3A_657], %broadcast_in_dim3A_5 {strides = array<i32>} : memref<1536xf32, #tpu.memory_space<vmem>>, vector<16xf32>,
    %swap3A_659 = arith.constant 624 : index
    %swap3A_660 = tpu.vector_load %arg12[%swap3A_659] {strides = array<i32>} : memref<1536xf32, #tpu.memory_space<vmem>>, vector<16xf32>,
    tpu.vector_store %arg12[%swap3A_659], %broadcast_in_dim3A_5 {strides = array<i32>} : memref<1536xf32, #tpu.memory_space<vmem>>, vector<16xf32>,
    %swap3A_661 = arith.constant 640 : index
    %swap3A_662 = tpu.vector_load %arg12[%swap3A_661] {strides = array<i32>} : memref<1536xf32, #tpu.memory_space<vmem>>, vector<16xf32>,
    tpu.vector_store %arg12[%swap3A_661], %broadcast_in_dim3A_5 {strides = array<i32>} : memref<1536xf32, #tpu.memory_space<vmem>>, vector<16xf32>,
    %swap3A_663 = arith.constant 656 : index
    %swap3A_664 = tpu.vector_load %arg12[%swap3A_663] {strides = array<i32>} : memref<1536xf32, #tpu.memory_space<vmem>>, vector<16xf32>,
    tpu.vector_store %arg12[%swap3A_663], %broadcast_in_dim3A_5 {strides = array<i32>} : memref<1536xf32, #tpu.memory_space<vmem>>, vector<16xf32>,
    %swap3A_665 = arith.constant 672 : index
    %swap3A_666 = tpu.vector_load %arg12[%swap3A_665] {strides = array<i32>} : memref<1536xf32, #tpu.memory_space<vmem>>, vector<16xf32>,
    tpu.vector_store %arg12[%swap3A_665], %broadcast_in_dim3A_5 {strides = array<i32>} : memref<1536xf32, #tpu.memory_space<vmem>>, vector<16xf32>,
    %swap3A_667 = arith.constant 688 : index
    %swap3A_668 = tpu.vector_load %arg12[%swap3A_667] {strides = array<i32>} : memref<1536xf32, #tpu.memory_space<vmem>>, vector<16xf32>,
    tpu.vector_store %arg12[%swap3A_667], %broadcast_in_dim3A_5 {strides = array<i32>} : memref<1536xf32, #tpu.memory_space<vmem>>, vector<16xf32>,
    %swap3A_669 = arith.constant 704 : index
    %swap3A_670 = tpu.vector_load %arg12[%swap3A_669] {strides = array<i32>} : memref<1536xf32, #tpu.memory_space<vmem>>, vector<16xf32>,
    tpu.vector_store %arg12[%swap3A_669], %broadcast_in_dim3A_5 {strides = array<i32>} : memref<1536xf32, #tpu.memory_space<vmem>>, vector<16xf32>,
    %swap3A_671 = arith.constant 720 : index
    %swap3A_672 = tpu.vector_load %arg12[%swap3A_671] {strides = array<i32>} : memref<1536xf32, #tpu.memory_space<vmem>>, vector<16xf32>,
    tpu.vector_store %arg12[%swap3A_671], %broadcast_in_dim3A_5 {strides = array<i32>} : memref<1536xf32, #tpu.memory_space<vmem>>, vector<16xf32>,
    %swap3A_673 = arith.constant 736 : index
    %swap3A_674 = tpu.vector_load %arg12[%swap3A_673] {strides = array<i32>} : memref<1536xf32, #tpu.memory_space<vmem>>, vector<16xf32>,
    tpu.vector_store %arg12[%swap3A_673], %broadcast_in_dim3A_5 {strides = array<i32>} : memref<1536xf32, #tpu.memory_space<vmem>>, vector<16xf32>,
    %swap3A_675 = arith.constant 752 : index
    %swap3A_676 = tpu.vector_load %arg12[%swap3A_675] {strides = array<i32>} : memref<1536xf32, #tpu.memory_space<vmem>>, vector<16xf32>,
    tpu.vector_store %arg12[%swap3A_675], %broadcast_in_dim3A_5 {strides = array<i32>} : memref<1536xf32, #tpu.memory_space<vmem>>, vector<16xf32>,
    %swap3A_677 = arith.constant 768 : index
    %swap3A_678 = tpu.vector_load %arg12[%swap3A_677] {strides = array<i32>} : memref<1536xf32, #tpu.memory_space<vmem>>, vector<16xf32>,
    tpu.vector_store %arg12[%swap3A_677], %broadcast_in_dim3A_5 {strides = array<i32>} : memref<1536xf32, #tpu.memory_space<vmem>>, vector<16xf32>,
    %swap3A_679 = arith.constant 784 : index
    %swap3A_680 = tpu.vector_load %arg12[%swap3A_679] {strides = array<i32>} : memref<1536xf32, #tpu.memory_space<vmem>>, vector<16xf32>,
    tpu.vector_store %arg12[%swap3A_679], %broadcast_in_dim3A_5 {strides = array<i32>} : memref<1536xf32, #tpu.memory_space<vmem>>, vector<16xf32>,
    %swap3A_681 = arith.constant 800 : index
    %swap3A_682 = tpu.vector_load %arg12[%swap3A_681] {strides = array<i32>} : memref<1536xf32, #tpu.memory_space<vmem>>, vector<16xf32>,
    tpu.vector_store %arg12[%swap3A_681], %broadcast_in_dim3A_5 {strides = array<i32>} : memref<1536xf32, #tpu.memory_space<vmem>>, vector<16xf32>,
    %swap3A_683 = arith.constant 816 : index
    %swap3A_684 = tpu.vector_load %arg12[%swap3A_683] {strides = array<i32>} : memref<1536xf32, #tpu.memory_space<vmem>>, vector<16xf32>,
    tpu.vector_store %arg12[%swap3A_683], %broadcast_in_dim3A_5 {strides = array<i32>} : memref<1536xf32, #tpu.memory_space<vmem>>, vector<16xf32>,
    %swap3A_685 = arith.constant 832 : index
    %swap3A_686 = tpu.vector_load %arg12[%swap3A_685] {strides = array<i32>} : memref<1536xf32, #tpu.memory_space<vmem>>, vector<16xf32>,
    tpu.vector_store %arg12[%swap3A_685], %broadcast_in_dim3A_5 {strides = array<i32>} : memref<1536xf32, #tpu.memory_space<vmem>>, vector<16xf32>,
    %swap3A_687 = arith.constant 848 : index
    %swap3A_688 = tpu.vector_load %arg12[%swap3A_687] {strides = array<i32>} : memref<1536xf32, #tpu.memory_space<vmem>>, vector<16xf32>,
    tpu.vector_store %arg12[%swap3A_687], %broadcast_in_dim3A_5 {strides = array<i32>} : memref<1536xf32, #tpu.memory_space<vmem>>, vector<16xf32>,
    %swap3A_689 = arith.constant 864 : index
    %swap3A_690 = tpu.vector_load %arg12[%swap3A_689] {strides = array<i32>} : memref<1536xf32, #tpu.memory_space<vmem>>, vector<16xf32>,
    tpu.vector_store %arg12[%swap3A_689], %broadcast_in_dim3A_5 {strides = array<i32>} : memref<1536xf32, #tpu.memory_space<vmem>>, vector<16xf32>,
    %swap3A_691 = arith.constant 880 : index
    %swap3A_692 = tpu.vector_load %arg12[%swap3A_691] {strides = array<i32>} : memref<1536xf32, #tpu.memory_space<vmem>>, vector<16xf32>,
    tpu.vector_store %arg12[%swap3A_691], %broadcast_in_dim3A_5 {strides = array<i32>} : memref<1536xf32, #tpu.memory_space<vmem>>, vector<16xf32>,
    %swap3A_693 = arith.constant 896 : index
    %swap3A_694 = tpu.vector_load %arg12[%swap3A_693] {strides = array<i32>} : memref<1536xf32, #tpu.memory_space<vmem>>, vector<16xf32>,
    tpu.vector_store %arg12[%swap3A_693], %broadcast_in_dim3A_5 {strides = array<i32>} : memref<1536xf32, #tpu.memory_space<vmem>>, vector<16xf32>,
    %swap3A_695 = arith.constant 912 : index
    %swap3A_696 = tpu.vector_load %arg12[%swap3A_695] {strides = array<i32>} : memref<1536xf32, #tpu.memory_space<vmem>>, vector<16xf32>,
    tpu.vector_store %arg12[%swap3A_695], %broadcast_in_dim3A_5 {strides = array<i32>} : memref<1536xf32, #tpu.memory_space<vmem>>, vector<16xf32>,
    %swap3A_697 = arith.constant 928 : index
    %swap3A_698 = tpu.vector_load %arg12[%swap3A_697] {strides = array<i32>} : memref<1536xf32, #tpu.memory_space<vmem>>, vector<16xf32>,
    tpu.vector_store %arg12[%swap3A_697], %broadcast_in_dim3A_5 {strides = array<i32>} : memref<1536xf32, #tpu.memory_space<vmem>>, vector<16xf32>,
    %swap3A_699 = arith.constant 944 : index
    %swap3A_700 = tpu.vector_load %arg12[%swap3A_699] {strides = array<i32>} : memref<1536xf32, #tpu.memory_space<vmem>>, vector<16xf32>,
    tpu.vector_store %arg12[%swap3A_699], %broadcast_in_dim3A_5 {strides = array<i32>} : memref<1536xf32, #tpu.memory_space<vmem>>, vector<16xf32>,
    %swap3A_701 = arith.constant 960 : index
    %swap3A_702 = tpu.vector_load %arg12[%swap3A_701] {strides = array<i32>} : memref<1536xf32, #tpu.memory_space<vmem>>, vector<16xf32>,
    tpu.vector_store %arg12[%swap3A_701], %broadcast_in_dim3A_5 {strides = array<i32>} : memref<1536xf32, #tpu.memory_space<vmem>>, vector<16xf32>,
    %swap3A_703 = arith.constant 976 : index
    %swap3A_704 = tpu.vector_load %arg12[%swap3A_703] {strides = array<i32>} : memref<1536xf32, #tpu.memory_space<vmem>>, vector<16xf32>,
    tpu.vector_store %arg12[%swap3A_703], %broadcast_in_dim3A_5 {strides = array<i32>} : memref<1536xf32, #tpu.memory_space<vmem>>, vector<16xf32>,
    %swap3A_705 = arith.constant 992 : index
    %swap3A_706 = tpu.vector_load %arg12[%swap3A_705] {strides = array<i32>} : memref<1536xf32, #tpu.memory_space<vmem>>, vector<16xf32>,
    tpu.vector_store %arg12[%swap3A_705], %broadcast_in_dim3A_5 {strides = array<i32>} : memref<1536xf32, #tpu.memory_space<vmem>>, vector<16xf32>,
    %swap3A_707 = arith.constant 1008 : index
    %swap3A_708 = tpu.vector_load %arg12[%swap3A_707] {strides = array<i32>} : memref<1536xf32, #tpu.memory_space<vmem>>, vector<16xf32>,
    tpu.vector_store %arg12[%swap3A_707], %broadcast_in_dim3A_5 {strides = array<i32>} : memref<1536xf32, #tpu.memory_space<vmem>>, vector<16xf32>,
    %swap3A_709 = arith.constant 1024 : index
    %swap3A_710 = tpu.vector_load %arg12[%swap3A_709] {strides = array<i32>} : memref<1536xf32, #tpu.memory_space<vmem>>, vector<16xf32>,
    tpu.vector_store %arg12[%swap3A_709], %broadcast_in_dim3A_5 {strides = array<i32>} : memref<1536xf32, #tpu.memory_space<vmem>>, vector<16xf32>,
    %swap3A_711 = arith.constant 1040 : index
    %swap3A_712 = tpu.vector_load %arg12[%swap3A_711] {strides = array<i32>} : memref<1536xf32, #tpu.memory_space<vmem>>, vector<16xf32>,
    tpu.vector_store %arg12[%swap3A_711], %broadcast_in_dim3A_5 {strides = array<i32>} : memref<1536xf32, #tpu.memory_space<vmem>>, vector<16xf32>,
    %swap3A_713 = arith.constant 1056 : index
    %swap3A_714 = tpu.vector_load %arg12[%swap3A_713] {strides = array<i32>} : memref<1536xf32, #tpu.memory_space<vmem>>, vector<16xf32>,
    tpu.vector_store %arg12[%swap3A_713], %broadcast_in_dim3A_5 {strides = array<i32>} : memref<1536xf32, #tpu.memory_space<vmem>>, vector<16xf32>,
    %swap3A_715 = arith.constant 1072 : index
    %swap3A_716 = tpu.vector_load %arg12[%swap3A_715] {strides = array<i32>} : memref<1536xf32, #tpu.memory_space<vmem>>, vector<16xf32>,
    tpu.vector_store %arg12[%swap3A_715], %broadcast_in_dim3A_5 {strides = array<i32>} : memref<1536xf32, #tpu.memory_space<vmem>>, vector<16xf32>,
    %swap3A_717 = arith.constant 1088 : index
    %swap3A_718 = tpu.vector_load %arg12[%swap3A_717] {strides = array<i32>} : memref<1536xf32, #tpu.memory_space<vmem>>, vector<16xf32>,
    tpu.vector_store %arg12[%swap3A_717], %broadcast_in_dim3A_5 {strides = array<i32>} : memref<1536xf32, #tpu.memory_space<vmem>>, vector<16xf32>,
    %swap3A_719 = arith.constant 1104 : index
    %swap3A_720 = tpu.vector_load %arg12[%swap3A_719] {strides = array<i32>} : memref<1536xf32, #tpu.memory_space<vmem>>, vector<16xf32>,
    tpu.vector_store %arg12[%swap3A_719], %broadcast_in_dim3A_5 {strides = array<i32>} : memref<1536xf32, #tpu.memory_space<vmem>>, vector<16xf32>,
    %swap3A_721 = arith.constant 1120 : index
    %swap3A_722 = tpu.vector_load %arg12[%swap3A_721] {strides = array<i32>} : memref<1536xf32, #tpu.memory_space<vmem>>, vector<16xf32>,
    tpu.vector_store %arg12[%swap3A_721], %broadcast_in_dim3A_5 {strides = array<i32>} : memref<1536xf32, #tpu.memory_space<vmem>>, vector<16xf32>,
    %swap3A_723 = arith.constant 1136 : index
    %swap3A_724 = tpu.vector_load %arg12[%swap3A_723] {strides = array<i32>} : memref<1536xf32, #tpu.memory_space<vmem>>, vector<16xf32>,
    tpu.vector_store %arg12[%swap3A_723], %broadcast_in_dim3A_5 {strides = array<i32>} : memref<1536xf32, #tpu.memory_space<vmem>>, vector<16xf32>,
    %swap3A_725 = arith.constant 1152 : index
    %swap3A_726 = tpu.vector_load %arg12[%swap3A_725] {strides = array<i32>} : memref<1536xf32, #tpu.memory_space<vmem>>, vector<16xf32>,
    tpu.vector_store %arg12[%swap3A_725], %broadcast_in_dim3A_5 {strides = array<i32>} : memref<1536xf32, #tpu.memory_space<vmem>>, vector<16xf32>,
    %swap3A_727 = arith.constant 1168 : index
    %swap3A_728 = tpu.vector_load %arg12[%swap3A_727] {strides = array<i32>} : memref<1536xf32, #tpu.memory_space<vmem>>, vector<16xf32>,
    tpu.vector_store %arg12[%swap3A_727], %broadcast_in_dim3A_5 {strides = array<i32>} : memref<1536xf32, #tpu.memory_space<vmem>>, vector<16xf32>,
    %swap3A_729 = arith.constant 1184 : index
    %swap3A_730 = tpu.vector_load %arg12[%swap3A_729] {strides = array<i32>} : memref<1536xf32, #tpu.memory_space<vmem>>, vector<16xf32>,
    tpu.vector_store %arg12[%swap3A_729], %broadcast_in_dim3A_5 {strides = array<i32>} : memref<1536xf32, #tpu.memory_space<vmem>>, vector<16xf32>,
    %swap3A_731 = arith.constant 1200 : index
    %swap3A_732 = tpu.vector_load %arg12[%swap3A_731] {strides = array<i32>} : memref<1536xf32, #tpu.memory_space<vmem>>, vector<16xf32>,
    tpu.vector_store %arg12[%swap3A_731], %broadcast_in_dim3A_5 {strides = array<i32>} : memref<1536xf32, #tpu.memory_space<vmem>>, vector<16xf32>,
    %swap3A_733 = arith.constant 1216 : index
    %swap3A_734 = tpu.vector_load %arg12[%swap3A_733] {strides = array<i32>} : memref<1536xf32, #tpu.memory_space<vmem>>, vector<16xf32>,
    tpu.vector_store %arg12[%swap3A_733], %broadcast_in_dim3A_5 {strides = array<i32>} : memref<1536xf32, #tpu.memory_space<vmem>>, vector<16xf32>,
    %swap3A_735 = arith.constant 1232 : index
    %swap3A_736 = tpu.vector_load %arg12[%swap3A_735] {strides = array<i32>} : memref<1536xf32, #tpu.memory_space<vmem>>, vector<16xf32>,
    tpu.vector_store %arg12[%swap3A_735], %broadcast_in_dim3A_5 {strides = array<i32>} : memref<1536xf32, #tpu.memory_space<vmem>>, vector<16xf32>,
    %swap3A_737 = arith.constant 1248 : index
    %swap3A_738 = tpu.vector_load %arg12[%swap3A_737] {strides = array<i32>} : memref<1536xf32, #tpu.memory_space<vmem>>, vector<16xf32>,
    tpu.vector_store %arg12[%swap3A_737], %broadcast_in_dim3A_5 {strides = array<i32>} : memref<1536xf32, #tpu.memory_space<vmem>>, vector<16xf32>,
    %swap3A_739 = arith.constant 1264 : index
    %swap3A_740 = tpu.vector_load %arg12[%swap3A_739] {strides = array<i32>} : memref<1536xf32, #tpu.memory_space<vmem>>, vector<16xf32>,
    tpu.vector_store %arg12[%swap3A_739], %broadcast_in_dim3A_5 {strides = array<i32>} : memref<1536xf32, #tpu.memory_space<vmem>>, vector<16xf32>,
    %swap3A_741 = arith.constant 1280 : index
    %swap3A_742 = tpu.vector_load %arg12[%swap3A_741] {strides = array<i32>} : memref<1536xf32, #tpu.memory_space<vmem>>, vector<16xf32>,
    tpu.vector_store %arg12[%swap3A_741], %broadcast_in_dim3A_5 {strides = array<i32>} : memref<1536xf32, #tpu.memory_space<vmem>>, vector<16xf32>,
    %swap3A_743 = arith.constant 1296 : index
    %swap3A_744 = tpu.vector_load %arg12[%swap3A_743] {strides = array<i32>} : memref<1536xf32, #tpu.memory_space<vmem>>, vector<16xf32>,
    tpu.vector_store %arg12[%swap3A_743], %broadcast_in_dim3A_5 {strides = array<i32>} : memref<1536xf32, #tpu.memory_space<vmem>>, vector<16xf32>,
    %swap3A_745 = arith.constant 1312 : index
    %swap3A_746 = tpu.vector_load %arg12[%swap3A_745] {strides = array<i32>} : memref<1536xf32, #tpu.memory_space<vmem>>, vector<16xf32>,
    tpu.vector_store %arg12[%swap3A_745], %broadcast_in_dim3A_5 {strides = array<i32>} : memref<1536xf32, #tpu.memory_space<vmem>>, vector<16xf32>,
    %swap3A_747 = arith.constant 1328 : index
    %swap3A_748 = tpu.vector_load %arg12[%swap3A_747] {strides = array<i32>} : memref<1536xf32, #tpu.memory_space<vmem>>, vector<16xf32>,
    tpu.vector_store %arg12[%swap3A_747], %broadcast_in_dim3A_5 {strides = array<i32>} : memref<1536xf32, #tpu.memory_space<vmem>>, vector<16xf32>,
    %swap3A_749 = arith.constant 1344 : index
    %swap3A_750 = tpu.vector_load %arg12[%swap3A_749] {strides = array<i32>} : memref<1536xf32, #tpu.memory_space<vmem>>, vector<16xf32>,
    tpu.vector_store %arg12[%swap3A_749], %broadcast_in_dim3A_5 {strides = array<i32>} : memref<1536xf32, #tpu.memory_space<vmem>>, vector<16xf32>,
    %swap3A_751 = arith.constant 1360 : index
    %swap3A_752 = tpu.vector_load %arg12[%swap3A_751] {strides = array<i32>} : memref<1536xf32, #tpu.memory_space<vmem>>, vector<16xf32>,
    tpu.vector_store %arg12[%swap3A_751], %broadcast_in_dim3A_5 {strides = array<i32>} : memref<1536xf32, #tpu.memory_space<vmem>>, vector<16xf32>,
    %swap3A_753 = arith.constant 1376 : index
    %swap3A_754 = tpu.vector_load %arg12[%swap3A_753] {strides = array<i32>} : memref<1536xf32, #tpu.memory_space<vmem>>, vector<16xf32>,
    tpu.vector_store %arg12[%swap3A_753], %broadcast_in_dim3A_5 {strides = array<i32>} : memref<1536xf32, #tpu.memory_space<vmem>>, vector<16xf32>,
    %swap3A_755 = arith.constant 1392 : index
    %swap3A_756 = tpu.vector_load %arg12[%swap3A_755] {strides = array<i32>} : memref<1536xf32, #tpu.memory_space<vmem>>, vector<16xf32>,
    tpu.vector_store %arg12[%swap3A_755], %broadcast_in_dim3A_5 {strides = array<i32>} : memref<1536xf32, #tpu.memory_space<vmem>>, vector<16xf32>,
    %swap3A_757 = arith.constant 1408 : index
    %swap3A_758 = tpu.vector_load %arg12[%swap3A_757] {strides = array<i32>} : memref<1536xf32, #tpu.memory_space<vmem>>, vector<16xf32>,
    tpu.vector_store %arg12[%swap3A_757], %broadcast_in_dim3A_5 {strides = array<i32>} : memref<1536xf32, #tpu.memory_space<vmem>>, vector<16xf32>,
    %swap3A_759 = arith.constant 1424 : index
    %swap3A_760 = tpu.vector_load %arg12[%swap3A_759] {strides = array<i32>} : memref<1536xf32, #tpu.memory_space<vmem>>, vector<16xf32>,
    tpu.vector_store %arg12[%swap3A_759], %broadcast_in_dim3A_5 {strides = array<i32>} : memref<1536xf32, #tpu.memory_space<vmem>>, vector<16xf32>,
    %swap3A_761 = arith.constant 1440 : index
    %swap3A_762 = tpu.vector_load %arg12[%swap3A_761] {strides = array<i32>} : memref<1536xf32, #tpu.memory_space<vmem>>, vector<16xf32>,
    tpu.vector_store %arg12[%swap3A_761], %broadcast_in_dim3A_5 {strides = array<i32>} : memref<1536xf32, #tpu.memory_space<vmem>>, vector<16xf32>,
    %swap3A_763 = arith.constant 1456 : index
    %swap3A_764 = tpu.vector_load %arg12[%swap3A_763] {strides = array<i32>} : memref<1536xf32, #tpu.memory_space<vmem>>, vector<16xf32>,
    tpu.vector_store %arg12[%swap3A_763], %broadcast_in_dim3A_5 {strides = array<i32>} : memref<1536xf32, #tpu.memory_space<vmem>>, vector<16xf32>,
    %swap3A_765 = arith.constant 1472 : index
    %swap3A_766 = tpu.vector_load %arg12[%swap3A_765] {strides = array<i32>} : memref<1536xf32, #tpu.memory_space<vmem>>, vector<16xf32>,
    tpu.vector_store %arg12[%swap3A_765], %broadcast_in_dim3A_5 {strides = array<i32>} : memref<1536xf32, #tpu.memory_space<vmem>>, vector<16xf32>,
    %swap3A_767 = arith.constant 1488 : index
    %swap3A_768 = tpu.vector_load %arg12[%swap3A_767] {strides = array<i32>} : memref<1536xf32, #tpu.memory_space<vmem>>, vector<16xf32>,
    tpu.vector_store %arg12[%swap3A_767], %broadcast_in_dim3A_5 {strides = array<i32>} : memref<1536xf32, #tpu.memory_space<vmem>>, vector<16xf32>,
    %swap3A_769 = arith.constant 1504 : index
    %swap3A_770 = tpu.vector_load %arg12[%swap3A_769] {strides = array<i32>} : memref<1536xf32, #tpu.memory_space<vmem>>, vector<16xf32>,
    tpu.vector_store %arg12[%swap3A_769], %broadcast_in_dim3A_5 {strides = array<i32>} : memref<1536xf32, #tpu.memory_space<vmem>>, vector<16xf32>,
    %swap3A_771 = arith.constant 1520 : index
    %swap3A_772 = tpu.vector_load %arg12[%swap3A_771] {strides = array<i32>} : memref<1536xf32, #tpu.memory_space<vmem>>, vector<16xf32>,
    tpu.vector_store %arg12[%swap3A_771], %broadcast_in_dim3A_5 {strides = array<i32>} : memref<1536xf32, #tpu.memory_space<vmem>>, vector<16xf32>,
    %add3A_773 = arith.constant 0 : i32
    %add3A_774 = arith.addi %mul3A_2, %add3A_773 : i32
    %dma_start3A = arith.constant 0 : i32
    %dma_start3A_775 = tpu.memref_slice %arg2[%add3A_774, %dma_start3A] : memref<1048576x32xf32, #tpu.memory_space<hbm>> -> memref<128x32xf32, #tpu.memory_space<hbm>>
    %dma_start3A_776 = arith.constant 0 : i32
    %dma_start3A_777 = tpu.memref_slice %arg2[%add3A_774, %dma_start3A_776] : memref<1048576x32xf32, #tpu.memory_space<hbm>> -> memref<128x32xf32, #tpu.memory_space<hbm>>
    tpu.enqueue_dma source(%dma_start3A_777 : memref<128x32xf32, #tpu.memory_space<hbm>>) target(%arg5 : memref<128x32xf32, #tpu.memory_space<vmem>>) target_semaphore(%arg13 : memref<!tpu.dma_semaphore, #tpu.memory_space<semaphore_mem>>)
    %dma_start3A_778 = arith.constant 0 : i32
    %dma_start3A_779 = tpu.memref_slice %arg3[%add3A_774, %dma_start3A_778] : memref<1048576x32xi32, #tpu.memory_space<hbm>> -> memref<128x32xi32, #tpu.memory_space<hbm>>
    %dma_start3A_780 = arith.constant 0 : i32
    %dma_start3A_781 = tpu.memref_slice %arg3[%add3A_774, %dma_start3A_780] : memref<1048576x32xi32, #tpu.memory_space<hbm>> -> memref<128x32xi32, #tpu.memory_space<hbm>>
    tpu.enqueue_dma source(%dma_start3A_781 : memref<128x32xi32, #tpu.memory_space<hbm>>) target(%arg7 : memref<128x32xi32, #tpu.memory_space<vmem>>) target_semaphore(%arg15 : memref<!tpu.dma_semaphore, #tpu.memory_space<semaphore_mem>>)
    %add3A_782 = arith.constant 128 : i32
    %add3A_783 = arith.addi %mul3A_2, %add3A_782 : i32
    %dma_start3A_784 = arith.constant 0 : i32
    %dma_start3A_785 = tpu.memref_slice %arg2[%add3A_783, %dma_start3A_784] : memref<1048576x32xf32, #tpu.memory_space<hbm>> -> memref<128x32xf32, #tpu.memory_space<hbm>>
    %dma_start3A_786 = arith.constant 0 : i32
    %dma_start3A_787 = tpu.memref_slice %arg2[%add3A_783, %dma_start3A_786] : memref<1048576x32xf32, #tpu.memory_space<hbm>> -> memref<128x32xf32, #tpu.memory_space<hbm>>
    tpu.enqueue_dma source(%dma_start3A_787 : memref<128x32xf32, #tpu.memory_space<hbm>>) target(%arg6 : memref<128x32xf32, #tpu.memory_space<vmem>>) target_semaphore(%arg14 : memref<!tpu.dma_semaphore, #tpu.memory_space<semaphore_mem>>)
    %dma_start3A_788 = arith.constant 0 : i32
    %dma_start3A_789 = tpu.memref_slice %arg3[%add3A_783, %dma_start3A_788] : memref<1048576x32xi32, #tpu.memory_space<hbm>> -> memref<128x32xi32, #tpu.memory_space<hbm>>
    %dma_start3A_790 = arith.constant 0 : i32
    %dma_start3A_791 = tpu.memref_slice %arg3[%add3A_783, %dma_start3A_790] : memref<1048576x32xi32, #tpu.memory_space<hbm>> -> memref<128x32xi32, #tpu.memory_space<hbm>>
    tpu.enqueue_dma source(%dma_start3A_791 : memref<128x32xi32, #tpu.memory_space<hbm>>) target(%arg8 : memref<128x32xi32, #tpu.memory_space<vmem>>) target_semaphore(%arg16 : memref<!tpu.dma_semaphore, #tpu.memory_space<semaphore_mem>>)
    %scan3A = arith.constant 0 : i32
    %scan3A_792 = arith.constant 0 : i32
    %scan3A_793 = arith.constant 128 : i32
    %scan3A_794 = arith.addi %scan3A_792, %scan3A_793 : i32
    %scan3A_795 = arith.constant 1 : i32
    scf.for %scan3A_2044 = %scan3A_792 to %scan3A_794 step %scan3A_795  : i32 {
      %mul3A_2045 = arith.constant 2 : i32
      %mul3A_2046 = arith.muli %scan3A_2044, %mul3A_2045 : i32
      %mul3A_2047 = arith.constant 128 : i32
      %mul3A_2048 = arith.muli %mul3A_2046, %mul3A_2047 : i32
      %add3A_2049 = arith.addi %mul3A_2, %mul3A_2048 : i32
      %dma_wait3A = arith.constant 0 : i32
      %dma_wait3A_2050 = tpu.memref_slice %arg2[%add3A_2049, %dma_wait3A] : memref<1048576x32xf32, #tpu.memory_space<hbm>> -> memref<128x32xf32, #tpu.memory_space<hbm>>
      %dma_wait3A_2051 = arith.constant 0 : i32
      %dma_wait3A_2052 = tpu.memref_slice %arg2[%add3A_2049, %dma_wait3A_2051] : memref<1048576x32xf32, #tpu.memory_space<hbm>> -> memref<128x32xf32, #tpu.memory_space<hbm>>
      tpu.wait_dma2 semaphore(%arg13 : memref<!tpu.dma_semaphore, #tpu.memory_space<semaphore_mem>>) src(%dma_wait3A_2052 : memref<128x32xf32, #tpu.memory_space<hbm>>) dst(%arg5 : memref<128x32xf32, #tpu.memory_space<vmem>>)
      %dma_wait3A_2053 = arith.constant 0 : i32
      %dma_wait3A_2054 = tpu.memref_slice %arg3[%add3A_2049, %dma_wait3A_2053] : memref<1048576x32xi32, #tpu.memory_space<hbm>> -> memref<128x32xi32, #tpu.memory_space<hbm>>
      %dma_wait3A_2055 = arith.constant 0 : i32
      %dma_wait3A_2056 = tpu.memref_slice %arg3[%add3A_2049, %dma_wait3A_2055] : memref<1048576x32xi32, #tpu.memory_space<hbm>> -> memref<128x32xi32, #tpu.memory_space<hbm>>
      tpu.wait_dma2 semaphore(%arg15 : memref<!tpu.dma_semaphore, #tpu.memory_space<semaphore_mem>>) src(%dma_wait3A_2056 : memref<128x32xi32, #tpu.memory_space<hbm>>) dst(%arg7 : memref<128x32xi32, #tpu.memory_space<vmem>>)
      %parallel_loop3A = arith.constant 0 : i32
      %parallel_loop3A_2057 = arith.constant 256 : i32
      %parallel_loop3A_2058 = arith.constant 2 : i32
      scf.for %parallel_loop3A_2086 = %parallel_loop3A to %parallel_loop3A_2057 step %parallel_loop3A_2058  : i32 {
        %parallel_loop3A_2087 = arith.constant 1 : i32
        %parallel_loop3A_2088 = arith.shrsi %parallel_loop3A_2086, %parallel_loop3A_2087 : i32
        %parallel_loop3A_2089 = arith.index_cast %parallel_loop3A_2088 : i32 to index
        %parallel_loop3A_2090 = arith.constant 0 : index
        %parallel_loop3A_2091 = tpu.vector_load %arg5[%parallel_loop3A_2089, %parallel_loop3A_2090] {strides = array<i32>} : memref<128x32xf32, #tpu.memory_space<vmem>>, vector<16xf32>,
        %parallel_loop3A_2092 = arith.index_cast %parallel_loop3A_2088 : i32 to index
        %parallel_loop3A_2093 = arith.constant 0 : index
        %parallel_loop3A_2094 = tpu.vector_load %arg7[%parallel_loop3A_2092, %parallel_loop3A_2093] {strides = array<i32>} : memref<128x32xi32, #tpu.memory_space<vmem>>, vector<16xi32>,
        %parallel_loop3A_2095 = arith.constant 0.000000e+00 : f32
        %parallel_loop3A_2096 = vector.broadcast %parallel_loop3A_2095 : f32 to vector<16xf32>
        %parallel_loop3A_2097 = arith.subf %parallel_loop3A_2096, %parallel_loop3A_2091 : vector<16xf32>
        %parallel_loop3A_2098 = math.exp %parallel_loop3A_2097 : vector<16xf32>
        %parallel_loop3A_2099 = arith.constant 1.000000e+00 : f32
        %parallel_loop3A_2100 = vector.broadcast %parallel_loop3A_2099 : f32 to vector<16xf32>
        %parallel_loop3A_2101 = arith.addf %parallel_loop3A_2100, %parallel_loop3A_2098 : vector<16xf32>
        %parallel_loop3A_2102 = arith.constant 1.000000e+00 : f32
        %parallel_loop3A_2103 = vector.broadcast %parallel_loop3A_2102 : f32 to vector<16xf32>
        %parallel_loop3A_2104 = arith.divf %parallel_loop3A_2103, %parallel_loop3A_2101 : vector<16xf32>
        %parallel_loop3A_2105 = arith.constant 1.500000e+01 : f32
        %parallel_loop3A_2106 = vector.broadcast %parallel_loop3A_2105 : f32 to vector<16xf32>
        %parallel_loop3A_2107 = arith.mulf %parallel_loop3A_2104, %parallel_loop3A_2106 : vector<16xf32>
        %parallel_loop3A_2108 = arith.fptosi %parallel_loop3A_2107 : vector<16xf32> to vector<16xi32>
        %parallel_loop3A_2109 = arith.constant 14 : i32
        %parallel_loop3A_2110 = vector.broadcast %parallel_loop3A_2109 : i32 to vector<16xi32>
        %parallel_loop3A_2111 = arith.minsi %parallel_loop3A_2108, %parallel_loop3A_2110 : vector<16xi32>
        %parallel_loop3A_2112 = arith.sitofp %parallel_loop3A_2111 : vector<16xi32> to vector<16xf32>
        %parallel_loop3A_2113 = arith.constant 0.0666666701 : f32
        %parallel_loop3A_2114 = vector.broadcast %parallel_loop3A_2113 : f32 to vector<16xf32>
        %parallel_loop3A_2115 = arith.mulf %parallel_loop3A_2112, %parallel_loop3A_2114 : vector<16xf32>
        %parallel_loop3A_2116 = arith.constant 1.000000e+00 : f32
        %parallel_loop3A_2117 = vector.broadcast %parallel_loop3A_2116 : f32 to vector<16xf32>
        %parallel_loop3A_2118 = arith.addf %parallel_loop3A_2112, %parallel_loop3A_2117 : vector<16xf32>
        %parallel_loop3A_2119 = arith.constant 0.0666666701 : f32
        %parallel_loop3A_2120 = vector.broadcast %parallel_loop3A_2119 : f32 to vector<16xf32>
        %parallel_loop3A_2121 = arith.mulf %parallel_loop3A_2118, %parallel_loop3A_2120 : vector<16xf32>
        %parallel_loop3A_2122 = arith.cmpf oge, %parallel_loop3A_2104, %parallel_loop3A_2121 : vector<16xf32>
        %parallel_loop3A_2123 = arith.constant 1 : i32
        %parallel_loop3A_2124 = arith.constant 0 : i32
        %parallel_loop3A_2125 = vector.broadcast %parallel_loop3A_2123 : i32 to vector<16xi32>
        %parallel_loop3A_2126 = vector.broadcast %parallel_loop3A_2124 : i32 to vector<16xi32>
        %parallel_loop3A_2127 = arith.select %parallel_loop3A_2122, %parallel_loop3A_2125, %parallel_loop3A_2126 : vector<16xi1>, vector<16xi32>
        %parallel_loop3A_2128 = arith.cmpf olt, %parallel_loop3A_2104, %parallel_loop3A_2115 : vector<16xf32>
        %parallel_loop3A_2129 = arith.constant 1 : i32
        %parallel_loop3A_2130 = arith.constant 0 : i32
        %parallel_loop3A_2131 = vector.broadcast %parallel_loop3A_2129 : i32 to vector<16xi32>
        %parallel_loop3A_2132 = vector.broadcast %parallel_loop3A_2130 : i32 to vector<16xi32>
        %parallel_loop3A_2133 = arith.select %parallel_loop3A_2128, %parallel_loop3A_2131, %parallel_loop3A_2132 : vector<16xi1>, vector<16xi32>
        %parallel_loop3A_2134 = arith.subi %parallel_loop3A_2127, %parallel_loop3A_2133 : vector<16xi32>
        %parallel_loop3A_2135 = arith.addi %parallel_loop3A_2111, %parallel_loop3A_2134 : vector<16xi32>
        %parallel_loop3A_2136 = arith.constant 14 : i32
        %parallel_loop3A_2137 = vector.broadcast %parallel_loop3A_2136 : i32 to vector<16xi32>
        %parallel_loop3A_2138 = arith.minsi %parallel_loop3A_2135, %parallel_loop3A_2137 : vector<16xi32>
        %parallel_loop3A_2139 = arith.constant 5 : i32
        %parallel_loop3A_2140 = vector.broadcast %parallel_loop3A_2139 : i32 to vector<16xi32>
        %parallel_loop3A_2141 = arith.shli %parallel_loop3A_2138, %parallel_loop3A_2140 : vector<16xi32>
        %parallel_loop3A_2142 = arith.addi %parallel_loop3A_2141, %iota3A : vector<16xi32>
        %parallel_loop3A_2143 = arith.constant 9 : i32
        %parallel_loop3A_2144 = vector.broadcast %parallel_loop3A_2143 : i32 to vector<16xi32>
        %parallel_loop3A_2145 = arith.shli %parallel_loop3A_2094, %parallel_loop3A_2144 : vector<16xi32>
        %parallel_loop3A_2146 = arith.addi %parallel_loop3A_2142, %parallel_loop3A_2145 : vector<16xi32>
        tpu.vector_store_idx %arg9[%parallel_loop3A_2146], %broadcast_in_dim3A_3 {add = true} : memref<1536xf32, #tpu.memory_space<vmem>>[vector<16xi32>], vector<16xf32>,
        %parallel_loop3A_2147 = arith.constant 1024 : i32
        %parallel_loop3A_2148 = vector.broadcast %parallel_loop3A_2147 : i32 to vector<16xi32>
        %parallel_loop3A_2149 = arith.addi %parallel_loop3A_2142, %parallel_loop3A_2148 : vector<16xi32>
        tpu.vector_store_idx %arg10[%parallel_loop3A_2149], %parallel_loop3A_2104 {add = true} : memref<1536xf32, #tpu.memory_space<vmem>>[vector<16xi32>], vector<16xf32>,
        %parallel_loop3A_2150 = arith.constant 16 : i32
        %parallel_loop3A_2151 = vector.broadcast %parallel_loop3A_2150 : i32 to vector<16xi32>
        %parallel_loop3A_2152 = arith.addi %iota3A, %parallel_loop3A_2151 : vector<16xi32>
        %parallel_loop3A_2153 = arith.index_cast %parallel_loop3A_2088 : i32 to index
        %parallel_loop3A_2154 = arith.constant 16 : index
        %parallel_loop3A_2155 = tpu.vector_load %arg5[%parallel_loop3A_2153, %parallel_loop3A_2154] {strides = array<i32>} : memref<128x32xf32, #tpu.memory_space<vmem>>, vector<16xf32>,
        %parallel_loop3A_2156 = arith.index_cast %parallel_loop3A_2088 : i32 to index
        %parallel_loop3A_2157 = arith.constant 16 : index
        %parallel_loop3A_2158 = tpu.vector_load %arg7[%parallel_loop3A_2156, %parallel_loop3A_2157] {strides = array<i32>} : memref<128x32xi32, #tpu.memory_space<vmem>>, vector<16xi32>,
        %parallel_loop3A_2159 = arith.constant 0.000000e+00 : f32
        %parallel_loop3A_2160 = vector.broadcast %parallel_loop3A_2159 : f32 to vector<16xf32>
        %parallel_loop3A_2161 = arith.subf %parallel_loop3A_2160, %parallel_loop3A_2155 : vector<16xf32>
        %parallel_loop3A_2162 = math.exp %parallel_loop3A_2161 : vector<16xf32>
        %parallel_loop3A_2163 = arith.constant 1.000000e+00 : f32
        %parallel_loop3A_2164 = vector.broadcast %parallel_loop3A_2163 : f32 to vector<16xf32>
        %parallel_loop3A_2165 = arith.addf %parallel_loop3A_2164, %parallel_loop3A_2162 : vector<16xf32>
        %parallel_loop3A_2166 = arith.constant 1.000000e+00 : f32
        %parallel_loop3A_2167 = vector.broadcast %parallel_loop3A_2166 : f32 to vector<16xf32>
        %parallel_loop3A_2168 = arith.divf %parallel_loop3A_2167, %parallel_loop3A_2165 : vector<16xf32>
        %parallel_loop3A_2169 = arith.constant 1.500000e+01 : f32
        %parallel_loop3A_2170 = vector.broadcast %parallel_loop3A_2169 : f32 to vector<16xf32>
        %parallel_loop3A_2171 = arith.mulf %parallel_loop3A_2168, %parallel_loop3A_2170 : vector<16xf32>
        %parallel_loop3A_2172 = arith.fptosi %parallel_loop3A_2171 : vector<16xf32> to vector<16xi32>
        %parallel_loop3A_2173 = arith.constant 14 : i32
        %parallel_loop3A_2174 = vector.broadcast %parallel_loop3A_2173 : i32 to vector<16xi32>
        %parallel_loop3A_2175 = arith.minsi %parallel_loop3A_2172, %parallel_loop3A_2174 : vector<16xi32>
        %parallel_loop3A_2176 = arith.sitofp %parallel_loop3A_2175 : vector<16xi32> to vector<16xf32>
        %parallel_loop3A_2177 = arith.constant 0.0666666701 : f32
        %parallel_loop3A_2178 = vector.broadcast %parallel_loop3A_2177 : f32 to vector<16xf32>
        %parallel_loop3A_2179 = arith.mulf %parallel_loop3A_2176, %parallel_loop3A_2178 : vector<16xf32>
        %parallel_loop3A_2180 = arith.constant 1.000000e+00 : f32
        %parallel_loop3A_2181 = vector.broadcast %parallel_loop3A_2180 : f32 to vector<16xf32>
        %parallel_loop3A_2182 = arith.addf %parallel_loop3A_2176, %parallel_loop3A_2181 : vector<16xf32>
        %parallel_loop3A_2183 = arith.constant 0.0666666701 : f32
        %parallel_loop3A_2184 = vector.broadcast %parallel_loop3A_2183 : f32 to vector<16xf32>
        %parallel_loop3A_2185 = arith.mulf %parallel_loop3A_2182, %parallel_loop3A_2184 : vector<16xf32>
        %parallel_loop3A_2186 = arith.cmpf oge, %parallel_loop3A_2168, %parallel_loop3A_2185 : vector<16xf32>
        %parallel_loop3A_2187 = arith.constant 1 : i32
        %parallel_loop3A_2188 = arith.constant 0 : i32
        %parallel_loop3A_2189 = vector.broadcast %parallel_loop3A_2187 : i32 to vector<16xi32>
        %parallel_loop3A_2190 = vector.broadcast %parallel_loop3A_2188 : i32 to vector<16xi32>
        %parallel_loop3A_2191 = arith.select %parallel_loop3A_2186, %parallel_loop3A_2189, %parallel_loop3A_2190 : vector<16xi1>, vector<16xi32>
        %parallel_loop3A_2192 = arith.cmpf olt, %parallel_loop3A_2168, %parallel_loop3A_2179 : vector<16xf32>
        %parallel_loop3A_2193 = arith.constant 1 : i32
        %parallel_loop3A_2194 = arith.constant 0 : i32
        %parallel_loop3A_2195 = vector.broadcast %parallel_loop3A_2193 : i32 to vector<16xi32>
        %parallel_loop3A_2196 = vector.broadcast %parallel_loop3A_2194 : i32 to vector<16xi32>
        %parallel_loop3A_2197 = arith.select %parallel_loop3A_2192, %parallel_loop3A_2195, %parallel_loop3A_2196 : vector<16xi1>, vector<16xi32>
        %parallel_loop3A_2198 = arith.subi %parallel_loop3A_2191, %parallel_loop3A_2197 : vector<16xi32>
        %parallel_loop3A_2199 = arith.addi %parallel_loop3A_2175, %parallel_loop3A_2198 : vector<16xi32>
        %parallel_loop3A_2200 = arith.constant 14 : i32
        %parallel_loop3A_2201 = vector.broadcast %parallel_loop3A_2200 : i32 to vector<16xi32>
        %parallel_loop3A_2202 = arith.minsi %parallel_loop3A_2199, %parallel_loop3A_2201 : vector<16xi32>
        %parallel_loop3A_2203 = arith.constant 5 : i32
        %parallel_loop3A_2204 = vector.broadcast %parallel_loop3A_2203 : i32 to vector<16xi32>
        %parallel_loop3A_2205 = arith.shli %parallel_loop3A_2202, %parallel_loop3A_2204 : vector<16xi32>
        %parallel_loop3A_2206 = arith.addi %parallel_loop3A_2205, %parallel_loop3A_2152 : vector<16xi32>
        %parallel_loop3A_2207 = arith.constant 9 : i32
        %parallel_loop3A_2208 = vector.broadcast %parallel_loop3A_2207 : i32 to vector<16xi32>
        %parallel_loop3A_2209 = arith.shli %parallel_loop3A_2158, %parallel_loop3A_2208 : vector<16xi32>
        %parallel_loop3A_2210 = arith.addi %parallel_loop3A_2206, %parallel_loop3A_2209 : vector<16xi32>
        tpu.vector_store_idx %arg11[%parallel_loop3A_2210], %broadcast_in_dim3A_3 {add = true} : memref<1536xf32, #tpu.memory_space<vmem>>[vector<16xi32>], vector<16xf32>,
        %parallel_loop3A_2211 = arith.constant 1024 : i32
        %parallel_loop3A_2212 = vector.broadcast %parallel_loop3A_2211 : i32 to vector<16xi32>
        %parallel_loop3A_2213 = arith.addi %parallel_loop3A_2206, %parallel_loop3A_2212 : vector<16xi32>
        tpu.vector_store_idx %arg12[%parallel_loop3A_2213], %parallel_loop3A_2168 {add = true} : memref<1536xf32, #tpu.memory_space<vmem>>[vector<16xi32>], vector<16xf32>,
      } {sc.loop_unroll_factor = 4 : i64, sc.parallel_access}
      %add3A_2059 = arith.constant 2 : i32
      %add3A_2060 = arith.addi %mul3A_2046, %add3A_2059 : i32
      %lt3A = arith.constant 256 : i32
      %lt3A_2061 = arith.cmpi slt, %add3A_2060, %lt3A : i32
      %convert_element_type3A = arith.extui %lt3A_2061 : i1 to i32
      %cond3A = arith.constant 0 : i32
      %cond3A_2062 = arith.cmpi ne, %convert_element_type3A, %cond3A : i32
      scf.if %cond3A_2062 {
        %add3A_2086 = arith.constant 2 : i32
        %add3A_2087 = arith.addi %mul3A_2046, %add3A_2086 : i32
        %mul3A_2088 = arith.constant 128 : i32
        %mul3A_2089 = arith.muli %add3A_2087, %mul3A_2088 : i32
        %add3A_2090 = arith.addi %mul3A_2, %mul3A_2089 : i32
        %dma_start3A_2091 = arith.constant 0 : i32
        %dma_start3A_2092 = tpu.memref_slice %arg2[%add3A_2090, %dma_start3A_2091] : memref<1048576x32xf32, #tpu.memory_space<hbm>> -> memref<128x32xf32, #tpu.memory_space<hbm>>
        %dma_start3A_2093 = arith.constant 0 : i32
        %dma_start3A_2094 = tpu.memref_slice %arg2[%add3A_2090, %dma_start3A_2093] : memref<1048576x32xf32, #tpu.memory_space<hbm>> -> memref<128x32xf32, #tpu.memory_space<hbm>>
        tpu.enqueue_dma source(%dma_start3A_2094 : memref<128x32xf32, #tpu.memory_space<hbm>>) target(%arg5 : memref<128x32xf32, #tpu.memory_space<vmem>>) target_semaphore(%arg13 : memref<!tpu.dma_semaphore, #tpu.memory_space<semaphore_mem>>)
        %dma_start3A_2095 = arith.constant 0 : i32
        %dma_start3A_2096 = tpu.memref_slice %arg3[%add3A_2090, %dma_start3A_2095] : memref<1048576x32xi32, #tpu.memory_space<hbm>> -> memref<128x32xi32, #tpu.memory_space<hbm>>
        %dma_start3A_2097 = arith.constant 0 : i32
        %dma_start3A_2098 = tpu.memref_slice %arg3[%add3A_2090, %dma_start3A_2097] : memref<1048576x32xi32, #tpu.memory_space<hbm>> -> memref<128x32xi32, #tpu.memory_space<hbm>>
        tpu.enqueue_dma source(%dma_start3A_2098 : memref<128x32xi32, #tpu.memory_space<hbm>>) target(%arg7 : memref<128x32xi32, #tpu.memory_space<vmem>>) target_semaphore(%arg15 : memref<!tpu.dma_semaphore, #tpu.memory_space<semaphore_mem>>)
      } else {
      }
      %add3A_2063 = arith.constant 1 : i32
      %add3A_2064 = arith.addi %mul3A_2046, %add3A_2063 : i32
      %mul3A_2065 = arith.constant 128 : i32
      %mul3A_2066 = arith.muli %add3A_2064, %mul3A_2065 : i32
      %add3A_2067 = arith.addi %mul3A_2, %mul3A_2066 : i32
      %dma_wait3A_2068 = arith.constant 0 : i32
      %dma_wait3A_2069 = tpu.memref_slice %arg2[%add3A_2067, %dma_wait3A_2068] : memref<1048576x32xf32, #tpu.memory_space<hbm>> -> memref<128x32xf32, #tpu.memory_space<hbm>>
      %dma_wait3A_2070 = arith.constant 0 : i32
      %dma_wait3A_2071 = tpu.memref_slice %arg2[%add3A_2067, %dma_wait3A_2070] : memref<1048576x32xf32, #tpu.memory_space<hbm>> -> memref<128x32xf32, #tpu.memory_space<hbm>>
      tpu.wait_dma2 semaphore(%arg14 : memref<!tpu.dma_semaphore, #tpu.memory_space<semaphore_mem>>) src(%dma_wait3A_2071 : memref<128x32xf32, #tpu.memory_space<hbm>>) dst(%arg6 : memref<128x32xf32, #tpu.memory_space<vmem>>)
      %dma_wait3A_2072 = arith.constant 0 : i32
      %dma_wait3A_2073 = tpu.memref_slice %arg3[%add3A_2067, %dma_wait3A_2072] : memref<1048576x32xi32, #tpu.memory_space<hbm>> -> memref<128x32xi32, #tpu.memory_space<hbm>>
      %dma_wait3A_2074 = arith.constant 0 : i32
      %dma_wait3A_2075 = tpu.memref_slice %arg3[%add3A_2067, %dma_wait3A_2074] : memref<1048576x32xi32, #tpu.memory_space<hbm>> -> memref<128x32xi32, #tpu.memory_space<hbm>>
      tpu.wait_dma2 semaphore(%arg16 : memref<!tpu.dma_semaphore, #tpu.memory_space<semaphore_mem>>) src(%dma_wait3A_2075 : memref<128x32xi32, #tpu.memory_space<hbm>>) dst(%arg8 : memref<128x32xi32, #tpu.memory_space<vmem>>)
      %parallel_loop3A_2076 = arith.constant 0 : i32
      %parallel_loop3A_2077 = arith.constant 256 : i32
      %parallel_loop3A_2078 = arith.constant 2 : i32
      scf.for %parallel_loop3A_2086 = %parallel_loop3A_2076 to %parallel_loop3A_2077 step %parallel_loop3A_2078  : i32 {
        %parallel_loop3A_2087 = arith.constant 1 : i32
        %parallel_loop3A_2088 = arith.shrsi %parallel_loop3A_2086, %parallel_loop3A_2087 : i32
        %parallel_loop3A_2089 = arith.index_cast %parallel_loop3A_2088 : i32 to index
        %parallel_loop3A_2090 = arith.constant 0 : index
        %parallel_loop3A_2091 = tpu.vector_load %arg6[%parallel_loop3A_2089, %parallel_loop3A_2090] {strides = array<i32>} : memref<128x32xf32, #tpu.memory_space<vmem>>, vector<16xf32>,
        %parallel_loop3A_2092 = arith.index_cast %parallel_loop3A_2088 : i32 to index
        %parallel_loop3A_2093 = arith.constant 0 : index
        %parallel_loop3A_2094 = tpu.vector_load %arg8[%parallel_loop3A_2092, %parallel_loop3A_2093] {strides = array<i32>} : memref<128x32xi32, #tpu.memory_space<vmem>>, vector<16xi32>,
        %parallel_loop3A_2095 = arith.constant 0.000000e+00 : f32
        %parallel_loop3A_2096 = vector.broadcast %parallel_loop3A_2095 : f32 to vector<16xf32>
        %parallel_loop3A_2097 = arith.subf %parallel_loop3A_2096, %parallel_loop3A_2091 : vector<16xf32>
        %parallel_loop3A_2098 = math.exp %parallel_loop3A_2097 : vector<16xf32>
        %parallel_loop3A_2099 = arith.constant 1.000000e+00 : f32
        %parallel_loop3A_2100 = vector.broadcast %parallel_loop3A_2099 : f32 to vector<16xf32>
        %parallel_loop3A_2101 = arith.addf %parallel_loop3A_2100, %parallel_loop3A_2098 : vector<16xf32>
        %parallel_loop3A_2102 = arith.constant 1.000000e+00 : f32
        %parallel_loop3A_2103 = vector.broadcast %parallel_loop3A_2102 : f32 to vector<16xf32>
        %parallel_loop3A_2104 = arith.divf %parallel_loop3A_2103, %parallel_loop3A_2101 : vector<16xf32>
        %parallel_loop3A_2105 = arith.constant 1.500000e+01 : f32
        %parallel_loop3A_2106 = vector.broadcast %parallel_loop3A_2105 : f32 to vector<16xf32>
        %parallel_loop3A_2107 = arith.mulf %parallel_loop3A_2104, %parallel_loop3A_2106 : vector<16xf32>
        %parallel_loop3A_2108 = arith.fptosi %parallel_loop3A_2107 : vector<16xf32> to vector<16xi32>
        %parallel_loop3A_2109 = arith.constant 14 : i32
        %parallel_loop3A_2110 = vector.broadcast %parallel_loop3A_2109 : i32 to vector<16xi32>
        %parallel_loop3A_2111 = arith.minsi %parallel_loop3A_2108, %parallel_loop3A_2110 : vector<16xi32>
        %parallel_loop3A_2112 = arith.sitofp %parallel_loop3A_2111 : vector<16xi32> to vector<16xf32>
        %parallel_loop3A_2113 = arith.constant 0.0666666701 : f32
        %parallel_loop3A_2114 = vector.broadcast %parallel_loop3A_2113 : f32 to vector<16xf32>
        %parallel_loop3A_2115 = arith.mulf %parallel_loop3A_2112, %parallel_loop3A_2114 : vector<16xf32>
        %parallel_loop3A_2116 = arith.constant 1.000000e+00 : f32
        %parallel_loop3A_2117 = vector.broadcast %parallel_loop3A_2116 : f32 to vector<16xf32>
        %parallel_loop3A_2118 = arith.addf %parallel_loop3A_2112, %parallel_loop3A_2117 : vector<16xf32>
        %parallel_loop3A_2119 = arith.constant 0.0666666701 : f32
        %parallel_loop3A_2120 = vector.broadcast %parallel_loop3A_2119 : f32 to vector<16xf32>
        %parallel_loop3A_2121 = arith.mulf %parallel_loop3A_2118, %parallel_loop3A_2120 : vector<16xf32>
        %parallel_loop3A_2122 = arith.cmpf oge, %parallel_loop3A_2104, %parallel_loop3A_2121 : vector<16xf32>
        %parallel_loop3A_2123 = arith.constant 1 : i32
        %parallel_loop3A_2124 = arith.constant 0 : i32
        %parallel_loop3A_2125 = vector.broadcast %parallel_loop3A_2123 : i32 to vector<16xi32>
        %parallel_loop3A_2126 = vector.broadcast %parallel_loop3A_2124 : i32 to vector<16xi32>
        %parallel_loop3A_2127 = arith.select %parallel_loop3A_2122, %parallel_loop3A_2125, %parallel_loop3A_2126 : vector<16xi1>, vector<16xi32>
        %parallel_loop3A_2128 = arith.cmpf olt, %parallel_loop3A_2104, %parallel_loop3A_2115 : vector<16xf32>
        %parallel_loop3A_2129 = arith.constant 1 : i32
        %parallel_loop3A_2130 = arith.constant 0 : i32
        %parallel_loop3A_2131 = vector.broadcast %parallel_loop3A_2129 : i32 to vector<16xi32>
        %parallel_loop3A_2132 = vector.broadcast %parallel_loop3A_2130 : i32 to vector<16xi32>
        %parallel_loop3A_2133 = arith.select %parallel_loop3A_2128, %parallel_loop3A_2131, %parallel_loop3A_2132 : vector<16xi1>, vector<16xi32>
        %parallel_loop3A_2134 = arith.subi %parallel_loop3A_2127, %parallel_loop3A_2133 : vector<16xi32>
        %parallel_loop3A_2135 = arith.addi %parallel_loop3A_2111, %parallel_loop3A_2134 : vector<16xi32>
        %parallel_loop3A_2136 = arith.constant 14 : i32
        %parallel_loop3A_2137 = vector.broadcast %parallel_loop3A_2136 : i32 to vector<16xi32>
        %parallel_loop3A_2138 = arith.minsi %parallel_loop3A_2135, %parallel_loop3A_2137 : vector<16xi32>
        %parallel_loop3A_2139 = arith.constant 5 : i32
        %parallel_loop3A_2140 = vector.broadcast %parallel_loop3A_2139 : i32 to vector<16xi32>
        %parallel_loop3A_2141 = arith.shli %parallel_loop3A_2138, %parallel_loop3A_2140 : vector<16xi32>
        %parallel_loop3A_2142 = arith.addi %parallel_loop3A_2141, %iota3A : vector<16xi32>
        %parallel_loop3A_2143 = arith.constant 9 : i32
        %parallel_loop3A_2144 = vector.broadcast %parallel_loop3A_2143 : i32 to vector<16xi32>
        %parallel_loop3A_2145 = arith.shli %parallel_loop3A_2094, %parallel_loop3A_2144 : vector<16xi32>
        %parallel_loop3A_2146 = arith.addi %parallel_loop3A_2142, %parallel_loop3A_2145 : vector<16xi32>
        tpu.vector_store_idx %arg9[%parallel_loop3A_2146], %broadcast_in_dim3A_3 {add = true} : memref<1536xf32, #tpu.memory_space<vmem>>[vector<16xi32>], vector<16xf32>,
        %parallel_loop3A_2147 = arith.constant 1024 : i32
        %parallel_loop3A_2148 = vector.broadcast %parallel_loop3A_2147 : i32 to vector<16xi32>
        %parallel_loop3A_2149 = arith.addi %parallel_loop3A_2142, %parallel_loop3A_2148 : vector<16xi32>
        tpu.vector_store_idx %arg10[%parallel_loop3A_2149], %parallel_loop3A_2104 {add = true} : memref<1536xf32, #tpu.memory_space<vmem>>[vector<16xi32>], vector<16xf32>,
        %parallel_loop3A_2150 = arith.constant 16 : i32
        %parallel_loop3A_2151 = vector.broadcast %parallel_loop3A_2150 : i32 to vector<16xi32>
        %parallel_loop3A_2152 = arith.addi %iota3A, %parallel_loop3A_2151 : vector<16xi32>
        %parallel_loop3A_2153 = arith.index_cast %parallel_loop3A_2088 : i32 to index
        %parallel_loop3A_2154 = arith.constant 16 : index
        %parallel_loop3A_2155 = tpu.vector_load %arg6[%parallel_loop3A_2153, %parallel_loop3A_2154] {strides = array<i32>} : memref<128x32xf32, #tpu.memory_space<vmem>>, vector<16xf32>,
        %parallel_loop3A_2156 = arith.index_cast %parallel_loop3A_2088 : i32 to index
        %parallel_loop3A_2157 = arith.constant 16 : index
        %parallel_loop3A_2158 = tpu.vector_load %arg8[%parallel_loop3A_2156, %parallel_loop3A_2157] {strides = array<i32>} : memref<128x32xi32, #tpu.memory_space<vmem>>, vector<16xi32>,
        %parallel_loop3A_2159 = arith.constant 0.000000e+00 : f32
        %parallel_loop3A_2160 = vector.broadcast %parallel_loop3A_2159 : f32 to vector<16xf32>
        %parallel_loop3A_2161 = arith.subf %parallel_loop3A_2160, %parallel_loop3A_2155 : vector<16xf32>
        %parallel_loop3A_2162 = math.exp %parallel_loop3A_2161 : vector<16xf32>
        %parallel_loop3A_2163 = arith.constant 1.000000e+00 : f32
        %parallel_loop3A_2164 = vector.broadcast %parallel_loop3A_2163 : f32 to vector<16xf32>
        %parallel_loop3A_2165 = arith.addf %parallel_loop3A_2164, %parallel_loop3A_2162 : vector<16xf32>
        %parallel_loop3A_2166 = arith.constant 1.000000e+00 : f32
        %parallel_loop3A_2167 = vector.broadcast %parallel_loop3A_2166 : f32 to vector<16xf32>
        %parallel_loop3A_2168 = arith.divf %parallel_loop3A_2167, %parallel_loop3A_2165 : vector<16xf32>
        %parallel_loop3A_2169 = arith.constant 1.500000e+01 : f32
        %parallel_loop3A_2170 = vector.broadcast %parallel_loop3A_2169 : f32 to vector<16xf32>
        %parallel_loop3A_2171 = arith.mulf %parallel_loop3A_2168, %parallel_loop3A_2170 : vector<16xf32>
        %parallel_loop3A_2172 = arith.fptosi %parallel_loop3A_2171 : vector<16xf32> to vector<16xi32>
        %parallel_loop3A_2173 = arith.constant 14 : i32
        %parallel_loop3A_2174 = vector.broadcast %parallel_loop3A_2173 : i32 to vector<16xi32>
        %parallel_loop3A_2175 = arith.minsi %parallel_loop3A_2172, %parallel_loop3A_2174 : vector<16xi32>
        %parallel_loop3A_2176 = arith.sitofp %parallel_loop3A_2175 : vector<16xi32> to vector<16xf32>
        %parallel_loop3A_2177 = arith.constant 0.0666666701 : f32
        %parallel_loop3A_2178 = vector.broadcast %parallel_loop3A_2177 : f32 to vector<16xf32>
        %parallel_loop3A_2179 = arith.mulf %parallel_loop3A_2176, %parallel_loop3A_2178 : vector<16xf32>
        %parallel_loop3A_2180 = arith.constant 1.000000e+00 : f32
        %parallel_loop3A_2181 = vector.broadcast %parallel_loop3A_2180 : f32 to vector<16xf32>
        %parallel_loop3A_2182 = arith.addf %parallel_loop3A_2176, %parallel_loop3A_2181 : vector<16xf32>
        %parallel_loop3A_2183 = arith.constant 0.0666666701 : f32
        %parallel_loop3A_2184 = vector.broadcast %parallel_loop3A_2183 : f32 to vector<16xf32>
        %parallel_loop3A_2185 = arith.mulf %parallel_loop3A_2182, %parallel_loop3A_2184 : vector<16xf32>
        %parallel_loop3A_2186 = arith.cmpf oge, %parallel_loop3A_2168, %parallel_loop3A_2185 : vector<16xf32>
        %parallel_loop3A_2187 = arith.constant 1 : i32
        %parallel_loop3A_2188 = arith.constant 0 : i32
        %parallel_loop3A_2189 = vector.broadcast %parallel_loop3A_2187 : i32 to vector<16xi32>
        %parallel_loop3A_2190 = vector.broadcast %parallel_loop3A_2188 : i32 to vector<16xi32>
        %parallel_loop3A_2191 = arith.select %parallel_loop3A_2186, %parallel_loop3A_2189, %parallel_loop3A_2190 : vector<16xi1>, vector<16xi32>
        %parallel_loop3A_2192 = arith.cmpf olt, %parallel_loop3A_2168, %parallel_loop3A_2179 : vector<16xf32>
        %parallel_loop3A_2193 = arith.constant 1 : i32
        %parallel_loop3A_2194 = arith.constant 0 : i32
        %parallel_loop3A_2195 = vector.broadcast %parallel_loop3A_2193 : i32 to vector<16xi32>
        %parallel_loop3A_2196 = vector.broadcast %parallel_loop3A_2194 : i32 to vector<16xi32>
        %parallel_loop3A_2197 = arith.select %parallel_loop3A_2192, %parallel_loop3A_2195, %parallel_loop3A_2196 : vector<16xi1>, vector<16xi32>
        %parallel_loop3A_2198 = arith.subi %parallel_loop3A_2191, %parallel_loop3A_2197 : vector<16xi32>
        %parallel_loop3A_2199 = arith.addi %parallel_loop3A_2175, %parallel_loop3A_2198 : vector<16xi32>
        %parallel_loop3A_2200 = arith.constant 14 : i32
        %parallel_loop3A_2201 = vector.broadcast %parallel_loop3A_2200 : i32 to vector<16xi32>
        %parallel_loop3A_2202 = arith.minsi %parallel_loop3A_2199, %parallel_loop3A_2201 : vector<16xi32>
        %parallel_loop3A_2203 = arith.constant 5 : i32
        %parallel_loop3A_2204 = vector.broadcast %parallel_loop3A_2203 : i32 to vector<16xi32>
        %parallel_loop3A_2205 = arith.shli %parallel_loop3A_2202, %parallel_loop3A_2204 : vector<16xi32>
        %parallel_loop3A_2206 = arith.addi %parallel_loop3A_2205, %parallel_loop3A_2152 : vector<16xi32>
        %parallel_loop3A_2207 = arith.constant 9 : i32
        %parallel_loop3A_2208 = vector.broadcast %parallel_loop3A_2207 : i32 to vector<16xi32>
        %parallel_loop3A_2209 = arith.shli %parallel_loop3A_2158, %parallel_loop3A_2208 : vector<16xi32>
        %parallel_loop3A_2210 = arith.addi %parallel_loop3A_2206, %parallel_loop3A_2209 : vector<16xi32>
        tpu.vector_store_idx %arg11[%parallel_loop3A_2210], %broadcast_in_dim3A_3 {add = true} : memref<1536xf32, #tpu.memory_space<vmem>>[vector<16xi32>], vector<16xf32>,
        %parallel_loop3A_2211 = arith.constant 1024 : i32
        %parallel_loop3A_2212 = vector.broadcast %parallel_loop3A_2211 : i32 to vector<16xi32>
        %parallel_loop3A_2213 = arith.addi %parallel_loop3A_2206, %parallel_loop3A_2212 : vector<16xi32>
        tpu.vector_store_idx %arg12[%parallel_loop3A_2213], %parallel_loop3A_2168 {add = true} : memref<1536xf32, #tpu.memory_space<vmem>>[vector<16xi32>], vector<16xf32>,
      } {sc.loop_unroll_factor = 4 : i64, sc.parallel_access}
      %add3A_2079 = arith.constant 3 : i32
      %add3A_2080 = arith.addi %mul3A_2046, %add3A_2079 : i32
      %lt3A_2081 = arith.constant 256 : i32
      %lt3A_2082 = arith.cmpi slt, %add3A_2080, %lt3A_2081 : i32
      %convert_element_type3A_2083 = arith.extui %lt3A_2082 : i1 to i32
      %cond3A_2084 = arith.constant 0 : i32
      %cond3A_2085 = arith.cmpi ne, %convert_element_type3A_2083, %cond3A_2084 : i32
      scf.if %cond3A_2085 {
        %add3A_2086 = arith.constant 3 : i32
        %add3A_2087 = arith.addi %mul3A_2046, %add3A_2086 : i32
        %mul3A_2088 = arith.constant 128 : i32
        %mul3A_2089 = arith.muli %add3A_2087, %mul3A_2088 : i32
        %add3A_2090 = arith.addi %mul3A_2, %mul3A_2089 : i32
        %dma_start3A_2091 = arith.constant 0 : i32
        %dma_start3A_2092 = tpu.memref_slice %arg2[%add3A_2090, %dma_start3A_2091] : memref<1048576x32xf32, #tpu.memory_space<hbm>> -> memref<128x32xf32, #tpu.memory_space<hbm>>
        %dma_start3A_2093 = arith.constant 0 : i32
        %dma_start3A_2094 = tpu.memref_slice %arg2[%add3A_2090, %dma_start3A_2093] : memref<1048576x32xf32, #tpu.memory_space<hbm>> -> memref<128x32xf32, #tpu.memory_space<hbm>>
        tpu.enqueue_dma source(%dma_start3A_2094 : memref<128x32xf32, #tpu.memory_space<hbm>>) target(%arg6 : memref<128x32xf32, #tpu.memory_space<vmem>>) target_semaphore(%arg14 : memref<!tpu.dma_semaphore, #tpu.memory_space<semaphore_mem>>)
        %dma_start3A_2095 = arith.constant 0 : i32
        %dma_start3A_2096 = tpu.memref_slice %arg3[%add3A_2090, %dma_start3A_2095] : memref<1048576x32xi32, #tpu.memory_space<hbm>> -> memref<128x32xi32, #tpu.memory_space<hbm>>
        %dma_start3A_2097 = arith.constant 0 : i32
        %dma_start3A_2098 = tpu.memref_slice %arg3[%add3A_2090, %dma_start3A_2097] : memref<1048576x32xi32, #tpu.memory_space<hbm>> -> memref<128x32xi32, #tpu.memory_space<hbm>>
        tpu.enqueue_dma source(%dma_start3A_2098 : memref<128x32xi32, #tpu.memory_space<hbm>>) target(%arg8 : memref<128x32xi32, #tpu.memory_space<vmem>>) target_semaphore(%arg16 : memref<!tpu.dma_semaphore, #tpu.memory_space<semaphore_mem>>)
      } else {
      }
    }
    %scan3A_796 = arith.constant 128 : i32
    %get3A = arith.constant 0 : index
    %get3A_797 = tpu.vector_load %arg9[%get3A] {strides = array<i32>} : memref<1536xf32, #tpu.memory_space<vmem>>, vector<16xf32>,
    %get3A_798 = arith.constant 0 : index
    %get3A_799 = tpu.vector_load %arg10[%get3A_798] {strides = array<i32>} : memref<1536xf32, #tpu.memory_space<vmem>>, vector<16xf32>,
    %add3A_800 = arith.addf %get3A_797, %get3A_799 : vector<16xf32>
    %get3A_801 = arith.constant 0 : index
    %get3A_802 = tpu.vector_load %arg11[%get3A_801] {strides = array<i32>} : memref<1536xf32, #tpu.memory_space<vmem>>, vector<16xf32>,
    %get3A_803 = arith.constant 0 : index
    %get3A_804 = tpu.vector_load %arg12[%get3A_803] {strides = array<i32>} : memref<1536xf32, #tpu.memory_space<vmem>>, vector<16xf32>,
    %add3A_805 = arith.addf %get3A_802, %get3A_804 : vector<16xf32>
    %add3A_806 = arith.addf %add3A_800, %add3A_805 : vector<16xf32>
    %swap3A_807 = arith.constant 0 : index
    %swap3A_808 = tpu.vector_load %arg9[%swap3A_807] {strides = array<i32>} : memref<1536xf32, #tpu.memory_space<vmem>>, vector<16xf32>,
    tpu.vector_store %arg9[%swap3A_807], %add3A_806 {strides = array<i32>} : memref<1536xf32, #tpu.memory_space<vmem>>, vector<16xf32>,
    %get3A_809 = arith.constant 16 : index
    %get3A_810 = tpu.vector_load %arg9[%get3A_809] {strides = array<i32>} : memref<1536xf32, #tpu.memory_space<vmem>>, vector<16xf32>,
    %get3A_811 = arith.constant 16 : index
    %get3A_812 = tpu.vector_load %arg10[%get3A_811] {strides = array<i32>} : memref<1536xf32, #tpu.memory_space<vmem>>, vector<16xf32>,
    %add3A_813 = arith.addf %get3A_810, %get3A_812 : vector<16xf32>
    %get3A_814 = arith.constant 16 : index
    %get3A_815 = tpu.vector_load %arg11[%get3A_814] {strides = array<i32>} : memref<1536xf32, #tpu.memory_space<vmem>>, vector<16xf32>,
    %get3A_816 = arith.constant 16 : index
    %get3A_817 = tpu.vector_load %arg12[%get3A_816] {strides = array<i32>} : memref<1536xf32, #tpu.memory_space<vmem>>, vector<16xf32>,
    %add3A_818 = arith.addf %get3A_815, %get3A_817 : vector<16xf32>
    %add3A_819 = arith.addf %add3A_813, %add3A_818 : vector<16xf32>
    %swap3A_820 = arith.constant 16 : index
    %swap3A_821 = tpu.vector_load %arg9[%swap3A_820] {strides = array<i32>} : memref<1536xf32, #tpu.memory_space<vmem>>, vector<16xf32>,
    tpu.vector_store %arg9[%swap3A_820], %add3A_819 {strides = array<i32>} : memref<1536xf32, #tpu.memory_space<vmem>>, vector<16xf32>,
    %get3A_822 = arith.constant 32 : index
    %get3A_823 = tpu.vector_load %arg9[%get3A_822] {strides = array<i32>} : memref<1536xf32, #tpu.memory_space<vmem>>, vector<16xf32>,
    %get3A_824 = arith.constant 32 : index
    %get3A_825 = tpu.vector_load %arg10[%get3A_824] {strides = array<i32>} : memref<1536xf32, #tpu.memory_space<vmem>>, vector<16xf32>,
    %add3A_826 = arith.addf %get3A_823, %get3A_825 : vector<16xf32>
    %get3A_827 = arith.constant 32 : index
    %get3A_828 = tpu.vector_load %arg11[%get3A_827] {strides = array<i32>} : memref<1536xf32, #tpu.memory_space<vmem>>, vector<16xf32>,
    %get3A_829 = arith.constant 32 : index
    %get3A_830 = tpu.vector_load %arg12[%get3A_829] {strides = array<i32>} : memref<1536xf32, #tpu.memory_space<vmem>>, vector<16xf32>,
    %add3A_831 = arith.addf %get3A_828, %get3A_830 : vector<16xf32>
    %add3A_832 = arith.addf %add3A_826, %add3A_831 : vector<16xf32>
    %swap3A_833 = arith.constant 32 : index
    %swap3A_834 = tpu.vector_load %arg9[%swap3A_833] {strides = array<i32>} : memref<1536xf32, #tpu.memory_space<vmem>>, vector<16xf32>,
    tpu.vector_store %arg9[%swap3A_833], %add3A_832 {strides = array<i32>} : memref<1536xf32, #tpu.memory_space<vmem>>, vector<16xf32>,
    %get3A_835 = arith.constant 48 : index
    %get3A_836 = tpu.vector_load %arg9[%get3A_835] {strides = array<i32>} : memref<1536xf32, #tpu.memory_space<vmem>>, vector<16xf32>,
    %get3A_837 = arith.constant 48 : index
    %get3A_838 = tpu.vector_load %arg10[%get3A_837] {strides = array<i32>} : memref<1536xf32, #tpu.memory_space<vmem>>, vector<16xf32>,
    %add3A_839 = arith.addf %get3A_836, %get3A_838 : vector<16xf32>
    %get3A_840 = arith.constant 48 : index
    %get3A_841 = tpu.vector_load %arg11[%get3A_840] {strides = array<i32>} : memref<1536xf32, #tpu.memory_space<vmem>>, vector<16xf32>,
    %get3A_842 = arith.constant 48 : index
    %get3A_843 = tpu.vector_load %arg12[%get3A_842] {strides = array<i32>} : memref<1536xf32, #tpu.memory_space<vmem>>, vector<16xf32>,
    %add3A_844 = arith.addf %get3A_841, %get3A_843 : vector<16xf32>
    %add3A_845 = arith.addf %add3A_839, %add3A_844 : vector<16xf32>
    %swap3A_846 = arith.constant 48 : index
    %swap3A_847 = tpu.vector_load %arg9[%swap3A_846] {strides = array<i32>} : memref<1536xf32, #tpu.memory_space<vmem>>, vector<16xf32>,
    tpu.vector_store %arg9[%swap3A_846], %add3A_845 {strides = array<i32>} : memref<1536xf32, #tpu.memory_space<vmem>>, vector<16xf32>,
    %get3A_848 = arith.constant 64 : index
    %get3A_849 = tpu.vector_load %arg9[%get3A_848] {strides = array<i32>} : memref<1536xf32, #tpu.memory_space<vmem>>, vector<16xf32>,
    %get3A_850 = arith.constant 64 : index
    %get3A_851 = tpu.vector_load %arg10[%get3A_850] {strides = array<i32>} : memref<1536xf32, #tpu.memory_space<vmem>>, vector<16xf32>,
    %add3A_852 = arith.addf %get3A_849, %get3A_851 : vector<16xf32>
    %get3A_853 = arith.constant 64 : index
    %get3A_854 = tpu.vector_load %arg11[%get3A_853] {strides = array<i32>} : memref<1536xf32, #tpu.memory_space<vmem>>, vector<16xf32>,
    %get3A_855 = arith.constant 64 : index
    %get3A_856 = tpu.vector_load %arg12[%get3A_855] {strides = array<i32>} : memref<1536xf32, #tpu.memory_space<vmem>>, vector<16xf32>,
    %add3A_857 = arith.addf %get3A_854, %get3A_856 : vector<16xf32>
    %add3A_858 = arith.addf %add3A_852, %add3A_857 : vector<16xf32>
    %swap3A_859 = arith.constant 64 : index
    %swap3A_860 = tpu.vector_load %arg9[%swap3A_859] {strides = array<i32>} : memref<1536xf32, #tpu.memory_space<vmem>>, vector<16xf32>,
    tpu.vector_store %arg9[%swap3A_859], %add3A_858 {strides = array<i32>} : memref<1536xf32, #tpu.memory_space<vmem>>, vector<16xf32>,
    %get3A_861 = arith.constant 80 : index
    %get3A_862 = tpu.vector_load %arg9[%get3A_861] {strides = array<i32>} : memref<1536xf32, #tpu.memory_space<vmem>>, vector<16xf32>,
    %get3A_863 = arith.constant 80 : index
    %get3A_864 = tpu.vector_load %arg10[%get3A_863] {strides = array<i32>} : memref<1536xf32, #tpu.memory_space<vmem>>, vector<16xf32>,
    %add3A_865 = arith.addf %get3A_862, %get3A_864 : vector<16xf32>
    %get3A_866 = arith.constant 80 : index
    %get3A_867 = tpu.vector_load %arg11[%get3A_866] {strides = array<i32>} : memref<1536xf32, #tpu.memory_space<vmem>>, vector<16xf32>,
    %get3A_868 = arith.constant 80 : index
    %get3A_869 = tpu.vector_load %arg12[%get3A_868] {strides = array<i32>} : memref<1536xf32, #tpu.memory_space<vmem>>, vector<16xf32>,
    %add3A_870 = arith.addf %get3A_867, %get3A_869 : vector<16xf32>
    %add3A_871 = arith.addf %add3A_865, %add3A_870 : vector<16xf32>
    %swap3A_872 = arith.constant 80 : index
    %swap3A_873 = tpu.vector_load %arg9[%swap3A_872] {strides = array<i32>} : memref<1536xf32, #tpu.memory_space<vmem>>, vector<16xf32>,
    tpu.vector_store %arg9[%swap3A_872], %add3A_871 {strides = array<i32>} : memref<1536xf32, #tpu.memory_space<vmem>>, vector<16xf32>,
    %get3A_874 = arith.constant 96 : index
    %get3A_875 = tpu.vector_load %arg9[%get3A_874] {strides = array<i32>} : memref<1536xf32, #tpu.memory_space<vmem>>, vector<16xf32>,
    %get3A_876 = arith.constant 96 : index
    %get3A_877 = tpu.vector_load %arg10[%get3A_876] {strides = array<i32>} : memref<1536xf32, #tpu.memory_space<vmem>>, vector<16xf32>,
    %add3A_878 = arith.addf %get3A_875, %get3A_877 : vector<16xf32>
    %get3A_879 = arith.constant 96 : index
    %get3A_880 = tpu.vector_load %arg11[%get3A_879] {strides = array<i32>} : memref<1536xf32, #tpu.memory_space<vmem>>, vector<16xf32>,
    %get3A_881 = arith.constant 96 : index
    %get3A_882 = tpu.vector_load %arg12[%get3A_881] {strides = array<i32>} : memref<1536xf32, #tpu.memory_space<vmem>>, vector<16xf32>,
    %add3A_883 = arith.addf %get3A_880, %get3A_882 : vector<16xf32>
    %add3A_884 = arith.addf %add3A_878, %add3A_883 : vector<16xf32>
    %swap3A_885 = arith.constant 96 : index
    %swap3A_886 = tpu.vector_load %arg9[%swap3A_885] {strides = array<i32>} : memref<1536xf32, #tpu.memory_space<vmem>>, vector<16xf32>,
    tpu.vector_store %arg9[%swap3A_885], %add3A_884 {strides = array<i32>} : memref<1536xf32, #tpu.memory_space<vmem>>, vector<16xf32>,
    %get3A_887 = arith.constant 112 : index
    %get3A_888 = tpu.vector_load %arg9[%get3A_887] {strides = array<i32>} : memref<1536xf32, #tpu.memory_space<vmem>>, vector<16xf32>,
    %get3A_889 = arith.constant 112 : index
    %get3A_890 = tpu.vector_load %arg10[%get3A_889] {strides = array<i32>} : memref<1536xf32, #tpu.memory_space<vmem>>, vector<16xf32>,
    %add3A_891 = arith.addf %get3A_888, %get3A_890 : vector<16xf32>
    %get3A_892 = arith.constant 112 : index
    %get3A_893 = tpu.vector_load %arg11[%get3A_892] {strides = array<i32>} : memref<1536xf32, #tpu.memory_space<vmem>>, vector<16xf32>,
    %get3A_894 = arith.constant 112 : index
    %get3A_895 = tpu.vector_load %arg12[%get3A_894] {strides = array<i32>} : memref<1536xf32, #tpu.memory_space<vmem>>, vector<16xf32>,
    %add3A_896 = arith.addf %get3A_893, %get3A_895 : vector<16xf32>
    %add3A_897 = arith.addf %add3A_891, %add3A_896 : vector<16xf32>
    %swap3A_898 = arith.constant 112 : index
    %swap3A_899 = tpu.vector_load %arg9[%swap3A_898] {strides = array<i32>} : memref<1536xf32, #tpu.memory_space<vmem>>, vector<16xf32>,
    tpu.vector_store %arg9[%swap3A_898], %add3A_897 {strides = array<i32>} : memref<1536xf32, #tpu.memory_space<vmem>>, vector<16xf32>,
    %get3A_900 = arith.constant 128 : index
    %get3A_901 = tpu.vector_load %arg9[%get3A_900] {strides = array<i32>} : memref<1536xf32, #tpu.memory_space<vmem>>, vector<16xf32>,
    %get3A_902 = arith.constant 128 : index
    %get3A_903 = tpu.vector_load %arg10[%get3A_902] {strides = array<i32>} : memref<1536xf32, #tpu.memory_space<vmem>>, vector<16xf32>,
    %add3A_904 = arith.addf %get3A_901, %get3A_903 : vector<16xf32>
    %get3A_905 = arith.constant 128 : index
    %get3A_906 = tpu.vector_load %arg11[%get3A_905] {strides = array<i32>} : memref<1536xf32, #tpu.memory_space<vmem>>, vector<16xf32>,
    %get3A_907 = arith.constant 128 : index
    %get3A_908 = tpu.vector_load %arg12[%get3A_907] {strides = array<i32>} : memref<1536xf32, #tpu.memory_space<vmem>>, vector<16xf32>,
    %add3A_909 = arith.addf %get3A_906, %get3A_908 : vector<16xf32>
    %add3A_910 = arith.addf %add3A_904, %add3A_909 : vector<16xf32>
    %swap3A_911 = arith.constant 128 : index
    %swap3A_912 = tpu.vector_load %arg9[%swap3A_911] {strides = array<i32>} : memref<1536xf32, #tpu.memory_space<vmem>>, vector<16xf32>,
    tpu.vector_store %arg9[%swap3A_911], %add3A_910 {strides = array<i32>} : memref<1536xf32, #tpu.memory_space<vmem>>, vector<16xf32>,
    %get3A_913 = arith.constant 144 : index
    %get3A_914 = tpu.vector_load %arg9[%get3A_913] {strides = array<i32>} : memref<1536xf32, #tpu.memory_space<vmem>>, vector<16xf32>,
    %get3A_915 = arith.constant 144 : index
    %get3A_916 = tpu.vector_load %arg10[%get3A_915] {strides = array<i32>} : memref<1536xf32, #tpu.memory_space<vmem>>, vector<16xf32>,
    %add3A_917 = arith.addf %get3A_914, %get3A_916 : vector<16xf32>
    %get3A_918 = arith.constant 144 : index
    %get3A_919 = tpu.vector_load %arg11[%get3A_918] {strides = array<i32>} : memref<1536xf32, #tpu.memory_space<vmem>>, vector<16xf32>,
    %get3A_920 = arith.constant 144 : index
    %get3A_921 = tpu.vector_load %arg12[%get3A_920] {strides = array<i32>} : memref<1536xf32, #tpu.memory_space<vmem>>, vector<16xf32>,
    %add3A_922 = arith.addf %get3A_919, %get3A_921 : vector<16xf32>
    %add3A_923 = arith.addf %add3A_917, %add3A_922 : vector<16xf32>
    %swap3A_924 = arith.constant 144 : index
    %swap3A_925 = tpu.vector_load %arg9[%swap3A_924] {strides = array<i32>} : memref<1536xf32, #tpu.memory_space<vmem>>, vector<16xf32>,
    tpu.vector_store %arg9[%swap3A_924], %add3A_923 {strides = array<i32>} : memref<1536xf32, #tpu.memory_space<vmem>>, vector<16xf32>,
    %get3A_926 = arith.constant 160 : index
    %get3A_927 = tpu.vector_load %arg9[%get3A_926] {strides = array<i32>} : memref<1536xf32, #tpu.memory_space<vmem>>, vector<16xf32>,
    %get3A_928 = arith.constant 160 : index
    %get3A_929 = tpu.vector_load %arg10[%get3A_928] {strides = array<i32>} : memref<1536xf32, #tpu.memory_space<vmem>>, vector<16xf32>,
    %add3A_930 = arith.addf %get3A_927, %get3A_929 : vector<16xf32>
    %get3A_931 = arith.constant 160 : index
    %get3A_932 = tpu.vector_load %arg11[%get3A_931] {strides = array<i32>} : memref<1536xf32, #tpu.memory_space<vmem>>, vector<16xf32>,
    %get3A_933 = arith.constant 160 : index
    %get3A_934 = tpu.vector_load %arg12[%get3A_933] {strides = array<i32>} : memref<1536xf32, #tpu.memory_space<vmem>>, vector<16xf32>,
    %add3A_935 = arith.addf %get3A_932, %get3A_934 : vector<16xf32>
    %add3A_936 = arith.addf %add3A_930, %add3A_935 : vector<16xf32>
    %swap3A_937 = arith.constant 160 : index
    %swap3A_938 = tpu.vector_load %arg9[%swap3A_937] {strides = array<i32>} : memref<1536xf32, #tpu.memory_space<vmem>>, vector<16xf32>,
    tpu.vector_store %arg9[%swap3A_937], %add3A_936 {strides = array<i32>} : memref<1536xf32, #tpu.memory_space<vmem>>, vector<16xf32>,
    %get3A_939 = arith.constant 176 : index
    %get3A_940 = tpu.vector_load %arg9[%get3A_939] {strides = array<i32>} : memref<1536xf32, #tpu.memory_space<vmem>>, vector<16xf32>,
    %get3A_941 = arith.constant 176 : index
    %get3A_942 = tpu.vector_load %arg10[%get3A_941] {strides = array<i32>} : memref<1536xf32, #tpu.memory_space<vmem>>, vector<16xf32>,
    %add3A_943 = arith.addf %get3A_940, %get3A_942 : vector<16xf32>
    %get3A_944 = arith.constant 176 : index
    %get3A_945 = tpu.vector_load %arg11[%get3A_944] {strides = array<i32>} : memref<1536xf32, #tpu.memory_space<vmem>>, vector<16xf32>,
    %get3A_946 = arith.constant 176 : index
    %get3A_947 = tpu.vector_load %arg12[%get3A_946] {strides = array<i32>} : memref<1536xf32, #tpu.memory_space<vmem>>, vector<16xf32>,
    %add3A_948 = arith.addf %get3A_945, %get3A_947 : vector<16xf32>
    %add3A_949 = arith.addf %add3A_943, %add3A_948 : vector<16xf32>
    %swap3A_950 = arith.constant 176 : index
    %swap3A_951 = tpu.vector_load %arg9[%swap3A_950] {strides = array<i32>} : memref<1536xf32, #tpu.memory_space<vmem>>, vector<16xf32>,
    tpu.vector_store %arg9[%swap3A_950], %add3A_949 {strides = array<i32>} : memref<1536xf32, #tpu.memory_space<vmem>>, vector<16xf32>,
    %get3A_952 = arith.constant 192 : index
    %get3A_953 = tpu.vector_load %arg9[%get3A_952] {strides = array<i32>} : memref<1536xf32, #tpu.memory_space<vmem>>, vector<16xf32>,
    %get3A_954 = arith.constant 192 : index
    %get3A_955 = tpu.vector_load %arg10[%get3A_954] {strides = array<i32>} : memref<1536xf32, #tpu.memory_space<vmem>>, vector<16xf32>,
    %add3A_956 = arith.addf %get3A_953, %get3A_955 : vector<16xf32>
    %get3A_957 = arith.constant 192 : index
    %get3A_958 = tpu.vector_load %arg11[%get3A_957] {strides = array<i32>} : memref<1536xf32, #tpu.memory_space<vmem>>, vector<16xf32>,
    %get3A_959 = arith.constant 192 : index
    %get3A_960 = tpu.vector_load %arg12[%get3A_959] {strides = array<i32>} : memref<1536xf32, #tpu.memory_space<vmem>>, vector<16xf32>,
    %add3A_961 = arith.addf %get3A_958, %get3A_960 : vector<16xf32>
    %add3A_962 = arith.addf %add3A_956, %add3A_961 : vector<16xf32>
    %swap3A_963 = arith.constant 192 : index
    %swap3A_964 = tpu.vector_load %arg9[%swap3A_963] {strides = array<i32>} : memref<1536xf32, #tpu.memory_space<vmem>>, vector<16xf32>,
    tpu.vector_store %arg9[%swap3A_963], %add3A_962 {strides = array<i32>} : memref<1536xf32, #tpu.memory_space<vmem>>, vector<16xf32>,
    %get3A_965 = arith.constant 208 : index
    %get3A_966 = tpu.vector_load %arg9[%get3A_965] {strides = array<i32>} : memref<1536xf32, #tpu.memory_space<vmem>>, vector<16xf32>,
    %get3A_967 = arith.constant 208 : index
    %get3A_968 = tpu.vector_load %arg10[%get3A_967] {strides = array<i32>} : memref<1536xf32, #tpu.memory_space<vmem>>, vector<16xf32>,
    %add3A_969 = arith.addf %get3A_966, %get3A_968 : vector<16xf32>
    %get3A_970 = arith.constant 208 : index
    %get3A_971 = tpu.vector_load %arg11[%get3A_970] {strides = array<i32>} : memref<1536xf32, #tpu.memory_space<vmem>>, vector<16xf32>,
    %get3A_972 = arith.constant 208 : index
    %get3A_973 = tpu.vector_load %arg12[%get3A_972] {strides = array<i32>} : memref<1536xf32, #tpu.memory_space<vmem>>, vector<16xf32>,
    %add3A_974 = arith.addf %get3A_971, %get3A_973 : vector<16xf32>
    %add3A_975 = arith.addf %add3A_969, %add3A_974 : vector<16xf32>
    %swap3A_976 = arith.constant 208 : index
    %swap3A_977 = tpu.vector_load %arg9[%swap3A_976] {strides = array<i32>} : memref<1536xf32, #tpu.memory_space<vmem>>, vector<16xf32>,
    tpu.vector_store %arg9[%swap3A_976], %add3A_975 {strides = array<i32>} : memref<1536xf32, #tpu.memory_space<vmem>>, vector<16xf32>,
    %get3A_978 = arith.constant 224 : index
    %get3A_979 = tpu.vector_load %arg9[%get3A_978] {strides = array<i32>} : memref<1536xf32, #tpu.memory_space<vmem>>, vector<16xf32>,
    %get3A_980 = arith.constant 224 : index
    %get3A_981 = tpu.vector_load %arg10[%get3A_980] {strides = array<i32>} : memref<1536xf32, #tpu.memory_space<vmem>>, vector<16xf32>,
    %add3A_982 = arith.addf %get3A_979, %get3A_981 : vector<16xf32>
    %get3A_983 = arith.constant 224 : index
    %get3A_984 = tpu.vector_load %arg11[%get3A_983] {strides = array<i32>} : memref<1536xf32, #tpu.memory_space<vmem>>, vector<16xf32>,
    %get3A_985 = arith.constant 224 : index
    %get3A_986 = tpu.vector_load %arg12[%get3A_985] {strides = array<i32>} : memref<1536xf32, #tpu.memory_space<vmem>>, vector<16xf32>,
    %add3A_987 = arith.addf %get3A_984, %get3A_986 : vector<16xf32>
    %add3A_988 = arith.addf %add3A_982, %add3A_987 : vector<16xf32>
    %swap3A_989 = arith.constant 224 : index
    %swap3A_990 = tpu.vector_load %arg9[%swap3A_989] {strides = array<i32>} : memref<1536xf32, #tpu.memory_space<vmem>>, vector<16xf32>,
    tpu.vector_store %arg9[%swap3A_989], %add3A_988 {strides = array<i32>} : memref<1536xf32, #tpu.memory_space<vmem>>, vector<16xf32>,
    %get3A_991 = arith.constant 240 : index
    %get3A_992 = tpu.vector_load %arg9[%get3A_991] {strides = array<i32>} : memref<1536xf32, #tpu.memory_space<vmem>>, vector<16xf32>,
    %get3A_993 = arith.constant 240 : index
    %get3A_994 = tpu.vector_load %arg10[%get3A_993] {strides = array<i32>} : memref<1536xf32, #tpu.memory_space<vmem>>, vector<16xf32>,
    %add3A_995 = arith.addf %get3A_992, %get3A_994 : vector<16xf32>
    %get3A_996 = arith.constant 240 : index
    %get3A_997 = tpu.vector_load %arg11[%get3A_996] {strides = array<i32>} : memref<1536xf32, #tpu.memory_space<vmem>>, vector<16xf32>,
    %get3A_998 = arith.constant 240 : index
    %get3A_999 = tpu.vector_load %arg12[%get3A_998] {strides = array<i32>} : memref<1536xf32, #tpu.memory_space<vmem>>, vector<16xf32>,
    %add3A_1000 = arith.addf %get3A_997, %get3A_999 : vector<16xf32>
    %add3A_1001 = arith.addf %add3A_995, %add3A_1000 : vector<16xf32>
    %swap3A_1002 = arith.constant 240 : index
    %swap3A_1003 = tpu.vector_load %arg9[%swap3A_1002] {strides = array<i32>} : memref<1536xf32, #tpu.memory_space<vmem>>, vector<16xf32>,
    tpu.vector_store %arg9[%swap3A_1002], %add3A_1001 {strides = array<i32>} : memref<1536xf32, #tpu.memory_space<vmem>>, vector<16xf32>,
    %get3A_1004 = arith.constant 256 : index
    %get3A_1005 = tpu.vector_load %arg9[%get3A_1004] {strides = array<i32>} : memref<1536xf32, #tpu.memory_space<vmem>>, vector<16xf32>,
    %get3A_1006 = arith.constant 256 : index
    %get3A_1007 = tpu.vector_load %arg10[%get3A_1006] {strides = array<i32>} : memref<1536xf32, #tpu.memory_space<vmem>>, vector<16xf32>,
    %add3A_1008 = arith.addf %get3A_1005, %get3A_1007 : vector<16xf32>
    %get3A_1009 = arith.constant 256 : index
    %get3A_1010 = tpu.vector_load %arg11[%get3A_1009] {strides = array<i32>} : memref<1536xf32, #tpu.memory_space<vmem>>, vector<16xf32>,
    %get3A_1011 = arith.constant 256 : index
    %get3A_1012 = tpu.vector_load %arg12[%get3A_1011] {strides = array<i32>} : memref<1536xf32, #tpu.memory_space<vmem>>, vector<16xf32>,
    %add3A_1013 = arith.addf %get3A_1010, %get3A_1012 : vector<16xf32>
    %add3A_1014 = arith.addf %add3A_1008, %add3A_1013 : vector<16xf32>
    %swap3A_1015 = arith.constant 256 : index
    %swap3A_1016 = tpu.vector_load %arg9[%swap3A_1015] {strides = array<i32>} : memref<1536xf32, #tpu.memory_space<vmem>>, vector<16xf32>,
    tpu.vector_store %arg9[%swap3A_1015], %add3A_1014 {strides = array<i32>} : memref<1536xf32, #tpu.memory_space<vmem>>, vector<16xf32>,
    %get3A_1017 = arith.constant 272 : index
    %get3A_1018 = tpu.vector_load %arg9[%get3A_1017] {strides = array<i32>} : memref<1536xf32, #tpu.memory_space<vmem>>, vector<16xf32>,
    %get3A_1019 = arith.constant 272 : index
    %get3A_1020 = tpu.vector_load %arg10[%get3A_1019] {strides = array<i32>} : memref<1536xf32, #tpu.memory_space<vmem>>, vector<16xf32>,
    %add3A_1021 = arith.addf %get3A_1018, %get3A_1020 : vector<16xf32>
    %get3A_1022 = arith.constant 272 : index
    %get3A_1023 = tpu.vector_load %arg11[%get3A_1022] {strides = array<i32>} : memref<1536xf32, #tpu.memory_space<vmem>>, vector<16xf32>,
    %get3A_1024 = arith.constant 272 : index
    %get3A_1025 = tpu.vector_load %arg12[%get3A_1024] {strides = array<i32>} : memref<1536xf32, #tpu.memory_space<vmem>>, vector<16xf32>,
    %add3A_1026 = arith.addf %get3A_1023, %get3A_1025 : vector<16xf32>
    %add3A_1027 = arith.addf %add3A_1021, %add3A_1026 : vector<16xf32>
    %swap3A_1028 = arith.constant 272 : index
    %swap3A_1029 = tpu.vector_load %arg9[%swap3A_1028] {strides = array<i32>} : memref<1536xf32, #tpu.memory_space<vmem>>, vector<16xf32>,
    tpu.vector_store %arg9[%swap3A_1028], %add3A_1027 {strides = array<i32>} : memref<1536xf32, #tpu.memory_space<vmem>>, vector<16xf32>,
    %get3A_1030 = arith.constant 288 : index
    %get3A_1031 = tpu.vector_load %arg9[%get3A_1030] {strides = array<i32>} : memref<1536xf32, #tpu.memory_space<vmem>>, vector<16xf32>,
    %get3A_1032 = arith.constant 288 : index
    %get3A_1033 = tpu.vector_load %arg10[%get3A_1032] {strides = array<i32>} : memref<1536xf32, #tpu.memory_space<vmem>>, vector<16xf32>,
    %add3A_1034 = arith.addf %get3A_1031, %get3A_1033 : vector<16xf32>
    %get3A_1035 = arith.constant 288 : index
    %get3A_1036 = tpu.vector_load %arg11[%get3A_1035] {strides = array<i32>} : memref<1536xf32, #tpu.memory_space<vmem>>, vector<16xf32>,
    %get3A_1037 = arith.constant 288 : index
    %get3A_1038 = tpu.vector_load %arg12[%get3A_1037] {strides = array<i32>} : memref<1536xf32, #tpu.memory_space<vmem>>, vector<16xf32>,
    %add3A_1039 = arith.addf %get3A_1036, %get3A_1038 : vector<16xf32>
    %add3A_1040 = arith.addf %add3A_1034, %add3A_1039 : vector<16xf32>
    %swap3A_1041 = arith.constant 288 : index
    %swap3A_1042 = tpu.vector_load %arg9[%swap3A_1041] {strides = array<i32>} : memref<1536xf32, #tpu.memory_space<vmem>>, vector<16xf32>,
    tpu.vector_store %arg9[%swap3A_1041], %add3A_1040 {strides = array<i32>} : memref<1536xf32, #tpu.memory_space<vmem>>, vector<16xf32>,
    %get3A_1043 = arith.constant 304 : index
    %get3A_1044 = tpu.vector_load %arg9[%get3A_1043] {strides = array<i32>} : memref<1536xf32, #tpu.memory_space<vmem>>, vector<16xf32>,
    %get3A_1045 = arith.constant 304 : index
    %get3A_1046 = tpu.vector_load %arg10[%get3A_1045] {strides = array<i32>} : memref<1536xf32, #tpu.memory_space<vmem>>, vector<16xf32>,
    %add3A_1047 = arith.addf %get3A_1044, %get3A_1046 : vector<16xf32>
    %get3A_1048 = arith.constant 304 : index
    %get3A_1049 = tpu.vector_load %arg11[%get3A_1048] {strides = array<i32>} : memref<1536xf32, #tpu.memory_space<vmem>>, vector<16xf32>,
    %get3A_1050 = arith.constant 304 : index
    %get3A_1051 = tpu.vector_load %arg12[%get3A_1050] {strides = array<i32>} : memref<1536xf32, #tpu.memory_space<vmem>>, vector<16xf32>,
    %add3A_1052 = arith.addf %get3A_1049, %get3A_1051 : vector<16xf32>
    %add3A_1053 = arith.addf %add3A_1047, %add3A_1052 : vector<16xf32>
    %swap3A_1054 = arith.constant 304 : index
    %swap3A_1055 = tpu.vector_load %arg9[%swap3A_1054] {strides = array<i32>} : memref<1536xf32, #tpu.memory_space<vmem>>, vector<16xf32>,
    tpu.vector_store %arg9[%swap3A_1054], %add3A_1053 {strides = array<i32>} : memref<1536xf32, #tpu.memory_space<vmem>>, vector<16xf32>,
    %get3A_1056 = arith.constant 320 : index
    %get3A_1057 = tpu.vector_load %arg9[%get3A_1056] {strides = array<i32>} : memref<1536xf32, #tpu.memory_space<vmem>>, vector<16xf32>,
    %get3A_1058 = arith.constant 320 : index
    %get3A_1059 = tpu.vector_load %arg10[%get3A_1058] {strides = array<i32>} : memref<1536xf32, #tpu.memory_space<vmem>>, vector<16xf32>,
    %add3A_1060 = arith.addf %get3A_1057, %get3A_1059 : vector<16xf32>
    %get3A_1061 = arith.constant 320 : index
    %get3A_1062 = tpu.vector_load %arg11[%get3A_1061] {strides = array<i32>} : memref<1536xf32, #tpu.memory_space<vmem>>, vector<16xf32>,
    %get3A_1063 = arith.constant 320 : index
    %get3A_1064 = tpu.vector_load %arg12[%get3A_1063] {strides = array<i32>} : memref<1536xf32, #tpu.memory_space<vmem>>, vector<16xf32>,
    %add3A_1065 = arith.addf %get3A_1062, %get3A_1064 : vector<16xf32>
    %add3A_1066 = arith.addf %add3A_1060, %add3A_1065 : vector<16xf32>
    %swap3A_1067 = arith.constant 320 : index
    %swap3A_1068 = tpu.vector_load %arg9[%swap3A_1067] {strides = array<i32>} : memref<1536xf32, #tpu.memory_space<vmem>>, vector<16xf32>,
    tpu.vector_store %arg9[%swap3A_1067], %add3A_1066 {strides = array<i32>} : memref<1536xf32, #tpu.memory_space<vmem>>, vector<16xf32>,
    %get3A_1069 = arith.constant 336 : index
    %get3A_1070 = tpu.vector_load %arg9[%get3A_1069] {strides = array<i32>} : memref<1536xf32, #tpu.memory_space<vmem>>, vector<16xf32>,
    %get3A_1071 = arith.constant 336 : index
    %get3A_1072 = tpu.vector_load %arg10[%get3A_1071] {strides = array<i32>} : memref<1536xf32, #tpu.memory_space<vmem>>, vector<16xf32>,
    %add3A_1073 = arith.addf %get3A_1070, %get3A_1072 : vector<16xf32>
    %get3A_1074 = arith.constant 336 : index
    %get3A_1075 = tpu.vector_load %arg11[%get3A_1074] {strides = array<i32>} : memref<1536xf32, #tpu.memory_space<vmem>>, vector<16xf32>,
    %get3A_1076 = arith.constant 336 : index
    %get3A_1077 = tpu.vector_load %arg12[%get3A_1076] {strides = array<i32>} : memref<1536xf32, #tpu.memory_space<vmem>>, vector<16xf32>,
    %add3A_1078 = arith.addf %get3A_1075, %get3A_1077 : vector<16xf32>
    %add3A_1079 = arith.addf %add3A_1073, %add3A_1078 : vector<16xf32>
    %swap3A_1080 = arith.constant 336 : index
    %swap3A_1081 = tpu.vector_load %arg9[%swap3A_1080] {strides = array<i32>} : memref<1536xf32, #tpu.memory_space<vmem>>, vector<16xf32>,
    tpu.vector_store %arg9[%swap3A_1080], %add3A_1079 {strides = array<i32>} : memref<1536xf32, #tpu.memory_space<vmem>>, vector<16xf32>,
    %get3A_1082 = arith.constant 352 : index
    %get3A_1083 = tpu.vector_load %arg9[%get3A_1082] {strides = array<i32>} : memref<1536xf32, #tpu.memory_space<vmem>>, vector<16xf32>,
    %get3A_1084 = arith.constant 352 : index
    %get3A_1085 = tpu.vector_load %arg10[%get3A_1084] {strides = array<i32>} : memref<1536xf32, #tpu.memory_space<vmem>>, vector<16xf32>,
    %add3A_1086 = arith.addf %get3A_1083, %get3A_1085 : vector<16xf32>
    %get3A_1087 = arith.constant 352 : index
    %get3A_1088 = tpu.vector_load %arg11[%get3A_1087] {strides = array<i32>} : memref<1536xf32, #tpu.memory_space<vmem>>, vector<16xf32>,
    %get3A_1089 = arith.constant 352 : index
    %get3A_1090 = tpu.vector_load %arg12[%get3A_1089] {strides = array<i32>} : memref<1536xf32, #tpu.memory_space<vmem>>, vector<16xf32>,
    %add3A_1091 = arith.addf %get3A_1088, %get3A_1090 : vector<16xf32>
    %add3A_1092 = arith.addf %add3A_1086, %add3A_1091 : vector<16xf32>
    %swap3A_1093 = arith.constant 352 : index
    %swap3A_1094 = tpu.vector_load %arg9[%swap3A_1093] {strides = array<i32>} : memref<1536xf32, #tpu.memory_space<vmem>>, vector<16xf32>,
    tpu.vector_store %arg9[%swap3A_1093], %add3A_1092 {strides = array<i32>} : memref<1536xf32, #tpu.memory_space<vmem>>, vector<16xf32>,
    %get3A_1095 = arith.constant 368 : index
    %get3A_1096 = tpu.vector_load %arg9[%get3A_1095] {strides = array<i32>} : memref<1536xf32, #tpu.memory_space<vmem>>, vector<16xf32>,
    %get3A_1097 = arith.constant 368 : index
    %get3A_1098 = tpu.vector_load %arg10[%get3A_1097] {strides = array<i32>} : memref<1536xf32, #tpu.memory_space<vmem>>, vector<16xf32>,
    %add3A_1099 = arith.addf %get3A_1096, %get3A_1098 : vector<16xf32>
    %get3A_1100 = arith.constant 368 : index
    %get3A_1101 = tpu.vector_load %arg11[%get3A_1100] {strides = array<i32>} : memref<1536xf32, #tpu.memory_space<vmem>>, vector<16xf32>,
    %get3A_1102 = arith.constant 368 : index
    %get3A_1103 = tpu.vector_load %arg12[%get3A_1102] {strides = array<i32>} : memref<1536xf32, #tpu.memory_space<vmem>>, vector<16xf32>,
    %add3A_1104 = arith.addf %get3A_1101, %get3A_1103 : vector<16xf32>
    %add3A_1105 = arith.addf %add3A_1099, %add3A_1104 : vector<16xf32>
    %swap3A_1106 = arith.constant 368 : index
    %swap3A_1107 = tpu.vector_load %arg9[%swap3A_1106] {strides = array<i32>} : memref<1536xf32, #tpu.memory_space<vmem>>, vector<16xf32>,
    tpu.vector_store %arg9[%swap3A_1106], %add3A_1105 {strides = array<i32>} : memref<1536xf32, #tpu.memory_space<vmem>>, vector<16xf32>,
    %get3A_1108 = arith.constant 384 : index
    %get3A_1109 = tpu.vector_load %arg9[%get3A_1108] {strides = array<i32>} : memref<1536xf32, #tpu.memory_space<vmem>>, vector<16xf32>,
    %get3A_1110 = arith.constant 384 : index
    %get3A_1111 = tpu.vector_load %arg10[%get3A_1110] {strides = array<i32>} : memref<1536xf32, #tpu.memory_space<vmem>>, vector<16xf32>,
    %add3A_1112 = arith.addf %get3A_1109, %get3A_1111 : vector<16xf32>
    %get3A_1113 = arith.constant 384 : index
    %get3A_1114 = tpu.vector_load %arg11[%get3A_1113] {strides = array<i32>} : memref<1536xf32, #tpu.memory_space<vmem>>, vector<16xf32>,
    %get3A_1115 = arith.constant 384 : index
    %get3A_1116 = tpu.vector_load %arg12[%get3A_1115] {strides = array<i32>} : memref<1536xf32, #tpu.memory_space<vmem>>, vector<16xf32>,
    %add3A_1117 = arith.addf %get3A_1114, %get3A_1116 : vector<16xf32>
    %add3A_1118 = arith.addf %add3A_1112, %add3A_1117 : vector<16xf32>
    %swap3A_1119 = arith.constant 384 : index
    %swap3A_1120 = tpu.vector_load %arg9[%swap3A_1119] {strides = array<i32>} : memref<1536xf32, #tpu.memory_space<vmem>>, vector<16xf32>,
    tpu.vector_store %arg9[%swap3A_1119], %add3A_1118 {strides = array<i32>} : memref<1536xf32, #tpu.memory_space<vmem>>, vector<16xf32>,
    %get3A_1121 = arith.constant 400 : index
    %get3A_1122 = tpu.vector_load %arg9[%get3A_1121] {strides = array<i32>} : memref<1536xf32, #tpu.memory_space<vmem>>, vector<16xf32>,
    %get3A_1123 = arith.constant 400 : index
    %get3A_1124 = tpu.vector_load %arg10[%get3A_1123] {strides = array<i32>} : memref<1536xf32, #tpu.memory_space<vmem>>, vector<16xf32>,
    %add3A_1125 = arith.addf %get3A_1122, %get3A_1124 : vector<16xf32>
    %get3A_1126 = arith.constant 400 : index
    %get3A_1127 = tpu.vector_load %arg11[%get3A_1126] {strides = array<i32>} : memref<1536xf32, #tpu.memory_space<vmem>>, vector<16xf32>,
    %get3A_1128 = arith.constant 400 : index
    %get3A_1129 = tpu.vector_load %arg12[%get3A_1128] {strides = array<i32>} : memref<1536xf32, #tpu.memory_space<vmem>>, vector<16xf32>,
    %add3A_1130 = arith.addf %get3A_1127, %get3A_1129 : vector<16xf32>
    %add3A_1131 = arith.addf %add3A_1125, %add3A_1130 : vector<16xf32>
    %swap3A_1132 = arith.constant 400 : index
    %swap3A_1133 = tpu.vector_load %arg9[%swap3A_1132] {strides = array<i32>} : memref<1536xf32, #tpu.memory_space<vmem>>, vector<16xf32>,
    tpu.vector_store %arg9[%swap3A_1132], %add3A_1131 {strides = array<i32>} : memref<1536xf32, #tpu.memory_space<vmem>>, vector<16xf32>,
    %get3A_1134 = arith.constant 416 : index
    %get3A_1135 = tpu.vector_load %arg9[%get3A_1134] {strides = array<i32>} : memref<1536xf32, #tpu.memory_space<vmem>>, vector<16xf32>,
    %get3A_1136 = arith.constant 416 : index
    %get3A_1137 = tpu.vector_load %arg10[%get3A_1136] {strides = array<i32>} : memref<1536xf32, #tpu.memory_space<vmem>>, vector<16xf32>,
    %add3A_1138 = arith.addf %get3A_1135, %get3A_1137 : vector<16xf32>
    %get3A_1139 = arith.constant 416 : index
    %get3A_1140 = tpu.vector_load %arg11[%get3A_1139] {strides = array<i32>} : memref<1536xf32, #tpu.memory_space<vmem>>, vector<16xf32>,
    %get3A_1141 = arith.constant 416 : index
    %get3A_1142 = tpu.vector_load %arg12[%get3A_1141] {strides = array<i32>} : memref<1536xf32, #tpu.memory_space<vmem>>, vector<16xf32>,
    %add3A_1143 = arith.addf %get3A_1140, %get3A_1142 : vector<16xf32>
    %add3A_1144 = arith.addf %add3A_1138, %add3A_1143 : vector<16xf32>
    %swap3A_1145 = arith.constant 416 : index
    %swap3A_1146 = tpu.vector_load %arg9[%swap3A_1145] {strides = array<i32>} : memref<1536xf32, #tpu.memory_space<vmem>>, vector<16xf32>,
    tpu.vector_store %arg9[%swap3A_1145], %add3A_1144 {strides = array<i32>} : memref<1536xf32, #tpu.memory_space<vmem>>, vector<16xf32>,
    %get3A_1147 = arith.constant 432 : index
    %get3A_1148 = tpu.vector_load %arg9[%get3A_1147] {strides = array<i32>} : memref<1536xf32, #tpu.memory_space<vmem>>, vector<16xf32>,
    %get3A_1149 = arith.constant 432 : index
    %get3A_1150 = tpu.vector_load %arg10[%get3A_1149] {strides = array<i32>} : memref<1536xf32, #tpu.memory_space<vmem>>, vector<16xf32>,
    %add3A_1151 = arith.addf %get3A_1148, %get3A_1150 : vector<16xf32>
    %get3A_1152 = arith.constant 432 : index
    %get3A_1153 = tpu.vector_load %arg11[%get3A_1152] {strides = array<i32>} : memref<1536xf32, #tpu.memory_space<vmem>>, vector<16xf32>,
    %get3A_1154 = arith.constant 432 : index
    %get3A_1155 = tpu.vector_load %arg12[%get3A_1154] {strides = array<i32>} : memref<1536xf32, #tpu.memory_space<vmem>>, vector<16xf32>,
    %add3A_1156 = arith.addf %get3A_1153, %get3A_1155 : vector<16xf32>
    %add3A_1157 = arith.addf %add3A_1151, %add3A_1156 : vector<16xf32>
    %swap3A_1158 = arith.constant 432 : index
    %swap3A_1159 = tpu.vector_load %arg9[%swap3A_1158] {strides = array<i32>} : memref<1536xf32, #tpu.memory_space<vmem>>, vector<16xf32>,
    tpu.vector_store %arg9[%swap3A_1158], %add3A_1157 {strides = array<i32>} : memref<1536xf32, #tpu.memory_space<vmem>>, vector<16xf32>,
    %get3A_1160 = arith.constant 448 : index
    %get3A_1161 = tpu.vector_load %arg9[%get3A_1160] {strides = array<i32>} : memref<1536xf32, #tpu.memory_space<vmem>>, vector<16xf32>,
    %get3A_1162 = arith.constant 448 : index
    %get3A_1163 = tpu.vector_load %arg10[%get3A_1162] {strides = array<i32>} : memref<1536xf32, #tpu.memory_space<vmem>>, vector<16xf32>,
    %add3A_1164 = arith.addf %get3A_1161, %get3A_1163 : vector<16xf32>
    %get3A_1165 = arith.constant 448 : index
    %get3A_1166 = tpu.vector_load %arg11[%get3A_1165] {strides = array<i32>} : memref<1536xf32, #tpu.memory_space<vmem>>, vector<16xf32>,
    %get3A_1167 = arith.constant 448 : index
    %get3A_1168 = tpu.vector_load %arg12[%get3A_1167] {strides = array<i32>} : memref<1536xf32, #tpu.memory_space<vmem>>, vector<16xf32>,
    %add3A_1169 = arith.addf %get3A_1166, %get3A_1168 : vector<16xf32>
    %add3A_1170 = arith.addf %add3A_1164, %add3A_1169 : vector<16xf32>
    %swap3A_1171 = arith.constant 448 : index
    %swap3A_1172 = tpu.vector_load %arg9[%swap3A_1171] {strides = array<i32>} : memref<1536xf32, #tpu.memory_space<vmem>>, vector<16xf32>,
    tpu.vector_store %arg9[%swap3A_1171], %add3A_1170 {strides = array<i32>} : memref<1536xf32, #tpu.memory_space<vmem>>, vector<16xf32>,
    %get3A_1173 = arith.constant 464 : index
    %get3A_1174 = tpu.vector_load %arg9[%get3A_1173] {strides = array<i32>} : memref<1536xf32, #tpu.memory_space<vmem>>, vector<16xf32>,
    %get3A_1175 = arith.constant 464 : index
    %get3A_1176 = tpu.vector_load %arg10[%get3A_1175] {strides = array<i32>} : memref<1536xf32, #tpu.memory_space<vmem>>, vector<16xf32>,
    %add3A_1177 = arith.addf %get3A_1174, %get3A_1176 : vector<16xf32>
    %get3A_1178 = arith.constant 464 : index
    %get3A_1179 = tpu.vector_load %arg11[%get3A_1178] {strides = array<i32>} : memref<1536xf32, #tpu.memory_space<vmem>>, vector<16xf32>,
    %get3A_1180 = arith.constant 464 : index
    %get3A_1181 = tpu.vector_load %arg12[%get3A_1180] {strides = array<i32>} : memref<1536xf32, #tpu.memory_space<vmem>>, vector<16xf32>,
    %add3A_1182 = arith.addf %get3A_1179, %get3A_1181 : vector<16xf32>
    %add3A_1183 = arith.addf %add3A_1177, %add3A_1182 : vector<16xf32>
    %swap3A_1184 = arith.constant 464 : index
    %swap3A_1185 = tpu.vector_load %arg9[%swap3A_1184] {strides = array<i32>} : memref<1536xf32, #tpu.memory_space<vmem>>, vector<16xf32>,
    tpu.vector_store %arg9[%swap3A_1184], %add3A_1183 {strides = array<i32>} : memref<1536xf32, #tpu.memory_space<vmem>>, vector<16xf32>,
    %get3A_1186 = arith.constant 480 : index
    %get3A_1187 = tpu.vector_load %arg9[%get3A_1186] {strides = array<i32>} : memref<1536xf32, #tpu.memory_space<vmem>>, vector<16xf32>,
    %get3A_1188 = arith.constant 480 : index
    %get3A_1189 = tpu.vector_load %arg10[%get3A_1188] {strides = array<i32>} : memref<1536xf32, #tpu.memory_space<vmem>>, vector<16xf32>,
    %add3A_1190 = arith.addf %get3A_1187, %get3A_1189 : vector<16xf32>
    %get3A_1191 = arith.constant 480 : index
    %get3A_1192 = tpu.vector_load %arg11[%get3A_1191] {strides = array<i32>} : memref<1536xf32, #tpu.memory_space<vmem>>, vector<16xf32>,
    %get3A_1193 = arith.constant 480 : index
    %get3A_1194 = tpu.vector_load %arg12[%get3A_1193] {strides = array<i32>} : memref<1536xf32, #tpu.memory_space<vmem>>, vector<16xf32>,
    %add3A_1195 = arith.addf %get3A_1192, %get3A_1194 : vector<16xf32>
    %add3A_1196 = arith.addf %add3A_1190, %add3A_1195 : vector<16xf32>
    %swap3A_1197 = arith.constant 480 : index
    %swap3A_1198 = tpu.vector_load %arg9[%swap3A_1197] {strides = array<i32>} : memref<1536xf32, #tpu.memory_space<vmem>>, vector<16xf32>,
    tpu.vector_store %arg9[%swap3A_1197], %add3A_1196 {strides = array<i32>} : memref<1536xf32, #tpu.memory_space<vmem>>, vector<16xf32>,
    %get3A_1199 = arith.constant 496 : index
    %get3A_1200 = tpu.vector_load %arg9[%get3A_1199] {strides = array<i32>} : memref<1536xf32, #tpu.memory_space<vmem>>, vector<16xf32>,
    %get3A_1201 = arith.constant 496 : index
    %get3A_1202 = tpu.vector_load %arg10[%get3A_1201] {strides = array<i32>} : memref<1536xf32, #tpu.memory_space<vmem>>, vector<16xf32>,
    %add3A_1203 = arith.addf %get3A_1200, %get3A_1202 : vector<16xf32>
    %get3A_1204 = arith.constant 496 : index
    %get3A_1205 = tpu.vector_load %arg11[%get3A_1204] {strides = array<i32>} : memref<1536xf32, #tpu.memory_space<vmem>>, vector<16xf32>,
    %get3A_1206 = arith.constant 496 : index
    %get3A_1207 = tpu.vector_load %arg12[%get3A_1206] {strides = array<i32>} : memref<1536xf32, #tpu.memory_space<vmem>>, vector<16xf32>,
    %add3A_1208 = arith.addf %get3A_1205, %get3A_1207 : vector<16xf32>
    %add3A_1209 = arith.addf %add3A_1203, %add3A_1208 : vector<16xf32>
    %swap3A_1210 = arith.constant 496 : index
    %swap3A_1211 = tpu.vector_load %arg9[%swap3A_1210] {strides = array<i32>} : memref<1536xf32, #tpu.memory_space<vmem>>, vector<16xf32>,
    tpu.vector_store %arg9[%swap3A_1210], %add3A_1209 {strides = array<i32>} : memref<1536xf32, #tpu.memory_space<vmem>>, vector<16xf32>,
    %get3A_1212 = arith.constant 512 : index
    %get3A_1213 = tpu.vector_load %arg9[%get3A_1212] {strides = array<i32>} : memref<1536xf32, #tpu.memory_space<vmem>>, vector<16xf32>,
    %get3A_1214 = arith.constant 512 : index
    %get3A_1215 = tpu.vector_load %arg10[%get3A_1214] {strides = array<i32>} : memref<1536xf32, #tpu.memory_space<vmem>>, vector<16xf32>,
    %add3A_1216 = arith.addf %get3A_1213, %get3A_1215 : vector<16xf32>
    %get3A_1217 = arith.constant 512 : index
    %get3A_1218 = tpu.vector_load %arg11[%get3A_1217] {strides = array<i32>} : memref<1536xf32, #tpu.memory_space<vmem>>, vector<16xf32>,
    %get3A_1219 = arith.constant 512 : index
    %get3A_1220 = tpu.vector_load %arg12[%get3A_1219] {strides = array<i32>} : memref<1536xf32, #tpu.memory_space<vmem>>, vector<16xf32>,
    %add3A_1221 = arith.addf %get3A_1218, %get3A_1220 : vector<16xf32>
    %add3A_1222 = arith.addf %add3A_1216, %add3A_1221 : vector<16xf32>
    %swap3A_1223 = arith.constant 512 : index
    %swap3A_1224 = tpu.vector_load %arg9[%swap3A_1223] {strides = array<i32>} : memref<1536xf32, #tpu.memory_space<vmem>>, vector<16xf32>,
    tpu.vector_store %arg9[%swap3A_1223], %add3A_1222 {strides = array<i32>} : memref<1536xf32, #tpu.memory_space<vmem>>, vector<16xf32>,
    %get3A_1225 = arith.constant 528 : index
    %get3A_1226 = tpu.vector_load %arg9[%get3A_1225] {strides = array<i32>} : memref<1536xf32, #tpu.memory_space<vmem>>, vector<16xf32>,
    %get3A_1227 = arith.constant 528 : index
    %get3A_1228 = tpu.vector_load %arg10[%get3A_1227] {strides = array<i32>} : memref<1536xf32, #tpu.memory_space<vmem>>, vector<16xf32>,
    %add3A_1229 = arith.addf %get3A_1226, %get3A_1228 : vector<16xf32>
    %get3A_1230 = arith.constant 528 : index
    %get3A_1231 = tpu.vector_load %arg11[%get3A_1230] {strides = array<i32>} : memref<1536xf32, #tpu.memory_space<vmem>>, vector<16xf32>,
    %get3A_1232 = arith.constant 528 : index
    %get3A_1233 = tpu.vector_load %arg12[%get3A_1232] {strides = array<i32>} : memref<1536xf32, #tpu.memory_space<vmem>>, vector<16xf32>,
    %add3A_1234 = arith.addf %get3A_1231, %get3A_1233 : vector<16xf32>
    %add3A_1235 = arith.addf %add3A_1229, %add3A_1234 : vector<16xf32>
    %swap3A_1236 = arith.constant 528 : index
    %swap3A_1237 = tpu.vector_load %arg9[%swap3A_1236] {strides = array<i32>} : memref<1536xf32, #tpu.memory_space<vmem>>, vector<16xf32>,
    tpu.vector_store %arg9[%swap3A_1236], %add3A_1235 {strides = array<i32>} : memref<1536xf32, #tpu.memory_space<vmem>>, vector<16xf32>,
    %get3A_1238 = arith.constant 544 : index
    %get3A_1239 = tpu.vector_load %arg9[%get3A_1238] {strides = array<i32>} : memref<1536xf32, #tpu.memory_space<vmem>>, vector<16xf32>,
    %get3A_1240 = arith.constant 544 : index
    %get3A_1241 = tpu.vector_load %arg10[%get3A_1240] {strides = array<i32>} : memref<1536xf32, #tpu.memory_space<vmem>>, vector<16xf32>,
    %add3A_1242 = arith.addf %get3A_1239, %get3A_1241 : vector<16xf32>
    %get3A_1243 = arith.constant 544 : index
    %get3A_1244 = tpu.vector_load %arg11[%get3A_1243] {strides = array<i32>} : memref<1536xf32, #tpu.memory_space<vmem>>, vector<16xf32>,
    %get3A_1245 = arith.constant 544 : index
    %get3A_1246 = tpu.vector_load %arg12[%get3A_1245] {strides = array<i32>} : memref<1536xf32, #tpu.memory_space<vmem>>, vector<16xf32>,
    %add3A_1247 = arith.addf %get3A_1244, %get3A_1246 : vector<16xf32>
    %add3A_1248 = arith.addf %add3A_1242, %add3A_1247 : vector<16xf32>
    %swap3A_1249 = arith.constant 544 : index
    %swap3A_1250 = tpu.vector_load %arg9[%swap3A_1249] {strides = array<i32>} : memref<1536xf32, #tpu.memory_space<vmem>>, vector<16xf32>,
    tpu.vector_store %arg9[%swap3A_1249], %add3A_1248 {strides = array<i32>} : memref<1536xf32, #tpu.memory_space<vmem>>, vector<16xf32>,
    %get3A_1251 = arith.constant 560 : index
    %get3A_1252 = tpu.vector_load %arg9[%get3A_1251] {strides = array<i32>} : memref<1536xf32, #tpu.memory_space<vmem>>, vector<16xf32>,
    %get3A_1253 = arith.constant 560 : index
    %get3A_1254 = tpu.vector_load %arg10[%get3A_1253] {strides = array<i32>} : memref<1536xf32, #tpu.memory_space<vmem>>, vector<16xf32>,
    %add3A_1255 = arith.addf %get3A_1252, %get3A_1254 : vector<16xf32>
    %get3A_1256 = arith.constant 560 : index
    %get3A_1257 = tpu.vector_load %arg11[%get3A_1256] {strides = array<i32>} : memref<1536xf32, #tpu.memory_space<vmem>>, vector<16xf32>,
    %get3A_1258 = arith.constant 560 : index
    %get3A_1259 = tpu.vector_load %arg12[%get3A_1258] {strides = array<i32>} : memref<1536xf32, #tpu.memory_space<vmem>>, vector<16xf32>,
    %add3A_1260 = arith.addf %get3A_1257, %get3A_1259 : vector<16xf32>
    %add3A_1261 = arith.addf %add3A_1255, %add3A_1260 : vector<16xf32>
    %swap3A_1262 = arith.constant 560 : index
    %swap3A_1263 = tpu.vector_load %arg9[%swap3A_1262] {strides = array<i32>} : memref<1536xf32, #tpu.memory_space<vmem>>, vector<16xf32>,
    tpu.vector_store %arg9[%swap3A_1262], %add3A_1261 {strides = array<i32>} : memref<1536xf32, #tpu.memory_space<vmem>>, vector<16xf32>,
    %get3A_1264 = arith.constant 576 : index
    %get3A_1265 = tpu.vector_load %arg9[%get3A_1264] {strides = array<i32>} : memref<1536xf32, #tpu.memory_space<vmem>>, vector<16xf32>,
    %get3A_1266 = arith.constant 576 : index
    %get3A_1267 = tpu.vector_load %arg10[%get3A_1266] {strides = array<i32>} : memref<1536xf32, #tpu.memory_space<vmem>>, vector<16xf32>,
    %add3A_1268 = arith.addf %get3A_1265, %get3A_1267 : vector<16xf32>
    %get3A_1269 = arith.constant 576 : index
    %get3A_1270 = tpu.vector_load %arg11[%get3A_1269] {strides = array<i32>} : memref<1536xf32, #tpu.memory_space<vmem>>, vector<16xf32>,
    %get3A_1271 = arith.constant 576 : index
    %get3A_1272 = tpu.vector_load %arg12[%get3A_1271] {strides = array<i32>} : memref<1536xf32, #tpu.memory_space<vmem>>, vector<16xf32>,
    %add3A_1273 = arith.addf %get3A_1270, %get3A_1272 : vector<16xf32>
    %add3A_1274 = arith.addf %add3A_1268, %add3A_1273 : vector<16xf32>
    %swap3A_1275 = arith.constant 576 : index
    %swap3A_1276 = tpu.vector_load %arg9[%swap3A_1275] {strides = array<i32>} : memref<1536xf32, #tpu.memory_space<vmem>>, vector<16xf32>,
    tpu.vector_store %arg9[%swap3A_1275], %add3A_1274 {strides = array<i32>} : memref<1536xf32, #tpu.memory_space<vmem>>, vector<16xf32>,
    %get3A_1277 = arith.constant 592 : index
    %get3A_1278 = tpu.vector_load %arg9[%get3A_1277] {strides = array<i32>} : memref<1536xf32, #tpu.memory_space<vmem>>, vector<16xf32>,
    %get3A_1279 = arith.constant 592 : index
    %get3A_1280 = tpu.vector_load %arg10[%get3A_1279] {strides = array<i32>} : memref<1536xf32, #tpu.memory_space<vmem>>, vector<16xf32>,
    %add3A_1281 = arith.addf %get3A_1278, %get3A_1280 : vector<16xf32>
    %get3A_1282 = arith.constant 592 : index
    %get3A_1283 = tpu.vector_load %arg11[%get3A_1282] {strides = array<i32>} : memref<1536xf32, #tpu.memory_space<vmem>>, vector<16xf32>,
    %get3A_1284 = arith.constant 592 : index
    %get3A_1285 = tpu.vector_load %arg12[%get3A_1284] {strides = array<i32>} : memref<1536xf32, #tpu.memory_space<vmem>>, vector<16xf32>,
    %add3A_1286 = arith.addf %get3A_1283, %get3A_1285 : vector<16xf32>
    %add3A_1287 = arith.addf %add3A_1281, %add3A_1286 : vector<16xf32>
    %swap3A_1288 = arith.constant 592 : index
    %swap3A_1289 = tpu.vector_load %arg9[%swap3A_1288] {strides = array<i32>} : memref<1536xf32, #tpu.memory_space<vmem>>, vector<16xf32>,
    tpu.vector_store %arg9[%swap3A_1288], %add3A_1287 {strides = array<i32>} : memref<1536xf32, #tpu.memory_space<vmem>>, vector<16xf32>,
    %get3A_1290 = arith.constant 608 : index
    %get3A_1291 = tpu.vector_load %arg9[%get3A_1290] {strides = array<i32>} : memref<1536xf32, #tpu.memory_space<vmem>>, vector<16xf32>,
    %get3A_1292 = arith.constant 608 : index
    %get3A_1293 = tpu.vector_load %arg10[%get3A_1292] {strides = array<i32>} : memref<1536xf32, #tpu.memory_space<vmem>>, vector<16xf32>,
    %add3A_1294 = arith.addf %get3A_1291, %get3A_1293 : vector<16xf32>
    %get3A_1295 = arith.constant 608 : index
    %get3A_1296 = tpu.vector_load %arg11[%get3A_1295] {strides = array<i32>} : memref<1536xf32, #tpu.memory_space<vmem>>, vector<16xf32>,
    %get3A_1297 = arith.constant 608 : index
    %get3A_1298 = tpu.vector_load %arg12[%get3A_1297] {strides = array<i32>} : memref<1536xf32, #tpu.memory_space<vmem>>, vector<16xf32>,
    %add3A_1299 = arith.addf %get3A_1296, %get3A_1298 : vector<16xf32>
    %add3A_1300 = arith.addf %add3A_1294, %add3A_1299 : vector<16xf32>
    %swap3A_1301 = arith.constant 608 : index
    %swap3A_1302 = tpu.vector_load %arg9[%swap3A_1301] {strides = array<i32>} : memref<1536xf32, #tpu.memory_space<vmem>>, vector<16xf32>,
    tpu.vector_store %arg9[%swap3A_1301], %add3A_1300 {strides = array<i32>} : memref<1536xf32, #tpu.memory_space<vmem>>, vector<16xf32>,
    %get3A_1303 = arith.constant 624 : index
    %get3A_1304 = tpu.vector_load %arg9[%get3A_1303] {strides = array<i32>} : memref<1536xf32, #tpu.memory_space<vmem>>, vector<16xf32>,
    %get3A_1305 = arith.constant 624 : index
    %get3A_1306 = tpu.vector_load %arg10[%get3A_1305] {strides = array<i32>} : memref<1536xf32, #tpu.memory_space<vmem>>, vector<16xf32>,
    %add3A_1307 = arith.addf %get3A_1304, %get3A_1306 : vector<16xf32>
    %get3A_1308 = arith.constant 624 : index
    %get3A_1309 = tpu.vector_load %arg11[%get3A_1308] {strides = array<i32>} : memref<1536xf32, #tpu.memory_space<vmem>>, vector<16xf32>,
    %get3A_1310 = arith.constant 624 : index
    %get3A_1311 = tpu.vector_load %arg12[%get3A_1310] {strides = array<i32>} : memref<1536xf32, #tpu.memory_space<vmem>>, vector<16xf32>,
    %add3A_1312 = arith.addf %get3A_1309, %get3A_1311 : vector<16xf32>
    %add3A_1313 = arith.addf %add3A_1307, %add3A_1312 : vector<16xf32>
    %swap3A_1314 = arith.constant 624 : index
    %swap3A_1315 = tpu.vector_load %arg9[%swap3A_1314] {strides = array<i32>} : memref<1536xf32, #tpu.memory_space<vmem>>, vector<16xf32>,
    tpu.vector_store %arg9[%swap3A_1314], %add3A_1313 {strides = array<i32>} : memref<1536xf32, #tpu.memory_space<vmem>>, vector<16xf32>,
    %get3A_1316 = arith.constant 640 : index
    %get3A_1317 = tpu.vector_load %arg9[%get3A_1316] {strides = array<i32>} : memref<1536xf32, #tpu.memory_space<vmem>>, vector<16xf32>,
    %get3A_1318 = arith.constant 640 : index
    %get3A_1319 = tpu.vector_load %arg10[%get3A_1318] {strides = array<i32>} : memref<1536xf32, #tpu.memory_space<vmem>>, vector<16xf32>,
    %add3A_1320 = arith.addf %get3A_1317, %get3A_1319 : vector<16xf32>
    %get3A_1321 = arith.constant 640 : index
    %get3A_1322 = tpu.vector_load %arg11[%get3A_1321] {strides = array<i32>} : memref<1536xf32, #tpu.memory_space<vmem>>, vector<16xf32>,
    %get3A_1323 = arith.constant 640 : index
    %get3A_1324 = tpu.vector_load %arg12[%get3A_1323] {strides = array<i32>} : memref<1536xf32, #tpu.memory_space<vmem>>, vector<16xf32>,
    %add3A_1325 = arith.addf %get3A_1322, %get3A_1324 : vector<16xf32>
    %add3A_1326 = arith.addf %add3A_1320, %add3A_1325 : vector<16xf32>
    %swap3A_1327 = arith.constant 640 : index
    %swap3A_1328 = tpu.vector_load %arg9[%swap3A_1327] {strides = array<i32>} : memref<1536xf32, #tpu.memory_space<vmem>>, vector<16xf32>,
    tpu.vector_store %arg9[%swap3A_1327], %add3A_1326 {strides = array<i32>} : memref<1536xf32, #tpu.memory_space<vmem>>, vector<16xf32>,
    %get3A_1329 = arith.constant 656 : index
    %get3A_1330 = tpu.vector_load %arg9[%get3A_1329] {strides = array<i32>} : memref<1536xf32, #tpu.memory_space<vmem>>, vector<16xf32>,
    %get3A_1331 = arith.constant 656 : index
    %get3A_1332 = tpu.vector_load %arg10[%get3A_1331] {strides = array<i32>} : memref<1536xf32, #tpu.memory_space<vmem>>, vector<16xf32>,
    %add3A_1333 = arith.addf %get3A_1330, %get3A_1332 : vector<16xf32>
    %get3A_1334 = arith.constant 656 : index
    %get3A_1335 = tpu.vector_load %arg11[%get3A_1334] {strides = array<i32>} : memref<1536xf32, #tpu.memory_space<vmem>>, vector<16xf32>,
    %get3A_1336 = arith.constant 656 : index
    %get3A_1337 = tpu.vector_load %arg12[%get3A_1336] {strides = array<i32>} : memref<1536xf32, #tpu.memory_space<vmem>>, vector<16xf32>,
    %add3A_1338 = arith.addf %get3A_1335, %get3A_1337 : vector<16xf32>
    %add3A_1339 = arith.addf %add3A_1333, %add3A_1338 : vector<16xf32>
    %swap3A_1340 = arith.constant 656 : index
    %swap3A_1341 = tpu.vector_load %arg9[%swap3A_1340] {strides = array<i32>} : memref<1536xf32, #tpu.memory_space<vmem>>, vector<16xf32>,
    tpu.vector_store %arg9[%swap3A_1340], %add3A_1339 {strides = array<i32>} : memref<1536xf32, #tpu.memory_space<vmem>>, vector<16xf32>,
    %get3A_1342 = arith.constant 672 : index
    %get3A_1343 = tpu.vector_load %arg9[%get3A_1342] {strides = array<i32>} : memref<1536xf32, #tpu.memory_space<vmem>>, vector<16xf32>,
    %get3A_1344 = arith.constant 672 : index
    %get3A_1345 = tpu.vector_load %arg10[%get3A_1344] {strides = array<i32>} : memref<1536xf32, #tpu.memory_space<vmem>>, vector<16xf32>,
    %add3A_1346 = arith.addf %get3A_1343, %get3A_1345 : vector<16xf32>
    %get3A_1347 = arith.constant 672 : index
    %get3A_1348 = tpu.vector_load %arg11[%get3A_1347] {strides = array<i32>} : memref<1536xf32, #tpu.memory_space<vmem>>, vector<16xf32>,
    %get3A_1349 = arith.constant 672 : index
    %get3A_1350 = tpu.vector_load %arg12[%get3A_1349] {strides = array<i32>} : memref<1536xf32, #tpu.memory_space<vmem>>, vector<16xf32>,
    %add3A_1351 = arith.addf %get3A_1348, %get3A_1350 : vector<16xf32>
    %add3A_1352 = arith.addf %add3A_1346, %add3A_1351 : vector<16xf32>
    %swap3A_1353 = arith.constant 672 : index
    %swap3A_1354 = tpu.vector_load %arg9[%swap3A_1353] {strides = array<i32>} : memref<1536xf32, #tpu.memory_space<vmem>>, vector<16xf32>,
    tpu.vector_store %arg9[%swap3A_1353], %add3A_1352 {strides = array<i32>} : memref<1536xf32, #tpu.memory_space<vmem>>, vector<16xf32>,
    %get3A_1355 = arith.constant 688 : index
    %get3A_1356 = tpu.vector_load %arg9[%get3A_1355] {strides = array<i32>} : memref<1536xf32, #tpu.memory_space<vmem>>, vector<16xf32>,
    %get3A_1357 = arith.constant 688 : index
    %get3A_1358 = tpu.vector_load %arg10[%get3A_1357] {strides = array<i32>} : memref<1536xf32, #tpu.memory_space<vmem>>, vector<16xf32>,
    %add3A_1359 = arith.addf %get3A_1356, %get3A_1358 : vector<16xf32>
    %get3A_1360 = arith.constant 688 : index
    %get3A_1361 = tpu.vector_load %arg11[%get3A_1360] {strides = array<i32>} : memref<1536xf32, #tpu.memory_space<vmem>>, vector<16xf32>,
    %get3A_1362 = arith.constant 688 : index
    %get3A_1363 = tpu.vector_load %arg12[%get3A_1362] {strides = array<i32>} : memref<1536xf32, #tpu.memory_space<vmem>>, vector<16xf32>,
    %add3A_1364 = arith.addf %get3A_1361, %get3A_1363 : vector<16xf32>
    %add3A_1365 = arith.addf %add3A_1359, %add3A_1364 : vector<16xf32>
    %swap3A_1366 = arith.constant 688 : index
    %swap3A_1367 = tpu.vector_load %arg9[%swap3A_1366] {strides = array<i32>} : memref<1536xf32, #tpu.memory_space<vmem>>, vector<16xf32>,
    tpu.vector_store %arg9[%swap3A_1366], %add3A_1365 {strides = array<i32>} : memref<1536xf32, #tpu.memory_space<vmem>>, vector<16xf32>,
    %get3A_1368 = arith.constant 704 : index
    %get3A_1369 = tpu.vector_load %arg9[%get3A_1368] {strides = array<i32>} : memref<1536xf32, #tpu.memory_space<vmem>>, vector<16xf32>,
    %get3A_1370 = arith.constant 704 : index
    %get3A_1371 = tpu.vector_load %arg10[%get3A_1370] {strides = array<i32>} : memref<1536xf32, #tpu.memory_space<vmem>>, vector<16xf32>,
    %add3A_1372 = arith.addf %get3A_1369, %get3A_1371 : vector<16xf32>
    %get3A_1373 = arith.constant 704 : index
    %get3A_1374 = tpu.vector_load %arg11[%get3A_1373] {strides = array<i32>} : memref<1536xf32, #tpu.memory_space<vmem>>, vector<16xf32>,
    %get3A_1375 = arith.constant 704 : index
    %get3A_1376 = tpu.vector_load %arg12[%get3A_1375] {strides = array<i32>} : memref<1536xf32, #tpu.memory_space<vmem>>, vector<16xf32>,
    %add3A_1377 = arith.addf %get3A_1374, %get3A_1376 : vector<16xf32>
    %add3A_1378 = arith.addf %add3A_1372, %add3A_1377 : vector<16xf32>
    %swap3A_1379 = arith.constant 704 : index
    %swap3A_1380 = tpu.vector_load %arg9[%swap3A_1379] {strides = array<i32>} : memref<1536xf32, #tpu.memory_space<vmem>>, vector<16xf32>,
    tpu.vector_store %arg9[%swap3A_1379], %add3A_1378 {strides = array<i32>} : memref<1536xf32, #tpu.memory_space<vmem>>, vector<16xf32>,
    %get3A_1381 = arith.constant 720 : index
    %get3A_1382 = tpu.vector_load %arg9[%get3A_1381] {strides = array<i32>} : memref<1536xf32, #tpu.memory_space<vmem>>, vector<16xf32>,
    %get3A_1383 = arith.constant 720 : index
    %get3A_1384 = tpu.vector_load %arg10[%get3A_1383] {strides = array<i32>} : memref<1536xf32, #tpu.memory_space<vmem>>, vector<16xf32>,
    %add3A_1385 = arith.addf %get3A_1382, %get3A_1384 : vector<16xf32>
    %get3A_1386 = arith.constant 720 : index
    %get3A_1387 = tpu.vector_load %arg11[%get3A_1386] {strides = array<i32>} : memref<1536xf32, #tpu.memory_space<vmem>>, vector<16xf32>,
    %get3A_1388 = arith.constant 720 : index
    %get3A_1389 = tpu.vector_load %arg12[%get3A_1388] {strides = array<i32>} : memref<1536xf32, #tpu.memory_space<vmem>>, vector<16xf32>,
    %add3A_1390 = arith.addf %get3A_1387, %get3A_1389 : vector<16xf32>
    %add3A_1391 = arith.addf %add3A_1385, %add3A_1390 : vector<16xf32>
    %swap3A_1392 = arith.constant 720 : index
    %swap3A_1393 = tpu.vector_load %arg9[%swap3A_1392] {strides = array<i32>} : memref<1536xf32, #tpu.memory_space<vmem>>, vector<16xf32>,
    tpu.vector_store %arg9[%swap3A_1392], %add3A_1391 {strides = array<i32>} : memref<1536xf32, #tpu.memory_space<vmem>>, vector<16xf32>,
    %get3A_1394 = arith.constant 736 : index
    %get3A_1395 = tpu.vector_load %arg9[%get3A_1394] {strides = array<i32>} : memref<1536xf32, #tpu.memory_space<vmem>>, vector<16xf32>,
    %get3A_1396 = arith.constant 736 : index
    %get3A_1397 = tpu.vector_load %arg10[%get3A_1396] {strides = array<i32>} : memref<1536xf32, #tpu.memory_space<vmem>>, vector<16xf32>,
    %add3A_1398 = arith.addf %get3A_1395, %get3A_1397 : vector<16xf32>
    %get3A_1399 = arith.constant 736 : index
    %get3A_1400 = tpu.vector_load %arg11[%get3A_1399] {strides = array<i32>} : memref<1536xf32, #tpu.memory_space<vmem>>, vector<16xf32>,
    %get3A_1401 = arith.constant 736 : index
    %get3A_1402 = tpu.vector_load %arg12[%get3A_1401] {strides = array<i32>} : memref<1536xf32, #tpu.memory_space<vmem>>, vector<16xf32>,
    %add3A_1403 = arith.addf %get3A_1400, %get3A_1402 : vector<16xf32>
    %add3A_1404 = arith.addf %add3A_1398, %add3A_1403 : vector<16xf32>
    %swap3A_1405 = arith.constant 736 : index
    %swap3A_1406 = tpu.vector_load %arg9[%swap3A_1405] {strides = array<i32>} : memref<1536xf32, #tpu.memory_space<vmem>>, vector<16xf32>,
    tpu.vector_store %arg9[%swap3A_1405], %add3A_1404 {strides = array<i32>} : memref<1536xf32, #tpu.memory_space<vmem>>, vector<16xf32>,
    %get3A_1407 = arith.constant 752 : index
    %get3A_1408 = tpu.vector_load %arg9[%get3A_1407] {strides = array<i32>} : memref<1536xf32, #tpu.memory_space<vmem>>, vector<16xf32>,
    %get3A_1409 = arith.constant 752 : index
    %get3A_1410 = tpu.vector_load %arg10[%get3A_1409] {strides = array<i32>} : memref<1536xf32, #tpu.memory_space<vmem>>, vector<16xf32>,
    %add3A_1411 = arith.addf %get3A_1408, %get3A_1410 : vector<16xf32>
    %get3A_1412 = arith.constant 752 : index
    %get3A_1413 = tpu.vector_load %arg11[%get3A_1412] {strides = array<i32>} : memref<1536xf32, #tpu.memory_space<vmem>>, vector<16xf32>,
    %get3A_1414 = arith.constant 752 : index
    %get3A_1415 = tpu.vector_load %arg12[%get3A_1414] {strides = array<i32>} : memref<1536xf32, #tpu.memory_space<vmem>>, vector<16xf32>,
    %add3A_1416 = arith.addf %get3A_1413, %get3A_1415 : vector<16xf32>
    %add3A_1417 = arith.addf %add3A_1411, %add3A_1416 : vector<16xf32>
    %swap3A_1418 = arith.constant 752 : index
    %swap3A_1419 = tpu.vector_load %arg9[%swap3A_1418] {strides = array<i32>} : memref<1536xf32, #tpu.memory_space<vmem>>, vector<16xf32>,
    tpu.vector_store %arg9[%swap3A_1418], %add3A_1417 {strides = array<i32>} : memref<1536xf32, #tpu.memory_space<vmem>>, vector<16xf32>,
    %get3A_1420 = arith.constant 768 : index
    %get3A_1421 = tpu.vector_load %arg9[%get3A_1420] {strides = array<i32>} : memref<1536xf32, #tpu.memory_space<vmem>>, vector<16xf32>,
    %get3A_1422 = arith.constant 768 : index
    %get3A_1423 = tpu.vector_load %arg10[%get3A_1422] {strides = array<i32>} : memref<1536xf32, #tpu.memory_space<vmem>>, vector<16xf32>,
    %add3A_1424 = arith.addf %get3A_1421, %get3A_1423 : vector<16xf32>
    %get3A_1425 = arith.constant 768 : index
    %get3A_1426 = tpu.vector_load %arg11[%get3A_1425] {strides = array<i32>} : memref<1536xf32, #tpu.memory_space<vmem>>, vector<16xf32>,
    %get3A_1427 = arith.constant 768 : index
    %get3A_1428 = tpu.vector_load %arg12[%get3A_1427] {strides = array<i32>} : memref<1536xf32, #tpu.memory_space<vmem>>, vector<16xf32>,
    %add3A_1429 = arith.addf %get3A_1426, %get3A_1428 : vector<16xf32>
    %add3A_1430 = arith.addf %add3A_1424, %add3A_1429 : vector<16xf32>
    %swap3A_1431 = arith.constant 768 : index
    %swap3A_1432 = tpu.vector_load %arg9[%swap3A_1431] {strides = array<i32>} : memref<1536xf32, #tpu.memory_space<vmem>>, vector<16xf32>,
    tpu.vector_store %arg9[%swap3A_1431], %add3A_1430 {strides = array<i32>} : memref<1536xf32, #tpu.memory_space<vmem>>, vector<16xf32>,
    %get3A_1433 = arith.constant 784 : index
    %get3A_1434 = tpu.vector_load %arg9[%get3A_1433] {strides = array<i32>} : memref<1536xf32, #tpu.memory_space<vmem>>, vector<16xf32>,
    %get3A_1435 = arith.constant 784 : index
    %get3A_1436 = tpu.vector_load %arg10[%get3A_1435] {strides = array<i32>} : memref<1536xf32, #tpu.memory_space<vmem>>, vector<16xf32>,
    %add3A_1437 = arith.addf %get3A_1434, %get3A_1436 : vector<16xf32>
    %get3A_1438 = arith.constant 784 : index
    %get3A_1439 = tpu.vector_load %arg11[%get3A_1438] {strides = array<i32>} : memref<1536xf32, #tpu.memory_space<vmem>>, vector<16xf32>,
    %get3A_1440 = arith.constant 784 : index
    %get3A_1441 = tpu.vector_load %arg12[%get3A_1440] {strides = array<i32>} : memref<1536xf32, #tpu.memory_space<vmem>>, vector<16xf32>,
    %add3A_1442 = arith.addf %get3A_1439, %get3A_1441 : vector<16xf32>
    %add3A_1443 = arith.addf %add3A_1437, %add3A_1442 : vector<16xf32>
    %swap3A_1444 = arith.constant 784 : index
    %swap3A_1445 = tpu.vector_load %arg9[%swap3A_1444] {strides = array<i32>} : memref<1536xf32, #tpu.memory_space<vmem>>, vector<16xf32>,
    tpu.vector_store %arg9[%swap3A_1444], %add3A_1443 {strides = array<i32>} : memref<1536xf32, #tpu.memory_space<vmem>>, vector<16xf32>,
    %get3A_1446 = arith.constant 800 : index
    %get3A_1447 = tpu.vector_load %arg9[%get3A_1446] {strides = array<i32>} : memref<1536xf32, #tpu.memory_space<vmem>>, vector<16xf32>,
    %get3A_1448 = arith.constant 800 : index
    %get3A_1449 = tpu.vector_load %arg10[%get3A_1448] {strides = array<i32>} : memref<1536xf32, #tpu.memory_space<vmem>>, vector<16xf32>,
    %add3A_1450 = arith.addf %get3A_1447, %get3A_1449 : vector<16xf32>
    %get3A_1451 = arith.constant 800 : index
    %get3A_1452 = tpu.vector_load %arg11[%get3A_1451] {strides = array<i32>} : memref<1536xf32, #tpu.memory_space<vmem>>, vector<16xf32>,
    %get3A_1453 = arith.constant 800 : index
    %get3A_1454 = tpu.vector_load %arg12[%get3A_1453] {strides = array<i32>} : memref<1536xf32, #tpu.memory_space<vmem>>, vector<16xf32>,
    %add3A_1455 = arith.addf %get3A_1452, %get3A_1454 : vector<16xf32>
    %add3A_1456 = arith.addf %add3A_1450, %add3A_1455 : vector<16xf32>
    %swap3A_1457 = arith.constant 800 : index
    %swap3A_1458 = tpu.vector_load %arg9[%swap3A_1457] {strides = array<i32>} : memref<1536xf32, #tpu.memory_space<vmem>>, vector<16xf32>,
    tpu.vector_store %arg9[%swap3A_1457], %add3A_1456 {strides = array<i32>} : memref<1536xf32, #tpu.memory_space<vmem>>, vector<16xf32>,
    %get3A_1459 = arith.constant 816 : index
    %get3A_1460 = tpu.vector_load %arg9[%get3A_1459] {strides = array<i32>} : memref<1536xf32, #tpu.memory_space<vmem>>, vector<16xf32>,
    %get3A_1461 = arith.constant 816 : index
    %get3A_1462 = tpu.vector_load %arg10[%get3A_1461] {strides = array<i32>} : memref<1536xf32, #tpu.memory_space<vmem>>, vector<16xf32>,
    %add3A_1463 = arith.addf %get3A_1460, %get3A_1462 : vector<16xf32>
    %get3A_1464 = arith.constant 816 : index
    %get3A_1465 = tpu.vector_load %arg11[%get3A_1464] {strides = array<i32>} : memref<1536xf32, #tpu.memory_space<vmem>>, vector<16xf32>,
    %get3A_1466 = arith.constant 816 : index
    %get3A_1467 = tpu.vector_load %arg12[%get3A_1466] {strides = array<i32>} : memref<1536xf32, #tpu.memory_space<vmem>>, vector<16xf32>,
    %add3A_1468 = arith.addf %get3A_1465, %get3A_1467 : vector<16xf32>
    %add3A_1469 = arith.addf %add3A_1463, %add3A_1468 : vector<16xf32>
    %swap3A_1470 = arith.constant 816 : index
    %swap3A_1471 = tpu.vector_load %arg9[%swap3A_1470] {strides = array<i32>} : memref<1536xf32, #tpu.memory_space<vmem>>, vector<16xf32>,
    tpu.vector_store %arg9[%swap3A_1470], %add3A_1469 {strides = array<i32>} : memref<1536xf32, #tpu.memory_space<vmem>>, vector<16xf32>,
    %get3A_1472 = arith.constant 832 : index
    %get3A_1473 = tpu.vector_load %arg9[%get3A_1472] {strides = array<i32>} : memref<1536xf32, #tpu.memory_space<vmem>>, vector<16xf32>,
    %get3A_1474 = arith.constant 832 : index
    %get3A_1475 = tpu.vector_load %arg10[%get3A_1474] {strides = array<i32>} : memref<1536xf32, #tpu.memory_space<vmem>>, vector<16xf32>,
    %add3A_1476 = arith.addf %get3A_1473, %get3A_1475 : vector<16xf32>
    %get3A_1477 = arith.constant 832 : index
    %get3A_1478 = tpu.vector_load %arg11[%get3A_1477] {strides = array<i32>} : memref<1536xf32, #tpu.memory_space<vmem>>, vector<16xf32>,
    %get3A_1479 = arith.constant 832 : index
    %get3A_1480 = tpu.vector_load %arg12[%get3A_1479] {strides = array<i32>} : memref<1536xf32, #tpu.memory_space<vmem>>, vector<16xf32>,
    %add3A_1481 = arith.addf %get3A_1478, %get3A_1480 : vector<16xf32>
    %add3A_1482 = arith.addf %add3A_1476, %add3A_1481 : vector<16xf32>
    %swap3A_1483 = arith.constant 832 : index
    %swap3A_1484 = tpu.vector_load %arg9[%swap3A_1483] {strides = array<i32>} : memref<1536xf32, #tpu.memory_space<vmem>>, vector<16xf32>,
    tpu.vector_store %arg9[%swap3A_1483], %add3A_1482 {strides = array<i32>} : memref<1536xf32, #tpu.memory_space<vmem>>, vector<16xf32>,
    %get3A_1485 = arith.constant 848 : index
    %get3A_1486 = tpu.vector_load %arg9[%get3A_1485] {strides = array<i32>} : memref<1536xf32, #tpu.memory_space<vmem>>, vector<16xf32>,
    %get3A_1487 = arith.constant 848 : index
    %get3A_1488 = tpu.vector_load %arg10[%get3A_1487] {strides = array<i32>} : memref<1536xf32, #tpu.memory_space<vmem>>, vector<16xf32>,
    %add3A_1489 = arith.addf %get3A_1486, %get3A_1488 : vector<16xf32>
    %get3A_1490 = arith.constant 848 : index
    %get3A_1491 = tpu.vector_load %arg11[%get3A_1490] {strides = array<i32>} : memref<1536xf32, #tpu.memory_space<vmem>>, vector<16xf32>,
    %get3A_1492 = arith.constant 848 : index
    %get3A_1493 = tpu.vector_load %arg12[%get3A_1492] {strides = array<i32>} : memref<1536xf32, #tpu.memory_space<vmem>>, vector<16xf32>,
    %add3A_1494 = arith.addf %get3A_1491, %get3A_1493 : vector<16xf32>
    %add3A_1495 = arith.addf %add3A_1489, %add3A_1494 : vector<16xf32>
    %swap3A_1496 = arith.constant 848 : index
    %swap3A_1497 = tpu.vector_load %arg9[%swap3A_1496] {strides = array<i32>} : memref<1536xf32, #tpu.memory_space<vmem>>, vector<16xf32>,
    tpu.vector_store %arg9[%swap3A_1496], %add3A_1495 {strides = array<i32>} : memref<1536xf32, #tpu.memory_space<vmem>>, vector<16xf32>,
    %get3A_1498 = arith.constant 864 : index
    %get3A_1499 = tpu.vector_load %arg9[%get3A_1498] {strides = array<i32>} : memref<1536xf32, #tpu.memory_space<vmem>>, vector<16xf32>,
    %get3A_1500 = arith.constant 864 : index
    %get3A_1501 = tpu.vector_load %arg10[%get3A_1500] {strides = array<i32>} : memref<1536xf32, #tpu.memory_space<vmem>>, vector<16xf32>,
    %add3A_1502 = arith.addf %get3A_1499, %get3A_1501 : vector<16xf32>
    %get3A_1503 = arith.constant 864 : index
    %get3A_1504 = tpu.vector_load %arg11[%get3A_1503] {strides = array<i32>} : memref<1536xf32, #tpu.memory_space<vmem>>, vector<16xf32>,
    %get3A_1505 = arith.constant 864 : index
    %get3A_1506 = tpu.vector_load %arg12[%get3A_1505] {strides = array<i32>} : memref<1536xf32, #tpu.memory_space<vmem>>, vector<16xf32>,
    %add3A_1507 = arith.addf %get3A_1504, %get3A_1506 : vector<16xf32>
    %add3A_1508 = arith.addf %add3A_1502, %add3A_1507 : vector<16xf32>
    %swap3A_1509 = arith.constant 864 : index
    %swap3A_1510 = tpu.vector_load %arg9[%swap3A_1509] {strides = array<i32>} : memref<1536xf32, #tpu.memory_space<vmem>>, vector<16xf32>,
    tpu.vector_store %arg9[%swap3A_1509], %add3A_1508 {strides = array<i32>} : memref<1536xf32, #tpu.memory_space<vmem>>, vector<16xf32>,
    %get3A_1511 = arith.constant 880 : index
    %get3A_1512 = tpu.vector_load %arg9[%get3A_1511] {strides = array<i32>} : memref<1536xf32, #tpu.memory_space<vmem>>, vector<16xf32>,
    %get3A_1513 = arith.constant 880 : index
    %get3A_1514 = tpu.vector_load %arg10[%get3A_1513] {strides = array<i32>} : memref<1536xf32, #tpu.memory_space<vmem>>, vector<16xf32>,
    %add3A_1515 = arith.addf %get3A_1512, %get3A_1514 : vector<16xf32>
    %get3A_1516 = arith.constant 880 : index
    %get3A_1517 = tpu.vector_load %arg11[%get3A_1516] {strides = array<i32>} : memref<1536xf32, #tpu.memory_space<vmem>>, vector<16xf32>,
    %get3A_1518 = arith.constant 880 : index
    %get3A_1519 = tpu.vector_load %arg12[%get3A_1518] {strides = array<i32>} : memref<1536xf32, #tpu.memory_space<vmem>>, vector<16xf32>,
    %add3A_1520 = arith.addf %get3A_1517, %get3A_1519 : vector<16xf32>
    %add3A_1521 = arith.addf %add3A_1515, %add3A_1520 : vector<16xf32>
    %swap3A_1522 = arith.constant 880 : index
    %swap3A_1523 = tpu.vector_load %arg9[%swap3A_1522] {strides = array<i32>} : memref<1536xf32, #tpu.memory_space<vmem>>, vector<16xf32>,
    tpu.vector_store %arg9[%swap3A_1522], %add3A_1521 {strides = array<i32>} : memref<1536xf32, #tpu.memory_space<vmem>>, vector<16xf32>,
    %get3A_1524 = arith.constant 896 : index
    %get3A_1525 = tpu.vector_load %arg9[%get3A_1524] {strides = array<i32>} : memref<1536xf32, #tpu.memory_space<vmem>>, vector<16xf32>,
    %get3A_1526 = arith.constant 896 : index
    %get3A_1527 = tpu.vector_load %arg10[%get3A_1526] {strides = array<i32>} : memref<1536xf32, #tpu.memory_space<vmem>>, vector<16xf32>,
    %add3A_1528 = arith.addf %get3A_1525, %get3A_1527 : vector<16xf32>
    %get3A_1529 = arith.constant 896 : index
    %get3A_1530 = tpu.vector_load %arg11[%get3A_1529] {strides = array<i32>} : memref<1536xf32, #tpu.memory_space<vmem>>, vector<16xf32>,
    %get3A_1531 = arith.constant 896 : index
    %get3A_1532 = tpu.vector_load %arg12[%get3A_1531] {strides = array<i32>} : memref<1536xf32, #tpu.memory_space<vmem>>, vector<16xf32>,
    %add3A_1533 = arith.addf %get3A_1530, %get3A_1532 : vector<16xf32>
    %add3A_1534 = arith.addf %add3A_1528, %add3A_1533 : vector<16xf32>
    %swap3A_1535 = arith.constant 896 : index
    %swap3A_1536 = tpu.vector_load %arg9[%swap3A_1535] {strides = array<i32>} : memref<1536xf32, #tpu.memory_space<vmem>>, vector<16xf32>,
    tpu.vector_store %arg9[%swap3A_1535], %add3A_1534 {strides = array<i32>} : memref<1536xf32, #tpu.memory_space<vmem>>, vector<16xf32>,
    %get3A_1537 = arith.constant 912 : index
    %get3A_1538 = tpu.vector_load %arg9[%get3A_1537] {strides = array<i32>} : memref<1536xf32, #tpu.memory_space<vmem>>, vector<16xf32>,
    %get3A_1539 = arith.constant 912 : index
    %get3A_1540 = tpu.vector_load %arg10[%get3A_1539] {strides = array<i32>} : memref<1536xf32, #tpu.memory_space<vmem>>, vector<16xf32>,
    %add3A_1541 = arith.addf %get3A_1538, %get3A_1540 : vector<16xf32>
    %get3A_1542 = arith.constant 912 : index
    %get3A_1543 = tpu.vector_load %arg11[%get3A_1542] {strides = array<i32>} : memref<1536xf32, #tpu.memory_space<vmem>>, vector<16xf32>,
    %get3A_1544 = arith.constant 912 : index
    %get3A_1545 = tpu.vector_load %arg12[%get3A_1544] {strides = array<i32>} : memref<1536xf32, #tpu.memory_space<vmem>>, vector<16xf32>,
    %add3A_1546 = arith.addf %get3A_1543, %get3A_1545 : vector<16xf32>
    %add3A_1547 = arith.addf %add3A_1541, %add3A_1546 : vector<16xf32>
    %swap3A_1548 = arith.constant 912 : index
    %swap3A_1549 = tpu.vector_load %arg9[%swap3A_1548] {strides = array<i32>} : memref<1536xf32, #tpu.memory_space<vmem>>, vector<16xf32>,
    tpu.vector_store %arg9[%swap3A_1548], %add3A_1547 {strides = array<i32>} : memref<1536xf32, #tpu.memory_space<vmem>>, vector<16xf32>,
    %get3A_1550 = arith.constant 928 : index
    %get3A_1551 = tpu.vector_load %arg9[%get3A_1550] {strides = array<i32>} : memref<1536xf32, #tpu.memory_space<vmem>>, vector<16xf32>,
    %get3A_1552 = arith.constant 928 : index
    %get3A_1553 = tpu.vector_load %arg10[%get3A_1552] {strides = array<i32>} : memref<1536xf32, #tpu.memory_space<vmem>>, vector<16xf32>,
    %add3A_1554 = arith.addf %get3A_1551, %get3A_1553 : vector<16xf32>
    %get3A_1555 = arith.constant 928 : index
    %get3A_1556 = tpu.vector_load %arg11[%get3A_1555] {strides = array<i32>} : memref<1536xf32, #tpu.memory_space<vmem>>, vector<16xf32>,
    %get3A_1557 = arith.constant 928 : index
    %get3A_1558 = tpu.vector_load %arg12[%get3A_1557] {strides = array<i32>} : memref<1536xf32, #tpu.memory_space<vmem>>, vector<16xf32>,
    %add3A_1559 = arith.addf %get3A_1556, %get3A_1558 : vector<16xf32>
    %add3A_1560 = arith.addf %add3A_1554, %add3A_1559 : vector<16xf32>
    %swap3A_1561 = arith.constant 928 : index
    %swap3A_1562 = tpu.vector_load %arg9[%swap3A_1561] {strides = array<i32>} : memref<1536xf32, #tpu.memory_space<vmem>>, vector<16xf32>,
    tpu.vector_store %arg9[%swap3A_1561], %add3A_1560 {strides = array<i32>} : memref<1536xf32, #tpu.memory_space<vmem>>, vector<16xf32>,
    %get3A_1563 = arith.constant 944 : index
    %get3A_1564 = tpu.vector_load %arg9[%get3A_1563] {strides = array<i32>} : memref<1536xf32, #tpu.memory_space<vmem>>, vector<16xf32>,
    %get3A_1565 = arith.constant 944 : index
    %get3A_1566 = tpu.vector_load %arg10[%get3A_1565] {strides = array<i32>} : memref<1536xf32, #tpu.memory_space<vmem>>, vector<16xf32>,
    %add3A_1567 = arith.addf %get3A_1564, %get3A_1566 : vector<16xf32>
    %get3A_1568 = arith.constant 944 : index
    %get3A_1569 = tpu.vector_load %arg11[%get3A_1568] {strides = array<i32>} : memref<1536xf32, #tpu.memory_space<vmem>>, vector<16xf32>,
    %get3A_1570 = arith.constant 944 : index
    %get3A_1571 = tpu.vector_load %arg12[%get3A_1570] {strides = array<i32>} : memref<1536xf32, #tpu.memory_space<vmem>>, vector<16xf32>,
    %add3A_1572 = arith.addf %get3A_1569, %get3A_1571 : vector<16xf32>
    %add3A_1573 = arith.addf %add3A_1567, %add3A_1572 : vector<16xf32>
    %swap3A_1574 = arith.constant 944 : index
    %swap3A_1575 = tpu.vector_load %arg9[%swap3A_1574] {strides = array<i32>} : memref<1536xf32, #tpu.memory_space<vmem>>, vector<16xf32>,
    tpu.vector_store %arg9[%swap3A_1574], %add3A_1573 {strides = array<i32>} : memref<1536xf32, #tpu.memory_space<vmem>>, vector<16xf32>,
    %get3A_1576 = arith.constant 960 : index
    %get3A_1577 = tpu.vector_load %arg9[%get3A_1576] {strides = array<i32>} : memref<1536xf32, #tpu.memory_space<vmem>>, vector<16xf32>,
    %get3A_1578 = arith.constant 960 : index
    %get3A_1579 = tpu.vector_load %arg10[%get3A_1578] {strides = array<i32>} : memref<1536xf32, #tpu.memory_space<vmem>>, vector<16xf32>,
    %add3A_1580 = arith.addf %get3A_1577, %get3A_1579 : vector<16xf32>
    %get3A_1581 = arith.constant 960 : index
    %get3A_1582 = tpu.vector_load %arg11[%get3A_1581] {strides = array<i32>} : memref<1536xf32, #tpu.memory_space<vmem>>, vector<16xf32>,
    %get3A_1583 = arith.constant 960 : index
    %get3A_1584 = tpu.vector_load %arg12[%get3A_1583] {strides = array<i32>} : memref<1536xf32, #tpu.memory_space<vmem>>, vector<16xf32>,
    %add3A_1585 = arith.addf %get3A_1582, %get3A_1584 : vector<16xf32>
    %add3A_1586 = arith.addf %add3A_1580, %add3A_1585 : vector<16xf32>
    %swap3A_1587 = arith.constant 960 : index
    %swap3A_1588 = tpu.vector_load %arg9[%swap3A_1587] {strides = array<i32>} : memref<1536xf32, #tpu.memory_space<vmem>>, vector<16xf32>,
    tpu.vector_store %arg9[%swap3A_1587], %add3A_1586 {strides = array<i32>} : memref<1536xf32, #tpu.memory_space<vmem>>, vector<16xf32>,
    %get3A_1589 = arith.constant 976 : index
    %get3A_1590 = tpu.vector_load %arg9[%get3A_1589] {strides = array<i32>} : memref<1536xf32, #tpu.memory_space<vmem>>, vector<16xf32>,
    %get3A_1591 = arith.constant 976 : index
    %get3A_1592 = tpu.vector_load %arg10[%get3A_1591] {strides = array<i32>} : memref<1536xf32, #tpu.memory_space<vmem>>, vector<16xf32>,
    %add3A_1593 = arith.addf %get3A_1590, %get3A_1592 : vector<16xf32>
    %get3A_1594 = arith.constant 976 : index
    %get3A_1595 = tpu.vector_load %arg11[%get3A_1594] {strides = array<i32>} : memref<1536xf32, #tpu.memory_space<vmem>>, vector<16xf32>,
    %get3A_1596 = arith.constant 976 : index
    %get3A_1597 = tpu.vector_load %arg12[%get3A_1596] {strides = array<i32>} : memref<1536xf32, #tpu.memory_space<vmem>>, vector<16xf32>,
    %add3A_1598 = arith.addf %get3A_1595, %get3A_1597 : vector<16xf32>
    %add3A_1599 = arith.addf %add3A_1593, %add3A_1598 : vector<16xf32>
    %swap3A_1600 = arith.constant 976 : index
    %swap3A_1601 = tpu.vector_load %arg9[%swap3A_1600] {strides = array<i32>} : memref<1536xf32, #tpu.memory_space<vmem>>, vector<16xf32>,
    tpu.vector_store %arg9[%swap3A_1600], %add3A_1599 {strides = array<i32>} : memref<1536xf32, #tpu.memory_space<vmem>>, vector<16xf32>,
    %get3A_1602 = arith.constant 992 : index
    %get3A_1603 = tpu.vector_load %arg9[%get3A_1602] {strides = array<i32>} : memref<1536xf32, #tpu.memory_space<vmem>>, vector<16xf32>,
    %get3A_1604 = arith.constant 992 : index
    %get3A_1605 = tpu.vector_load %arg10[%get3A_1604] {strides = array<i32>} : memref<1536xf32, #tpu.memory_space<vmem>>, vector<16xf32>,
    %add3A_1606 = arith.addf %get3A_1603, %get3A_1605 : vector<16xf32>
    %get3A_1607 = arith.constant 992 : index
    %get3A_1608 = tpu.vector_load %arg11[%get3A_1607] {strides = array<i32>} : memref<1536xf32, #tpu.memory_space<vmem>>, vector<16xf32>,
    %get3A_1609 = arith.constant 992 : index
    %get3A_1610 = tpu.vector_load %arg12[%get3A_1609] {strides = array<i32>} : memref<1536xf32, #tpu.memory_space<vmem>>, vector<16xf32>,
    %add3A_1611 = arith.addf %get3A_1608, %get3A_1610 : vector<16xf32>
    %add3A_1612 = arith.addf %add3A_1606, %add3A_1611 : vector<16xf32>
    %swap3A_1613 = arith.constant 992 : index
    %swap3A_1614 = tpu.vector_load %arg9[%swap3A_1613] {strides = array<i32>} : memref<1536xf32, #tpu.memory_space<vmem>>, vector<16xf32>,
    tpu.vector_store %arg9[%swap3A_1613], %add3A_1612 {strides = array<i32>} : memref<1536xf32, #tpu.memory_space<vmem>>, vector<16xf32>,
    %get3A_1615 = arith.constant 1008 : index
    %get3A_1616 = tpu.vector_load %arg9[%get3A_1615] {strides = array<i32>} : memref<1536xf32, #tpu.memory_space<vmem>>, vector<16xf32>,
    %get3A_1617 = arith.constant 1008 : index
    %get3A_1618 = tpu.vector_load %arg10[%get3A_1617] {strides = array<i32>} : memref<1536xf32, #tpu.memory_space<vmem>>, vector<16xf32>,
    %add3A_1619 = arith.addf %get3A_1616, %get3A_1618 : vector<16xf32>
    %get3A_1620 = arith.constant 1008 : index
    %get3A_1621 = tpu.vector_load %arg11[%get3A_1620] {strides = array<i32>} : memref<1536xf32, #tpu.memory_space<vmem>>, vector<16xf32>,
    %get3A_1622 = arith.constant 1008 : index
    %get3A_1623 = tpu.vector_load %arg12[%get3A_1622] {strides = array<i32>} : memref<1536xf32, #tpu.memory_space<vmem>>, vector<16xf32>,
    %add3A_1624 = arith.addf %get3A_1621, %get3A_1623 : vector<16xf32>
    %add3A_1625 = arith.addf %add3A_1619, %add3A_1624 : vector<16xf32>
    %swap3A_1626 = arith.constant 1008 : index
    %swap3A_1627 = tpu.vector_load %arg9[%swap3A_1626] {strides = array<i32>} : memref<1536xf32, #tpu.memory_space<vmem>>, vector<16xf32>,
    tpu.vector_store %arg9[%swap3A_1626], %add3A_1625 {strides = array<i32>} : memref<1536xf32, #tpu.memory_space<vmem>>, vector<16xf32>,
    %get3A_1628 = arith.constant 1024 : index
    %get3A_1629 = tpu.vector_load %arg9[%get3A_1628] {strides = array<i32>} : memref<1536xf32, #tpu.memory_space<vmem>>, vector<16xf32>,
    %get3A_1630 = arith.constant 1024 : index
    %get3A_1631 = tpu.vector_load %arg10[%get3A_1630] {strides = array<i32>} : memref<1536xf32, #tpu.memory_space<vmem>>, vector<16xf32>,
    %add3A_1632 = arith.addf %get3A_1629, %get3A_1631 : vector<16xf32>
    %get3A_1633 = arith.constant 1024 : index
    %get3A_1634 = tpu.vector_load %arg11[%get3A_1633] {strides = array<i32>} : memref<1536xf32, #tpu.memory_space<vmem>>, vector<16xf32>,
    %get3A_1635 = arith.constant 1024 : index
    %get3A_1636 = tpu.vector_load %arg12[%get3A_1635] {strides = array<i32>} : memref<1536xf32, #tpu.memory_space<vmem>>, vector<16xf32>,
    %add3A_1637 = arith.addf %get3A_1634, %get3A_1636 : vector<16xf32>
    %add3A_1638 = arith.addf %add3A_1632, %add3A_1637 : vector<16xf32>
    %swap3A_1639 = arith.constant 1024 : index
    %swap3A_1640 = tpu.vector_load %arg9[%swap3A_1639] {strides = array<i32>} : memref<1536xf32, #tpu.memory_space<vmem>>, vector<16xf32>,
    tpu.vector_store %arg9[%swap3A_1639], %add3A_1638 {strides = array<i32>} : memref<1536xf32, #tpu.memory_space<vmem>>, vector<16xf32>,
    %get3A_1641 = arith.constant 1040 : index
    %get3A_1642 = tpu.vector_load %arg9[%get3A_1641] {strides = array<i32>} : memref<1536xf32, #tpu.memory_space<vmem>>, vector<16xf32>,
    %get3A_1643 = arith.constant 1040 : index
    %get3A_1644 = tpu.vector_load %arg10[%get3A_1643] {strides = array<i32>} : memref<1536xf32, #tpu.memory_space<vmem>>, vector<16xf32>,
    %add3A_1645 = arith.addf %get3A_1642, %get3A_1644 : vector<16xf32>
    %get3A_1646 = arith.constant 1040 : index
    %get3A_1647 = tpu.vector_load %arg11[%get3A_1646] {strides = array<i32>} : memref<1536xf32, #tpu.memory_space<vmem>>, vector<16xf32>,
    %get3A_1648 = arith.constant 1040 : index
    %get3A_1649 = tpu.vector_load %arg12[%get3A_1648] {strides = array<i32>} : memref<1536xf32, #tpu.memory_space<vmem>>, vector<16xf32>,
    %add3A_1650 = arith.addf %get3A_1647, %get3A_1649 : vector<16xf32>
    %add3A_1651 = arith.addf %add3A_1645, %add3A_1650 : vector<16xf32>
    %swap3A_1652 = arith.constant 1040 : index
    %swap3A_1653 = tpu.vector_load %arg9[%swap3A_1652] {strides = array<i32>} : memref<1536xf32, #tpu.memory_space<vmem>>, vector<16xf32>,
    tpu.vector_store %arg9[%swap3A_1652], %add3A_1651 {strides = array<i32>} : memref<1536xf32, #tpu.memory_space<vmem>>, vector<16xf32>,
    %get3A_1654 = arith.constant 1056 : index
    %get3A_1655 = tpu.vector_load %arg9[%get3A_1654] {strides = array<i32>} : memref<1536xf32, #tpu.memory_space<vmem>>, vector<16xf32>,
    %get3A_1656 = arith.constant 1056 : index
    %get3A_1657 = tpu.vector_load %arg10[%get3A_1656] {strides = array<i32>} : memref<1536xf32, #tpu.memory_space<vmem>>, vector<16xf32>,
    %add3A_1658 = arith.addf %get3A_1655, %get3A_1657 : vector<16xf32>
    %get3A_1659 = arith.constant 1056 : index
    %get3A_1660 = tpu.vector_load %arg11[%get3A_1659] {strides = array<i32>} : memref<1536xf32, #tpu.memory_space<vmem>>, vector<16xf32>,
    %get3A_1661 = arith.constant 1056 : index
    %get3A_1662 = tpu.vector_load %arg12[%get3A_1661] {strides = array<i32>} : memref<1536xf32, #tpu.memory_space<vmem>>, vector<16xf32>,
    %add3A_1663 = arith.addf %get3A_1660, %get3A_1662 : vector<16xf32>
    %add3A_1664 = arith.addf %add3A_1658, %add3A_1663 : vector<16xf32>
    %swap3A_1665 = arith.constant 1056 : index
    %swap3A_1666 = tpu.vector_load %arg9[%swap3A_1665] {strides = array<i32>} : memref<1536xf32, #tpu.memory_space<vmem>>, vector<16xf32>,
    tpu.vector_store %arg9[%swap3A_1665], %add3A_1664 {strides = array<i32>} : memref<1536xf32, #tpu.memory_space<vmem>>, vector<16xf32>,
    %get3A_1667 = arith.constant 1072 : index
    %get3A_1668 = tpu.vector_load %arg9[%get3A_1667] {strides = array<i32>} : memref<1536xf32, #tpu.memory_space<vmem>>, vector<16xf32>,
    %get3A_1669 = arith.constant 1072 : index
    %get3A_1670 = tpu.vector_load %arg10[%get3A_1669] {strides = array<i32>} : memref<1536xf32, #tpu.memory_space<vmem>>, vector<16xf32>,
    %add3A_1671 = arith.addf %get3A_1668, %get3A_1670 : vector<16xf32>
    %get3A_1672 = arith.constant 1072 : index
    %get3A_1673 = tpu.vector_load %arg11[%get3A_1672] {strides = array<i32>} : memref<1536xf32, #tpu.memory_space<vmem>>, vector<16xf32>,
    %get3A_1674 = arith.constant 1072 : index
    %get3A_1675 = tpu.vector_load %arg12[%get3A_1674] {strides = array<i32>} : memref<1536xf32, #tpu.memory_space<vmem>>, vector<16xf32>,
    %add3A_1676 = arith.addf %get3A_1673, %get3A_1675 : vector<16xf32>
    %add3A_1677 = arith.addf %add3A_1671, %add3A_1676 : vector<16xf32>
    %swap3A_1678 = arith.constant 1072 : index
    %swap3A_1679 = tpu.vector_load %arg9[%swap3A_1678] {strides = array<i32>} : memref<1536xf32, #tpu.memory_space<vmem>>, vector<16xf32>,
    tpu.vector_store %arg9[%swap3A_1678], %add3A_1677 {strides = array<i32>} : memref<1536xf32, #tpu.memory_space<vmem>>, vector<16xf32>,
    %get3A_1680 = arith.constant 1088 : index
    %get3A_1681 = tpu.vector_load %arg9[%get3A_1680] {strides = array<i32>} : memref<1536xf32, #tpu.memory_space<vmem>>, vector<16xf32>,
    %get3A_1682 = arith.constant 1088 : index
    %get3A_1683 = tpu.vector_load %arg10[%get3A_1682] {strides = array<i32>} : memref<1536xf32, #tpu.memory_space<vmem>>, vector<16xf32>,
    %add3A_1684 = arith.addf %get3A_1681, %get3A_1683 : vector<16xf32>
    %get3A_1685 = arith.constant 1088 : index
    %get3A_1686 = tpu.vector_load %arg11[%get3A_1685] {strides = array<i32>} : memref<1536xf32, #tpu.memory_space<vmem>>, vector<16xf32>,
    %get3A_1687 = arith.constant 1088 : index
    %get3A_1688 = tpu.vector_load %arg12[%get3A_1687] {strides = array<i32>} : memref<1536xf32, #tpu.memory_space<vmem>>, vector<16xf32>,
    %add3A_1689 = arith.addf %get3A_1686, %get3A_1688 : vector<16xf32>
    %add3A_1690 = arith.addf %add3A_1684, %add3A_1689 : vector<16xf32>
    %swap3A_1691 = arith.constant 1088 : index
    %swap3A_1692 = tpu.vector_load %arg9[%swap3A_1691] {strides = array<i32>} : memref<1536xf32, #tpu.memory_space<vmem>>, vector<16xf32>,
    tpu.vector_store %arg9[%swap3A_1691], %add3A_1690 {strides = array<i32>} : memref<1536xf32, #tpu.memory_space<vmem>>, vector<16xf32>,
    %get3A_1693 = arith.constant 1104 : index
    %get3A_1694 = tpu.vector_load %arg9[%get3A_1693] {strides = array<i32>} : memref<1536xf32, #tpu.memory_space<vmem>>, vector<16xf32>,
    %get3A_1695 = arith.constant 1104 : index
    %get3A_1696 = tpu.vector_load %arg10[%get3A_1695] {strides = array<i32>} : memref<1536xf32, #tpu.memory_space<vmem>>, vector<16xf32>,
    %add3A_1697 = arith.addf %get3A_1694, %get3A_1696 : vector<16xf32>
    %get3A_1698 = arith.constant 1104 : index
    %get3A_1699 = tpu.vector_load %arg11[%get3A_1698] {strides = array<i32>} : memref<1536xf32, #tpu.memory_space<vmem>>, vector<16xf32>,
    %get3A_1700 = arith.constant 1104 : index
    %get3A_1701 = tpu.vector_load %arg12[%get3A_1700] {strides = array<i32>} : memref<1536xf32, #tpu.memory_space<vmem>>, vector<16xf32>,
    %add3A_1702 = arith.addf %get3A_1699, %get3A_1701 : vector<16xf32>
    %add3A_1703 = arith.addf %add3A_1697, %add3A_1702 : vector<16xf32>
    %swap3A_1704 = arith.constant 1104 : index
    %swap3A_1705 = tpu.vector_load %arg9[%swap3A_1704] {strides = array<i32>} : memref<1536xf32, #tpu.memory_space<vmem>>, vector<16xf32>,
    tpu.vector_store %arg9[%swap3A_1704], %add3A_1703 {strides = array<i32>} : memref<1536xf32, #tpu.memory_space<vmem>>, vector<16xf32>,
    %get3A_1706 = arith.constant 1120 : index
    %get3A_1707 = tpu.vector_load %arg9[%get3A_1706] {strides = array<i32>} : memref<1536xf32, #tpu.memory_space<vmem>>, vector<16xf32>,
    %get3A_1708 = arith.constant 1120 : index
    %get3A_1709 = tpu.vector_load %arg10[%get3A_1708] {strides = array<i32>} : memref<1536xf32, #tpu.memory_space<vmem>>, vector<16xf32>,
    %add3A_1710 = arith.addf %get3A_1707, %get3A_1709 : vector<16xf32>
    %get3A_1711 = arith.constant 1120 : index
    %get3A_1712 = tpu.vector_load %arg11[%get3A_1711] {strides = array<i32>} : memref<1536xf32, #tpu.memory_space<vmem>>, vector<16xf32>,
    %get3A_1713 = arith.constant 1120 : index
    %get3A_1714 = tpu.vector_load %arg12[%get3A_1713] {strides = array<i32>} : memref<1536xf32, #tpu.memory_space<vmem>>, vector<16xf32>,
    %add3A_1715 = arith.addf %get3A_1712, %get3A_1714 : vector<16xf32>
    %add3A_1716 = arith.addf %add3A_1710, %add3A_1715 : vector<16xf32>
    %swap3A_1717 = arith.constant 1120 : index
    %swap3A_1718 = tpu.vector_load %arg9[%swap3A_1717] {strides = array<i32>} : memref<1536xf32, #tpu.memory_space<vmem>>, vector<16xf32>,
    tpu.vector_store %arg9[%swap3A_1717], %add3A_1716 {strides = array<i32>} : memref<1536xf32, #tpu.memory_space<vmem>>, vector<16xf32>,
    %get3A_1719 = arith.constant 1136 : index
    %get3A_1720 = tpu.vector_load %arg9[%get3A_1719] {strides = array<i32>} : memref<1536xf32, #tpu.memory_space<vmem>>, vector<16xf32>,
    %get3A_1721 = arith.constant 1136 : index
    %get3A_1722 = tpu.vector_load %arg10[%get3A_1721] {strides = array<i32>} : memref<1536xf32, #tpu.memory_space<vmem>>, vector<16xf32>,
    %add3A_1723 = arith.addf %get3A_1720, %get3A_1722 : vector<16xf32>
    %get3A_1724 = arith.constant 1136 : index
    %get3A_1725 = tpu.vector_load %arg11[%get3A_1724] {strides = array<i32>} : memref<1536xf32, #tpu.memory_space<vmem>>, vector<16xf32>,
    %get3A_1726 = arith.constant 1136 : index
    %get3A_1727 = tpu.vector_load %arg12[%get3A_1726] {strides = array<i32>} : memref<1536xf32, #tpu.memory_space<vmem>>, vector<16xf32>,
    %add3A_1728 = arith.addf %get3A_1725, %get3A_1727 : vector<16xf32>
    %add3A_1729 = arith.addf %add3A_1723, %add3A_1728 : vector<16xf32>
    %swap3A_1730 = arith.constant 1136 : index
    %swap3A_1731 = tpu.vector_load %arg9[%swap3A_1730] {strides = array<i32>} : memref<1536xf32, #tpu.memory_space<vmem>>, vector<16xf32>,
    tpu.vector_store %arg9[%swap3A_1730], %add3A_1729 {strides = array<i32>} : memref<1536xf32, #tpu.memory_space<vmem>>, vector<16xf32>,
    %get3A_1732 = arith.constant 1152 : index
    %get3A_1733 = tpu.vector_load %arg9[%get3A_1732] {strides = array<i32>} : memref<1536xf32, #tpu.memory_space<vmem>>, vector<16xf32>,
    %get3A_1734 = arith.constant 1152 : index
    %get3A_1735 = tpu.vector_load %arg10[%get3A_1734] {strides = array<i32>} : memref<1536xf32, #tpu.memory_space<vmem>>, vector<16xf32>,
    %add3A_1736 = arith.addf %get3A_1733, %get3A_1735 : vector<16xf32>
    %get3A_1737 = arith.constant 1152 : index
    %get3A_1738 = tpu.vector_load %arg11[%get3A_1737] {strides = array<i32>} : memref<1536xf32, #tpu.memory_space<vmem>>, vector<16xf32>,
    %get3A_1739 = arith.constant 1152 : index
    %get3A_1740 = tpu.vector_load %arg12[%get3A_1739] {strides = array<i32>} : memref<1536xf32, #tpu.memory_space<vmem>>, vector<16xf32>,
    %add3A_1741 = arith.addf %get3A_1738, %get3A_1740 : vector<16xf32>
    %add3A_1742 = arith.addf %add3A_1736, %add3A_1741 : vector<16xf32>
    %swap3A_1743 = arith.constant 1152 : index
    %swap3A_1744 = tpu.vector_load %arg9[%swap3A_1743] {strides = array<i32>} : memref<1536xf32, #tpu.memory_space<vmem>>, vector<16xf32>,
    tpu.vector_store %arg9[%swap3A_1743], %add3A_1742 {strides = array<i32>} : memref<1536xf32, #tpu.memory_space<vmem>>, vector<16xf32>,
    %get3A_1745 = arith.constant 1168 : index
    %get3A_1746 = tpu.vector_load %arg9[%get3A_1745] {strides = array<i32>} : memref<1536xf32, #tpu.memory_space<vmem>>, vector<16xf32>,
    %get3A_1747 = arith.constant 1168 : index
    %get3A_1748 = tpu.vector_load %arg10[%get3A_1747] {strides = array<i32>} : memref<1536xf32, #tpu.memory_space<vmem>>, vector<16xf32>,
    %add3A_1749 = arith.addf %get3A_1746, %get3A_1748 : vector<16xf32>
    %get3A_1750 = arith.constant 1168 : index
    %get3A_1751 = tpu.vector_load %arg11[%get3A_1750] {strides = array<i32>} : memref<1536xf32, #tpu.memory_space<vmem>>, vector<16xf32>,
    %get3A_1752 = arith.constant 1168 : index
    %get3A_1753 = tpu.vector_load %arg12[%get3A_1752] {strides = array<i32>} : memref<1536xf32, #tpu.memory_space<vmem>>, vector<16xf32>,
    %add3A_1754 = arith.addf %get3A_1751, %get3A_1753 : vector<16xf32>
    %add3A_1755 = arith.addf %add3A_1749, %add3A_1754 : vector<16xf32>
    %swap3A_1756 = arith.constant 1168 : index
    %swap3A_1757 = tpu.vector_load %arg9[%swap3A_1756] {strides = array<i32>} : memref<1536xf32, #tpu.memory_space<vmem>>, vector<16xf32>,
    tpu.vector_store %arg9[%swap3A_1756], %add3A_1755 {strides = array<i32>} : memref<1536xf32, #tpu.memory_space<vmem>>, vector<16xf32>,
    %get3A_1758 = arith.constant 1184 : index
    %get3A_1759 = tpu.vector_load %arg9[%get3A_1758] {strides = array<i32>} : memref<1536xf32, #tpu.memory_space<vmem>>, vector<16xf32>,
    %get3A_1760 = arith.constant 1184 : index
    %get3A_1761 = tpu.vector_load %arg10[%get3A_1760] {strides = array<i32>} : memref<1536xf32, #tpu.memory_space<vmem>>, vector<16xf32>,
    %add3A_1762 = arith.addf %get3A_1759, %get3A_1761 : vector<16xf32>
    %get3A_1763 = arith.constant 1184 : index
    %get3A_1764 = tpu.vector_load %arg11[%get3A_1763] {strides = array<i32>} : memref<1536xf32, #tpu.memory_space<vmem>>, vector<16xf32>,
    %get3A_1765 = arith.constant 1184 : index
    %get3A_1766 = tpu.vector_load %arg12[%get3A_1765] {strides = array<i32>} : memref<1536xf32, #tpu.memory_space<vmem>>, vector<16xf32>,
    %add3A_1767 = arith.addf %get3A_1764, %get3A_1766 : vector<16xf32>
    %add3A_1768 = arith.addf %add3A_1762, %add3A_1767 : vector<16xf32>
    %swap3A_1769 = arith.constant 1184 : index
    %swap3A_1770 = tpu.vector_load %arg9[%swap3A_1769] {strides = array<i32>} : memref<1536xf32, #tpu.memory_space<vmem>>, vector<16xf32>,
    tpu.vector_store %arg9[%swap3A_1769], %add3A_1768 {strides = array<i32>} : memref<1536xf32, #tpu.memory_space<vmem>>, vector<16xf32>,
    %get3A_1771 = arith.constant 1200 : index
    %get3A_1772 = tpu.vector_load %arg9[%get3A_1771] {strides = array<i32>} : memref<1536xf32, #tpu.memory_space<vmem>>, vector<16xf32>,
    %get3A_1773 = arith.constant 1200 : index
    %get3A_1774 = tpu.vector_load %arg10[%get3A_1773] {strides = array<i32>} : memref<1536xf32, #tpu.memory_space<vmem>>, vector<16xf32>,
    %add3A_1775 = arith.addf %get3A_1772, %get3A_1774 : vector<16xf32>
    %get3A_1776 = arith.constant 1200 : index
    %get3A_1777 = tpu.vector_load %arg11[%get3A_1776] {strides = array<i32>} : memref<1536xf32, #tpu.memory_space<vmem>>, vector<16xf32>,
    %get3A_1778 = arith.constant 1200 : index
    %get3A_1779 = tpu.vector_load %arg12[%get3A_1778] {strides = array<i32>} : memref<1536xf32, #tpu.memory_space<vmem>>, vector<16xf32>,
    %add3A_1780 = arith.addf %get3A_1777, %get3A_1779 : vector<16xf32>
    %add3A_1781 = arith.addf %add3A_1775, %add3A_1780 : vector<16xf32>
    %swap3A_1782 = arith.constant 1200 : index
    %swap3A_1783 = tpu.vector_load %arg9[%swap3A_1782] {strides = array<i32>} : memref<1536xf32, #tpu.memory_space<vmem>>, vector<16xf32>,
    tpu.vector_store %arg9[%swap3A_1782], %add3A_1781 {strides = array<i32>} : memref<1536xf32, #tpu.memory_space<vmem>>, vector<16xf32>,
    %get3A_1784 = arith.constant 1216 : index
    %get3A_1785 = tpu.vector_load %arg9[%get3A_1784] {strides = array<i32>} : memref<1536xf32, #tpu.memory_space<vmem>>, vector<16xf32>,
    %get3A_1786 = arith.constant 1216 : index
    %get3A_1787 = tpu.vector_load %arg10[%get3A_1786] {strides = array<i32>} : memref<1536xf32, #tpu.memory_space<vmem>>, vector<16xf32>,
    %add3A_1788 = arith.addf %get3A_1785, %get3A_1787 : vector<16xf32>
    %get3A_1789 = arith.constant 1216 : index
    %get3A_1790 = tpu.vector_load %arg11[%get3A_1789] {strides = array<i32>} : memref<1536xf32, #tpu.memory_space<vmem>>, vector<16xf32>,
    %get3A_1791 = arith.constant 1216 : index
    %get3A_1792 = tpu.vector_load %arg12[%get3A_1791] {strides = array<i32>} : memref<1536xf32, #tpu.memory_space<vmem>>, vector<16xf32>,
    %add3A_1793 = arith.addf %get3A_1790, %get3A_1792 : vector<16xf32>
    %add3A_1794 = arith.addf %add3A_1788, %add3A_1793 : vector<16xf32>
    %swap3A_1795 = arith.constant 1216 : index
    %swap3A_1796 = tpu.vector_load %arg9[%swap3A_1795] {strides = array<i32>} : memref<1536xf32, #tpu.memory_space<vmem>>, vector<16xf32>,
    tpu.vector_store %arg9[%swap3A_1795], %add3A_1794 {strides = array<i32>} : memref<1536xf32, #tpu.memory_space<vmem>>, vector<16xf32>,
    %get3A_1797 = arith.constant 1232 : index
    %get3A_1798 = tpu.vector_load %arg9[%get3A_1797] {strides = array<i32>} : memref<1536xf32, #tpu.memory_space<vmem>>, vector<16xf32>,
    %get3A_1799 = arith.constant 1232 : index
    %get3A_1800 = tpu.vector_load %arg10[%get3A_1799] {strides = array<i32>} : memref<1536xf32, #tpu.memory_space<vmem>>, vector<16xf32>,
    %add3A_1801 = arith.addf %get3A_1798, %get3A_1800 : vector<16xf32>
    %get3A_1802 = arith.constant 1232 : index
    %get3A_1803 = tpu.vector_load %arg11[%get3A_1802] {strides = array<i32>} : memref<1536xf32, #tpu.memory_space<vmem>>, vector<16xf32>,
    %get3A_1804 = arith.constant 1232 : index
    %get3A_1805 = tpu.vector_load %arg12[%get3A_1804] {strides = array<i32>} : memref<1536xf32, #tpu.memory_space<vmem>>, vector<16xf32>,
    %add3A_1806 = arith.addf %get3A_1803, %get3A_1805 : vector<16xf32>
    %add3A_1807 = arith.addf %add3A_1801, %add3A_1806 : vector<16xf32>
    %swap3A_1808 = arith.constant 1232 : index
    %swap3A_1809 = tpu.vector_load %arg9[%swap3A_1808] {strides = array<i32>} : memref<1536xf32, #tpu.memory_space<vmem>>, vector<16xf32>,
    tpu.vector_store %arg9[%swap3A_1808], %add3A_1807 {strides = array<i32>} : memref<1536xf32, #tpu.memory_space<vmem>>, vector<16xf32>,
    %get3A_1810 = arith.constant 1248 : index
    %get3A_1811 = tpu.vector_load %arg9[%get3A_1810] {strides = array<i32>} : memref<1536xf32, #tpu.memory_space<vmem>>, vector<16xf32>,
    %get3A_1812 = arith.constant 1248 : index
    %get3A_1813 = tpu.vector_load %arg10[%get3A_1812] {strides = array<i32>} : memref<1536xf32, #tpu.memory_space<vmem>>, vector<16xf32>,
    %add3A_1814 = arith.addf %get3A_1811, %get3A_1813 : vector<16xf32>
    %get3A_1815 = arith.constant 1248 : index
    %get3A_1816 = tpu.vector_load %arg11[%get3A_1815] {strides = array<i32>} : memref<1536xf32, #tpu.memory_space<vmem>>, vector<16xf32>,
    %get3A_1817 = arith.constant 1248 : index
    %get3A_1818 = tpu.vector_load %arg12[%get3A_1817] {strides = array<i32>} : memref<1536xf32, #tpu.memory_space<vmem>>, vector<16xf32>,
    %add3A_1819 = arith.addf %get3A_1816, %get3A_1818 : vector<16xf32>
    %add3A_1820 = arith.addf %add3A_1814, %add3A_1819 : vector<16xf32>
    %swap3A_1821 = arith.constant 1248 : index
    %swap3A_1822 = tpu.vector_load %arg9[%swap3A_1821] {strides = array<i32>} : memref<1536xf32, #tpu.memory_space<vmem>>, vector<16xf32>,
    tpu.vector_store %arg9[%swap3A_1821], %add3A_1820 {strides = array<i32>} : memref<1536xf32, #tpu.memory_space<vmem>>, vector<16xf32>,
    %get3A_1823 = arith.constant 1264 : index
    %get3A_1824 = tpu.vector_load %arg9[%get3A_1823] {strides = array<i32>} : memref<1536xf32, #tpu.memory_space<vmem>>, vector<16xf32>,
    %get3A_1825 = arith.constant 1264 : index
    %get3A_1826 = tpu.vector_load %arg10[%get3A_1825] {strides = array<i32>} : memref<1536xf32, #tpu.memory_space<vmem>>, vector<16xf32>,
    %add3A_1827 = arith.addf %get3A_1824, %get3A_1826 : vector<16xf32>
    %get3A_1828 = arith.constant 1264 : index
    %get3A_1829 = tpu.vector_load %arg11[%get3A_1828] {strides = array<i32>} : memref<1536xf32, #tpu.memory_space<vmem>>, vector<16xf32>,
    %get3A_1830 = arith.constant 1264 : index
    %get3A_1831 = tpu.vector_load %arg12[%get3A_1830] {strides = array<i32>} : memref<1536xf32, #tpu.memory_space<vmem>>, vector<16xf32>,
    %add3A_1832 = arith.addf %get3A_1829, %get3A_1831 : vector<16xf32>
    %add3A_1833 = arith.addf %add3A_1827, %add3A_1832 : vector<16xf32>
    %swap3A_1834 = arith.constant 1264 : index
    %swap3A_1835 = tpu.vector_load %arg9[%swap3A_1834] {strides = array<i32>} : memref<1536xf32, #tpu.memory_space<vmem>>, vector<16xf32>,
    tpu.vector_store %arg9[%swap3A_1834], %add3A_1833 {strides = array<i32>} : memref<1536xf32, #tpu.memory_space<vmem>>, vector<16xf32>,
    %get3A_1836 = arith.constant 1280 : index
    %get3A_1837 = tpu.vector_load %arg9[%get3A_1836] {strides = array<i32>} : memref<1536xf32, #tpu.memory_space<vmem>>, vector<16xf32>,
    %get3A_1838 = arith.constant 1280 : index
    %get3A_1839 = tpu.vector_load %arg10[%get3A_1838] {strides = array<i32>} : memref<1536xf32, #tpu.memory_space<vmem>>, vector<16xf32>,
    %add3A_1840 = arith.addf %get3A_1837, %get3A_1839 : vector<16xf32>
    %get3A_1841 = arith.constant 1280 : index
    %get3A_1842 = tpu.vector_load %arg11[%get3A_1841] {strides = array<i32>} : memref<1536xf32, #tpu.memory_space<vmem>>, vector<16xf32>,
    %get3A_1843 = arith.constant 1280 : index
    %get3A_1844 = tpu.vector_load %arg12[%get3A_1843] {strides = array<i32>} : memref<1536xf32, #tpu.memory_space<vmem>>, vector<16xf32>,
    %add3A_1845 = arith.addf %get3A_1842, %get3A_1844 : vector<16xf32>
    %add3A_1846 = arith.addf %add3A_1840, %add3A_1845 : vector<16xf32>
    %swap3A_1847 = arith.constant 1280 : index
    %swap3A_1848 = tpu.vector_load %arg9[%swap3A_1847] {strides = array<i32>} : memref<1536xf32, #tpu.memory_space<vmem>>, vector<16xf32>,
    tpu.vector_store %arg9[%swap3A_1847], %add3A_1846 {strides = array<i32>} : memref<1536xf32, #tpu.memory_space<vmem>>, vector<16xf32>,
    %get3A_1849 = arith.constant 1296 : index
    %get3A_1850 = tpu.vector_load %arg9[%get3A_1849] {strides = array<i32>} : memref<1536xf32, #tpu.memory_space<vmem>>, vector<16xf32>,
    %get3A_1851 = arith.constant 1296 : index
    %get3A_1852 = tpu.vector_load %arg10[%get3A_1851] {strides = array<i32>} : memref<1536xf32, #tpu.memory_space<vmem>>, vector<16xf32>,
    %add3A_1853 = arith.addf %get3A_1850, %get3A_1852 : vector<16xf32>
    %get3A_1854 = arith.constant 1296 : index
    %get3A_1855 = tpu.vector_load %arg11[%get3A_1854] {strides = array<i32>} : memref<1536xf32, #tpu.memory_space<vmem>>, vector<16xf32>,
    %get3A_1856 = arith.constant 1296 : index
    %get3A_1857 = tpu.vector_load %arg12[%get3A_1856] {strides = array<i32>} : memref<1536xf32, #tpu.memory_space<vmem>>, vector<16xf32>,
    %add3A_1858 = arith.addf %get3A_1855, %get3A_1857 : vector<16xf32>
    %add3A_1859 = arith.addf %add3A_1853, %add3A_1858 : vector<16xf32>
    %swap3A_1860 = arith.constant 1296 : index
    %swap3A_1861 = tpu.vector_load %arg9[%swap3A_1860] {strides = array<i32>} : memref<1536xf32, #tpu.memory_space<vmem>>, vector<16xf32>,
    tpu.vector_store %arg9[%swap3A_1860], %add3A_1859 {strides = array<i32>} : memref<1536xf32, #tpu.memory_space<vmem>>, vector<16xf32>,
    %get3A_1862 = arith.constant 1312 : index
    %get3A_1863 = tpu.vector_load %arg9[%get3A_1862] {strides = array<i32>} : memref<1536xf32, #tpu.memory_space<vmem>>, vector<16xf32>,
    %get3A_1864 = arith.constant 1312 : index
    %get3A_1865 = tpu.vector_load %arg10[%get3A_1864] {strides = array<i32>} : memref<1536xf32, #tpu.memory_space<vmem>>, vector<16xf32>,
    %add3A_1866 = arith.addf %get3A_1863, %get3A_1865 : vector<16xf32>
    %get3A_1867 = arith.constant 1312 : index
    %get3A_1868 = tpu.vector_load %arg11[%get3A_1867] {strides = array<i32>} : memref<1536xf32, #tpu.memory_space<vmem>>, vector<16xf32>,
    %get3A_1869 = arith.constant 1312 : index
    %get3A_1870 = tpu.vector_load %arg12[%get3A_1869] {strides = array<i32>} : memref<1536xf32, #tpu.memory_space<vmem>>, vector<16xf32>,
    %add3A_1871 = arith.addf %get3A_1868, %get3A_1870 : vector<16xf32>
    %add3A_1872 = arith.addf %add3A_1866, %add3A_1871 : vector<16xf32>
    %swap3A_1873 = arith.constant 1312 : index
    %swap3A_1874 = tpu.vector_load %arg9[%swap3A_1873] {strides = array<i32>} : memref<1536xf32, #tpu.memory_space<vmem>>, vector<16xf32>,
    tpu.vector_store %arg9[%swap3A_1873], %add3A_1872 {strides = array<i32>} : memref<1536xf32, #tpu.memory_space<vmem>>, vector<16xf32>,
    %get3A_1875 = arith.constant 1328 : index
    %get3A_1876 = tpu.vector_load %arg9[%get3A_1875] {strides = array<i32>} : memref<1536xf32, #tpu.memory_space<vmem>>, vector<16xf32>,
    %get3A_1877 = arith.constant 1328 : index
    %get3A_1878 = tpu.vector_load %arg10[%get3A_1877] {strides = array<i32>} : memref<1536xf32, #tpu.memory_space<vmem>>, vector<16xf32>,
    %add3A_1879 = arith.addf %get3A_1876, %get3A_1878 : vector<16xf32>
    %get3A_1880 = arith.constant 1328 : index
    %get3A_1881 = tpu.vector_load %arg11[%get3A_1880] {strides = array<i32>} : memref<1536xf32, #tpu.memory_space<vmem>>, vector<16xf32>,
    %get3A_1882 = arith.constant 1328 : index
    %get3A_1883 = tpu.vector_load %arg12[%get3A_1882] {strides = array<i32>} : memref<1536xf32, #tpu.memory_space<vmem>>, vector<16xf32>,
    %add3A_1884 = arith.addf %get3A_1881, %get3A_1883 : vector<16xf32>
    %add3A_1885 = arith.addf %add3A_1879, %add3A_1884 : vector<16xf32>
    %swap3A_1886 = arith.constant 1328 : index
    %swap3A_1887 = tpu.vector_load %arg9[%swap3A_1886] {strides = array<i32>} : memref<1536xf32, #tpu.memory_space<vmem>>, vector<16xf32>,
    tpu.vector_store %arg9[%swap3A_1886], %add3A_1885 {strides = array<i32>} : memref<1536xf32, #tpu.memory_space<vmem>>, vector<16xf32>,
    %get3A_1888 = arith.constant 1344 : index
    %get3A_1889 = tpu.vector_load %arg9[%get3A_1888] {strides = array<i32>} : memref<1536xf32, #tpu.memory_space<vmem>>, vector<16xf32>,
    %get3A_1890 = arith.constant 1344 : index
    %get3A_1891 = tpu.vector_load %arg10[%get3A_1890] {strides = array<i32>} : memref<1536xf32, #tpu.memory_space<vmem>>, vector<16xf32>,
    %add3A_1892 = arith.addf %get3A_1889, %get3A_1891 : vector<16xf32>
    %get3A_1893 = arith.constant 1344 : index
    %get3A_1894 = tpu.vector_load %arg11[%get3A_1893] {strides = array<i32>} : memref<1536xf32, #tpu.memory_space<vmem>>, vector<16xf32>,
    %get3A_1895 = arith.constant 1344 : index
    %get3A_1896 = tpu.vector_load %arg12[%get3A_1895] {strides = array<i32>} : memref<1536xf32, #tpu.memory_space<vmem>>, vector<16xf32>,
    %add3A_1897 = arith.addf %get3A_1894, %get3A_1896 : vector<16xf32>
    %add3A_1898 = arith.addf %add3A_1892, %add3A_1897 : vector<16xf32>
    %swap3A_1899 = arith.constant 1344 : index
    %swap3A_1900 = tpu.vector_load %arg9[%swap3A_1899] {strides = array<i32>} : memref<1536xf32, #tpu.memory_space<vmem>>, vector<16xf32>,
    tpu.vector_store %arg9[%swap3A_1899], %add3A_1898 {strides = array<i32>} : memref<1536xf32, #tpu.memory_space<vmem>>, vector<16xf32>,
    %get3A_1901 = arith.constant 1360 : index
    %get3A_1902 = tpu.vector_load %arg9[%get3A_1901] {strides = array<i32>} : memref<1536xf32, #tpu.memory_space<vmem>>, vector<16xf32>,
    %get3A_1903 = arith.constant 1360 : index
    %get3A_1904 = tpu.vector_load %arg10[%get3A_1903] {strides = array<i32>} : memref<1536xf32, #tpu.memory_space<vmem>>, vector<16xf32>,
    %add3A_1905 = arith.addf %get3A_1902, %get3A_1904 : vector<16xf32>
    %get3A_1906 = arith.constant 1360 : index
    %get3A_1907 = tpu.vector_load %arg11[%get3A_1906] {strides = array<i32>} : memref<1536xf32, #tpu.memory_space<vmem>>, vector<16xf32>,
    %get3A_1908 = arith.constant 1360 : index
    %get3A_1909 = tpu.vector_load %arg12[%get3A_1908] {strides = array<i32>} : memref<1536xf32, #tpu.memory_space<vmem>>, vector<16xf32>,
    %add3A_1910 = arith.addf %get3A_1907, %get3A_1909 : vector<16xf32>
    %add3A_1911 = arith.addf %add3A_1905, %add3A_1910 : vector<16xf32>
    %swap3A_1912 = arith.constant 1360 : index
    %swap3A_1913 = tpu.vector_load %arg9[%swap3A_1912] {strides = array<i32>} : memref<1536xf32, #tpu.memory_space<vmem>>, vector<16xf32>,
    tpu.vector_store %arg9[%swap3A_1912], %add3A_1911 {strides = array<i32>} : memref<1536xf32, #tpu.memory_space<vmem>>, vector<16xf32>,
    %get3A_1914 = arith.constant 1376 : index
    %get3A_1915 = tpu.vector_load %arg9[%get3A_1914] {strides = array<i32>} : memref<1536xf32, #tpu.memory_space<vmem>>, vector<16xf32>,
    %get3A_1916 = arith.constant 1376 : index
    %get3A_1917 = tpu.vector_load %arg10[%get3A_1916] {strides = array<i32>} : memref<1536xf32, #tpu.memory_space<vmem>>, vector<16xf32>,
    %add3A_1918 = arith.addf %get3A_1915, %get3A_1917 : vector<16xf32>
    %get3A_1919 = arith.constant 1376 : index
    %get3A_1920 = tpu.vector_load %arg11[%get3A_1919] {strides = array<i32>} : memref<1536xf32, #tpu.memory_space<vmem>>, vector<16xf32>,
    %get3A_1921 = arith.constant 1376 : index
    %get3A_1922 = tpu.vector_load %arg12[%get3A_1921] {strides = array<i32>} : memref<1536xf32, #tpu.memory_space<vmem>>, vector<16xf32>,
    %add3A_1923 = arith.addf %get3A_1920, %get3A_1922 : vector<16xf32>
    %add3A_1924 = arith.addf %add3A_1918, %add3A_1923 : vector<16xf32>
    %swap3A_1925 = arith.constant 1376 : index
    %swap3A_1926 = tpu.vector_load %arg9[%swap3A_1925] {strides = array<i32>} : memref<1536xf32, #tpu.memory_space<vmem>>, vector<16xf32>,
    tpu.vector_store %arg9[%swap3A_1925], %add3A_1924 {strides = array<i32>} : memref<1536xf32, #tpu.memory_space<vmem>>, vector<16xf32>,
    %get3A_1927 = arith.constant 1392 : index
    %get3A_1928 = tpu.vector_load %arg9[%get3A_1927] {strides = array<i32>} : memref<1536xf32, #tpu.memory_space<vmem>>, vector<16xf32>,
    %get3A_1929 = arith.constant 1392 : index
    %get3A_1930 = tpu.vector_load %arg10[%get3A_1929] {strides = array<i32>} : memref<1536xf32, #tpu.memory_space<vmem>>, vector<16xf32>,
    %add3A_1931 = arith.addf %get3A_1928, %get3A_1930 : vector<16xf32>
    %get3A_1932 = arith.constant 1392 : index
    %get3A_1933 = tpu.vector_load %arg11[%get3A_1932] {strides = array<i32>} : memref<1536xf32, #tpu.memory_space<vmem>>, vector<16xf32>,
    %get3A_1934 = arith.constant 1392 : index
    %get3A_1935 = tpu.vector_load %arg12[%get3A_1934] {strides = array<i32>} : memref<1536xf32, #tpu.memory_space<vmem>>, vector<16xf32>,
    %add3A_1936 = arith.addf %get3A_1933, %get3A_1935 : vector<16xf32>
    %add3A_1937 = arith.addf %add3A_1931, %add3A_1936 : vector<16xf32>
    %swap3A_1938 = arith.constant 1392 : index
    %swap3A_1939 = tpu.vector_load %arg9[%swap3A_1938] {strides = array<i32>} : memref<1536xf32, #tpu.memory_space<vmem>>, vector<16xf32>,
    tpu.vector_store %arg9[%swap3A_1938], %add3A_1937 {strides = array<i32>} : memref<1536xf32, #tpu.memory_space<vmem>>, vector<16xf32>,
    %get3A_1940 = arith.constant 1408 : index
    %get3A_1941 = tpu.vector_load %arg9[%get3A_1940] {strides = array<i32>} : memref<1536xf32, #tpu.memory_space<vmem>>, vector<16xf32>,
    %get3A_1942 = arith.constant 1408 : index
    %get3A_1943 = tpu.vector_load %arg10[%get3A_1942] {strides = array<i32>} : memref<1536xf32, #tpu.memory_space<vmem>>, vector<16xf32>,
    %add3A_1944 = arith.addf %get3A_1941, %get3A_1943 : vector<16xf32>
    %get3A_1945 = arith.constant 1408 : index
    %get3A_1946 = tpu.vector_load %arg11[%get3A_1945] {strides = array<i32>} : memref<1536xf32, #tpu.memory_space<vmem>>, vector<16xf32>,
    %get3A_1947 = arith.constant 1408 : index
    %get3A_1948 = tpu.vector_load %arg12[%get3A_1947] {strides = array<i32>} : memref<1536xf32, #tpu.memory_space<vmem>>, vector<16xf32>,
    %add3A_1949 = arith.addf %get3A_1946, %get3A_1948 : vector<16xf32>
    %add3A_1950 = arith.addf %add3A_1944, %add3A_1949 : vector<16xf32>
    %swap3A_1951 = arith.constant 1408 : index
    %swap3A_1952 = tpu.vector_load %arg9[%swap3A_1951] {strides = array<i32>} : memref<1536xf32, #tpu.memory_space<vmem>>, vector<16xf32>,
    tpu.vector_store %arg9[%swap3A_1951], %add3A_1950 {strides = array<i32>} : memref<1536xf32, #tpu.memory_space<vmem>>, vector<16xf32>,
    %get3A_1953 = arith.constant 1424 : index
    %get3A_1954 = tpu.vector_load %arg9[%get3A_1953] {strides = array<i32>} : memref<1536xf32, #tpu.memory_space<vmem>>, vector<16xf32>,
    %get3A_1955 = arith.constant 1424 : index
    %get3A_1956 = tpu.vector_load %arg10[%get3A_1955] {strides = array<i32>} : memref<1536xf32, #tpu.memory_space<vmem>>, vector<16xf32>,
    %add3A_1957 = arith.addf %get3A_1954, %get3A_1956 : vector<16xf32>
    %get3A_1958 = arith.constant 1424 : index
    %get3A_1959 = tpu.vector_load %arg11[%get3A_1958] {strides = array<i32>} : memref<1536xf32, #tpu.memory_space<vmem>>, vector<16xf32>,
    %get3A_1960 = arith.constant 1424 : index
    %get3A_1961 = tpu.vector_load %arg12[%get3A_1960] {strides = array<i32>} : memref<1536xf32, #tpu.memory_space<vmem>>, vector<16xf32>,
    %add3A_1962 = arith.addf %get3A_1959, %get3A_1961 : vector<16xf32>
    %add3A_1963 = arith.addf %add3A_1957, %add3A_1962 : vector<16xf32>
    %swap3A_1964 = arith.constant 1424 : index
    %swap3A_1965 = tpu.vector_load %arg9[%swap3A_1964] {strides = array<i32>} : memref<1536xf32, #tpu.memory_space<vmem>>, vector<16xf32>,
    tpu.vector_store %arg9[%swap3A_1964], %add3A_1963 {strides = array<i32>} : memref<1536xf32, #tpu.memory_space<vmem>>, vector<16xf32>,
    %get3A_1966 = arith.constant 1440 : index
    %get3A_1967 = tpu.vector_load %arg9[%get3A_1966] {strides = array<i32>} : memref<1536xf32, #tpu.memory_space<vmem>>, vector<16xf32>,
    %get3A_1968 = arith.constant 1440 : index
    %get3A_1969 = tpu.vector_load %arg10[%get3A_1968] {strides = array<i32>} : memref<1536xf32, #tpu.memory_space<vmem>>, vector<16xf32>,
    %add3A_1970 = arith.addf %get3A_1967, %get3A_1969 : vector<16xf32>
    %get3A_1971 = arith.constant 1440 : index
    %get3A_1972 = tpu.vector_load %arg11[%get3A_1971] {strides = array<i32>} : memref<1536xf32, #tpu.memory_space<vmem>>, vector<16xf32>,
    %get3A_1973 = arith.constant 1440 : index
    %get3A_1974 = tpu.vector_load %arg12[%get3A_1973] {strides = array<i32>} : memref<1536xf32, #tpu.memory_space<vmem>>, vector<16xf32>,
    %add3A_1975 = arith.addf %get3A_1972, %get3A_1974 : vector<16xf32>
    %add3A_1976 = arith.addf %add3A_1970, %add3A_1975 : vector<16xf32>
    %swap3A_1977 = arith.constant 1440 : index
    %swap3A_1978 = tpu.vector_load %arg9[%swap3A_1977] {strides = array<i32>} : memref<1536xf32, #tpu.memory_space<vmem>>, vector<16xf32>,
    tpu.vector_store %arg9[%swap3A_1977], %add3A_1976 {strides = array<i32>} : memref<1536xf32, #tpu.memory_space<vmem>>, vector<16xf32>,
    %get3A_1979 = arith.constant 1456 : index
    %get3A_1980 = tpu.vector_load %arg9[%get3A_1979] {strides = array<i32>} : memref<1536xf32, #tpu.memory_space<vmem>>, vector<16xf32>,
    %get3A_1981 = arith.constant 1456 : index
    %get3A_1982 = tpu.vector_load %arg10[%get3A_1981] {strides = array<i32>} : memref<1536xf32, #tpu.memory_space<vmem>>, vector<16xf32>,
    %add3A_1983 = arith.addf %get3A_1980, %get3A_1982 : vector<16xf32>
    %get3A_1984 = arith.constant 1456 : index
    %get3A_1985 = tpu.vector_load %arg11[%get3A_1984] {strides = array<i32>} : memref<1536xf32, #tpu.memory_space<vmem>>, vector<16xf32>,
    %get3A_1986 = arith.constant 1456 : index
    %get3A_1987 = tpu.vector_load %arg12[%get3A_1986] {strides = array<i32>} : memref<1536xf32, #tpu.memory_space<vmem>>, vector<16xf32>,
    %add3A_1988 = arith.addf %get3A_1985, %get3A_1987 : vector<16xf32>
    %add3A_1989 = arith.addf %add3A_1983, %add3A_1988 : vector<16xf32>
    %swap3A_1990 = arith.constant 1456 : index
    %swap3A_1991 = tpu.vector_load %arg9[%swap3A_1990] {strides = array<i32>} : memref<1536xf32, #tpu.memory_space<vmem>>, vector<16xf32>,
    tpu.vector_store %arg9[%swap3A_1990], %add3A_1989 {strides = array<i32>} : memref<1536xf32, #tpu.memory_space<vmem>>, vector<16xf32>,
    %get3A_1992 = arith.constant 1472 : index
    %get3A_1993 = tpu.vector_load %arg9[%get3A_1992] {strides = array<i32>} : memref<1536xf32, #tpu.memory_space<vmem>>, vector<16xf32>,
    %get3A_1994 = arith.constant 1472 : index
    %get3A_1995 = tpu.vector_load %arg10[%get3A_1994] {strides = array<i32>} : memref<1536xf32, #tpu.memory_space<vmem>>, vector<16xf32>,
    %add3A_1996 = arith.addf %get3A_1993, %get3A_1995 : vector<16xf32>
    %get3A_1997 = arith.constant 1472 : index
    %get3A_1998 = tpu.vector_load %arg11[%get3A_1997] {strides = array<i32>} : memref<1536xf32, #tpu.memory_space<vmem>>, vector<16xf32>,
    %get3A_1999 = arith.constant 1472 : index
    %get3A_2000 = tpu.vector_load %arg12[%get3A_1999] {strides = array<i32>} : memref<1536xf32, #tpu.memory_space<vmem>>, vector<16xf32>,
    %add3A_2001 = arith.addf %get3A_1998, %get3A_2000 : vector<16xf32>
    %add3A_2002 = arith.addf %add3A_1996, %add3A_2001 : vector<16xf32>
    %swap3A_2003 = arith.constant 1472 : index
    %swap3A_2004 = tpu.vector_load %arg9[%swap3A_2003] {strides = array<i32>} : memref<1536xf32, #tpu.memory_space<vmem>>, vector<16xf32>,
    tpu.vector_store %arg9[%swap3A_2003], %add3A_2002 {strides = array<i32>} : memref<1536xf32, #tpu.memory_space<vmem>>, vector<16xf32>,
    %get3A_2005 = arith.constant 1488 : index
    %get3A_2006 = tpu.vector_load %arg9[%get3A_2005] {strides = array<i32>} : memref<1536xf32, #tpu.memory_space<vmem>>, vector<16xf32>,
    %get3A_2007 = arith.constant 1488 : index
    %get3A_2008 = tpu.vector_load %arg10[%get3A_2007] {strides = array<i32>} : memref<1536xf32, #tpu.memory_space<vmem>>, vector<16xf32>,
    %add3A_2009 = arith.addf %get3A_2006, %get3A_2008 : vector<16xf32>
    %get3A_2010 = arith.constant 1488 : index
    %get3A_2011 = tpu.vector_load %arg11[%get3A_2010] {strides = array<i32>} : memref<1536xf32, #tpu.memory_space<vmem>>, vector<16xf32>,
    %get3A_2012 = arith.constant 1488 : index
    %get3A_2013 = tpu.vector_load %arg12[%get3A_2012] {strides = array<i32>} : memref<1536xf32, #tpu.memory_space<vmem>>, vector<16xf32>,
    %add3A_2014 = arith.addf %get3A_2011, %get3A_2013 : vector<16xf32>
    %add3A_2015 = arith.addf %add3A_2009, %add3A_2014 : vector<16xf32>
    %swap3A_2016 = arith.constant 1488 : index
    %swap3A_2017 = tpu.vector_load %arg9[%swap3A_2016] {strides = array<i32>} : memref<1536xf32, #tpu.memory_space<vmem>>, vector<16xf32>,
    tpu.vector_store %arg9[%swap3A_2016], %add3A_2015 {strides = array<i32>} : memref<1536xf32, #tpu.memory_space<vmem>>, vector<16xf32>,
    %get3A_2018 = arith.constant 1504 : index
    %get3A_2019 = tpu.vector_load %arg9[%get3A_2018] {strides = array<i32>} : memref<1536xf32, #tpu.memory_space<vmem>>, vector<16xf32>,
    %get3A_2020 = arith.constant 1504 : index
    %get3A_2021 = tpu.vector_load %arg10[%get3A_2020] {strides = array<i32>} : memref<1536xf32, #tpu.memory_space<vmem>>, vector<16xf32>,
    %add3A_2022 = arith.addf %get3A_2019, %get3A_2021 : vector<16xf32>
    %get3A_2023 = arith.constant 1504 : index
    %get3A_2024 = tpu.vector_load %arg11[%get3A_2023] {strides = array<i32>} : memref<1536xf32, #tpu.memory_space<vmem>>, vector<16xf32>,
    %get3A_2025 = arith.constant 1504 : index
    %get3A_2026 = tpu.vector_load %arg12[%get3A_2025] {strides = array<i32>} : memref<1536xf32, #tpu.memory_space<vmem>>, vector<16xf32>,
    %add3A_2027 = arith.addf %get3A_2024, %get3A_2026 : vector<16xf32>
    %add3A_2028 = arith.addf %add3A_2022, %add3A_2027 : vector<16xf32>
    %swap3A_2029 = arith.constant 1504 : index
    %swap3A_2030 = tpu.vector_load %arg9[%swap3A_2029] {strides = array<i32>} : memref<1536xf32, #tpu.memory_space<vmem>>, vector<16xf32>,
    tpu.vector_store %arg9[%swap3A_2029], %add3A_2028 {strides = array<i32>} : memref<1536xf32, #tpu.memory_space<vmem>>, vector<16xf32>,
    %get3A_2031 = arith.constant 1520 : index
    %get3A_2032 = tpu.vector_load %arg9[%get3A_2031] {strides = array<i32>} : memref<1536xf32, #tpu.memory_space<vmem>>, vector<16xf32>,
    %get3A_2033 = arith.constant 1520 : index
    %get3A_2034 = tpu.vector_load %arg10[%get3A_2033] {strides = array<i32>} : memref<1536xf32, #tpu.memory_space<vmem>>, vector<16xf32>,
    %add3A_2035 = arith.addf %get3A_2032, %get3A_2034 : vector<16xf32>
    %get3A_2036 = arith.constant 1520 : index
    %get3A_2037 = tpu.vector_load %arg11[%get3A_2036] {strides = array<i32>} : memref<1536xf32, #tpu.memory_space<vmem>>, vector<16xf32>,
    %get3A_2038 = arith.constant 1520 : index
    %get3A_2039 = tpu.vector_load %arg12[%get3A_2038] {strides = array<i32>} : memref<1536xf32, #tpu.memory_space<vmem>>, vector<16xf32>,
    %add3A_2040 = arith.addf %get3A_2037, %get3A_2039 : vector<16xf32>
    %add3A_2041 = arith.addf %add3A_2035, %add3A_2040 : vector<16xf32>
    %swap3A_2042 = arith.constant 1520 : index
    %swap3A_2043 = tpu.vector_load %arg9[%swap3A_2042] {strides = array<i32>} : memref<1536xf32, #tpu.memory_space<vmem>>, vector<16xf32>,
    tpu.vector_store %arg9[%swap3A_2042], %add3A_2041 {strides = array<i32>} : memref<1536xf32, #tpu.memory_space<vmem>>, vector<16xf32>,
    "tpu.region"() ({
      %run_scoped3A = tpu.sem_alloc : memref<!tpu.dma_semaphore, #tpu.memory_space<semaphore_mem>>
      %dma_start3A_2044 = arith.constant 0 : i32
      %dma_start3A_2045 = tpu.memref_slice %arg4[%add3A, %dma_start3A_2044] : memref<32x1536xf32, #tpu.memory_space<hbm>> -> memref<1x1536xf32, #tpu.memory_space<hbm>>
      %dma_start3A_2046 = tpu.memref_squeeze %dma_start3A_2045 : memref<1x1536xf32, #tpu.memory_space<hbm>> -> memref<1536xf32, #tpu.memory_space<hbm>>
      %dma_start3A_2047 = arith.constant 0 : i32
      %dma_start3A_2048 = tpu.memref_slice %arg4[%add3A, %dma_start3A_2047] : memref<32x1536xf32, #tpu.memory_space<hbm>> -> memref<1x1536xf32, #tpu.memory_space<hbm>>
      %dma_start3A_2049 = tpu.memref_squeeze %dma_start3A_2048 : memref<1x1536xf32, #tpu.memory_space<hbm>> -> memref<1536xf32, #tpu.memory_space<hbm>>
      tpu.enqueue_dma source(%arg9 : memref<1536xf32, #tpu.memory_space<vmem>>) target(%dma_start3A_2049 : memref<1536xf32, #tpu.memory_space<hbm>>) target_semaphore(%run_scoped3A : memref<!tpu.dma_semaphore, #tpu.memory_space<semaphore_mem>>)
      %dma_wait3A = arith.constant 0 : i32
      %dma_wait3A_2050 = tpu.memref_slice %arg4[%add3A, %dma_wait3A] : memref<32x1536xf32, #tpu.memory_space<hbm>> -> memref<1x1536xf32, #tpu.memory_space<hbm>>
      %dma_wait3A_2051 = tpu.memref_squeeze %dma_wait3A_2050 : memref<1x1536xf32, #tpu.memory_space<hbm>> -> memref<1536xf32, #tpu.memory_space<hbm>>
      %dma_wait3A_2052 = arith.constant 0 : i32
      %dma_wait3A_2053 = tpu.memref_slice %arg4[%add3A, %dma_wait3A_2052] : memref<32x1536xf32, #tpu.memory_space<hbm>> -> memref<1x1536xf32, #tpu.memory_space<hbm>>
      %dma_wait3A_2054 = tpu.memref_squeeze %dma_wait3A_2053 : memref<1x1536xf32, #tpu.memory_space<hbm>> -> memref<1536xf32, #tpu.memory_space<hbm>>
      tpu.wait_dma2 semaphore(%run_scoped3A : memref<!tpu.dma_semaphore, #tpu.memory_space<semaphore_mem>>) src(%arg9 : memref<1536xf32, #tpu.memory_space<vmem>>) dst(%dma_wait3A_2054 : memref<1536xf32, #tpu.memory_space<hbm>>)
      tpu.yield
    }) : () -> ()
    return
  }
}

module attributes {stable_mosaic.version = 14 : i64} {
  func.func @_finish_body(%arg0: memref<32x1536xf32, #tpu.memory_space<vmem>>, %arg1: memref<1x1xf32, #tpu.memory_space<vmem>>) attributes {dimension_semantics = [], scalar_prefetch = 0 : i64, scratch_operands = 0 : i64, tpu.core_type = #tpu.core_type<tc>} {
    %get3A = arith.constant 0 : index
    %get3A_0 = arith.constant 0 : index
    %get3A_1 = vector.load %arg0[%get3A, %get3A_0] : memref<32x1536xf32, #tpu.memory_space<vmem>>, vector<32x1536xf32>
    %reduce_sum3A = arith.constant dense<0.000000e+00> : vector<1536xf32>
    %reduce_sum3A_2 = vector.multi_reduction <add>, %get3A_1, %reduce_sum3A [0] : vector<32x1536xf32> to vector<1536xf32>
    %broadcast_in_dim3A = vector.shape_cast %reduce_sum3A_2 : vector<1536xf32> to vector<1x1536xf32>
    %slice3A = vector.extract_strided_slice %broadcast_in_dim3A {offsets = [0, 0], sizes = [1, 512], strides = [1, 1]} : vector<1x1536xf32> to vector<1x512xf32>
    %slice3A_3 = vector.extract_strided_slice %broadcast_in_dim3A {offsets = [0, 512], sizes = [1, 512], strides = [1, 1]} : vector<1x1536xf32> to vector<1x512xf32>
    %slice3A_4 = vector.extract_strided_slice %broadcast_in_dim3A {offsets = [0, 1024], sizes = [1, 512], strides = [1, 1]} : vector<1x1536xf32> to vector<1x512xf32>
    %add3A = arith.addf %slice3A, %slice3A_3 : vector<1x512xf32>
    %gt3A = arith.constant 0.000000e+00 : f32
    %gt3A_5 = vector.broadcast %gt3A : f32 to vector<1x512xf32>
    %gt3A_6 = arith.cmpf ogt, %add3A, %gt3A_5 : vector<1x512xf32>
    %jit3A = arith.constant 1.000000e+00 : f32
    %broadcast_in_dim3A_7 = vector.broadcast %jit3A : f32 to vector<1x512xf32>
    %select_n3A = arith.select %gt3A_6, %add3A, %broadcast_in_dim3A_7 : vector<1x512xi1>, vector<1x512xf32>
    %div3A = arith.constant 0x49800000 : f32
    %div3A_8 = vector.broadcast %div3A : f32 to vector<1x512xf32>
    %div3A_9 = arith.divf %add3A, %div3A_8 : vector<1x512xf32>
    %div3A_10 = arith.divf %slice3A_4, %select_n3A : vector<1x512xf32>
    %div3A_11 = arith.divf %slice3A_3, %select_n3A : vector<1x512xf32>
    %sub3A = arith.subf %div3A_10, %div3A_11 : vector<1x512xf32>
    %abs3A = math.absf %sub3A : vector<1x512xf32>
    %mul3A = arith.mulf %abs3A, %div3A_9 : vector<1x512xf32>
    %jit3A_12 = arith.constant 0.000000e+00 : f32
    %broadcast_in_dim3A_13 = vector.broadcast %jit3A_12 : f32 to vector<1x512xf32>
    %select_n3A_14 = arith.select %gt3A_6, %mul3A, %broadcast_in_dim3A_13 : vector<1x512xi1>, vector<1x512xf32>
    %reduce_sum3A_15 = vector.shape_cast %select_n3A_14 : vector<1x512xf32> to vector<1x1x512xf32>
    %reduce_sum3A_16 = arith.constant dense<0.000000e+00> : vector<1xf32>
    %reduce_sum3A_17 = vector.multi_reduction <add>, %reduce_sum3A_15, %reduce_sum3A_16 [1, 2] : vector<1x1x512xf32> to vector<1xf32>
    %reduce_sum3A_18 = vector.shape_cast %reduce_sum3A_17 : vector<1xf32> to vector<1x1x1xf32>
    %reduce_sum3A_19 = vector.extract %reduce_sum3A_18[0, 0, 0] : f32 from vector<1x1x1xf32>
    %jit3A_20 = arith.constant 1.000000e+00 : f32
    %jit3A_21 = arith.constant 0.000000e+00 : f32
    %broadcast_in_dim3A_22 = vector.broadcast %jit3A_20 : f32 to vector<1x512xf32>
    %broadcast_in_dim3A_23 = vector.broadcast %jit3A_21 : f32 to vector<1x512xf32>
    %select_n3A_24 = arith.select %gt3A_6, %broadcast_in_dim3A_22, %broadcast_in_dim3A_23 : vector<1x512xi1>, vector<1x512xf32>
    %reduce_sum3A_25 = vector.shape_cast %select_n3A_24 : vector<1x512xf32> to vector<1x1x512xf32>
    %reduce_sum3A_26 = arith.constant dense<0.000000e+00> : vector<1xf32>
    %reduce_sum3A_27 = vector.multi_reduction <add>, %reduce_sum3A_25, %reduce_sum3A_26 [1, 2] : vector<1x1x512xf32> to vector<1xf32>
    %reduce_sum3A_28 = vector.shape_cast %reduce_sum3A_27 : vector<1xf32> to vector<1x1x1xf32>
    %reduce_sum3A_29 = vector.extract %reduce_sum3A_28[0, 0, 0] : f32 from vector<1x1x1xf32>
    %gt3A_30 = arith.constant 0.000000e+00 : f32
    %gt3A_31 = arith.cmpf ogt, %reduce_sum3A_29, %gt3A_30 : f32
    %div3A_32 = arith.divf %reduce_sum3A_19, %reduce_sum3A_29 : f32
    %select_n3A_33 = arith.select %gt3A_31, %div3A_32, %reduce_sum3A_19 : f32
    %broadcast_in_dim3A_34 = vector.broadcast %select_n3A_33 : f32 to vector<1x1xf32>
    %swap3A = arith.constant 0 : index
    %swap3A_35 = arith.constant 0 : index
    %swap3A_36 = vector.load %arg1[%swap3A, %swap3A_35] : memref<1x1xf32, #tpu.memory_space<vmem>>, vector<1x1xf32>
    tpu.vector_store %arg1[%swap3A, %swap3A_35], %broadcast_in_dim3A_34 {strides = array<i32>} : memref<1x1xf32, #tpu.memory_space<vmem>>, vector<1x1xf32>,
    return
  }
}

</mosaic_0001>

<sc_bundles>
// kernel: _impl.4.cloned.1.call-start
scs
__scs_entry_jumppad:
0x0: {  	(pc) =	sbr.rel $0x88, $3  }
0x1: {  	(tag) =	ssettag $0x0;
	lr =	simm.s32 $0x1  }
0x2: {  	[smem:$0x3F9F] =	sst lr;
	_ =	strace $0xD0000000  }
0x3: {  	_ = 	snop  }
0x4: {  	_ = 	snop  }
0x5: {  	_ = 	snop  }
0x6: {  	_ = 	snop  }
0x7: {  	_ = 	snop  }
__scs_overlays_trampoline_lowered:
0x8: {  	[smem:$0x3FAE] =	sst s0  }
0x9: {  	[smem:$0x3FAF] =	sst s1  }
0xa: {  	[smem:$0x3FB0] =	sst s2  }
0xb: {  	[smem:$0x3FB1] =	sst s3  }
0xc: {  	[smem:$0x3FB2] =	sst s4  }
0xd: {  	[smem:$0x3FB3] =	sst s5  }
0xe: {  	[smem:$0x3FB4] =	sst s6  }
0xf: {  	[smem:$0x3FB5] =	sst s7  }
0x10: {  	[smem:$0x3FB6] =	sst s8  }
0x11: {  	[smem:$0x3FB7] =	sst s9;
	s0 =	simm.s32 @!p0 $0x0  }
0x12: {  	s1 =	sld [smem:$0x3F9D];
	s0 =	simm.s32 @p0 $0x1  }
0x13: {  	[smem:$0x3FB8] =	sst s0;
	s0 =	simm.s32 @!p1 $0x0  }
0x14: {  	s2 =	sld [smem:$0x3F9C];
	s0 =	simm.s32 @p1 $0x1  }
0x15: {  	[smem:$0x3FB9] =	sst s0;
	s0 =	simm.s32 @!p2 $0x0  }
0x16: {  	s3 =	sld [smem:$0x3FDB];
	s0 =	simm.s32 @p2 $0x1  }
0x17: {  	s4 =	simm.s32 $0x1BF5;
	[smem:$0x3FBB] =	sst s0  }
0x18: {  	s0 =	sld [smem:$0x3F9E];
	_ =	swait.ge [sflag:s4], $0x0  }
0x19: {  	s7 =	sld [smem:$0x3F9F]  }
0x1a: {  	s8 =	sadd.s32 $0xFFFFE003, lr  }
0x1b: {  	s9 =	sadd.s32 $0xFFFFFEF7, lr;
	s5 =	simm.s32 $0xFFFFFFFF;
	p2 =	slt.u32 s8, $0xFFFFF086  }
0x1c: {  	p1 =	slt.u32 s9, $0xF7A;
	s5 =	simm.s32 @!p2 $0x0  }
0x1d: {  	s5 =	simm.s32 @p1 $0x1;
	p0 =	seq.s32 s7, s2  }
0x1e: {  	s7 =	smul.u32 @!p0 $0xF7A, s2;
	p2 =	seq.s32 @!p0 s5, $0x0  }
0x1f: {  	s9 =	smul.u32 $0xF7A, s1;
	s8 =	simm.s32 @!p0 $0x1BF5;
	p2 =	por !p2, p0  }
0x20: {  	[sflag:s8] =	ssyncset.s32 @!p0 $0xFFFFF086;
	s6 =	sadd.s32 @!p0 s3, s7;
	s7 =	simm.s32 @!p0 $0x108  }
0x21: {  	s3 =	sadd.s32 s3, s9;
	s6 =	sadd.s32 @!p0 $0x88, s6;
	s7 =	simm.s32 @p2 $0x1082  }
0x22: {  	[simem:s7], [sflag:s8] =	dma.local @!p0 [hbm:s6], $0xF7A  }
0x23: {  	s9 =	sor.u32 $0xD0000000, s2;
	s6 =	simm.s32 $0x108;
	_ =	swait.ge @!p0 [sflag:s8], $0x0  }
0x24: {  	s3 =	sadd.s32 $0x88, s3;
	s6 =	simm.s32 @!p1 $0x1082;
	[sflag:s4] =	ssyncset.s32 $0xFFFFF086  }
0x25: {  	[simem:s6], [sflag:s4] =	dma.local [hbm:s3], $0xF7A  }
0x26: {  	[smem:$0x3F9F] =	sst s1;
	(tag) =	ssettag s2;
	_ =	strace s9  }
0x27: {  	s1 =	sld [smem:$0x3FAF]  }
0x28: {  	s2 =	sld [smem:$0x3FB0]  }
0x29: {  	s4 =	sld [smem:$0x3FB2]  }
0x2a: {  	p0 =	seq.s32 s5, $0x0;
	s5 =	sld [smem:$0x3FB3]  }
0x2b: {  	s6 =	sld [smem:$0x3FB4]  }
0x2c: {  	s7 =	sld [smem:$0x3FB5]  }
0x2d: {  	s3 =	simm.s32 $0x108;
	s8 =	sld [smem:$0x3FB6]  }
0x2e: {  	s3 =	simm.s32 @!p0 $0x1082;
	s9 =	sld [smem:$0x3FB7]  }
0x2f: {  	lr =	sadd.s32 s0, s3;
	s0 =	sld [smem:$0x3FAE]  }
0x30: {  	s3 =	sld [smem:$0x3FB1]  }
0x31: {  	[smem:$0x3FBA] =	sst s10  }
0x32: {  	s10 =	sld [smem:$0x3FB8];
	_ =	sdelay $0x3  }
0x33: {  	p0 =	seq.s32 s10, $0x1;
	s10 =	sld [smem:$0x3FBA];
	_ =	sdelay $0x3  }
0x34: {  	[smem:$0x3FBA] =	sst s10  }
0x35: {  	s10 =	sld [smem:$0x3FB9];
	_ =	sdelay $0x3  }
0x36: {  	p1 =	seq.s32 s10, $0x1;
	s10 =	sld [smem:$0x3FBA];
	_ =	sdelay $0x3  }
0x37: {  	[smem:$0x3FBA] =	sst s10  }
0x38: {  	s10 =	sld [smem:$0x3FBB]  }
0x39: {  	_ = 	snop;
	(pc) =	sbr.ind lr, $3  }
0x3a: {  	_ = 	snop  }
0x3b: {  	_ = 	snop  }
0x3c: {  	p2 =	seq.s32 s10, $0x1;
	s10 =	sld [smem:$0x3FBA]  }
0x3d: {  	_ =	shalt  }
0x3e: {  	_ =	shalt  }
0x3f: {  	_ =	shalt  }
0x40: {  	_ =	shalt  }
0x41: {  	_ =	shalt  }
0x42: {  	_ =	shalt  }
0x43: {  	_ =	shalt  }
0x44: {  	_ =	shalt  }
0x45: {  	_ =	shalt  }
0x46: {  	_ =	shalt  }
0x47: {  	_ =	shalt  }
0x48: {  	_ =	shalt  }
0x49: {  	_ =	shalt  }
0x4a: {  	_ =	shalt  }
0x4b: {  	_ =	shalt  }
0x4c: {  	_ =	shalt  }
0x4d: {  	_ =	shalt  }
0x4e: {  	_ =	shalt  }
0x4f: {  	_ =	shalt  }
0x50: {  	_ =	shalt  }
0x51: {  	_ =	shalt  }
0x52: {  	_ =	shalt  }
0x53: {  	_ =	shalt  }
0x54: {  	_ =	shalt  }
0x55: {  	_ =	shalt  }
0x56: {  	_ =	shalt  }
0x57: {  	_ =	shalt  }
0x58: {  	_ =	shalt  }
0x59: {  	_ =	shalt  }
0x5a: {  	_ =	shalt  }
0x5b: {  	_ =	shalt  }
0x5c: {  	_ =	shalt  }
0x5d: {  	_ =	shalt  }
0x5e: {  	_ =	shalt  }
0x5f: {  	_ =	shalt  }
0x60: {  	_ =	shalt  }
0x61: {  	_ =	shalt  }
0x62: {  	_ =	shalt  }
0x63: {  	_ =	shalt  }
0x64: {  	_ =	shalt  }
0x65: {  	_ =	shalt  }
0x66: {  	_ =	shalt  }
0x67: {  	_ =	shalt  }
0x68: {  	_ =	shalt  }
0x69: {  	_ =	shalt  }
0x6a: {  	_ =	shalt  }
0x6b: {  	_ =	shalt  }
0x6c: {  	_ =	shalt  }
0x6d: {  	_ =	shalt  }
0x6e: {  	_ =	shalt  }
0x6f: {  	_ =	shalt  }
0x70: {  	_ =	shalt  }
0x71: {  	_ =	shalt  }
0x72: {  	_ =	shalt  }
0x73: {  	_ =	shalt  }
0x74: {  	_ =	shalt  }
0x75: {  	_ =	shalt  }
0x76: {  	_ =	shalt  }
0x77: {  	_ =	shalt  }
0x78: {  	_ =	shalt  }
0x79: {  	_ =	shalt  }
0x7a: {  	_ =	shalt  }
0x7b: {  	_ =	shalt  }
0x7c: {  	_ =	shalt  }
0x7d: {  	_ =	shalt  }
0x7e: {  	_ =	shalt  }
0x7f: {  	_ =	shalt  }
0x80: {  	_ =	shalt  }
0x81: {  	_ =	shalt  }
0x82: {  	_ =	shalt  }
0x83: {  	_ =	shalt  }
0x84: {  	_ =	shalt  }
0x85: {  	_ =	shalt  }
0x86: {  	_ =	shalt  }
0x87: {  	_ =	shalt  }
.Lfunc_end0:
.L_simem_size_0:
called_computation_lowered:
.L_overlay_start_0:
0x88: {  	s2 =	sld [smem:$0x3FD9]  }
0x89: {  	s3 =	sld [smem:$0x3FFE];
	_ =	sdelay $0x1  }
0x8a: {  	s1 =	srdreg.scid  }
0x8b: {  	s0 =	sand.u32 $0x1, s1  }
0x8c: {  	s16 =	sshll.u32 s0, $0xA;
	s2 =	sadd.s32 s3, s2  }
0x8d: {  	s2 =	sadd.s32 s2, s16  }
0x8e: {  	[smem:$0x3FC6] =	sst s2  }
0x8f: {  	_ = 	snop  }
0x90: {  	(tm) =	ssettm $0x1  }
0x91: {  	s17 =	sld [smem:$0x3FFB];
	_ =	sdelay $0x3  }
0x92: {  	_ =	strace s17  }
0x93: {  	s2 =	sld [smem:$0x3FFC];
	_ =	sdelay $0x3  }
0x94: {  	_ =	strace s2  }
0x95: {  	s2 =	sld [smem:$0x3FFD];
	_ =	sdelay $0x3  }
0x96: {  	_ =	strace s2  }
0x97: {  	_ =	strace $0x8FFFFFFF  }
0x98: {  	s18 =	sld [smem:$0x3FDB];
	_ =	sdelay $0x1  }
0x99: {  	s19 =	simm.s32 $_scs_section_size  }
0x9a: {  	s4 =	simm.s32 $_size__tile_overlayer_lowered;
	s5 =	simm.s32 $_tile_overlayer_lowered  }
0x9b: {  	s22 =	simm.s32 $0x1BFF;
	s21 =	sshll.u32 s5, $0x1;
	s2 =	sadd.s32 s19, s18  }
0x9c: {  	s6 =	simm.s32 $0x0;
	s20 =	sshll.u32 s4, $0x1;
	s4 =	sadd.s32 s21, s2  }
0x9d: {  	[timem:s6], [sflag:s22] =	dma.local [hbm:s4], s20  }
0x9e: {  	_ =	swait.ge [sflag:s22], s20  }
0x9f: {  	s3 =	ssub.s32 $0x0, s20;
	[sflag:s22] =	ssyncset.done $0x0  }
0xa0: {  	[sflag:s22] =	ssyncadd.s32 s3;
	_ =	sdelay $0x1  }
0xa1: {  	s23 =	simm.s32 $0x1B8B  }
0xa2: {  	_ =	swait.ge [sflag:s23], $0x1  }
0xa3: {  	[sflag:s23] =	ssyncset.done $0x0  }
0xa4: {  	s25 =	simm.s32 $0x1B8E;
	s24 =	sld [smem:$0x3FFE];
	[sflag:s23] =	ssyncadd.s32 $0xFFFFFFFF  }
0xa5: {  	s26 =	simm.s32 $execute0_lowered;
	[smem:$0x3FD2] =	sst s25  }
0xa6: {  	s4 =	sshll.u32 s26, $0x1;
	_ =	strace $0x80000046;
	[dreg:$0x1] =	wrdreg $0xFFFFFFFF  }
0xa7: {  	s28 =	simm.s32 $_size_execute0_lowered;
	s2 =	sadd.s32 s2, s4;
	[dreg:$0x0] =	wrdreg $0x0  }
0xa8: {  	s4 =	sshll.u32 s28, $0x1;
	[dreg:$0x2] =	wrdreg s2  }
0xa9: {  	[dreg:$0x3] =	wrdreg s4  }
0xaa: {  	[dreg:$0x4] =	wrdreg $0xC0  }
0xab: {  	_ =	task [dreg:s6], $0x5FFFF  }
0xac: {  	[dreg:$0x1] =	wrdreg $0xFFFFFFFF  }
0xad: {  	[dreg:$0x0] =	wrdreg $0x60  }
0xae: {  	[dreg:$0x2] =	wrdreg s24  }
0xaf: {  	[dreg:$0x3] =	wrdreg $0x9  }
0xb0: {  	_ =	task.clear_ibuf [dreg:s6], $0x4FFFF;
	_ =	strace $0x90000046  }
0xb1: {  	s29 =	simm.s32 $0x9;
	_ =	strace $0x80000048  }
0xb2: {  	_ =	swait.ge [sflag:s29], $0x1  }
0xb3: {  	[sflag:s29] =	ssyncadd.s32 $0xFFFFFFFF  }
0xb4: {  	_ =	strace $0x90000048  }
0xb5: {  	_ =	sfence  }
0xb6: {  	s30 =	sld [smem:$0x0];
	_ =	sdelay $0x2  }
0xb7: {  	s31 =	sshll.u32 s1, $0xD;
	s1 =	sshrl.u32 s1, $0x2  }
0xb8: {  	s3 =	sand.u32 $0x4000, s31;
	s1 =	sadd.s32 s1, s30  }
0xb9: {  	s0 =	sor.u32 s3, s0;
	s1 =	sshll.u32 s1, $0x11  }
0xba: {  	s0 =	sor.u32 s1, s0  }
0xbb: {  	s0 =	sadd.s32 $0x8F2B, s0  }
0xbc: {  	[sflag:s0] =	ssyncadd.remote.s32 $0x1  }
0xbd: {  	_ =	sfence.sel $0xFFFF  }
0xbe: {  	[dreg:$0x0] =	wrdreg $0xFFFFFFFF;
	(pc) =	sbr.abs _section_cstart, $3  }
0xbf: {  	[dreg:$0x1] =	wrdreg $0xFFFFFFFF  }
0xc0: {  	_ =	task.clear_ibuf [dreg:s6], $0x2FFFF;
	_ =	strace $0x9FFFFFFF  }
0xc1: {  	(tm) =	ssettm $0x7FFFFFFF  }
tec
execute0_lowered:
.L_overlay_start_1:
0x0: {  	(tag) =	ssettag $0x1  }
0x1: {  	s0 =	rddreg [dreg:$0x0]  }
0x2: {  	s1 =	srdreg.scid;
	s4 =	stileid.u32;
	s2 =	simm.s32 $0x0  }
0x3: {  	s14 =	simm.s32 $0x4000;
	s15 =	simm.s32 $0xC000;
	s16 =	simm.s32 $0x1  }
0x4: {  	s17 =	simm.s32 $0x3;
	s18 =	simm.s32 $0x10000;
	s19 =	simm.s32 $0x10600  }
0x5: {  	s20 =	simm.s32 $0x10C00;
	s21 =	simm.s32 $0x11200;
	s22 =	simm.s32 $0x2  }
0x6: {  	s23 =	simm.s32 $0x4;
	s24 =	simm.s32 $0x80;
	s25 =	simm.s32 $0x400  }
0x7: {  	s26 =	simm.s32 $0x5;
	s28 =	simm.s32 $0x0;
	s1 =	sand.u32 $0x1, s1  }
0x8: {  	s3 =	sshll.u32 s4, $0x1;
	s30 =	sshrl.u32 s4, $0x2;
	[smem:$0x7FF] =	sst s2  }
0x9: {  	s5 =	sor.u32 s1, s3;
	s4 =	smul.u32 $0x3000, s30;
	_ =	strace $0x80000047  }
0xa: {  	s3 =	sadd.s32 $0x600, s0;
	s1 =	ssub.s32 $0x2, s1;
	s31 =	sshll.u32 s5, $0x7  }
0xb: {  	s7 =	sshrl.u32 s1, $0x1;
	s10 =	sshll.u32 s5, $0x13;
	s6 =	sand.u32 $0x380, s31  }
.Ltmp0:
0xc: {  	s1 =	ssub.s32 s1, s7;
	s5 =	sadd.s32 s3, s10;
	(pc) =	sbr.rel .LBB2_1-.Ltmp0, $4  }
0xd: {  	s8 =	sor.u32 $0x800, s10;
	s9 =	sor.u32 $0x1000, s10;
	s6 =	sor.u32 s4, s6  }
0xe: {  	s4 =	sadd.s32 $0x1000600, s0;
	s7 =	sadd.s32 s3, s8;
	s6 =	sshrl.u32 s6, $0x3  }
0xf: {  	v1 =	vimm.f32 $1.000000000e+00;
	v2 =	vimm.s32 $0x0;
	v3 =	vlaneseq.u32;
	s12 =	smax.u32 s1, $0x1;
	s8 =	sadd.s32 s4, s8;
	s0 =	sadd.s32 s6, s0  }
0x10: {  	v4 =	vor.u32 $0x400, v3;
	v5 =	vor.u32 $0x10, v3;
	v6 =	vor.u32 $0x410, v3;
	s6 =	sadd.s32 s4, s10;
	s10 =	sor.u32 $0x1800, s10;
	s11 =	sadd.s32 $0x2000600, s0  }
.LBB2_8:
0x11: {  	v23 =	vld [tilespmem:$0x10000]  }
0x12: {  	v15 =	vld [tilespmem:$0x10600]  }
0x13: {  	v16 =	vld [tilespmem:$0x10C00]  }
0x14: {  	v13 =	vld [tilespmem:$0x11200]  }
0x15: {  	v17 =	vld [tilespmem:$0x10010]  }
0x16: {  	v14 =	vld [tilespmem:$0x10610]  }
0x17: {  	v9 =	vld [tilespmem:$0x10C10]  }
0x18: {  	v7 =	vld [tilespmem:$0x11210]  }
0x19: {  	v39 =	vld [tilespmem:$0x10020]  }
0x1a: {  	v31 =	vld [tilespmem:$0x10620]  }
0x1b: {  	v32 =	vld [tilespmem:$0x10C20]  }
0x1c: {  	v24 =	vld [tilespmem:$0x11220]  }
0x1d: {  	v33 =	vld [tilespmem:$0x10030]  }
0x1e: {  	v25 =	vld [tilespmem:$0x10630]  }
0x1f: {  	v0 =	vld [tilespmem:$0x100A0];
	_ =	sdelay $0x4  }
0x20: {  	[tilespmem:$0x1EF70] =	vst v0;
	v0 =	vld [tilespmem:$0x106A0];
	_ =	sdelay $0x4  }
0x21: {  	[tilespmem:$0x1EF80] =	vst v0;
	v0 =	vld [tilespmem:$0x10CA0];
	_ =	sdelay $0x4  }
0x22: {  	[tilespmem:$0x1EF90] =	vst v0;
	v0 =	vld [tilespmem:$0x100B0];
	_ =	sdelay $0x4  }
0x23: {  	[tilespmem:$0x1EFA0] =	vst v0;
	v0 =	vld [tilespmem:$0x106B0];
	_ =	sdelay $0x4  }
0x24: {  	[tilespmem:$0x1EFB0] =	vst v0;
	v0 =	vld [tilespmem:$0x100E0];
	_ =	sdelay $0x4  }
0x25: {  	[tilespmem:$0x1EFC0] =	vst v0;
	v0 =	vld [tilespmem:$0x106E0];
	_ =	sdelay $0x4  }
0x26: {  	[tilespmem:$0x1EFD0] =	vst v0;
	v0 =	vld [tilespmem:$0x10CE0];
	_ =	sdelay $0x4  }
0x27: {  	[tilespmem:$0x1EFE0] =	vst v0;
	v0 =	vld [tilespmem:$0x112E0];
	_ =	sdelay $0x4  }
0x28: {  	[tilespmem:$0x1EFF0] =	vst v0;
	v0 =	vld [tilespmem:$0x100F0];
	_ =	sdelay $0x4  }
0x29: {  	[tilespmem:$0x1F000] =	vst v0;
	v0 =	vld [tilespmem:$0x106F0];
	_ =	sdelay $0x4  }
0x2a: {  	[tilespmem:$0x1F010] =	vst v0;
	v0 =	vld [tilespmem:$0x10CF0];
	_ =	sdelay $0x4  }
0x2b: {  	[tilespmem:$0x1F020] =	vst v0;
	v0 =	vld [tilespmem:$0x112F0];
	_ =	sdelay $0x4  }
0x2c: {  	[tilespmem:$0x1F030] =	vst v0;
	v0 =	vld [tilespmem:$0x10100];
	_ =	sdelay $0x4  }
0x2d: {  	[tilespmem:$0x1F040] =	vst v0;
	v0 =	vld [tilespmem:$0x10700];
	_ =	sdelay $0x4  }
0x2e: {  	[tilespmem:$0x1F050] =	vst v0;
	v0 =	vld [tilespmem:$0x10D00];
	_ =	sdelay $0x4  }
0x2f: {  	[tilespmem:$0x1F060] =	vst v0;
	v0 =	vld [tilespmem:$0x10110];
	_ =	sdelay $0x4  }
0x30: {  	[tilespmem:$0x1F070] =	vst v0;
	v0 =	vld [tilespmem:$0x10D10];
	_ =	sdelay $0x4  }
0x31: {  	[tilespmem:$0x1F080] =	vst v0;
	v0 =	vld [tilespmem:$0x10120];
	_ =	sdelay $0x4  }
0x32: {  	[tilespmem:$0x1F090] =	vst v0;
	v0 =	vld [tilespmem:$0x10720];
	_ =	sdelay $0x4  }
0x33: {  	[tilespmem:$0x1F0A0] =	vst v0;
	v0 =	vld [tilespmem:$0x10D20];
	_ =	sdelay $0x4  }
0x34: {  	[tilespmem:$0x1F0B0] =	vst v0;
	v0 =	vld [tilespmem:$0x11320];
	_ =	sdelay $0x4  }
0x35: {  	[tilespmem:$0x1F0C0] =	vst v0;
	v0 =	vld [tilespmem:$0x10130];
	_ =	sdelay $0x4  }
0x36: {  	[tilespmem:$0x1F0D0] =	vst v0;
	v0 =	vld [tilespmem:$0x10730];
	_ =	sdelay $0x4  }
0x37: {  	[tilespmem:$0x1F0E0] =	vst v0;
	v0 =	vld [tilespmem:$0x10D30];
	_ =	sdelay $0x4  }
0x38: {  	[tilespmem:$0x1F0F0] =	vst v0;
	v0 =	vld [tilespmem:$0x11330];
	_ =	sdelay $0x4  }
0x39: {  	[tilespmem:$0x1F100] =	vst v0;
	v0 =	vld [tilespmem:$0x10140];
	_ =	sdelay $0x4  }
0x3a: {  	[tilespmem:$0x1F110] =	vst v0;
	v0 =	vld [tilespmem:$0x10740];
	_ =	sdelay $0x4  }
0x3b: {  	[tilespmem:$0x1F120] =	vst v0;
	v0 =	vld [tilespmem:$0x10D40];
	_ =	sdelay $0x4  }
0x3c: {  	[tilespmem:$0x1F130] =	vst v0;
	v0 =	vld [tilespmem:$0x11340];
	_ =	sdelay $0x4  }
0x3d: {  	[tilespmem:$0x1F140] =	vst v0;
	v0 =	vld [tilespmem:$0x10150];
	_ =	sdelay $0x4  }
0x3e: {  	[tilespmem:$0x1F150] =	vst v0;
	v0 =	vld [tilespmem:$0x10750];
	_ =	sdelay $0x4  }
0x3f: {  	[tilespmem:$0x1F160] =	vst v0;
	v0 =	vld [tilespmem:$0x10D50];
	_ =	sdelay $0x4  }
0x40: {  	[tilespmem:$0x1F170] =	vst v0;
	v0 =	vld [tilespmem:$0x11350];
	_ =	sdelay $0x4  }
0x41: {  	[tilespmem:$0x1F180] =	vst v0;
	v0 =	vld [tilespmem:$0x10160];
	_ =	sdelay $0x4  }
0x42: {  	[tilespmem:$0x1F190] =	vst v0;
	v0 =	vld [tilespmem:$0x10760];
	_ =	sdelay $0x4  }
0x43: {  	[tilespmem:$0x1F1A0] =	vst v0;
	v0 =	vld [tilespmem:$0x10D60];
	_ =	sdelay $0x4  }
0x44: {  	[tilespmem:$0x1F1B0] =	vst v0;
	v0 =	vld [tilespmem:$0x11360];
	_ =	sdelay $0x4  }
0x45: {  	[tilespmem:$0x1F1C0] =	vst v0;
	v0 =	vld [tilespmem:$0x10170];
	_ =	sdelay $0x4  }
0x46: {  	[tilespmem:$0x1F1D0] =	vst v0;
	v0 =	vld [tilespmem:$0x10770];
	_ =	sdelay $0x4  }
0x47: {  	[tilespmem:$0x1F1E0] =	vst v0;
	v0 =	vld [tilespmem:$0x10D70];
	_ =	sdelay $0x4  }
0x48: {  	[tilespmem:$0x1F1F0] =	vst v0;
	v0 =	vld [tilespmem:$0x11370];
	_ =	sdelay $0x4  }
0x49: {  	[tilespmem:$0x1F200] =	vst v0;
	v0 =	vld [tilespmem:$0x10180];
	_ =	sdelay $0x4  }
0x4a: {  	[tilespmem:$0x1F210] =	vst v0;
	v0 =	vld [tilespmem:$0x10780];
	_ =	sdelay $0x4  }
0x4b: {  	[tilespmem:$0x1F220] =	vst v0;
	v0 =	vld [tilespmem:$0x10D80];
	_ =	sdelay $0x4  }
0x4c: {  	[tilespmem:$0x1F230] =	vst v0;
	v0 =	vld [tilespmem:$0x11380];
	_ =	sdelay $0x4  }
0x4d: {  	[tilespmem:$0x1F240] =	vst v0;
	v0 =	vld [tilespmem:$0x10190];
	_ =	sdelay $0x4  }
0x4e: {  	[tilespmem:$0x1F250] =	vst v0;
	v0 =	vld [tilespmem:$0x10790];
	_ =	sdelay $0x4  }
0x4f: {  	[tilespmem:$0x1F260] =	vst v0;
	v0 =	vld [tilespmem:$0x10D90];
	_ =	sdelay $0x4  }
0x50: {  	[tilespmem:$0x1F270] =	vst v0;
	v0 =	vld [tilespmem:$0x11390];
	_ =	sdelay $0x4  }
0x51: {  	[tilespmem:$0x1F280] =	vst v0;
	v0 =	vld [tilespmem:$0x101A0];
	_ =	sdelay $0x4  }
0x52: {  	[tilespmem:$0x1F290] =	vst v0;
	v0 =	vld [tilespmem:$0x107A0];
	_ =	sdelay $0x4  }
0x53: {  	[tilespmem:$0x1F2A0] =	vst v0;
	v0 =	vld [tilespmem:$0x10DA0];
	_ =	sdelay $0x4  }
0x54: {  	[tilespmem:$0x1F2B0] =	vst v0;
	v0 =	vld [tilespmem:$0x113A0];
	_ =	sdelay $0x4  }
0x55: {  	[tilespmem:$0x1F2C0] =	vst v0;
	v0 =	vld [tilespmem:$0x101B0];
	_ =	sdelay $0x4  }
0x56: {  	[tilespmem:$0x1F2D0] =	vst v0;
	v0 =	vld [tilespmem:$0x107B0];
	_ =	sdelay $0x4  }
0x57: {  	[tilespmem:$0x1F2E0] =	vst v0;
	v0 =	vld [tilespmem:$0x10DB0];
	_ =	sdelay $0x4  }
0x58: {  	[tilespmem:$0x1F2F0] =	vst v0;
	v0 =	vld [tilespmem:$0x113B0];
	_ =	sdelay $0x4  }
0x59: {  	[tilespmem:$0x1F300] =	vst v0;
	v0 =	vld [tilespmem:$0x101C0];
	_ =	sdelay $0x4  }
0x5a: {  	[tilespmem:$0x1F310] =	vst v0;
	v0 =	vld [tilespmem:$0x107C0];
	_ =	sdelay $0x4  }
0x5b: {  	[tilespmem:$0x1F320] =	vst v0;
	v0 =	vld [tilespmem:$0x10DC0];
	_ =	sdelay $0x4  }
0x5c: {  	[tilespmem:$0x1F330] =	vst v0;
	v0 =	vld [tilespmem:$0x113C0];
	_ =	sdelay $0x4  }
0x5d: {  	[tilespmem:$0x1F340] =	vst v0;
	v0 =	vld [tilespmem:$0x101D0];
	_ =	sdelay $0x4  }
0x5e: {  	[tilespmem:$0x1F350] =	vst v0;
	v0 =	vld [tilespmem:$0x107D0];
	_ =	sdelay $0x4  }
0x5f: {  	[tilespmem:$0x1F360] =	vst v0;
	v0 =	vld [tilespmem:$0x10DD0];
	_ =	sdelay $0x4  }
0x60: {  	[tilespmem:$0x1F370] =	vst v0;
	v0 =	vld [tilespmem:$0x113D0];
	_ =	sdelay $0x4  }
0x61: {  	[tilespmem:$0x1F380] =	vst v0;
	v0 =	vld [tilespmem:$0x101E0];
	_ =	sdelay $0x4  }
0x62: {  	[tilespmem:$0x1F390] =	vst v0;
	v0 =	vld [tilespmem:$0x107E0];
	_ =	sdelay $0x4  }
0x63: {  	[tilespmem:$0x1F3A0] =	vst v0;
	v0 =	vld [tilespmem:$0x10DE0];
	_ =	sdelay $0x4  }
0x64: {  	[tilespmem:$0x1F3B0] =	vst v0;
	v0 =	vld [tilespmem:$0x113E0];
	_ =	sdelay $0x4  }
0x65: {  	[tilespmem:$0x1F3C0] =	vst v0;
	v0 =	vld [tilespmem:$0x101F0];
	_ =	sdelay $0x4  }
0x66: {  	[tilespmem:$0x1F3D0] =	vst v0;
	v0 =	vld [tilespmem:$0x107F0];
	_ =	sdelay $0x4  }
0x67: {  	[tilespmem:$0x1F3E0] =	vst v0;
	v0 =	vld [tilespmem:$0x10DF0];
	_ =	sdelay $0x4  }
0x68: {  	[tilespmem:$0x1F3F0] =	vst v0;
	v0 =	vld [tilespmem:$0x113F0];
	_ =	sdelay $0x4  }
0x69: {  	[tilespmem:$0x1F400] =	vst v0;
	v0 =	vld [tilespmem:$0x10200];
	_ =	sdelay $0x4  }
0x6a: {  	[tilespmem:$0x1F410] =	vst v0;
	v0 =	vld [tilespmem:$0x10800];
	_ =	sdelay $0x4  }
0x6b: {  	[tilespmem:$0x1F420] =	vst v0;
	v0 =	vld [tilespmem:$0x10E00];
	_ =	sdelay $0x4  }
0x6c: {  	[tilespmem:$0x1F430] =	vst v0;
	v0 =	vld [tilespmem:$0x11400];
	_ =	sdelay $0x4  }
0x6d: {  	[tilespmem:$0x1F440] =	vst v0;
	v0 =	vld [tilespmem:$0x10210];
	_ =	sdelay $0x4  }
0x6e: {  	[tilespmem:$0x1F450] =	vst v0;
	v0 =	vld [tilespmem:$0x10810];
	_ =	sdelay $0x4  }
0x6f: {  	[tilespmem:$0x1F460] =	vst v0;
	v0 =	vld [tilespmem:$0x10E10];
	_ =	sdelay $0x4  }
0x70: {  	[tilespmem:$0x1F470] =	vst v0;
	v0 =	vld [tilespmem:$0x11410];
	_ =	sdelay $0x4  }
0x71: {  	[tilespmem:$0x1F480] =	vst v0;
	v0 =	vld [tilespmem:$0x10220];
	_ =	sdelay $0x4  }
0x72: {  	[tilespmem:$0x1F490] =	vst v0;
	v0 =	vld [tilespmem:$0x10820];
	_ =	sdelay $0x4  }
0x73: {  	[tilespmem:$0x1F4A0] =	vst v0;
	v0 =	vld [tilespmem:$0x10E20];
	_ =	sdelay $0x4  }
0x74: {  	[tilespmem:$0x1F4B0] =	vst v0;
	v0 =	vld [tilespmem:$0x11420];
	_ =	sdelay $0x4  }
0x75: {  	[tilespmem:$0x1F4C0] =	vst v0;
	v0 =	vld [tilespmem:$0x10230];
	_ =	sdelay $0x4  }
0x76: {  	[tilespmem:$0x1F4D0] =	vst v0;
	v0 =	vld [tilespmem:$0x10830];
	_ =	sdelay $0x4  }
0x77: {  	[tilespmem:$0x1F4E0] =	vst v0;
	v0 =	vld [tilespmem:$0x10E30];
	_ =	sdelay $0x4  }
0x78: {  	[tilespmem:$0x1F4F0] =	vst v0;
	v0 =	vld [tilespmem:$0x11430];
	_ =	sdelay $0x4  }
0x79: {  	[tilespmem:$0x1F500] =	vst v0;
	v0 =	vld [tilespmem:$0x10240];
	_ =	sdelay $0x4  }
0x7a: {  	[tilespmem:$0x1F510] =	vst v0;
	v0 =	vld [tilespmem:$0x10840];
	_ =	sdelay $0x4  }
0x7b: {  	[tilespmem:$0x1F520] =	vst v0;
	v0 =	vld [tilespmem:$0x10E40];
	_ =	sdelay $0x4  }
0x7c: {  	[tilespmem:$0x1F530] =	vst v0;
	v0 =	vld [tilespmem:$0x11440];
	_ =	sdelay $0x4  }
0x7d: {  	[tilespmem:$0x1F540] =	vst v0;
	v0 =	vld [tilespmem:$0x10250];
	_ =	sdelay $0x4  }
0x7e: {  	[tilespmem:$0x1F550] =	vst v0;
	v0 =	vld [tilespmem:$0x10850];
	_ =	sdelay $0x4  }
0x7f: {  	[tilespmem:$0x1F560] =	vst v0;
	v0 =	vld [tilespmem:$0x10E50];
	_ =	sdelay $0x4  }
0x80: {  	[tilespmem:$0x1F570] =	vst v0;
	v0 =	vld [tilespmem:$0x11450];
	_ =	sdelay $0x4  }
0x81: {  	[tilespmem:$0x1F580] =	vst v0;
	v0 =	vld [tilespmem:$0x10260];
	_ =	sdelay $0x4  }
0x82: {  	[tilespmem:$0x1F590] =	vst v0;
	v0 =	vld [tilespmem:$0x10860];
	_ =	sdelay $0x4  }
0x83: {  	[tilespmem:$0x1F5A0] =	vst v0;
	v0 =	vld [tilespmem:$0x10E60];
	_ =	sdelay $0x4  }
0x84: {  	[tilespmem:$0x1F5B0] =	vst v0;
	v0 =	vld [tilespmem:$0x11460];
	_ =	sdelay $0x4  }
0x85: {  	[tilespmem:$0x1F5C0] =	vst v0;
	v0 =	vld [tilespmem:$0x10270];
	_ =	sdelay $0x4  }
0x86: {  	[tilespmem:$0x1F5D0] =	vst v0;
	v0 =	vld [tilespmem:$0x10870];
	_ =	sdelay $0x4  }
0x87: {  	[tilespmem:$0x1F5E0] =	vst v0;
	v0 =	vld [tilespmem:$0x10E70];
	_ =	sdelay $0x4  }
0x88: {  	[tilespmem:$0x1F5F0] =	vst v0;
	v0 =	vld [tilespmem:$0x11470];
	_ =	sdelay $0x4  }
0x89: {  	[tilespmem:$0x1F600] =	vst v0;
	v0 =	vld [tilespmem:$0x10280];
	_ =	sdelay $0x4  }
0x8a: {  	[tilespmem:$0x1F610] =	vst v0;
	v0 =	vld [tilespmem:$0x10880];
	_ =	sdelay $0x4  }
0x8b: {  	[tilespmem:$0x1F620] =	vst v0;
	v0 =	vld [tilespmem:$0x10E80];
	_ =	sdelay $0x4  }
0x8c: {  	[tilespmem:$0x1F630] =	vst v0;
	v0 =	vld [tilespmem:$0x11480];
	_ =	sdelay $0x4  }
0x8d: {  	[tilespmem:$0x1F640] =	vst v0;
	v0 =	vld [tilespmem:$0x10290];
	_ =	sdelay $0x4  }
0x8e: {  	[tilespmem:$0x1F650] =	vst v0;
	v0 =	vld [tilespmem:$0x10890];
	_ =	sdelay $0x4  }
0x8f: {  	[tilespmem:$0x1F660] =	vst v0;
	v0 =	vld [tilespmem:$0x10E90];
	_ =	sdelay $0x4  }
0x90: {  	[tilespmem:$0x1F670] =	vst v0;
	v0 =	vld [tilespmem:$0x11490];
	_ =	sdelay $0x4  }
0x91: {  	[tilespmem:$0x1F680] =	vst v0;
	v0 =	vld [tilespmem:$0x102A0];
	_ =	sdelay $0x4  }
0x92: {  	[tilespmem:$0x1F690] =	vst v0;
	v0 =	vld [tilespmem:$0x108A0];
	_ =	sdelay $0x4  }
0x93: {  	[tilespmem:$0x1F6A0] =	vst v0;
	v0 =	vld [tilespmem:$0x10EA0];
	_ =	sdelay $0x4  }
0x94: {  	[tilespmem:$0x1F6B0] =	vst v0;
	v0 =	vld [tilespmem:$0x114A0];
	_ =	sdelay $0x4  }
0x95: {  	[tilespmem:$0x1F6C0] =	vst v0;
	v0 =	vld [tilespmem:$0x102B0];
	_ =	sdelay $0x4  }
0x96: {  	[tilespmem:$0x1F6D0] =	vst v0;
	v0 =	vld [tilespmem:$0x108B0];
	_ =	sdelay $0x4  }
0x97: {  	[tilespmem:$0x1F6E0] =	vst v0;
	v0 =	vld [tilespmem:$0x10EB0];
	_ =	sdelay $0x4  }
0x98: {  	[tilespmem:$0x1F6F0] =	vst v0;
	v0 =	vld [tilespmem:$0x114B0];
	_ =	sdelay $0x4  }
0x99: {  	[tilespmem:$0x1F700] =	vst v0;
	v0 =	vld [tilespmem:$0x102C0];
	_ =	sdelay $0x4  }
0x9a: {  	[tilespmem:$0x1F710] =	vst v0;
	v0 =	vld [tilespmem:$0x108C0];
	_ =	sdelay $0x4  }
0x9b: {  	[tilespmem:$0x1F720] =	vst v0;
	v0 =	vld [tilespmem:$0x10EC0];
	_ =	sdelay $0x4  }
0x9c: {  	[tilespmem:$0x1F730] =	vst v0;
	v0 =	vld [tilespmem:$0x114C0];
	_ =	sdelay $0x4  }
0x9d: {  	[tilespmem:$0x1F740] =	vst v0;
	v0 =	vld [tilespmem:$0x102D0];
	_ =	sdelay $0x4  }
0x9e: {  	[tilespmem:$0x1F750] =	vst v0;
	v0 =	vld [tilespmem:$0x108D0];
	_ =	sdelay $0x4  }
0x9f: {  	[tilespmem:$0x1F760] =	vst v0;
	v0 =	vld [tilespmem:$0x10ED0];
	_ =	sdelay $0x4  }
0xa0: {  	[tilespmem:$0x1F770] =	vst v0;
	v0 =	vld [tilespmem:$0x114D0];
	_ =	sdelay $0x4  }
0xa1: {  	[tilespmem:$0x1F780] =	vst v0;
	v0 =	vld [tilespmem:$0x102E0];
	_ =	sdelay $0x4  }
0xa2: {  	[tilespmem:$0x1F790] =	vst v0;
	v0 =	vld [tilespmem:$0x108E0];
	_ =	sdelay $0x4  }
0xa3: {  	[tilespmem:$0x1F7A0] =	vst v0;
	v0 =	vld [tilespmem:$0x10EE0];
	_ =	sdelay $0x4  }
0xa4: {  	[tilespmem:$0x1F7B0] =	vst v0;
	v0 =	vld [tilespmem:$0x114E0];
	_ =	sdelay $0x4  }
0xa5: {  	[tilespmem:$0x1F7C0] =	vst v0;
	v0 =	vld [tilespmem:$0x102F0];
	_ =	sdelay $0x4  }
0xa6: {  	[tilespmem:$0x1F7D0] =	vst v0;
	v0 =	vld [tilespmem:$0x108F0];
	_ =	sdelay $0x4  }
0xa7: {  	[tilespmem:$0x1F7E0] =	vst v0;
	v0 =	vld [tilespmem:$0x10EF0];
	_ =	sdelay $0x4  }
0xa8: {  	[tilespmem:$0x1F7F0] =	vst v0;
	v0 =	vld [tilespmem:$0x114F0];
	_ =	sdelay $0x4  }
0xa9: {  	[tilespmem:$0x1F800] =	vst v0;
	v0 =	vld [tilespmem:$0x10300];
	_ =	sdelay $0x4  }
0xaa: {  	[tilespmem:$0x1F810] =	vst v0;
	v0 =	vld [tilespmem:$0x10900];
	_ =	sdelay $0x4  }
0xab: {  	[tilespmem:$0x1F820] =	vst v0;
	v0 =	vld [tilespmem:$0x10F00];
	_ =	sdelay $0x4  }
0xac: {  	[tilespmem:$0x1F830] =	vst v0;
	v0 =	vld [tilespmem:$0x11500];
	_ =	sdelay $0x4  }
0xad: {  	[tilespmem:$0x1F840] =	vst v0;
	v0 =	vld [tilespmem:$0x10310];
	_ =	sdelay $0x4  }
0xae: {  	[tilespmem:$0x1F850] =	vst v0;
	v0 =	vld [tilespmem:$0x10910];
	_ =	sdelay $0x4  }
0xaf: {  	[tilespmem:$0x1F860] =	vst v0;
	v0 =	vld [tilespmem:$0x10F10];
	_ =	sdelay $0x4  }
0xb0: {  	[tilespmem:$0x1F870] =	vst v0;
	v0 =	vld [tilespmem:$0x11510];
	_ =	sdelay $0x4  }
0xb1: {  	[tilespmem:$0x1F880] =	vst v0;
	v0 =	vld [tilespmem:$0x10320];
	_ =	sdelay $0x4  }
0xb2: {  	[tilespmem:$0x1F890] =	vst v0;
	v0 =	vld [tilespmem:$0x10920];
	_ =	sdelay $0x4  }
0xb3: {  	[tilespmem:$0x1F8A0] =	vst v0;
	v0 =	vld [tilespmem:$0x10F20];
	_ =	sdelay $0x4  }
0xb4: {  	[tilespmem:$0x1F8B0] =	vst v0;
	v0 =	vld [tilespmem:$0x11520];
	_ =	sdelay $0x4  }
0xb5: {  	[tilespmem:$0x1F8C0] =	vst v0;
	v0 =	vld [tilespmem:$0x10330];
	_ =	sdelay $0x4  }
0xb6: {  	[tilespmem:$0x1F8D0] =	vst v0;
	v0 =	vld [tilespmem:$0x10930];
	_ =	sdelay $0x4  }
0xb7: {  	[tilespmem:$0x1F8E0] =	vst v0;
	v0 =	vld [tilespmem:$0x10F30];
	_ =	sdelay $0x4  }
0xb8: {  	[tilespmem:$0x1F8F0] =	vst v0;
	v0 =	vld [tilespmem:$0x11530];
	_ =	sdelay $0x4  }
0xb9: {  	[tilespmem:$0x1F900] =	vst v0;
	v0 =	vld [tilespmem:$0x10340];
	_ =	sdelay $0x4  }
0xba: {  	[tilespmem:$0x1F910] =	vst v0;
	v0 =	vld [tilespmem:$0x10940];
	_ =	sdelay $0x4  }
0xbb: {  	[tilespmem:$0x1F920] =	vst v0;
	v0 =	vld [tilespmem:$0x10F40];
	_ =	sdelay $0x4  }
0xbc: {  	[tilespmem:$0x1F930] =	vst v0;
	v0 =	vld [tilespmem:$0x11540];
	_ =	sdelay $0x4  }
0xbd: {  	[tilespmem:$0x1F940] =	vst v0;
	v0 =	vld [tilespmem:$0x10350];
	_ =	sdelay $0x4  }
0xbe: {  	[tilespmem:$0x1F950] =	vst v0;
	v0 =	vld [tilespmem:$0x10950];
	_ =	sdelay $0x4  }
0xbf: {  	[tilespmem:$0x1F960] =	vst v0;
	v0 =	vld [tilespmem:$0x10F50];
	_ =	sdelay $0x4  }
0xc0: {  	[tilespmem:$0x1F970] =	vst v0;
	v0 =	vld [tilespmem:$0x11550];
	_ =	sdelay $0x4  }
0xc1: {  	[tilespmem:$0x1F980] =	vst v0;
	v0 =	vld [tilespmem:$0x10360];
	_ =	sdelay $0x4  }
0xc2: {  	[tilespmem:$0x1F990] =	vst v0;
	v0 =	vld [tilespmem:$0x10960];
	_ =	sdelay $0x4  }
0xc3: {  	[tilespmem:$0x1F9A0] =	vst v0;
	v0 =	vld [tilespmem:$0x10F60];
	_ =	sdelay $0x4  }
0xc4: {  	[tilespmem:$0x1F9B0] =	vst v0;
	v0 =	vld [tilespmem:$0x11560];
	_ =	sdelay $0x4  }
0xc5: {  	[tilespmem:$0x1F9C0] =	vst v0;
	v0 =	vld [tilespmem:$0x10370];
	_ =	sdelay $0x4  }
0xc6: {  	[tilespmem:$0x1F9D0] =	vst v0;
	v0 =	vld [tilespmem:$0x10970];
	_ =	sdelay $0x4  }
0xc7: {  	[tilespmem:$0x1F9E0] =	vst v0;
	v0 =	vld [tilespmem:$0x10F70];
	_ =	sdelay $0x4  }
0xc8: {  	[tilespmem:$0x1F9F0] =	vst v0;
	v0 =	vld [tilespmem:$0x11570];
	_ =	sdelay $0x4  }
0xc9: {  	[tilespmem:$0x1FA00] =	vst v0;
	v0 =	vld [tilespmem:$0x10380];
	_ =	sdelay $0x4  }
0xca: {  	[tilespmem:$0x1FA10] =	vst v0;
	v0 =	vld [tilespmem:$0x10980];
	_ =	sdelay $0x4  }
0xcb: {  	[tilespmem:$0x1FA20] =	vst v0;
	v0 =	vld [tilespmem:$0x10F80];
	_ =	sdelay $0x4  }
0xcc: {  	[tilespmem:$0x1FA30] =	vst v0;
	v0 =	vld [tilespmem:$0x11580];
	_ =	sdelay $0x4  }
0xcd: {  	[tilespmem:$0x1FA40] =	vst v0;
	v0 =	vld [tilespmem:$0x10390];
	_ =	sdelay $0x4  }
0xce: {  	[tilespmem:$0x1FA50] =	vst v0;
	v0 =	vld [tilespmem:$0x10990];
	_ =	sdelay $0x4  }
0xcf: {  	[tilespmem:$0x1FA60] =	vst v0;
	v0 =	vld [tilespmem:$0x10F90];
	_ =	sdelay $0x4  }
0xd0: {  	[tilespmem:$0x1FA70] =	vst v0;
	v0 =	vld [tilespmem:$0x11590];
	_ =	sdelay $0x4  }
0xd1: {  	[tilespmem:$0x1FA80] =	vst v0;
	v0 =	vld [tilespmem:$0x103A0];
	_ =	sdelay $0x4  }
0xd2: {  	[tilespmem:$0x1FA90] =	vst v0;
	v0 =	vld [tilespmem:$0x109A0];
	_ =	sdelay $0x4  }
0xd3: {  	[tilespmem:$0x1FAA0] =	vst v0;
	v0 =	vld [tilespmem:$0x10FA0];
	_ =	sdelay $0x4  }
0xd4: {  	[tilespmem:$0x1FAB0] =	vst v0;
	v0 =	vld [tilespmem:$0x115A0]  }
0xd5: {  	v21 =	vld [tilespmem:$0x10050]  }
0xd6: {  	v11 =	vld [tilespmem:$0x10650]  }
0xd7: {  	v12 =	vld [tilespmem:$0x10C50]  }
0xd8: {  	v8 =	vld [tilespmem:$0x11250]  }
0xd9: {  	[tilespmem:$0x1FAC0] =	vst v0;
	v0 =	vld [tilespmem:$0x103B0];
	_ =	sdelay $0x1  }
0xda: {  	v63 =	vld [tilespmem:$0x10060]  }
0xdb: {  	v43 =	vld [tilespmem:$0x10660]  }
0xdc: {  	v48 =	vld [tilespmem:$0x10C60]  }
0xdd: {  	v11 =	vadd.f32 v11, v21;
	v8 =	vadd.f32 v8, v12;
	[tilespmem:$0x1FAD0] =	vst v0;
	v0 =	vld [tilespmem:$0x109B0]  }
0xde: {  	v40 =	vld [tilespmem:$0x11260]  }
0xdf: {  	v59 =	vadd.f32 v8, v11;
	v8 =	vld [tilespmem:$0x10FF0];
	_ =	sdelay $0x1  }
0xe0: {  	v14 =	vadd.f32 v14, v17;
	v7 =	vadd.f32 v7, v9  }
0xe1: {  	[tilespmem:$0x1FAE0] =	vst v0;
	v0 =	vld [tilespmem:$0x10FB0]  }
0xe2: {  	v57 =	vadd.f32 v7, v14;
	v7 =	vadd.f32 v31, v39  }
0xe3: {  	v39 =	vadd.f32 v40, v48;
	[tilespmem:$0x1FBE0] =	vst v8;
	v8 =	vadd.f32 v43, v63;
	_ =	sdelay $0x1  }
0xe4: {  	v15 =	vadd.f32 v15, v23;
	v23 =	vadd.f32 v39, v8;
	v8 =	vld [tilespmem:$0x11600]  }
0xe5: {  	[tilespmem:$0x1FAF0] =	vst v0;
	v0 =	vld [tilespmem:$0x115B0];
	_ =	sdelay $0x1  }
0xe6: {  	v26 =	vld [tilespmem:$0x10C30]  }
0xe7: {  	v18 =	vld [tilespmem:$0x11230]  }
0xe8: {  	[tilespmem:$0x1FC30] =	vst v8;
	v8 =	vld [tilespmem:$0x10410]  }
0xe9: {  	[tilespmem:$0x1FB00] =	vst v0;
	v0 =	vld [tilespmem:$0x103C0];
	_ =	sdelay $0x1  }
0xea: {  	v27 =	vld [tilespmem:$0x10040]  }
0xeb: {  	v31 =	vadd.f32 v18, v26;
	v26 =	vld [tilespmem:$0x1EF80]  }
0xec: {  	[tilespmem:$0x1FC40] =	vst v8;
	v8 =	vld [tilespmem:$0x1EF70]  }
0xed: {  	[tilespmem:$0x1FB10] =	vst v0;
	v0 =	vld [tilespmem:$0x109C0]  }
0xee: {  	v19 =	vld [tilespmem:$0x10640]  }
0xef: {  	v49 =	vld [tilespmem:$0x10070]  }
0xf0: {  	v46 =	vld [tilespmem:$0x112A0]  }
0xf1: {  	v9 =	vadd.f32 v26, v8;
	v8 =	vld [tilespmem:$0x1EF90]  }
0xf2: {  	[tilespmem:$0x1FB20] =	vst v0;
	v0 =	vld [tilespmem:$0x10FC0]  }
0xf3: {  	v41 =	vld [tilespmem:$0x10670]  }
0xf4: {  	v36 =	vld [tilespmem:$0x10C80]  }
0xf5: {  	v28 =	vld [tilespmem:$0x11280];
	v24 =	vadd.f32 v24, v32  }
0xf6: {  	v32 =	vadd.f32 v19, v27;
	v27 =	vadd.f32 v46, v8;
	v8 =	vld [tilespmem:$0x10A10]  }
0xf7: {  	[tilespmem:$0x1FB30] =	vst v0;
	v0 =	vld [tilespmem:$0x115C0];
	_ =	sdelay $0x2  }
0xf8: {  	v41 =	vadd.f32 v41, v49;
	v49 =	vadd.f32 v28, v36;
	v28 =	vld [tilespmem:$0x1EFB0]  }
0xf9: {  	[tilespmem:$0x1FC50] =	vst v8;
	v8 =	vld [tilespmem:$0x1EFA0]  }
0xfa: {  	[tilespmem:$0x1FB40] =	vst v0;
	v0 =	vld [tilespmem:$0x103D0];
	_ =	sdelay $0x3  }
0xfb: {  	v11 =	vadd.f32 v28, v8;
	v8 =	vld [tilespmem:$0x11010]  }
0xfc: {  	[tilespmem:$0x1FB50] =	vst v0;
	v0 =	vld [tilespmem:$0x109D0];
	_ =	sdelay $0x3  }
0xfd: {  	[tilespmem:$0x1FC60] =	vst v8;
	v8 =	vld [tilespmem:$0x10420]  }
0xfe: {  	[tilespmem:$0x1FB60] =	vst v0;
	v0 =	vld [tilespmem:$0x10FD0];
	_ =	sdelay $0x1  }
0xff: {  	v20 =	vld [tilespmem:$0x10C40]  }
0x100: {  	v37 =	vld [tilespmem:$0x10090]  }
0x101: {  	[tilespmem:$0x1FC70] =	vst v8;
	v8 =	vld [tilespmem:$0x10A20]  }
0x102: {  	[tilespmem:$0x1FB70] =	vst v0;
	v0 =	vld [tilespmem:$0x115D0]  }
0x103: {  	v29 =	vld [tilespmem:$0x10690]  }
0x104: {  	v53 =	vld [tilespmem:$0x10CB0]  }
0x105: {  	v45 =	vld [tilespmem:$0x112B0]  }
0x106: {  	[tilespmem:$0x1FC80] =	vst v8;
	v8 =	vld [tilespmem:$0x11020]  }
0x107: {  	[tilespmem:$0x1FB80] =	vst v0;
	v0 =	vld [tilespmem:$0x109E0]  }
0x108: {  	v10 =	vld [tilespmem:$0x11240]  }
0x109: {  	v40 =	vld [tilespmem:$0x115F0]  }
0x10a: {  	v63 =	vadd.f32 v29, v37;
	v29 =	vadd.f32 v45, v53;
	v45 =	vld [tilespmem:$0x1EFD0]  }
0x10b: {  	[tilespmem:$0x1FC90] =	vst v8;
	v8 =	vld [tilespmem:$0x1EFC0]  }
0x10c: {  	[tilespmem:$0x1FB90] =	vst v0;
	v0 =	vld [tilespmem:$0x10FE0]  }
0x10d: {  	v42 =	vld [tilespmem:$0x10C70]  }
0x10e: {  	v25 =	vadd.f32 v25, v33;
	v33 =	vld [tilespmem:$0x109F0]  }
0x10f: {  	v46 =	vld [tilespmem:$0x1EFF0]  }
0x110: {  	[tilespmem:$0x1FBF0] =	vst v40;
	v40 =	vadd.f32 v27, v9;
	v9 =	vadd.f32 v45, v8;
	v8 =	vld [tilespmem:$0x1EFE0]  }
0x111: {  	[tilespmem:$0x1FBA0] =	vst v0;
	v0 =	vld [tilespmem:$0x115E0]  }
0x112: {  	v30 =	vld [tilespmem:$0x10C90]  }
0x113: {  	v22 =	vld [tilespmem:$0x11290];
	v10 =	vadd.f32 v10, v20  }
0x114: {  	v52 =	vld [tilespmem:$0x100C0]  }
0x115: {  	[tilespmem:$0x1FBD0] =	vst v33;
	v33 =	vadd.f32 v10, v32;
	v10 =	vadd.f32 v46, v8;
	v8 =	vld [tilespmem:$0x11620]  }
0x116: {  	[tilespmem:$0x1FBB0] =	vst v0;
	v0 =	vld [tilespmem:$0x103F0]  }
0x117: {  	v47 =	vld [tilespmem:$0x106C0]  }
0x118: {  	v62 =	vld [tilespmem:$0x10080]  }
0x119: {  	v35 =	vld [tilespmem:$0x10680]  }
0x11a: {  	v34 =	vld [tilespmem:$0x11270];
	[tilespmem:$0x1FCA0] =	vst v8  }
0x11b: {  	v8 =	vld [tilespmem:$0x1F000];
	[tilespmem:$0x1FBC0] =	vst v0;
	v0 =	vadd.f32 v24, v7  }
0x11c: {  	v24 =	vadd.f32 v22, v30;
	v30 =	vadd.f32 v47, v52;
	v47 =	vld [tilespmem:$0x1F010];
	_ =	sdelay $0x1  }
0x11d: {  	v48 =	vadd.f32 v35, v62;
	_ =	sdelay $0x1  }
0x11e: {  	v42 =	vadd.f32 v34, v42;
	v34 =	vadd.f32 v49, v48;
	v48 =	vld [tilespmem:$0x1F030]  }
0x11f: {  	v37 =	vadd.f32 v29, v11;
	v11 =	vadd.f32 v47, v8;
	v8 =	vld [tilespmem:$0x1F020];
	_ =	sdelay $0x4  }
0x120: {  	v12 =	vadd.f32 v48, v8;
	v8 =	vld [tilespmem:$0x10430];
	_ =	sdelay $0x2  }
0x121: {  	v44 =	vld [tilespmem:$0x100D0]  }
0x122: {  	v49 =	vld [tilespmem:$0x1F050]  }
0x123: {  	[tilespmem:$0x1FCB0] =	vst v8;
	v8 =	vld [tilespmem:$0x1F040]  }
0x124: {  	v56 =	vld [tilespmem:$0x106D0]  }
0x125: {  	v51 =	vld [tilespmem:$0x10CD0]  }
0x126: {  	v38 =	vld [tilespmem:$0x112D0];
	v13 =	vadd.f32 v13, v16  }
0x127: {  	v50 =	vld [tilespmem:$0x11300]  }
0x128: {  	v16 =	vadd.f32 v13, v15;
	v13 =	vadd.f32 v49, v8;
	v8 =	vld [tilespmem:$0x1F060];
	_ =	sdelay $0x3  }
0x129: {  	v32 =	vadd.f32 v56, v44  }
0x12a: {  	v44 =	vadd.f32 v38, v51;
	v51 =	vadd.f32 v50, v8;
	v8 =	vld [tilespmem:$0x10A30];
	_ =	sdelay $0x3  }
0x12b: {  	v61 =	vld [tilespmem:$0x10710]  }
0x12c: {  	[tilespmem:$0x1FCC0] =	vst v8;
	v8 =	vld [tilespmem:$0x1F070];
	_ =	sdelay $0x1  }
0x12d: {  	v58 =	vld [tilespmem:$0x10CC0]  }
0x12e: {  	v54 =	vld [tilespmem:$0x112C0]  }
0x12f: {  	v60 =	vld [tilespmem:$0x11310]  }
0x130: {  	v53 =	vadd.f32 v61, v8;
	v8 =	vld [tilespmem:$0x1F080];
	_ =	sdelay $0x3  }
0x131: {  	v7 =	vadd.f32 v31, v25  }
0x132: {  	v31 =	vadd.f32 v54, v58;
	v54 =	vadd.f32 v60, v8;
	v8 =	vld [tilespmem:$0x11030];
	_ =	sdelay $0x4  }
0x133: {  	[tilespmem:$0x1FCD0] =	vst v8;
	v8 =	vld [tilespmem:$0x11630];
	_ =	sdelay $0x4  }
0x134: {  	[tilespmem:$0x1FCE0] =	vst v8;
	v8 =	vld [tilespmem:$0x10440];
	_ =	sdelay $0x3  }
0x135: {  	v56 =	vld [tilespmem:$0x1F0A0]  }
0x136: {  	[tilespmem:$0x1FCF0] =	vst v8;
	v8 =	vld [tilespmem:$0x1F090];
	_ =	sdelay $0x3  }
0x137: {  	v60 =	vld [tilespmem:$0x1F0C0]  }
0x138: {  	v58 =	vadd.f32 v56, v8;
	v8 =	vld [tilespmem:$0x1F0B0];
	_ =	sdelay $0x1  }
0x139: {  	v62 =	vld [tilespmem:$0x10A00]  }
0x13a: {  	v43 =	vld [tilespmem:$0x10400]  }
0x13b: {  	v25 =	vld [tilespmem:$0x11000]  }
0x13c: {  	v61 =	vadd.f32 v60, v8;
	v8 =	vld [tilespmem:$0x10A40];
	_ =	sdelay $0x1  }
0x13d: {  	[tilespmem:$0x1FC10] =	vst v62  }
0x13e: {  	[tilespmem:$0x1FC00] =	vst v43  }
0x13f: {  	v55 =	vld [tilespmem:$0x103E0];
	[tilespmem:$0x1FC20] =	vst v25  }
0x140: {  	v52 =	vld [tilespmem:$0x11610];
	[tilespmem:$0x1FD00] =	vst v8  }
0x141: {  	v8 =	vld [tilespmem:$0x1F0D0]  }
0x142: {  	v62 =	vld [tilespmem:$0x1F0E0];
	_ =	sdelay $0x3  }
0x143: {  	v21 =	vld [tilespmem:$0x1F100]  }
0x144: {  	v35 =	vadd.f32 v24, v63;
	v63 =	vadd.f32 v62, v8;
	v8 =	vld [tilespmem:$0x1F0F0];
	_ =	sdelay $0x4  }
0x145: {  	v22 =	vadd.f32 v21, v8;
	v8 =	vld [tilespmem:$0x11040];
	_ =	sdelay $0x3  }
0x146: {  	v24 =	vld [tilespmem:$0x1F120]  }
0x147: {  	[tilespmem:$0x1FD10] =	vst v8;
	v8 =	vld [tilespmem:$0x1F110];
	_ =	sdelay $0x3  }
0x148: {  	v26 =	vld [tilespmem:$0x1F140]  }
0x149: {  	v25 =	vadd.f32 v24, v8;
	v8 =	vld [tilespmem:$0x1F130];
	_ =	sdelay $0x4  }
0x14a: {  	v28 =	vadd.f32 v26, v8;
	v8 =	vld [tilespmem:$0x11640];
	_ =	sdelay $0x3  }
0x14b: {  	v29 =	vld [tilespmem:$0x1F160]  }
0x14c: {  	[tilespmem:$0x1FD20] =	vst v8;
	v8 =	vld [tilespmem:$0x1F150];
	_ =	sdelay $0x3  }
0x14d: {  	v38 =	vadd.f32 v31, v30;
	v31 =	vld [tilespmem:$0x1F180]  }
0x14e: {  	v30 =	vadd.f32 v29, v8;
	v8 =	vld [tilespmem:$0x1F170];
	_ =	sdelay $0x4  }
0x14f: {  	v43 =	vadd.f32 v31, v8;
	v8 =	vld [tilespmem:$0x10450];
	_ =	sdelay $0x4  }
0x150: {  	[tilespmem:$0x1FD30] =	vst v8;
	v8 =	vld [tilespmem:$0x10A50];
	_ =	sdelay $0x4  }
0x151: {  	[tilespmem:$0x1FD40] =	vst v8;
	v8 =	vld [tilespmem:$0x11050];
	_ =	sdelay $0x3  }
0x152: {  	v45 =	vld [tilespmem:$0x1F1A0]  }
0x153: {  	[tilespmem:$0x1FD50] =	vst v8;
	v8 =	vld [tilespmem:$0x1F190];
	_ =	sdelay $0x3  }
0x154: {  	v49 =	vld [tilespmem:$0x1F1C0]  }
0x155: {  	v48 =	vadd.f32 v45, v8;
	v8 =	vld [tilespmem:$0x1F1B0];
	_ =	sdelay $0x3  }
0x156: {  	v36 =	vadd.f32 v42, v41  }
0x157: {  	v41 =	vadd.f32 v51, v13;
	v51 =	vadd.f32 v49, v8;
	v8 =	vld [tilespmem:$0x11650];
	_ =	sdelay $0x3  }
0x158: {  	v39 =	vadd.f32 v44, v32;
	v32 =	vadd.f32 v54, v53;
	v53 =	vld [tilespmem:$0x1F1E0]  }
0x159: {  	[tilespmem:$0x1FD60] =	vst v8;
	v8 =	vld [tilespmem:$0x1F1D0];
	_ =	sdelay $0x3  }
0x15a: {  	v56 =	vld [tilespmem:$0x1F200]  }
0x15b: {  	v54 =	vadd.f32 v53, v8;
	v8 =	vld [tilespmem:$0x1F1F0];
	_ =	sdelay $0x4  }
0x15c: {  	v50 =	vadd.f32 v61, v58;
	v58 =	vadd.f32 v56, v8;
	v8 =	vld [tilespmem:$0x10460];
	_ =	sdelay $0x3  }
0x15d: {  	v60 =	vld [tilespmem:$0x1F220]  }
0x15e: {  	[tilespmem:$0x1FD70] =	vst v8;
	v8 =	vld [tilespmem:$0x1F210];
	_ =	sdelay $0x1  }
0x15f: {  	v20 =	vld [tilespmem:$0x1F260]  }
0x160: {  	v27 =	vadd.f32 v12, v11;
	v12 =	vld [tilespmem:$0x1F350]  }
0x161: {  	v62 =	vld [tilespmem:$0x1F240]  }
0x162: {  	v61 =	vadd.f32 v60, v8;
	v8 =	vld [tilespmem:$0x1F230]  }
0x163: {  	v13 =	vld [tilespmem:$0x1F360]  }
0x164: {  	v26 =	vld [tilespmem:$0x10470]  }
0x165: {  	[tilespmem:$0x10020] =	vst v0;
	v0 =	vld [tilespmem:$0x1F510]  }
0x166: {  	v47 =	vadd.f32 v28, v25;
	v25 =	vld [tilespmem:$0x11660]  }
0x167: {  	v46 =	vadd.f32 v22, v63;
	v63 =	vadd.f32 v62, v8;
	v8 =	vld [tilespmem:$0x10A60]  }
0x168: {  	v28 =	vld [tilespmem:$0x1F290]  }
0x169: {  	[tilespmem:$0x1FDB0] =	vst v26;
	v26 =	vld [tilespmem:$0x10A70]  }
0x16a: {  	v29 =	vld [tilespmem:$0x1F2A0]  }
0x16b: {  	v22 =	vld [tilespmem:$0x1F280]  }
0x16c: {  	[tilespmem:$0x1FD80] =	vst v8;
	v8 =	vld [tilespmem:$0x1F250]  }
0x16d: {  	[tilespmem:$0x1FDA0] =	vst v25;
	v25 =	vld [tilespmem:$0x1F370]  }
0x16e: {  	[tilespmem:$0x1FDC0] =	vst v26;
	v26 =	vld [tilespmem:$0x1F380]  }
0x16f: {  	v17 =	vadd.f32 v29, v28;
	v28 =	vld [tilespmem:$0x1F2D0]  }
0x170: {  	v29 =	vld [tilespmem:$0x1F2E0]  }
0x171: {  	v21 =	vadd.f32 v20, v8;
	v8 =	vld [tilespmem:$0x1F270]  }
0x172: {  	v31 =	vadd.f32 v43, v30;
	v30 =	vld [tilespmem:$0x1F2B0]  }
0x173: {  	v43 =	vld [tilespmem:$0x1F2C0]  }
0x174: {  	v49 =	vld [tilespmem:$0x1F300]  }
0x175: {  	v11 =	vadd.f32 v51, v48;
	v48 =	vld [tilespmem:$0x1F2F0]  }
0x176: {  	v24 =	vadd.f32 v22, v8;
	v8 =	vld [tilespmem:$0x11060]  }
0x177: {  	v53 =	vld [tilespmem:$0x11070]  }
0x178: {  	v56 =	vld [tilespmem:$0x1F320]  }
0x179: {  	v60 =	vld [tilespmem:$0x1F330]  }
0x17a: {  	v45 =	vadd.f32 v63, v61;
	v61 =	vld [tilespmem:$0x1F340]  }
0x17b: {  	v44 =	vadd.f32 v43, v30;
	[tilespmem:$0x1FD90] =	vst v8;
	v8 =	vadd.f32 v58, v54;
	v54 =	vld [tilespmem:$0x1F310]  }
0x17c: {  	v30 =	vadd.f32 v29, v28;
	v51 =	vadd.f32 v49, v48;
	v48 =	vld [tilespmem:$0x1F390]  }
0x17d: {  	v49 =	vld [tilespmem:$0x1F3A0]  }
0x17e: {  	v42 =	vadd.f32 v10, v9;
	v10 =	vadd.f32 v51, v30;
	v51 =	vld [tilespmem:$0x1F3B0]  }
0x17f: {  	[tilespmem:$0x1FDD0] =	vst v53;
	v53 =	vld [tilespmem:$0x1F3C0]  }
0x180: {  	v62 =	vadd.f32 v61, v60;
	v58 =	vadd.f32 v56, v54;
	v54 =	vld [tilespmem:$0x11680]  }
0x181: {  	v56 =	vld [tilespmem:$0x1F3D0]  }
0x182: {  	v9 =	vadd.f32 v62, v58;
	v58 =	vld [tilespmem:$0x1F3E0]  }
0x183: {  	v43 =	vld [tilespmem:$0x11080]  }
0x184: {  	v28 =	vadd.f32 v26, v25;
	v25 =	vadd.f32 v53, v51;
	v51 =	vld [tilespmem:$0x1F420]  }
0x185: {  	v15 =	vadd.f32 v24, v21;
	v21 =	vadd.f32 v49, v48;
	v49 =	vld [tilespmem:$0x1F410]  }
0x186: {  	[tilespmem:$0x1FE20] =	vst v54;
	v54 =	vld [tilespmem:$0x1F430]  }
0x187: {  	v60 =	vadd.f32 v58, v56;
	v56 =	vld [tilespmem:$0x1F440]  }
0x188: {  	v14 =	vadd.f32 v13, v12;
	v20 =	vld [tilespmem:$0x1F470]  }
0x189: {  	v22 =	vld [tilespmem:$0x1F480]  }
0x18a: {  	v14 =	vadd.f32 v28, v14;
	v28 =	vld [tilespmem:$0x1F520]  }
0x18b: {  	[tilespmem:$0x1FE10] =	vst v43;
	v43 =	vld [tilespmem:$0x11090]  }
0x18c: {  	v53 =	vadd.f32 v51, v49;
	v58 =	vadd.f32 v56, v54;
	_ =	sdelay $0x1  }
0x18d: {  	v24 =	vadd.f32 v22, v20;
	v20 =	vadd.f32 v58, v53;
	v53 =	vld [tilespmem:$0x104A0]  }
0x18e: {  	v29 =	vld [tilespmem:$0x10480]  }
0x18f: {  	[tilespmem:$0x1FE50] =	vst v43;
	v43 =	vadd.f32 v28, v0;
	v0 =	vld [tilespmem:$0x1F530]  }
0x190: {  	v54 =	vld [tilespmem:$0x1F490]  }
0x191: {  	v56 =	vld [tilespmem:$0x1F4A0]  }
0x192: {  	[tilespmem:$0x1FE70] =	vst v53;
	v53 =	vld [tilespmem:$0x1F540];
	_ =	sdelay $0x4  }
0x193: {  	[tilespmem:$0x1FDF0] =	vst v29;
	v29 =	vadd.f32 v56, v54;
	v54 =	vadd.f32 v53, v0;
	v0 =	vld [tilespmem:$0x116A0];
	_ =	sdelay $0x3  }
0x194: {  	[tilespmem:$0x10030] =	vst v7;
	v7 =	vld [tilespmem:$0x1F560]  }
0x195: {  	[tilespmem:$0x1FEA0] =	vst v0;
	v0 =	vld [tilespmem:$0x1F550];
	_ =	sdelay $0x3  }
0x196: {  	v22 =	vld [tilespmem:$0x1F580]  }
0x197: {  	v7 =	vadd.f32 v7, v0;
	v0 =	vld [tilespmem:$0x1F570]  }
0x198: {  	v63 =	vld [tilespmem:$0x11670];
	_ =	sdelay $0x1  }
0x199: {  	v18 =	vld [tilespmem:$0x1F400]  }
0x19a: {  	v44 =	vadd.f32 v44, v17;
	v17 =	vld [tilespmem:$0x1F3F0]  }
0x19b: {  	v21 =	vadd.f32 v25, v21;
	v25 =	vadd.f32 v22, v0;
	v0 =	vld [tilespmem:$0x104B0]  }
0x19c: {  	[tilespmem:$0x1FDE0] =	vst v63;
	v63 =	vld [tilespmem:$0x1F460]  }
0x19d: {  	v62 =	vld [tilespmem:$0x1F450];
	_ =	sdelay $0x2  }
0x19e: {  	[tilespmem:$0x1FEB0] =	vst v0;
	v0 =	vld [tilespmem:$0x10AB0];
	_ =	sdelay $0x1  }
0x19f: {  	v19 =	vadd.f32 v18, v17;
	v18 =	vld [tilespmem:$0x1F500];
	v17 =	vadd.f32 v63, v62  }
0x1a0: {  	v61 =	vld [tilespmem:$0x10A90]  }
0x1a1: {  	v24 =	vadd.f32 v24, v17;
	v17 =	vld [tilespmem:$0x1F4F0]  }
0x1a2: {  	[tilespmem:$0x1FEC0] =	vst v0;
	v0 =	vld [tilespmem:$0x110B0];
	_ =	sdelay $0x2  }
0x1a3: {  	v26 =	vld [tilespmem:$0x110A0];
	[tilespmem:$0x1FE40] =	vst v61;
	v61 =	vadd.f32 v19, v60  }
0x1a4: {  	v19 =	vadd.f32 v18, v17;
	v17 =	vadd.f32 v25, v7;
	v7 =	vld [tilespmem:$0x1F5A0]  }
0x1a5: {  	[tilespmem:$0x1FED0] =	vst v0;
	v0 =	vld [tilespmem:$0x1F590];
	_ =	sdelay $0x4  }
0x1a6: {  	[tilespmem:$0x1FE90] =	vst v26;
	v26 =	vadd.f32 v7, v0;
	v0 =	vld [tilespmem:$0x1F5B0]  }
0x1a7: {  	v7 =	vld [tilespmem:$0x1F5C0];
	_ =	sdelay $0x4  }
0x1a8: {  	v28 =	vadd.f32 v7, v0;
	v0 =	vld [tilespmem:$0x116B0]  }
0x1a9: {  	v30 =	vld [tilespmem:$0x10A80]  }
0x1aa: {  	v60 =	vld [tilespmem:$0x1F4C0]  }
0x1ab: {  	v58 =	vld [tilespmem:$0x1F4B0]  }
0x1ac: {  	v7 =	vld [tilespmem:$0x1F5E0]  }
0x1ad: {  	[tilespmem:$0x1FEE0] =	vst v0;
	v0 =	vld [tilespmem:$0x1F5D0];
	_ =	sdelay $0x2  }
0x1ae: {  	[tilespmem:$0x1FE00] =	vst v30;
	v30 =	vadd.f32 v60, v58;
	_ =	sdelay $0x1  }
0x1af: {  	v13 =	vadd.f32 v30, v29;
	v29 =	vadd.f32 v7, v0;
	v0 =	vld [tilespmem:$0x1F5F0]  }
0x1b0: {  	v7 =	vld [tilespmem:$0x1F600];
	_ =	sdelay $0x4  }
0x1b1: {  	v30 =	vadd.f32 v7, v0;
	v0 =	vld [tilespmem:$0x104C0];
	_ =	sdelay $0x3  }
0x1b2: {  	v7 =	vld [tilespmem:$0x1F620]  }
0x1b3: {  	[tilespmem:$0x1FEF0] =	vst v0;
	v0 =	vld [tilespmem:$0x1F610];
	_ =	sdelay $0x4  }
0x1b4: {  	[tilespmem:$0x10040] =	vst v33;
	v33 =	vadd.f32 v7, v0;
	v0 =	vld [tilespmem:$0x1F630]  }
0x1b5: {  	v7 =	vld [tilespmem:$0x1F640];
	_ =	sdelay $0x4  }
0x1b6: {  	[tilespmem:$0x10080] =	vst v34;
	v34 =	vadd.f32 v7, v0;
	v0 =	vld [tilespmem:$0x10AC0];
	_ =	sdelay $0x2  }
0x1b7: {  	v51 =	vld [tilespmem:$0x11690]  }
0x1b8: {  	v7 =	vld [tilespmem:$0x1F660]  }
0x1b9: {  	[tilespmem:$0x1FF00] =	vst v0;
	v0 =	vld [tilespmem:$0x1F650];
	_ =	sdelay $0x3  }
0x1ba: {  	[tilespmem:$0x1FE60] =	vst v51;
	v51 =	vld [tilespmem:$0x1F680]  }
0x1bb: {  	v0 =	vadd.f32 v7, v0;
	v7 =	vld [tilespmem:$0x1F670];
	_ =	sdelay $0x4  }
0x1bc: {  	v53 =	vadd.f32 v51, v7;
	v7 =	vld [tilespmem:$0x110C0];
	_ =	sdelay $0x3  }
0x1bd: {  	v18 =	vadd.f32 v53, v0;
	v0 =	vld [tilespmem:$0x104D0]  }
0x1be: {  	[tilespmem:$0x1FF10] =	vst v7;
	v7 =	vld [tilespmem:$0x116C0];
	_ =	sdelay $0x3  }
0x1bf: {  	[tilespmem:$0x1FF30] =	vst v0;
	v0 =	vld [tilespmem:$0x1F690]  }
0x1c0: {  	[tilespmem:$0x1FF20] =	vst v7;
	v7 =	vld [tilespmem:$0x1F6A0];
	_ =	sdelay $0x4  }
0x1c1: {  	v12 =	vadd.f32 v7, v0;
	v0 =	vld [tilespmem:$0x1F6B0]  }
0x1c2: {  	v7 =	vld [tilespmem:$0x1F6C0];
	_ =	sdelay $0x4  }
0x1c3: {  	v49 =	vadd.f32 v7, v0;
	v0 =	vld [tilespmem:$0x10AD0];
	_ =	sdelay $0x3  }
0x1c4: {  	v7 =	vld [tilespmem:$0x1F6E0]  }
0x1c5: {  	[tilespmem:$0x1FF40] =	vst v0;
	v0 =	vld [tilespmem:$0x1F6D0];
	_ =	sdelay $0x4  }
0x1c6: {  	v22 =	vadd.f32 v54, v43;
	v54 =	vadd.f32 v7, v0;
	v0 =	vld [tilespmem:$0x1F6F0]  }
0x1c7: {  	v7 =	vld [tilespmem:$0x1F700];
	_ =	sdelay $0x4  }
0x1c8: {  	[tilespmem:$0x100A0] =	vst v40;
	v40 =	vadd.f32 v30, v29;
	v30 =	vadd.f32 v7, v0;
	v0 =	vld [tilespmem:$0x110D0];
	_ =	sdelay $0x3  }
0x1c9: {  	v7 =	vld [tilespmem:$0x1F720]  }
0x1ca: {  	[tilespmem:$0x1FF50] =	vst v0;
	v0 =	vld [tilespmem:$0x1F710];
	_ =	sdelay $0x3  }
0x1cb: {  	[tilespmem:$0x10070] =	vst v36;
	v36 =	vld [tilespmem:$0x1F740]  }
0x1cc: {  	v0 =	vadd.f32 v7, v0;
	v7 =	vld [tilespmem:$0x1F730];
	_ =	sdelay $0x4  }
0x1cd: {  	[tilespmem:$0x100B0] =	vst v37;
	v37 =	vadd.f32 v36, v7;
	v7 =	vld [tilespmem:$0x116D0];
	_ =	sdelay $0x3  }
0x1ce: {  	[tilespmem:$0x100C0] =	vst v38;
	v38 =	vld [tilespmem:$0x1F760]  }
0x1cf: {  	[tilespmem:$0x1FF60] =	vst v7;
	v7 =	vld [tilespmem:$0x1F750];
	_ =	sdelay $0x3  }
0x1d0: {  	v51 =	vld [tilespmem:$0x1F780]  }
0x1d1: {  	[tilespmem:$0x100D0] =	vst v39;
	v39 =	vadd.f32 v38, v7;
	v7 =	vld [tilespmem:$0x1F770];
	_ =	sdelay $0x3  }
0x1d2: {  	v48 =	vld [tilespmem:$0x10490]  }
0x1d3: {  	v53 =	vadd.f32 v51, v7;
	v7 =	vld [tilespmem:$0x104E0];
	_ =	sdelay $0x3  }
0x1d4: {  	[tilespmem:$0x1FE30] =	vst v48;
	v48 =	vadd.f32 v34, v33;
	v33 =	vadd.f32 v37, v0;
	v0 =	vld [tilespmem:$0x110E0]  }
0x1d5: {  	[tilespmem:$0x1FF70] =	vst v7;
	v7 =	vld [tilespmem:$0x10AE0];
	_ =	sdelay $0x3  }
0x1d6: {  	[tilespmem:$0x1FF90] =	vst v0;
	v0 =	vld [tilespmem:$0x1F790]  }
0x1d7: {  	[tilespmem:$0x1FF80] =	vst v7;
	v7 =	vld [tilespmem:$0x1F7A0];
	_ =	sdelay $0x4  }
0x1d8: {  	[tilespmem:$0x10110] =	vst v32;
	v32 =	vadd.f32 v7, v0;
	v0 =	vld [tilespmem:$0x1F7B0]  }
0x1d9: {  	v7 =	vld [tilespmem:$0x1F7C0];
	_ =	sdelay $0x3  }
0x1da: {  	v12 =	vadd.f32 v49, v12  }
0x1db: {  	v49 =	vadd.f32 v30, v54;
	v54 =	vadd.f32 v7, v0;
	v0 =	vld [tilespmem:$0x116E0];
	_ =	sdelay $0x3  }
0x1dc: {  	v7 =	vld [tilespmem:$0x1F7E0]  }
0x1dd: {  	[tilespmem:$0x1FFA0] =	vst v0;
	v0 =	vld [tilespmem:$0x1F7D0];
	_ =	sdelay $0x4  }
0x1de: {  	[tilespmem:$0x10050] =	vst v59;
	v59 =	vadd.f32 v7, v0;
	v0 =	vld [tilespmem:$0x1F7F0]  }
0x1df: {  	v7 =	vld [tilespmem:$0x1F800];
	_ =	sdelay $0x2  }
0x1e0: {  	v62 =	vld [tilespmem:$0x10AA0];
	_ =	sdelay $0x1  }
0x1e1: {  	v0 =	vadd.f32 v7, v0  }
0x1e2: {  	v7 =	vld [tilespmem:$0x104F0]  }
0x1e3: {  	[tilespmem:$0x10010] =	vst v57;
	v57 =	vadd.f32 v0, v59;
	v0 =	vld [tilespmem:$0x116F0]  }
0x1e4: {  	[tilespmem:$0x1FE80] =	vst v62;
	v62 =	vld [tilespmem:$0x1F830]  }
0x1e5: {  	v60 =	vld [tilespmem:$0x1F820]  }
0x1e6: {  	[tilespmem:$0x10060] =	vst v23;
	v23 =	vadd.f32 v28, v26;
	v28 =	vld [tilespmem:$0x1F840]  }
0x1e7: {  	[tilespmem:$0x1FFB0] =	vst v7;
	v7 =	vld [tilespmem:$0x1F810]  }
0x1e8: {  	[tilespmem:$0x1FFE0] =	vst v0;
	v0 =	vld [tilespmem:$0x10500];
	_ =	sdelay $0x3  }
0x1e9: {  	v29 =	vadd.f32 v28, v62;
	v7 =	vadd.f32 v60, v7  }
0x1ea: {  	[tilespmem:$0x1FFF0] =	vst v0;
	v0 =	vld [tilespmem:$0x1F890]  }
0x1eb: {  	[tilespmem:$0x10140] =	vst v47;
	v47 =	vadd.f32 v29, v7;
	v7 =	vld [tilespmem:$0x1F8A0];
	_ =	sdelay $0x4  }
0x1ec: {  	[tilespmem:$0x10170] =	vst v8;
	v8 =	vadd.f32 v7, v0;
	v0 =	vld [tilespmem:$0x1F8B0]  }
0x1ed: {  	v7 =	vld [tilespmem:$0x1F8C0];
	_ =	sdelay $0x3  }
0x1ee: {  	[tilespmem:$0x10180] =	vst v45;
	v45 =	vld [tilespmem:$0x1F8E0]  }
0x1ef: {  	v7 =	vadd.f32 v7, v0;
	v0 =	vld [tilespmem:$0x1F8D0];
	_ =	sdelay $0x3  }
0x1f0: {  	[tilespmem:$0x10130] =	vst v46;
	v46 =	vld [tilespmem:$0x1F900]  }
0x1f1: {  	[tilespmem:$0x10160] =	vst v11;
	v11 =	vadd.f32 v45, v0;
	v0 =	vld [tilespmem:$0x1F8F0];
	_ =	sdelay $0x3  }
0x1f2: {  	[tilespmem:$0x10120] =	vst v50;
	v50 =	vld [tilespmem:$0x1F920]  }
0x1f3: {  	[tilespmem:$0x10190] =	vst v15;
	v15 =	vadd.f32 v46, v0;
	v0 =	vld [tilespmem:$0x1F910];
	_ =	sdelay $0x1  }
0x1f4: {  	[tilespmem:$0x10000] =	vst v16;
	v16 =	vld [tilespmem:$0x1F4E0]  }
0x1f5: {  	v63 =	vld [tilespmem:$0x1F4D0]  }
0x1f6: {  	v25 =	vld [tilespmem:$0x1F940]  }
0x1f7: {  	v43 =	vadd.f32 v53, v39;
	v53 =	vadd.f32 v50, v0;
	v0 =	vld [tilespmem:$0x1F930];
	_ =	sdelay $0x4  }
0x1f8: {  	v16 =	vadd.f32 v16, v63;
	v0 =	vadd.f32 v25, v0  }
0x1f9: {  	[tilespmem:$0x101B0] =	vst v10;
	v10 =	vadd.f32 v7, v8;
	v7 =	vld [tilespmem:$0x1F9A0]  }
0x1fa: {  	v16 =	vadd.f32 v19, v16;
	v19 =	vadd.f32 v0, v53;
	v0 =	vld [tilespmem:$0x1F990];
	_ =	sdelay $0x1  }
0x1fb: {  	v34 =	vld [tilespmem:$0x10AF0];
	_ =	sdelay $0x1  }
0x1fc: {  	[tilespmem:$0x10090] =	vst v35;
	v35 =	vld [tilespmem:$0x1F850]  }
0x1fd: {  	v8 =	vadd.f32 v7, v0;
	v0 =	vld [tilespmem:$0x1F9B0]  }
0x1fe: {  	v7 =	vld [tilespmem:$0x1F9C0]  }
0x1ff: {  	[tilespmem:$0x1FFC0] =	vst v34;
	v34 =	vld [tilespmem:$0x1F9E0]  }
0x200: {  	v36 =	vld [tilespmem:$0x1F860]  }
0x201: {  	v38 =	vld [tilespmem:$0x1F870]  }
0x202: {  	v39 =	vld [tilespmem:$0x1F880]  }
0x203: {  	v7 =	vadd.f32 v7, v0;
	v0 =	vld [tilespmem:$0x1F9D0];
	_ =	sdelay $0x3  }
0x204: {  	[tilespmem:$0x10100] =	vst v41;
	v41 =	vadd.f32 v39, v38;
	v38 =	vld [tilespmem:$0x1FA00]  }
0x205: {  	v37 =	vadd.f32 v36, v35;
	v35 =	vadd.f32 v34, v0;
	v0 =	vld [tilespmem:$0x1F9F0];
	_ =	sdelay $0x1  }
0x206: {  	v58 =	vld [tilespmem:$0x1FA40]  }
0x207: {  	v32 =	vadd.f32 v54, v32;
	v54 =	vld [tilespmem:$0x1FA30]  }
0x208: {  	v53 =	vld [tilespmem:$0x1FA20]  }
0x209: {  	[tilespmem:$0x101A0] =	vst v44;
	v44 =	vadd.f32 v38, v0;
	v0 =	vld [tilespmem:$0x1FA10];
	_ =	sdelay $0x4  }
0x20a: {  	[tilespmem:$0x100F0] =	vst v27;
	v27 =	vld [tilespmem:$0x1F960];
	v59 =	vadd.f32 v58, v54;
	v0 =	vadd.f32 v53, v0  }
0x20b: {  	[tilespmem:$0x101D0] =	vst v14;
	v14 =	vadd.f32 v7, v8;
	v7 =	vld [tilespmem:$0x1FAA0]  }
0x20c: {  	[tilespmem:$0x10230] =	vst v16;
	v16 =	vadd.f32 v59, v0;
	v0 =	vld [tilespmem:$0x1FA90]  }
0x20d: {  	v26 =	vld [tilespmem:$0x1F950]  }
0x20e: {  	v30 =	vld [tilespmem:$0x1F980]  }
0x20f: {  	v29 =	vld [tilespmem:$0x1F970];
	_ =	sdelay $0x1  }
0x210: {  	v8 =	vadd.f32 v7, v0;
	v0 =	vld [tilespmem:$0x1FAB0]  }
0x211: {  	[tilespmem:$0x10150] =	vst v31;
	v7 =	vld [tilespmem:$0x1FAC0]  }
0x212: {  	[tilespmem:$0x101E0] =	vst v21;
	v21 =	vld [tilespmem:$0x1FA60]  }
0x213: {  	[tilespmem:$0x10200] =	vst v20;
	v20 =	vld [tilespmem:$0x1FA50];
	v28 =	vadd.f32 v27, v26;
	v31 =	vadd.f32 v30, v29  }
0x214: {  	v26 =	vld [tilespmem:$0x1FA80]  }
0x215: {  	v63 =	vadd.f32 v31, v28;
	v28 =	vld [tilespmem:$0x1FAE0]  }
0x216: {  	v7 =	vadd.f32 v7, v0;
	v0 =	vld [tilespmem:$0x1FAD0]  }
0x217: {  	v25 =	vld [tilespmem:$0x1FA70];
	_ =	sdelay $0x2  }
0x218: {  	v30 =	vld [tilespmem:$0x1FB00]  }
0x219: {  	v29 =	vadd.f32 v28, v0;
	v0 =	vld [tilespmem:$0x1FAF0]  }
0x21a: {  	[tilespmem:$0x10210] =	vst v24;
	v24 =	vadd.f32 v21, v20;
	v27 =	vadd.f32 v26, v25  }
0x21b: {  	v58 =	vld [tilespmem:$0x1FB20]  }
0x21c: {  	v60 =	vadd.f32 v27, v24;
	v24 =	vld [tilespmem:$0x1FB40]  }
0x21d: {  	v59 =	vld [tilespmem:$0x1FB30]  }
0x21e: {  	v31 =	vadd.f32 v30, v0;
	v0 =	vld [tilespmem:$0x1FB10];
	_ =	sdelay $0x3  }
0x21f: {  	v15 =	vadd.f32 v15, v11;
	v11 =	vadd.f32 v44, v35  }
0x220: {  	v25 =	vld [tilespmem:$0x1FB50];
	v44 =	vadd.f32 v24, v59;
	v0 =	vadd.f32 v58, v0  }
0x221: {  	v26 =	vld [tilespmem:$0x1FB60]  }
0x222: {  	[tilespmem:$0x10220] =	vst v13;
	v13 =	vadd.f32 v44, v0;
	v0 =	vld [tilespmem:$0x1FB90];
	_ =	sdelay $0x3  }
0x223: {  	[tilespmem:$0x101C0] =	vst v9;
	v9 =	vadd.f32 v7, v8;
	v8 =	vld [tilespmem:$0x1FBB0]  }
0x224: {  	v27 =	vadd.f32 v26, v25;
	v25 =	vadd.f32 v0, v55;
	v0 =	vld [tilespmem:$0x1FBA0];
	_ =	sdelay $0x4  }
0x225: {  	v26 =	vadd.f32 v8, v0;
	v0 =	vld [tilespmem:$0x1FBC0]  }
0x226: {  	v8 =	vld [tilespmem:$0x1FBD0];
	_ =	sdelay $0x4  }
0x227: {  	v20 =	vadd.f32 v8, v0;
	v0 =	vld [tilespmem:$0x1FBE0]  }
0x228: {  	v8 =	vld [tilespmem:$0x1FBF0];
	_ =	sdelay $0x4  }
0x229: {  	v21 =	vadd.f32 v8, v0;
	v0 =	vld [tilespmem:$0x1FC00]  }
0x22a: {  	v8 =	vld [tilespmem:$0x1FC10];
	_ =	sdelay $0x4  }
0x22b: {  	[tilespmem:$0x10240] =	vst v22;
	v22 =	vadd.f32 v8, v0;
	v0 =	vld [tilespmem:$0x1FC20]  }
0x22c: {  	v8 =	vld [tilespmem:$0x1FC30];
	_ =	sdelay $0x1  }
0x22d: {  	v59 =	vld [tilespmem:$0x1FB80]  }
0x22e: {  	v58 =	vld [tilespmem:$0x1FB70]  }
0x22f: {  	[tilespmem:$0x10260] =	vst v23;
	v23 =	vld [tilespmem:$0x1FC50]  }
0x230: {  	v0 =	vadd.f32 v8, v0;
	v8 =	vld [tilespmem:$0x1FC40];
	_ =	sdelay $0x2  }
0x231: {  	v24 =	vadd.f32 v59, v58;
	_ =	sdelay $0x1  }
0x232: {  	[tilespmem:$0x10290] =	vst v18;
	v18 =	vadd.f32 v24, v27;
	v24 =	vadd.f32 v23, v8;
	v8 =	vld [tilespmem:$0x1FC60];
	_ =	sdelay $0x3  }
0x233: {  	[tilespmem:$0x10250] =	vst v17;
	v17 =	vadd.f32 v0, v22;
	v0 =	vld [tilespmem:$0x1FC70]  }
0x234: {  	v52 =	vadd.f32 v52, v8;
	v8 =	vld [tilespmem:$0x1FC80];
	_ =	sdelay $0x4  }
0x235: {  	[tilespmem:$0x10300] =	vst v47;
	v47 =	vadd.f32 v8, v0;
	v0 =	vld [tilespmem:$0x1FC90]  }
0x236: {  	v8 =	vld [tilespmem:$0x1FCA0];
	_ =	sdelay $0x4  }
0x237: {  	[tilespmem:$0x102B0] =	vst v49;
	v49 =	vadd.f32 v8, v0;
	v0 =	vld [tilespmem:$0x1FCB0]  }
0x238: {  	v8 =	vld [tilespmem:$0x1FCC0];
	_ =	sdelay $0x2  }
0x239: {  	v51 =	vadd.f32 v41, v37;
	_ =	sdelay $0x1  }
0x23a: {  	[tilespmem:$0x10310] =	vst v51;
	v51 =	vadd.f32 v8, v0;
	v0 =	vld [tilespmem:$0x1FCD0]  }
0x23b: {  	v8 =	vld [tilespmem:$0x1FCE0];
	_ =	sdelay $0x4  }
0x23c: {  	v53 =	vadd.f32 v8, v0;
	v0 =	vld [tilespmem:$0x1FCF0]  }
0x23d: {  	v8 =	vld [tilespmem:$0x1FD00];
	_ =	sdelay $0x4  }
0x23e: {  	[tilespmem:$0x10320] =	vst v10;
	v10 =	vadd.f32 v8, v0;
	v0 =	vld [tilespmem:$0x1FD10]  }
0x23f: {  	v8 =	vld [tilespmem:$0x1FD20];
	_ =	sdelay $0x3  }
0x240: {  	[tilespmem:$0x102A0] =	vst v12;
	v12 =	vadd.f32 v26, v25;
	v25 =	vld [tilespmem:$0x1FD40]  }
0x241: {  	v0 =	vadd.f32 v8, v0;
	v8 =	vld [tilespmem:$0x1FD30];
	_ =	sdelay $0x3  }
0x242: {  	v26 =	vld [tilespmem:$0x1FD60]  }
0x243: {  	[tilespmem:$0x10330] =	vst v15;
	v15 =	vadd.f32 v25, v8;
	v8 =	vld [tilespmem:$0x1FD50];
	_ =	sdelay $0x3  }
0x244: {  	v10 =	vadd.f32 v0, v10;
	v0 =	vld [tilespmem:$0x1FD70]  }
0x245: {  	v55 =	vadd.f32 v26, v8;
	v8 =	vld [tilespmem:$0x1FD80];
	_ =	sdelay $0x3  }
0x246: {  	[tilespmem:$0x100E0] =	vst v42;
	v42 =	vld [tilespmem:$0x110F0]  }
0x247: {  	[tilespmem:$0x10360] =	vst v14;
	v14 =	vadd.f32 v8, v0;
	v0 =	vld [tilespmem:$0x1FD90]  }
0x248: {  	v8 =	vld [tilespmem:$0x1FDA0];
	_ =	sdelay $0x2  }
0x249: {  	[tilespmem:$0x1FFD0] =	vst v42  }
0x24a: {  	v42 =	vld [tilespmem:$0x11700];
	[tilespmem:$0x10340] =	vst v19;
	v19 =	vadd.f32 v49, v47  }
0x24b: {  	v47 =	vadd.f32 v53, v51;
	v51 =	vadd.f32 v8, v0;
	v0 =	vld [tilespmem:$0x1FDB0]  }
0x24c: {  	v8 =	vld [tilespmem:$0x1FDC0]  }
0x24d: {  	[tilespmem:$0x101F0] =	vst v61;
	v61 =	vld [tilespmem:$0x11720]  }
0x24e: {  	v56 =	vld [tilespmem:$0x10520]  }
0x24f: {  	v62 =	vld [tilespmem:$0x10B00]  }
0x250: {  	[tilespmem:$0x10270] =	vst v40;
	v40 =	vld [tilespmem:$0x10540]  }
0x251: {  	[tilespmem:$0x10370] =	vst v11;
	v11 =	vadd.f32 v8, v0;
	v0 =	vld [tilespmem:$0x1FDD0]  }
0x252: {  	v8 =	vld [tilespmem:$0x1FDE0]  }
0x253: {  	[tilespmem:$0x10280] =	vst v48;
	v48 =	vld [tilespmem:$0x11740]  }
0x254: {  	v36 =	vld [tilespmem:$0x11120]  }
0x255: {  	[tilespmem:$0x102D0] =	vst v43;
	v43 =	vld [tilespmem:$0x10560]  }
0x256: {  	v39 =	vld [tilespmem:$0x10B10]  }
0x257: {  	v59 =	vadd.f32 v8, v0;
	v0 =	vld [tilespmem:$0x1FDF0]  }
0x258: {  	v8 =	vld [tilespmem:$0x1FE00]  }
0x259: {  	v41 =	vld [tilespmem:$0x10510]  }
0x25a: {  	v37 =	vld [tilespmem:$0x11710]  }
0x25b: {  	v54 =	vld [tilespmem:$0x10530]  }
0x25c: {  	[tilespmem:$0x102F0] =	vst v57;
	v57 =	vld [tilespmem:$0x11160]  }
0x25d: {  	[tilespmem:$0x10380] =	vst v16;
	v16 =	vadd.f32 v8, v0;
	v0 =	vld [tilespmem:$0x1FE10]  }
0x25e: {  	v8 =	vld [tilespmem:$0x1FE20]  }
0x25f: {  	[tilespmem:$0x10350] =	vst v63;
	v63 =	vld [tilespmem:$0x10580]  }
0x260: {  	v46 =	vld [tilespmem:$0x11100]  }
0x261: {  	v45 =	vld [tilespmem:$0x11110]  }
0x262: {  	[tilespmem:$0x10390] =	vst v60;
	v60 =	vld [tilespmem:$0x1FE40]  }
0x263: {  	v0 =	vadd.f32 v8, v0;
	v8 =	vld [tilespmem:$0x1FE30]  }
0x264: {  	v50 =	vld [tilespmem:$0x11130]  }
0x265: {  	v42 =	vadd.f32 v42, v46;
	v46 =	vld [tilespmem:$0x10BB0]  }
0x266: {  	v35 =	vld [tilespmem:$0x10B30]  }
0x267: {  	v15 =	vadd.f32 v55, v15;
	v55 =	vld [tilespmem:$0x1FE60]  }
0x268: {  	v60 =	vadd.f32 v60, v8;
	v8 =	vld [tilespmem:$0x1FE50]  }
0x269: {  	v34 =	vld [tilespmem:$0x11730]  }
0x26a: {  	v38 =	vld [tilespmem:$0x10B20];
	v7 =	vadd.f32 v31, v29  }
0x26b: {  	v54 =	vadd.f32 v35, v54;
	v35 =	vld [tilespmem:$0x111C0]  }
0x26c: {  	[tilespmem:$0x103B0] =	vst v7;
	v7 =	vld [tilespmem:$0x1FE80]  }
0x26d: {  	v55 =	vadd.f32 v55, v8;
	v8 =	vadd.f32 v0, v16;
	v0 =	vld [tilespmem:$0x1FE70]  }
0x26e: {  	v28 =	vld [tilespmem:$0x11150]  }
0x26f: {  	v30 =	vld [tilespmem:$0x11140]  }
0x270: {  	v31 =	vld [tilespmem:$0x10B40]  }
0x271: {  	v44 =	vld [tilespmem:$0x11750]  }
0x272: {  	[tilespmem:$0x103C0] =	vst v13;
	v13 =	vadd.f32 v7, v0;
	v0 =	vld [tilespmem:$0x1FE90]  }
0x273: {  	v7 =	vld [tilespmem:$0x1FEA0]  }
0x274: {  	v29 =	vld [tilespmem:$0x10B50]  }
0x275: {  	v27 =	vld [tilespmem:$0x11760]  }
0x276: {  	v58 =	vld [tilespmem:$0x10550]  }
0x277: {  	v28 =	vadd.f32 v44, v28;
	v44 =	vld [tilespmem:$0x105E0]  }
0x278: {  	[tilespmem:$0x103A0] =	vst v9;
	v9 =	vadd.f32 v51, v14;
	v51 =	vadd.f32 v7, v0;
	v0 =	vld [tilespmem:$0x1FEB0]  }
0x279: {  	v7 =	vld [tilespmem:$0x1FEC0]  }
0x27a: {  	v27 =	vadd.f32 v27, v57;
	v57 =	vld [tilespmem:$0x111F0]  }
0x27b: {  	[tilespmem:$0x102E0] =	vst v32;
	v32 =	vadd.f32 v21, v20;
	v21 =	vld [tilespmem:$0x10590]  }
0x27c: {  	v20 =	vld [tilespmem:$0x1FF60]  }
0x27d: {  	[tilespmem:$0x103F0] =	vst v32;
	v32 =	vld [tilespmem:$0x1FF40]  }
0x27e: {  	[tilespmem:$0x103D0] =	vst v18;
	v18 =	vadd.f32 v7, v0;
	v0 =	vld [tilespmem:$0x1FED0]  }
0x27f: {  	v7 =	vld [tilespmem:$0x1FEE0]  }
0x280: {  	v22 =	vld [tilespmem:$0x11780]  }
0x281: {  	v23 =	vld [tilespmem:$0x11180]  }
0x282: {  	[tilespmem:$0x102C0] =	vst v33;
	v33 =	vadd.f32 v52, v24;
	v52 =	vld [tilespmem:$0x10B60]  }
0x283: {  	v24 =	vld [tilespmem:$0x10B80]  }
0x284: {  	v11 =	vadd.f32 v59, v11;
	v59 =	vadd.f32 v7, v0;
	v0 =	vld [tilespmem:$0x1FEF0]  }
0x285: {  	v7 =	vld [tilespmem:$0x1FF00]  }
0x286: {  	[tilespmem:$0x10410] =	vst v33;
	v33 =	vld [tilespmem:$0x117A0]  }
0x287: {  	v49 =	vld [tilespmem:$0x10B70]  }
0x288: {  	v53 =	vld [tilespmem:$0x11770]  }
0x289: {  	[tilespmem:$0x10440] =	vst v10;
	v10 =	vld [tilespmem:$0x1FFF0]  }
0x28a: {  	[tilespmem:$0x103E0] =	vst v12;
	v12 =	vadd.f32 v7, v0;
	v0 =	vld [tilespmem:$0x1FF10]  }
0x28b: {  	v7 =	vld [tilespmem:$0x1FF20]  }
0x28c: {  	[tilespmem:$0x10430] =	vst v47;
	v47 =	vld [tilespmem:$0x1FFB0]  }
0x28d: {  	v25 =	vld [tilespmem:$0x11170]  }
0x28e: {  	v10 =	vadd.f32 v62, v10;
	v62 =	vadd.f32 v39, v41;
	v39 =	vld [tilespmem:$0x111B0]  }
0x28f: {  	v13 =	vadd.f32 v51, v13;
	v51 =	vld [tilespmem:$0x1FF80]  }
0x290: {  	v7 =	vadd.f32 v7, v0;
	v0 =	vld [tilespmem:$0x1FF30]  }
0x291: {  	[tilespmem:$0x10400] =	vst v17;
	v17 =	vadd.f32 v59, v18;
	v59 =	vld [tilespmem:$0x1FF70]  }
0x292: {  	v26 =	vld [tilespmem:$0x10570]  }
0x293: {  	v25 =	vadd.f32 v53, v25;
	v53 =	vld [tilespmem:$0x105F0]  }
0x294: {  	v10 =	vadd.f32 v42, v10;
	v42 =	vld [tilespmem:$0x117D0]  }
0x295: {  	v32 =	vadd.f32 v32, v0;
	v0 =	vld [tilespmem:$0x1FF50]  }
0x296: {  	[tilespmem:$0x10420] =	vst v19;
	v19 =	vadd.f32 v51, v59;
	v59 =	vld [tilespmem:$0x1FF90]  }
0x297: {  	v51 =	vld [tilespmem:$0x1FFA0]  }
0x298: {  	[tilespmem:$0x10450] =	vst v15;
	v15 =	vld [tilespmem:$0x105C0]  }
0x299: {  	v36 =	vadd.f32 v61, v36;
	v34 =	vadd.f32 v34, v50;
	v14 =	vld [tilespmem:$0x11790]  }
0x29a: {  	v16 =	vadd.f32 v55, v60;
	v55 =	vld [tilespmem:$0x10B90];
	v0 =	vadd.f32 v20, v0  }
0x29b: {  	v41 =	vadd.f32 v52, v43;
	v43 =	vadd.f32 v49, v26;
	v60 =	vld [tilespmem:$0x11190]  }
0x29c: {  	v0 =	vadd.f32 v0, v32;
	v32 =	vadd.f32 v51, v59;
	v59 =	vld [tilespmem:$0x1FFC0]  }
0x29d: {  	v61 =	vadd.f32 v29, v58;
	[tilespmem:$0x10500] =	vst v10;
	v49 =	vld [tilespmem:$0x111E0];
	v50 =	vadd.f32 v25, v43  }
0x29e: {  	[tilespmem:$0x10480] =	vst v8;
	v8 =	vadd.f32 v38, v56;
	v56 =	vadd.f32 v31, v40;
	v31 =	vld [tilespmem:$0x117C0]  }
0x29f: {  	v30 =	vadd.f32 v48, v30;
	[tilespmem:$0x10570] =	vst v50;
	v40 =	vld [tilespmem:$0x111D0]  }
0x2a0: {  	[tilespmem:$0x10460] =	vst v9;
	v38 =	vadd.f32 v28, v61;
	v48 =	vadd.f32 v55, v21;
	v51 =	vld [tilespmem:$0x1FFD0]  }
0x2a1: {  	[tilespmem:$0x10470] =	vst v11;
	v14 =	vadd.f32 v14, v60;
	v47 =	vadd.f32 v59, v47;
	v59 =	vld [tilespmem:$0x1FFE0]  }
0x2a2: {  	[tilespmem:$0x10490] =	vst v16;
	v18 =	vld [tilespmem:$0x10BA0];
	v7 =	vadd.f32 v7, v12  }
0x2a3: {  	[tilespmem:$0x10550] =	vst v38;
	v52 =	vadd.f32 v14, v48;
	v12 =	vld [tilespmem:$0x111A0]  }
0x2a4: {  	[tilespmem:$0x104C0] =	vst v7;
	v7 =	vadd.f32 v36, v8;
	v36 =	vld [tilespmem:$0x10BD0]  }
0x2a5: {  	v37 =	vadd.f32 v37, v45;
	[tilespmem:$0x10590] =	vst v52;
	v8 =	vadd.f32 v34, v54;
	v20 =	vld [tilespmem:$0x105A0]  }
0x2a6: {  	[tilespmem:$0x10520] =	vst v7;
	v45 =	vadd.f32 v32, v19;
	v32 =	vld [tilespmem:$0x117B0];
	v51 =	vadd.f32 v59, v51  }
0x2a7: {  	[tilespmem:$0x104D0] =	vst v0;
	v0 =	vadd.f32 v30, v56;
	v59 =	vld [tilespmem:$0x105B0]  }
0x2a8: {  	[tilespmem:$0x10530] =	vst v8;
	v47 =	vadd.f32 v51, v47;
	v51 =	vadd.f32 v37, v62;
	v37 =	vld [tilespmem:$0x10BC0]  }
0x2a9: {  	v22 =	vadd.f32 v22, v23;
	v58 =	vadd.f32 v31, v35;
	[tilespmem:$0x104E0] =	vst v45;
	v62 =	vld [tilespmem:$0x105D0]  }
0x2aa: {  	v61 =	vadd.f32 v42, v40;
	v54 =	vld [tilespmem:$0x10BF0];
	v45 =	vadd.f32 v24, v63;
	[tilespmem:$0x10540] =	vst v0  }
0x2ab: {  	v7 =	vadd.f32 v27, v41;
	v12 =	vadd.f32 v33, v12;
	[tilespmem:$0x104F0] =	vst v47;
	v47 =	vld [tilespmem:$0x10BE0]  }
0x2ac: {  	v0 =	vadd.f32 v18, v20;
	v8 =	vadd.f32 v22, v45;
	[tilespmem:$0x10510] =	vst v51;
	v51 =	vld [tilespmem:$0x117E0]  }
0x2ad: {  	[tilespmem:$0x104A0] =	vst v13;
	v56 =	vadd.f32 v32, v39;
	v55 =	vadd.f32 v46, v59;
	v59 =	vld [tilespmem:$0x117F0]  }
0x2ae: {  	[tilespmem:$0x10560] =	vst v7;
	v7 =	vadd.f32 v37, v15;
	v60 =	vadd.f32 v36, v62  }
0x2af: {  	v0 =	vadd.f32 v12, v0;
	[tilespmem:$0x10580] =	vst v8;
	v8 =	vadd.f32 v56, v55  }
0x2b0: {  	[tilespmem:$0x104B0] =	vst v17;
	v7 =	vadd.f32 v58, v7;
	v9 =	vadd.f32 v61, v60  }
0x2b1: {  	[tilespmem:$0x105A0] =	vst v0;
	v0 =	vadd.f32 v47, v44;
	v62 =	vadd.f32 v51, v49  }
0x2b2: {  	[tilespmem:$0x105B0] =	vst v8;
	v8 =	vadd.f32 v54, v53;
	v63 =	vadd.f32 v59, v57  }
0x2b3: {  	[tilespmem:$0x105C0] =	vst v7;
	v0 =	vadd.f32 v62, v0  }
0x2b4: {  	s28 =	sadd.s32 $0x1, s28;
	[tilespmem:$0x105D0] =	vst v9;
	v7 =	vadd.f32 v63, v8  }
0x2b5: {  	p0 =	sne.s32 s28, s12;
	[tilespmem:$0x105E0] =	vst v0  }
.Ltmp1:
0x2b6: {  	[tilespmem:$0x105F0] =	vst v7;
	(pc) =	sbr.rel @!p0 .LBB2_9-.Ltmp1, $4  }
0x2b7: {  	[hbm4b:s11+s24] =	stream.strided.scatter [tilespmem:s18], [sflag:$0x5], $0x600, s25, s24, $0x38;
	[tilespmem:$0x11800] =	vst v63  }
0x2b8: {  	_ =	swait.ge [sflag:s26], $0x600  }
0x2b9: {  	[sflag:s26] =	ssyncset.done $0x0  }
0x2ba: {  	[sflag:s26] =	ssyncadd.s32 $0xFFFFFA00  }
.LBB2_1:
0x2bb: {  	v0 =	vimm.f32 $0.0e+00  }
0x2bc: {  	[tilespmem:$0x10000] =	vst v0  }
0x2bd: {  	[tilespmem:$0x10010] =	vst v0  }
0x2be: {  	[tilespmem:$0x10020] =	vst v0  }
0x2bf: {  	[tilespmem:$0x10030] =	vst v0  }
0x2c0: {  	[tilespmem:$0x10040] =	vst v0  }
0x2c1: {  	[tilespmem:$0x10050] =	vst v0  }
0x2c2: {  	[tilespmem:$0x10060] =	vst v0  }
0x2c3: {  	[tilespmem:$0x10070] =	vst v0  }
0x2c4: {  	[tilespmem:$0x10080] =	vst v0  }
0x2c5: {  	[tilespmem:$0x10090] =	vst v0  }
0x2c6: {  	[tilespmem:$0x100A0] =	vst v0  }
0x2c7: {  	[tilespmem:$0x100B0] =	vst v0  }
0x2c8: {  	[tilespmem:$0x100C0] =	vst v0  }
0x2c9: {  	[tilespmem:$0x100D0] =	vst v0  }
0x2ca: {  	[tilespmem:$0x100E0] =	vst v0  }
0x2cb: {  	[tilespmem:$0x100F0] =	vst v0  }
0x2cc: {  	[tilespmem:$0x10100] =	vst v0  }
0x2cd: {  	[tilespmem:$0x10110] =	vst v0  }
0x2ce: {  	[tilespmem:$0x10120] =	vst v0  }
0x2cf: {  	[tilespmem:$0x10130] =	vst v0  }
0x2d0: {  	[tilespmem:$0x10140] =	vst v0  }
0x2d1: {  	[tilespmem:$0x10150] =	vst v0  }
0x2d2: {  	[tilespmem:$0x10160] =	vst v0  }
0x2d3: {  	[tilespmem:$0x10170] =	vst v0  }
0x2d4: {  	[tilespmem:$0x10180] =	vst v0  }
0x2d5: {  	[tilespmem:$0x10190] =	vst v0  }
0x2d6: {  	[tilespmem:$0x101A0] =	vst v0  }
0x2d7: {  	[tilespmem:$0x101B0] =	vst v0  }
0x2d8: {  	[tilespmem:$0x101C0] =	vst v0  }
0x2d9: {  	[tilespmem:$0x101D0] =	vst v0  }
0x2da: {  	[tilespmem:$0x101E0] =	vst v0  }
0x2db: {  	[tilespmem:$0x101F0] =	vst v0  }
0x2dc: {  	[tilespmem:$0x10200] =	vst v0  }
0x2dd: {  	[tilespmem:$0x10210] =	vst v0  }
0x2de: {  	[tilespmem:$0x10220] =	vst v0  }
0x2df: {  	[tilespmem:$0x10230] =	vst v0  }
0x2e0: {  	[tilespmem:$0x10240] =	vst v0  }
0x2e1: {  	[tilespmem:$0x10250] =	vst v0  }
0x2e2: {  	[tilespmem:$0x10260] =	vst v0  }
0x2e3: {  	[tilespmem:$0x10270] =	vst v0  }
0x2e4: {  	[tilespmem:$0x10280] =	vst v0  }
0x2e5: {  	[tilespmem:$0x10290] =	vst v0  }
0x2e6: {  	[tilespmem:$0x102A0] =	vst v0  }
0x2e7: {  	[tilespmem:$0x102B0] =	vst v0  }
0x2e8: {  	[tilespmem:$0x102C0] =	vst v0  }
0x2e9: {  	[tilespmem:$0x102D0] =	vst v0  }
0x2ea: {  	[tilespmem:$0x102E0] =	vst v0  }
0x2eb: {  	[tilespmem:$0x102F0] =	vst v0  }
0x2ec: {  	[tilespmem:$0x10300] =	vst v0  }
0x2ed: {  	[tilespmem:$0x10310] =	vst v0  }
0x2ee: {  	[tilespmem:$0x10320] =	vst v0  }
0x2ef: {  	[tilespmem:$0x10330] =	vst v0  }
0x2f0: {  	[tilespmem:$0x10340] =	vst v0  }
0x2f1: {  	[tilespmem:$0x10350] =	vst v0  }
0x2f2: {  	[tilespmem:$0x10360] =	vst v0  }
0x2f3: {  	[tilespmem:$0x10370] =	vst v0  }
0x2f4: {  	[tilespmem:$0x10380] =	vst v0  }
0x2f5: {  	[tilespmem:$0x10390] =	vst v0  }
0x2f6: {  	[tilespmem:$0x103A0] =	vst v0  }
0x2f7: {  	[tilespmem:$0x103B0] =	vst v0  }
0x2f8: {  	[tilespmem:$0x103C0] =	vst v0  }
0x2f9: {  	[tilespmem:$0x103D0] =	vst v0  }
0x2fa: {  	[tilespmem:$0x103E0] =	vst v0  }
0x2fb: {  	[tilespmem:$0x103F0] =	vst v0  }
0x2fc: {  	[tilespmem:$0x10400] =	vst v0  }
0x2fd: {  	[tilespmem:$0x10410] =	vst v0  }
0x2fe: {  	[tilespmem:$0x10420] =	vst v0  }
0x2ff: {  	[tilespmem:$0x10430] =	vst v0  }
0x300: {  	[tilespmem:$0x10440] =	vst v0  }
0x301: {  	[tilespmem:$0x10450] =	vst v0  }
0x302: {  	[tilespmem:$0x10460] =	vst v0  }
0x303: {  	[tilespmem:$0x10470] =	vst v0  }
0x304: {  	[tilespmem:$0x10480] =	vst v0  }
0x305: {  	[tilespmem:$0x10490] =	vst v0  }
0x306: {  	[tilespmem:$0x104A0] =	vst v0  }
0x307: {  	[tilespmem:$0x104B0] =	vst v0  }
0x308: {  	[tilespmem:$0x104C0] =	vst v0  }
0x309: {  	[tilespmem:$0x104D0] =	vst v0  }
0x30a: {  	[tilespmem:$0x104E0] =	vst v0  }
0x30b: {  	[tilespmem:$0x104F0] =	vst v0  }
0x30c: {  	[tilespmem:$0x10500] =	vst v0  }
0x30d: {  	[tilespmem:$0x10510] =	vst v0  }
0x30e: {  	[tilespmem:$0x10520] =	vst v0  }
0x30f: {  	[tilespmem:$0x10530] =	vst v0  }
0x310: {  	[tilespmem:$0x10540] =	vst v0  }
0x311: {  	[tilespmem:$0x10550] =	vst v0  }
0x312: {  	[tilespmem:$0x10560] =	vst v0  }
0x313: {  	[tilespmem:$0x10570] =	vst v0  }
0x314: {  	[tilespmem:$0x10580] =	vst v0  }
0x315: {  	[tilespmem:$0x10590] =	vst v0  }
0x316: {  	[tilespmem:$0x105A0] =	vst v0  }
0x317: {  	[tilespmem:$0x105B0] =	vst v0  }
0x318: {  	[tilespmem:$0x105C0] =	vst v0  }
0x319: {  	[tilespmem:$0x105D0] =	vst v0  }
0x31a: {  	[tilespmem:$0x105E0] =	vst v0  }
0x31b: {  	[tilespmem:$0x105F0] =	vst v0  }
0x31c: {  	[tilespmem:$0x10600] =	vst v0  }
0x31d: {  	[tilespmem:$0x10610] =	vst v0  }
0x31e: {  	[tilespmem:$0x10620] =	vst v0  }
0x31f: {  	[tilespmem:$0x10630] =	vst v0  }
0x320: {  	[tilespmem:$0x10640] =	vst v0  }
0x321: {  	[tilespmem:$0x10650] =	vst v0  }
0x322: {  	[tilespmem:$0x10660] =	vst v0  }
0x323: {  	[tilespmem:$0x10670] =	vst v0  }
0x324: {  	[tilespmem:$0x10680] =	vst v0  }
0x325: {  	[tilespmem:$0x10690] =	vst v0  }
0x326: {  	[tilespmem:$0x106A0] =	vst v0  }
0x327: {  	[tilespmem:$0x106B0] =	vst v0  }
0x328: {  	[tilespmem:$0x106C0] =	vst v0  }
0x329: {  	[tilespmem:$0x106D0] =	vst v0  }
0x32a: {  	[tilespmem:$0x106E0] =	vst v0  }
0x32b: {  	[tilespmem:$0x106F0] =	vst v0  }
0x32c: {  	[tilespmem:$0x10700] =	vst v0  }
0x32d: {  	[tilespmem:$0x10710] =	vst v0  }
0x32e: {  	[tilespmem:$0x10720] =	vst v0  }
0x32f: {  	[tilespmem:$0x10730] =	vst v0  }
0x330: {  	[tilespmem:$0x10740] =	vst v0  }
0x331: {  	[tilespmem:$0x10750] =	vst v0  }
0x332: {  	[tilespmem:$0x10760] =	vst v0  }
0x333: {  	[tilespmem:$0x10770] =	vst v0  }
0x334: {  	[tilespmem:$0x10780] =	vst v0  }
0x335: {  	[tilespmem:$0x10790] =	vst v0  }
0x336: {  	[tilespmem:$0x107A0] =	vst v0  }
0x337: {  	[tilespmem:$0x107B0] =	vst v0  }
0x338: {  	[tilespmem:$0x107C0] =	vst v0  }
0x339: {  	[tilespmem:$0x107D0] =	vst v0  }
0x33a: {  	[tilespmem:$0x107E0] =	vst v0  }
0x33b: {  	[tilespmem:$0x107F0] =	vst v0  }
0x33c: {  	[tilespmem:$0x10800] =	vst v0  }
0x33d: {  	[tilespmem:$0x10810] =	vst v0  }
0x33e: {  	[tilespmem:$0x10820] =	vst v0  }
0x33f: {  	[tilespmem:$0x10830] =	vst v0  }
0x340: {  	[tilespmem:$0x10840] =	vst v0  }
0x341: {  	[tilespmem:$0x10850] =	vst v0  }
0x342: {  	[tilespmem:$0x10860] =	vst v0  }
0x343: {  	[tilespmem:$0x10870] =	vst v0  }
0x344: {  	[tilespmem:$0x10880] =	vst v0  }
0x345: {  	[tilespmem:$0x10890] =	vst v0  }
0x346: {  	[tilespmem:$0x108A0] =	vst v0  }
0x347: {  	[tilespmem:$0x108B0] =	vst v0  }
0x348: {  	[tilespmem:$0x108C0] =	vst v0  }
0x349: {  	[tilespmem:$0x108D0] =	vst v0  }
0x34a: {  	[tilespmem:$0x108E0] =	vst v0  }
0x34b: {  	[tilespmem:$0x108F0] =	vst v0  }
0x34c: {  	[tilespmem:$0x10900] =	vst v0  }
0x34d: {  	[tilespmem:$0x10910] =	vst v0  }
0x34e: {  	[tilespmem:$0x10920] =	vst v0  }
0x34f: {  	[tilespmem:$0x10930] =	vst v0  }
0x350: {  	[tilespmem:$0x10940] =	vst v0  }
0x351: {  	[tilespmem:$0x10950] =	vst v0  }
0x352: {  	[tilespmem:$0x10960] =	vst v0  }
0x353: {  	[tilespmem:$0x10970] =	vst v0  }
0x354: {  	[tilespmem:$0x10980] =	vst v0  }
0x355: {  	[tilespmem:$0x10990] =	vst v0  }
0x356: {  	[tilespmem:$0x109A0] =	vst v0  }
0x357: {  	[tilespmem:$0x109B0] =	vst v0  }
0x358: {  	[tilespmem:$0x109C0] =	vst v0  }
0x359: {  	[tilespmem:$0x109D0] =	vst v0  }
0x35a: {  	[tilespmem:$0x109E0] =	vst v0  }
0x35b: {  	[tilespmem:$0x109F0] =	vst v0  }
0x35c: {  	[tilespmem:$0x10A00] =	vst v0  }
0x35d: {  	[tilespmem:$0x10A10] =	vst v0  }
0x35e: {  	[tilespmem:$0x10A20] =	vst v0  }
0x35f: {  	[tilespmem:$0x10A30] =	vst v0  }
0x360: {  	[tilespmem:$0x10A40] =	vst v0  }
0x361: {  	[tilespmem:$0x10A50] =	vst v0  }
0x362: {  	[tilespmem:$0x10A60] =	vst v0  }
0x363: {  	[tilespmem:$0x10A70] =	vst v0  }
0x364: {  	[tilespmem:$0x10A80] =	vst v0  }
0x365: {  	[tilespmem:$0x10A90] =	vst v0  }
0x366: {  	[tilespmem:$0x10AA0] =	vst v0  }
0x367: {  	[tilespmem:$0x10AB0] =	vst v0  }
0x368: {  	[tilespmem:$0x10AC0] =	vst v0  }
0x369: {  	[tilespmem:$0x10AD0] =	vst v0  }
0x36a: {  	[tilespmem:$0x10AE0] =	vst v0  }
0x36b: {  	[tilespmem:$0x10AF0] =	vst v0  }
0x36c: {  	[tilespmem:$0x10B00] =	vst v0  }
0x36d: {  	[tilespmem:$0x10B10] =	vst v0  }
0x36e: {  	[tilespmem:$0x10B20] =	vst v0  }
0x36f: {  	[tilespmem:$0x10B30] =	vst v0  }
0x370: {  	[tilespmem:$0x10B40] =	vst v0  }
0x371: {  	[tilespmem:$0x10B50] =	vst v0  }
0x372: {  	[tilespmem:$0x10B60] =	vst v0  }
0x373: {  	[tilespmem:$0x10B70] =	vst v0  }
0x374: {  	[tilespmem:$0x10B80] =	vst v0  }
0x375: {  	[tilespmem:$0x10B90] =	vst v0  }
0x376: {  	[tilespmem:$0x10BA0] =	vst v0  }
0x377: {  	[tilespmem:$0x10BB0] =	vst v0  }
0x378: {  	[tilespmem:$0x10BC0] =	vst v0  }
0x379: {  	[tilespmem:$0x10BD0] =	vst v0  }
0x37a: {  	[tilespmem:$0x10BE0] =	vst v0  }
0x37b: {  	[tilespmem:$0x10BF0] =	vst v0  }
0x37c: {  	[tilespmem:$0x10C00] =	vst v0  }
0x37d: {  	[tilespmem:$0x10C10] =	vst v0  }
0x37e: {  	[tilespmem:$0x10C20] =	vst v0  }
0x37f: {  	[tilespmem:$0x10C30] =	vst v0  }
0x380: {  	[tilespmem:$0x10C40] =	vst v0  }
0x381: {  	[tilespmem:$0x10C50] =	vst v0  }
0x382: {  	[tilespmem:$0x10C60] =	vst v0  }
0x383: {  	[tilespmem:$0x10C70] =	vst v0  }
0x384: {  	[tilespmem:$0x10C80] =	vst v0  }
0x385: {  	[tilespmem:$0x10C90] =	vst v0  }
0x386: {  	[tilespmem:$0x10CA0] =	vst v0  }
0x387: {  	[tilespmem:$0x10CB0] =	vst v0  }
0x388: {  	[tilespmem:$0x10CC0] =	vst v0  }
0x389: {  	[tilespmem:$0x10CD0] =	vst v0  }
0x38a: {  	[tilespmem:$0x10CE0] =	vst v0  }
0x38b: {  	[tilespmem:$0x10CF0] =	vst v0  }
0x38c: {  	[tilespmem:$0x10D00] =	vst v0  }
0x38d: {  	[tilespmem:$0x10D10] =	vst v0  }
0x38e: {  	[tilespmem:$0x10D20] =	vst v0  }
0x38f: {  	[tilespmem:$0x10D30] =	vst v0  }
0x390: {  	[tilespmem:$0x10D40] =	vst v0  }
0x391: {  	[tilespmem:$0x10D50] =	vst v0  }
0x392: {  	[tilespmem:$0x10D60] =	vst v0  }
0x393: {  	[tilespmem:$0x10D70] =	vst v0  }
0x394: {  	[tilespmem:$0x10D80] =	vst v0  }
0x395: {  	[tilespmem:$0x10D90] =	vst v0  }
0x396: {  	[tilespmem:$0x10DA0] =	vst v0  }
0x397: {  	[tilespmem:$0x10DB0] =	vst v0  }
0x398: {  	[tilespmem:$0x10DC0] =	vst v0  }
0x399: {  	[tilespmem:$0x10DD0] =	vst v0  }
0x39a: {  	[tilespmem:$0x10DE0] =	vst v0  }
0x39b: {  	[tilespmem:$0x10DF0] =	vst v0  }
0x39c: {  	[tilespmem:$0x10E00] =	vst v0  }
0x39d: {  	[tilespmem:$0x10E10] =	vst v0  }
0x39e: {  	[tilespmem:$0x10E20] =	vst v0  }
0x39f: {  	[tilespmem:$0x10E30] =	vst v0  }
0x3a0: {  	[tilespmem:$0x10E40] =	vst v0  }
0x3a1: {  	[tilespmem:$0x10E50] =	vst v0  }
0x3a2: {  	[tilespmem:$0x10E60] =	vst v0  }
0x3a3: {  	[tilespmem:$0x10E70] =	vst v0  }
0x3a4: {  	[tilespmem:$0x10E80] =	vst v0  }
0x3a5: {  	[tilespmem:$0x10E90] =	vst v0  }
0x3a6: {  	[tilespmem:$0x10EA0] =	vst v0  }
0x3a7: {  	[tilespmem:$0x10EB0] =	vst v0  }
0x3a8: {  	[tilespmem:$0x10EC0] =	vst v0  }
0x3a9: {  	[tilespmem:$0x10ED0] =	vst v0  }
0x3aa: {  	[tilespmem:$0x10EE0] =	vst v0  }
0x3ab: {  	[tilespmem:$0x10EF0] =	vst v0  }
0x3ac: {  	[tilespmem:$0x10F00] =	vst v0  }
0x3ad: {  	[tilespmem:$0x10F10] =	vst v0  }
0x3ae: {  	[tilespmem:$0x10F20] =	vst v0  }
0x3af: {  	[tilespmem:$0x10F30] =	vst v0  }
0x3b0: {  	[tilespmem:$0x10F40] =	vst v0  }
0x3b1: {  	[tilespmem:$0x10F50] =	vst v0  }
0x3b2: {  	[tilespmem:$0x10F60] =	vst v0  }
0x3b3: {  	[tilespmem:$0x10F70] =	vst v0  }
0x3b4: {  	[tilespmem:$0x10F80] =	vst v0  }
0x3b5: {  	[tilespmem:$0x10F90] =	vst v0  }
0x3b6: {  	[tilespmem:$0x10FA0] =	vst v0  }
0x3b7: {  	[tilespmem:$0x10FB0] =	vst v0  }
0x3b8: {  	[tilespmem:$0x10FC0] =	vst v0  }
0x3b9: {  	[tilespmem:$0x10FD0] =	vst v0  }
0x3ba: {  	[tilespmem:$0x10FE0] =	vst v0  }
0x3bb: {  	[tilespmem:$0x10FF0] =	vst v0  }
0x3bc: {  	[tilespmem:$0x11000] =	vst v0  }
0x3bd: {  	[tilespmem:$0x11010] =	vst v0  }
0x3be: {  	[tilespmem:$0x11020] =	vst v0  }
0x3bf: {  	[tilespmem:$0x11030] =	vst v0  }
0x3c0: {  	[tilespmem:$0x11040] =	vst v0  }
0x3c1: {  	[tilespmem:$0x11050] =	vst v0  }
0x3c2: {  	[tilespmem:$0x11060] =	vst v0  }
0x3c3: {  	[tilespmem:$0x11070] =	vst v0  }
0x3c4: {  	[tilespmem:$0x11080] =	vst v0  }
0x3c5: {  	[tilespmem:$0x11090] =	vst v0  }
0x3c6: {  	[tilespmem:$0x110A0] =	vst v0  }
0x3c7: {  	[tilespmem:$0x110B0] =	vst v0  }
0x3c8: {  	[tilespmem:$0x110C0] =	vst v0  }
0x3c9: {  	[tilespmem:$0x110D0] =	vst v0  }
0x3ca: {  	[tilespmem:$0x110E0] =	vst v0  }
0x3cb: {  	[tilespmem:$0x110F0] =	vst v0  }
0x3cc: {  	[tilespmem:$0x11100] =	vst v0  }
0x3cd: {  	[tilespmem:$0x11110] =	vst v0  }
0x3ce: {  	[tilespmem:$0x11120] =	vst v0  }
0x3cf: {  	[tilespmem:$0x11130] =	vst v0  }
0x3d0: {  	[tilespmem:$0x11140] =	vst v0  }
0x3d1: {  	[tilespmem:$0x11150] =	vst v0  }
0x3d2: {  	[tilespmem:$0x11160] =	vst v0  }
0x3d3: {  	[tilespmem:$0x11170] =	vst v0  }
0x3d4: {  	[tilespmem:$0x11180] =	vst v0  }
0x3d5: {  	[tilespmem:$0x11190] =	vst v0  }
0x3d6: {  	[tilespmem:$0x111A0] =	vst v0  }
0x3d7: {  	[tilespmem:$0x111B0] =	vst v0  }
0x3d8: {  	[tilespmem:$0x111C0] =	vst v0  }
0x3d9: {  	[tilespmem:$0x111D0] =	vst v0  }
0x3da: {  	[tilespmem:$0x111E0] =	vst v0  }
0x3db: {  	[tilespmem:$0x111F0] =	vst v0  }
0x3dc: {  	[tilespmem:$0x11200] =	vst v0  }
0x3dd: {  	[tilespmem:$0x11210] =	vst v0  }
0x3de: {  	[tilespmem:$0x11220] =	vst v0  }
0x3df: {  	[tilespmem:$0x11230] =	vst v0  }
0x3e0: {  	[tilespmem:$0x11240] =	vst v0  }
0x3e1: {  	[tilespmem:$0x11250] =	vst v0  }
0x3e2: {  	[tilespmem:$0x11260] =	vst v0  }
0x3e3: {  	[tilespmem:$0x11270] =	vst v0  }
0x3e4: {  	[tilespmem:$0x11280] =	vst v0  }
0x3e5: {  	[tilespmem:$0x11290] =	vst v0  }
0x3e6: {  	[tilespmem:$0x112A0] =	vst v0  }
0x3e7: {  	[tilespmem:$0x112B0] =	vst v0  }
0x3e8: {  	[tilespmem:$0x112C0] =	vst v0  }
0x3e9: {  	[tilespmem:$0x112D0] =	vst v0  }
0x3ea: {  	[tilespmem:$0x112E0] =	vst v0  }
0x3eb: {  	[tilespmem:$0x112F0] =	vst v0  }
0x3ec: {  	[tilespmem:$0x11300] =	vst v0  }
0x3ed: {  	[tilespmem:$0x11310] =	vst v0  }
0x3ee: {  	[tilespmem:$0x11320] =	vst v0  }
0x3ef: {  	[tilespmem:$0x11330] =	vst v0  }
0x3f0: {  	[tilespmem:$0x11340] =	vst v0  }
0x3f1: {  	[tilespmem:$0x11350] =	vst v0  }
0x3f2: {  	[tilespmem:$0x11360] =	vst v0  }
0x3f3: {  	[tilespmem:$0x11370] =	vst v0  }
0x3f4: {  	[tilespmem:$0x11380] =	vst v0  }
0x3f5: {  	[tilespmem:$0x11390] =	vst v0  }
0x3f6: {  	[tilespmem:$0x113A0] =	vst v0  }
0x3f7: {  	[tilespmem:$0x113B0] =	vst v0  }
0x3f8: {  	[tilespmem:$0x113C0] =	vst v0  }
0x3f9: {  	[tilespmem:$0x113D0] =	vst v0  }
0x3fa: {  	[tilespmem:$0x113E0] =	vst v0  }
0x3fb: {  	[tilespmem:$0x113F0] =	vst v0  }
0x3fc: {  	[tilespmem:$0x11400] =	vst v0  }
0x3fd: {  	[tilespmem:$0x11410] =	vst v0  }
0x3fe: {  	[tilespmem:$0x11420] =	vst v0  }
0x3ff: {  	[tilespmem:$0x11430] =	vst v0  }
0x400: {  	[tilespmem:$0x11440] =	vst v0  }
0x401: {  	[tilespmem:$0x11450] =	vst v0  }
0x402: {  	[tilespmem:$0x11460] =	vst v0  }
0x403: {  	[tilespmem:$0x11470] =	vst v0  }
0x404: {  	[tilespmem:$0x11480] =	vst v0  }
0x405: {  	[tilespmem:$0x11490] =	vst v0  }
0x406: {  	[tilespmem:$0x114A0] =	vst v0  }
0x407: {  	[tilespmem:$0x114B0] =	vst v0  }
0x408: {  	[tilespmem:$0x114C0] =	vst v0  }
0x409: {  	[tilespmem:$0x114D0] =	vst v0  }
0x40a: {  	[tilespmem:$0x114E0] =	vst v0  }
0x40b: {  	[tilespmem:$0x114F0] =	vst v0  }
0x40c: {  	[tilespmem:$0x11500] =	vst v0  }
0x40d: {  	[tilespmem:$0x11510] =	vst v0  }
0x40e: {  	[tilespmem:$0x11520] =	vst v0  }
0x40f: {  	[tilespmem:$0x11530] =	vst v0  }
0x410: {  	[tilespmem:$0x11540] =	vst v0  }
0x411: {  	[tilespmem:$0x11550] =	vst v0  }
0x412: {  	[tilespmem:$0x11560] =	vst v0  }
0x413: {  	[tilespmem:$0x11570] =	vst v0  }
0x414: {  	[tilespmem:$0x11580] =	vst v0  }
0x415: {  	[tilespmem:$0x11590] =	vst v0  }
0x416: {  	[tilespmem:$0x115A0] =	vst v0  }
0x417: {  	[tilespmem:$0x115B0] =	vst v0  }
0x418: {  	[tilespmem:$0x115C0] =	vst v0  }
0x419: {  	[tilespmem:$0x115D0] =	vst v0  }
0x41a: {  	[tilespmem:$0x115E0] =	vst v0  }
0x41b: {  	[tilespmem:$0x115F0] =	vst v0  }
0x41c: {  	[tilespmem:$0x11600] =	vst v0  }
0x41d: {  	[tilespmem:$0x11610] =	vst v0  }
0x41e: {  	[tilespmem:$0x11620] =	vst v0  }
0x41f: {  	[tilespmem:$0x11630] =	vst v0  }
0x420: {  	[tilespmem:$0x11640] =	vst v0  }
0x421: {  	[tilespmem:$0x11650] =	vst v0  }
0x422: {  	[tilespmem:$0x11660] =	vst v0  }
0x423: {  	[tilespmem:$0x11670] =	vst v0  }
0x424: {  	[tilespmem:$0x11680] =	vst v0  }
0x425: {  	[tilespmem:$0x11690] =	vst v0  }
0x426: {  	[tilespmem:$0x116A0] =	vst v0  }
0x427: {  	[tilespmem:$0x116B0] =	vst v0  }
0x428: {  	[tilespmem:$0x116C0] =	vst v0  }
0x429: {  	[tilespmem:$0x116D0] =	vst v0  }
0x42a: {  	[tilespmem:$0x116E0] =	vst v0  }
0x42b: {  	[tilespmem:$0x116F0] =	vst v0  }
0x42c: {  	[tilespmem:$0x11700] =	vst v0  }
0x42d: {  	[tilespmem:$0x11710] =	vst v0  }
0x42e: {  	[tilespmem:$0x11720] =	vst v0  }
0x42f: {  	[tilespmem:$0x11730] =	vst v0  }
0x430: {  	[tilespmem:$0x11740] =	vst v0  }
0x431: {  	[tilespmem:$0x11750] =	vst v0  }
0x432: {  	[tilespmem:$0x11760] =	vst v0  }
0x433: {  	[tilespmem:$0x11770] =	vst v0  }
0x434: {  	[tilespmem:$0x11780] =	vst v0  }
0x435: {  	[tilespmem:$0x11790] =	vst v0  }
0x436: {  	[tilespmem:$0x117A0] =	vst v0  }
0x437: {  	[tilespmem:$0x117B0] =	vst v0  }
0x438: {  	[tilespmem:$0x117C0] =	vst v0  }
0x439: {  	[tilespmem:$0x117D0] =	vst v0  }
0x43a: {  	[tilespmem:$0x117E0] =	vst v0  }
0x43b: {  	[tilespmem:$0x117F0] =	vst v0  }
0x43c: {  	[tilespmem:s2], [sflag:$0x1] =	stream.linear.gather [hbm4b:s5+s2], $0x4000, $0x38;
	[tilespmem:$0x11800] =	vst v63  }
0x43d: {  	s0 =	simm.s32 $0x8000  }
0x43e: {  	[tilespmem:s0], [sflag:$0x3] =	stream.linear.gather [hbm4b:s6+s2], $0x4000, $0x38;
	[tilespmem:$0x11800] =	vst v63  }
0x43f: {  	_ = 	snop  }
0x440: {  	[tilespmem:s14], [sflag:$0x2] =	stream.linear.gather [hbm4b:s7+s2], $0x4000, $0x38;
	[tilespmem:$0x11800] =	vst v63  }
0x441: {  	s29 =	simm.s32 $0x0  }
0x442: {  	[tilespmem:s15], [sflag:$0x4] =	stream.linear.gather [hbm4b:s8+s2], $0x4000, $0x38;
	[tilespmem:$0x11800] =	vst v63  }
.LBB2_2:
0x443: {  	_ =	swait.ge [sflag:s16], $0x4000  }
0x444: {  	[sflag:s16] =	ssyncset.done $0x0  }
0x445: {  	[sflag:s16] =	ssyncadd.s32 $0xFFFFC000  }
0x446: {  	_ =	swait.ge [sflag:s17], $0x4000  }
0x447: {  	[sflag:s17] =	ssyncset.done $0x0  }
0x448: {  	s13 =	simm.s32 $0x100;
	[sflag:s17] =	ssyncadd.s32 $0xFFFFC000  }
0x449: {  	v7 =	vld [tilespmem:s13+$0x80];
	_ =	sdelay $0x4  }
0x44a: {  	v7 =	vsub.f32 $0.0e+00, v7;
	_ =	sdelay $0x1  }
0x44b: {  	v8 =	vld [tilespmem:s13+$0xFFFFFF80];
	v7 =	vmul.f32 $1.442695020e+00, v7;
	_ =	sdelay $0x1  }
0x44c: {  	(erf) = vpow2.f32 v7  }
0x44d: {  	v7 =	vld [tilespmem:s13+$0xFFFFFF00]  }
0x44e: {  	v9 =	vld [tilespmem:s13+$0x0]  }
0x44f: {  	v8 =	vsub.f32 $0.0e+00, v8;
	_ =	sdelay $0x1  }
0x450: {  	v8 =	vmul.f32 $1.442695020e+00, v8  }
0x451: {  	v7 =	vsub.f32 $0.0e+00, v7  }
0x452: {  	v9 =	vsub.f32 $0.0e+00, v9  }
0x453: {  	v7 =	vmul.f32 $1.442695020e+00, v7  }
0x454: {  	v9 =	vmul.f32 $1.442695020e+00, v9;
	(erf) = vpow2.f32 v8;
	v8 =	vpop (erf)  }
0x455: {  	(erf) = vpow2.f32 v7;
	v7 =	vadd.f32 $1.000000000e+00, v8  }
0x456: {  	(erf) = vpow2.f32 v9  }
0x457: {  	(erf) = vrcp.f32 v7;
	_ =	sdelay $0x5  }
0x458: {  	v7 =	vpop (erf)  }
0x459: {  	v8 =	vpop (erf)  }
0x45a: {  	v9 =	vpop (erf)  }
0x45b: {  	v8 =	vadd.f32 $1.000000000e+00, v8;
	v10 =	vpop (erf)  }
0x45c: {  	v7 =	vadd.f32 $1.000000000e+00, v7;
	v11 =	vmul.f32 $1.500000000e+01, v10  }
0x45d: {  	(erf) = vrcp.f32 v8  }
0x45e: {  	(erf) = vrcp.f32 v7;
	v7 =	vtrunc.f32 v11  }
0x45f: {  	v7 =	vcvt.f32.s32 v7  }
0x460: {  	v8 =	vadd.f32 $1.000000000e+00, v9  }
0x461: {  	vm0 =	vlt.s32 v7, $0xE  }
0x462: {  	(erf) = vrcp.f32 v8;
	v7 =	vnsel vm0, $0xE, v7  }
0x463: {  	v8 =	vcvt.s32.f32 v7;
	_ =	sdelay $0x1  }
0x464: {  	s1 =	simm.s32 $0x8100;
	v9 =	vadd.f32 $1.000000000e+00, v8  }
0x465: {  	v15 =	vld [tilespmem:s1+$0x80];
	v8 =	vmul.f32 $6.666667010e-02, v8  }
0x466: {  	v9 =	vmul.f32 $6.666667010e-02, v9  }
0x467: {  	vm13 =	vlt.f32 v10, v8  }
0x468: {  	v11 =	vpop (erf);
	vm1 =	vge.f32 v10, v9;
	v9 =	vsel vm13, $0xFFFFFFFF, v2  }
0x469: {  	v12 =	vmul.f32 $1.500000000e+01, v11;
	v13 =	vpop (erf);
	v17 =	vsel vm1, $0x1, v2;
	v7 =	vadd.s32 v9, v7  }
0x46a: {  	v15 =	vshll.u32 v15, $0x9;
	v14 =	vmul.f32 $1.500000000e+01, v13;
	v8 =	vpop (erf);
	v7 =	vadd.s32 v17, v7  }
0x46b: {  	v12 =	vtrunc.f32 v12;
	v16 =	vmul.f32 $1.500000000e+01, v8;
	vm14 =	vlt.s32 v7, $0xE  }
0x46c: {  	v9 =	vcvt.f32.s32 v12;
	v12 =	vtrunc.f32 v14;
	v7 =	vnsel vm14, $0xE, v7  }
0x46d: {  	v12 =	vcvt.f32.s32 v12;
	v14 =	vtrunc.f32 v16;
	v7 =	vshll.u32 v7, $0x5  }
0x46e: {  	vm15 =	vlt.s32 v9, $0xE;
	v16 =	vor.u32 v3, v7;
	v15 =	vadd.s32 v15, v7  }
0x46f: {  	vm4 =	vlt.s32 v12, $0xE;
	v15 =	vand.u32 $0xFFFFFF80, v15;
	v16 =	vand.u32 $0x6F, v16  }
0x470: {  	v14 =	vcvt.f32.s32 v14;
	v12 =	vnsel vm4, $0xE, v12;
	v15 =	vor.u32 v16, v15  }
0x471: {  	v9 =	vnsel vm15, $0xE, v9;
	v17 =	vcvt.s32.f32 v12;
	v7 =	vadd.s32 v4, v7  }
0x472: {  	v21 =	vld [tilespmem:s1+$0xFFFFFF00];
	v16 =	vcvt.s32.f32 v9  }
0x473: {  	vm5 =	vlt.s32 v14, $0xE;
	v20 =	vadd.f32 $1.000000000e+00, v17;
	v17 =	vmul.f32 $6.666667010e-02, v17  }
0x474: {  	v14 =	vnsel vm5, $0xE, v14;
	v19 =	vadd.f32 $1.000000000e+00, v16;
	v16 =	vmul.f32 $6.666667010e-02, v16  }
0x475: {  	v18 =	vcvt.s32.f32 v14;
	v20 =	vmul.f32 $6.666667010e-02, v20;
	vm7 =	vlt.f32 v13, v17;
	[tilespmem:v15+s18+$0x0] =	vst.idx.add.f32.msk $0xffff, v1  }
0x476: {  	v17 =	vsel vm7, $0xFFFFFFFF, v2;
	v19 =	vmul.f32 $6.666667010e-02, v19;
	vm6 =	vlt.f32 v11, v16;
	[tilespmem:v7+s19+$0x0] =	vst.idx.add.f32.msk $0xffff, v10  }
0x477: {  	vm3 =	vge.f32 v13, v20;
	v12 =	vadd.s32 v17, v12;
	v17 =	vshll.u32 v21, $0x9;
	v7 =	vld [tilespmem:s13+$0x90]  }
0x478: {  	v15 =	vadd.f32 $1.000000000e+00, v18;
	v16 =	vsel vm6, $0xFFFFFFFF, v2;
	vm2 =	vge.f32 v11, v19  }
0x479: {  	v20 =	vsel vm3, $0x1, v2;
	v9 =	vadd.s32 v16, v9;
	v19 =	vsel vm2, $0x1, v2  }
0x47a: {  	v16 =	vmul.f32 $6.666667010e-02, v18;
	v12 =	vadd.s32 v20, v12;
	v9 =	vadd.s32 v19, v9  }
0x47b: {  	v10 =	vld [tilespmem:s1+$0xFFFFFF80];
	vm9 =	vlt.s32 v12, $0xE;
	v15 =	vmul.f32 $6.666667010e-02, v15;
	vm8 =	vlt.s32 v9, $0xE  }
0x47c: {  	v12 =	vnsel vm9, $0xE, v12;
	v9 =	vnsel vm8, $0xE, v9;
	v7 =	vsub.f32 $0.0e+00, v7  }
0x47d: {  	vm10 =	vlt.f32 v8, v16;
	v12 =	vshll.u32 v12, $0x5;
	v9 =	vshll.u32 v9, $0x5  }
0x47e: {  	v18 =	vor.u32 v3, v9;
	v17 =	vadd.s32 v17, v9;
	v7 =	vmul.f32 $1.442695020e+00, v7  }
0x47f: {  	vm11 =	vge.f32 v8, v15;
	v17 =	vand.u32 $0xFFFFFF80, v17;
	v18 =	vand.u32 $0x6F, v18  }
0x480: {  	v10 =	vshll.u32 v10, $0x9;
	v17 =	vor.u32 v18, v17;
	(erf) = vpow2.f32 v7  }
0x481: {  	v19 =	vor.u32 v3, v12;
	v10 =	vadd.s32 v10, v12;
	v9 =	vadd.s32 v4, v9  }
0x482: {  	s0 =	simm.s32 $0x300;
	v15 =	vsel vm10, $0xFFFFFFFF, v2;
	v7 =	vand.u32 $0xFFFFFF80, v10;
	v10 =	vand.u32 $0x6F, v19  }
0x483: {  	v14 =	vadd.s32 v15, v14;
	v15 =	vld [tilespmem:s0+$0xFFFFFF00];
	v7 =	vor.u32 v10, v7  }
0x484: {  	v10 =	vadd.s32 v4, v12;
	v12 =	vld [tilespmem:s1+$0x0]  }
0x485: {  	v16 =	vsel vm11, $0x1, v2;
	[tilespmem:v17+s18+$0x0] =	vst.idx.add.f32.msk $0xffff, v1  }
0x486: {  	v14 =	vadd.s32 v16, v14;
	[tilespmem:v9+s19+$0x0] =	vst.idx.add.f32.msk $0xffff, v11  }
0x487: {  	vm12 =	vlt.s32 v14, $0xE;
	v11 =	vld [tilespmem:s13+$0xFFFFFF10]  }
0x488: {  	[tilespmem:v7+s18+$0x0] =	vst.idx.add.f32.msk $0xffff, v1;
	v7 =	vnsel vm12, $0xE, v14  }
0x489: {  	v9 =	vshll.u32 v12, $0x9;
	[tilespmem:v10+s19+$0x0] =	vst.idx.add.f32.msk $0xffff, v13;
	v7 =	vshll.u32 v7, $0x5;
	v10 =	vpop (erf)  }
0x48a: {  	v12 =	vor.u32 v3, v7;
	v9 =	vadd.s32 v9, v7;
	v13 =	vld [tilespmem:s13+$0xFFFFFF90];
	v10 =	vadd.f32 $1.000000000e+00, v10  }
0x48b: {  	v14 =	vld [tilespmem:s0+$0x80];
	v9 =	vand.u32 $0xFFFFFF80, v9;
	v12 =	vand.u32 $0x6F, v12  }
0x48c: {  	v9 =	vor.u32 v12, v9;
	v12 =	vld [tilespmem:s0+$0x0];
	(erf) = vrcp.f32 v10  }
0x48d: {  	v7 =	vadd.s32 v4, v7;
	v11 =	vsub.f32 $0.0e+00, v11;
	v10 =	vld [tilespmem:s0+$0xFFFFFF80];
	_ =	sdelay $0x1  }
0x48e: {  	v11 =	vmul.f32 $1.442695020e+00, v11;
	v13 =	vsub.f32 $0.0e+00, v13  }
0x48f: {  	v14 =	vsub.f32 $0.0e+00, v14  }
0x490: {  	(erf) = vpow2.f32 v11;
	[tilespmem:v9+s18+$0x0] =	vst.idx.add.f32.msk $0xffff, v1;
	v9 =	vmul.f32 $1.442695020e+00, v13;
	v11 =	vsub.f32 $0.0e+00, v12  }
0x491: {  	v12 =	vsub.f32 $0.0e+00, v15;
	[tilespmem:v7+s19+$0x0] =	vst.idx.add.f32.msk $0xffff, v8;
	v7 =	vsub.f32 $0.0e+00, v10  }
0x492: {  	v8 =	vmul.f32 $1.442695020e+00, v14;
	v10 =	vld [tilespmem:s13+$0x10];
	(erf) = vpow2.f32 v9  }
0x493: {  	v9 =	vmul.f32 $1.442695020e+00, v12;
	v7 =	vmul.f32 $1.442695020e+00, v7  }
0x494: {  	(erf) = vpow2.f32 v8;
	v8 =	vmul.f32 $1.442695020e+00, v11;
	v15 =	vpop (erf)  }
0x495: {  	(erf) = vpow2.f32 v7;
	v11 =	vmul.f32 $1.500000000e+01, v15  }
0x496: {  	(erf) = vpow2.f32 v9  }
0x497: {  	v7 =	vsub.f32 $0.0e+00, v10;
	v9 =	vtrunc.f32 v11  }
0x498: {  	(erf) = vpow2.f32 v8;
	v8 =	vcvt.f32.s32 v9  }
0x499: {  	v7 =	vmul.f32 $1.442695020e+00, v7  }
0x49a: {  	vm13 =	vlt.s32 v8, $0xE  }
0x49b: {  	v9 =	vpop (erf);
	(erf) = vpow2.f32 v7;
	v7 =	vnsel vm13, $0xE, v8  }
0x49c: {  	v8 =	vadd.f32 $1.000000000e+00, v9;
	v9 =	vpop (erf);
	v10 =	vcvt.s32.f32 v7  }
0x49d: {  	v11 =	vpop (erf)  }
0x49e: {  	v9 =	vadd.f32 $1.000000000e+00, v9;
	(erf) = vrcp.f32 v8;
	v12 =	vpop (erf);
	v8 =	vadd.f32 $1.000000000e+00, v10  }
0x49f: {  	v17 =	vld [tilespmem:s1+$0x90];
	v11 =	vadd.f32 $1.000000000e+00, v11;
	v10 =	vmul.f32 $6.666667010e-02, v10;
	v13 =	vpop (erf)  }
0x4a0: {  	(erf) = vrcp.f32 v9;
	v9 =	vld [tilespmem:s1+$0xFFFFFF10];
	v13 =	vadd.f32 $1.000000000e+00, v13;
	v8 =	vmul.f32 $6.666667010e-02, v8  }
0x4a1: {  	v16 =	vld [tilespmem:s1+$0x10];
	v12 =	vadd.f32 $1.000000000e+00, v12;
	(erf) = vrcp.f32 v11;
	vm14 =	vlt.f32 v15, v10  }
0x4a2: {  	v11 =	vld [tilespmem:s1+$0xFFFFFF90];
	v14 =	vpop (erf);
	(erf) = vrcp.f32 v13;
	vm15 =	vge.f32 v15, v8;
	v8 =	vsel vm14, $0xFFFFFFFF, v2  }
0x4a3: {  	v10 =	vadd.f32 $1.000000000e+00, v14;
	v14 =	vsel vm15, $0x1, v2;
	v7 =	vadd.s32 v8, v7  }
0x4a4: {  	v7 =	vadd.s32 v14, v7  }
0x4a5: {  	(erf) = vrcp.f32 v12;
	v13 =	vshll.u32 v9, $0x9;
	v8 =	vpop (erf);
	vm4 =	vlt.s32 v7, $0xE  }
0x4a6: {  	(erf) = vrcp.f32 v10;
	v8 =	vadd.f32 $1.000000000e+00, v8;
	v7 =	vnsel vm4, $0xE, v7  }
0x4a7: {  	v9 =	vshll.u32 v16, $0x9;
	v14 =	vshll.u32 v11, $0x9;
	v11 =	vshll.u32 v17, $0x9;
	v16 =	vpop (erf)  }
0x4a8: {  	v10 =	vmul.f32 $1.500000000e+01, v16;
	(erf) = vrcp.f32 v8;
	v8 =	vshll.u32 v7, $0x5  }
0x4a9: {  	v7 =	vpop (erf);
	v12 =	vor.u32 v5, v8;
	v11 =	vadd.s32 v11, v8  }
0x4aa: {  	v10 =	vtrunc.f32 v10;
	v20 =	vpop (erf);
	v17 =	vmul.f32 $1.500000000e+01, v7;
	v11 =	vand.u32 $0xFFFFFF80, v11  }
0x4ab: {  	v12 =	vand.u32 $0x7F, v12;
	v21 =	vcvt.f32.s32 v10;
	v19 =	vmul.f32 $1.500000000e+01, v20;
	v22 =	vpop (erf)  }
0x4ac: {  	v10 =	vtrunc.f32 v17;
	v17 =	vadd.s32 v6, v8;
	v8 =	vmul.f32 $1.500000000e+01, v22  }
0x4ad: {  	v18 =	vor.u32 v12, v11;
	v11 =	vtrunc.f32 v19;
	v23 =	vcvt.f32.s32 v10  }
0x4ae: {  	vm5 =	vlt.s32 v21, $0xE;
	v12 =	vcvt.f32.s32 v11;
	v8 =	vtrunc.f32 v8  }
0x4af: {  	s13 =	simm.s32 $0x8300;
	v11 =	vnsel vm5, $0xE, v21;
	v19 =	vpop (erf);
	v8 =	vcvt.f32.s32 v8  }
0x4b0: {  	v29 =	vld [tilespmem:s13+$0x80];
	vm7 =	vlt.s32 v23, $0xE;
	v38 =	vcvt.s32.f32 v11;
	v10 =	vpop (erf);
	vm6 =	vlt.s32 v12, $0xE  }
0x4b1: {  	v24 =	vmul.f32 $1.500000000e+01, v19;
	v21 =	vmul.f32 $1.500000000e+01, v10;
	v25 =	vnsel vm6, $0xE, v12  }
0x4b2: {  	v12 =	vnsel vm7, $0xE, v23;
	vm8 =	vlt.s32 v8, $0xE;
	v26 =	vcvt.s32.f32 v25  }
0x4b3: {  	v24 =	vtrunc.f32 v24;
	v27 =	vnsel vm8, $0xE, v8;
	v21 =	vtrunc.f32 v21  }
0x4b4: {  	v23 =	vcvt.f32.s32 v24;
	v21 =	vcvt.f32.s32 v21;
	v24 =	vadd.f32 $1.000000000e+00, v26  }
0x4b5: {  	v29 =	vshll.u32 v29, $0x9;
	v8 =	vmul.f32 $6.666667010e-02, v26;
	v26 =	vcvt.s32.f32 v27  }
0x4b6: {  	vm9 =	vlt.s32 v23, $0xE;
	vm10 =	vlt.s32 v21, $0xE;
	v24 =	vmul.f32 $6.666667010e-02, v24  }
0x4b7: {  	v23 =	vnsel vm9, $0xE, v23;
	vm11 =	vlt.f32 v20, v8;
	v32 =	vadd.f32 $1.000000000e+00, v26  }
0x4b8: {  	v26 =	vmul.f32 $6.666667010e-02, v26;
	vm12 =	vge.f32 v20, v24;
	v24 =	vsel vm11, $0xFFFFFFFF, v2  }
0x4b9: {  	v21 =	vnsel vm10, $0xE, v21;
	v31 =	vsel vm12, $0x1, v2;
	v24 =	vadd.s32 v24, v25  }
0x4ba: {  	v28 =	vcvt.s32.f32 v23;
	v30 =	vcvt.s32.f32 v21;
	v24 =	vadd.s32 v31, v24  }
0x4bb: {  	v8 =	vpop (erf);
	v32 =	vmul.f32 $6.666667010e-02, v32;
	vm14 =	vlt.f32 v22, v26;
	vm13 =	vlt.s32 v24, $0xE  }
0x4bc: {  	v25 =	vmul.f32 $1.500000000e+01, v8;
	v56 =	vadd.f32 $1.000000000e+00, v28;
	v24 =	vnsel vm13, $0xE, v24  }
0x4bd: {  	v28 =	vmul.f32 $6.666667010e-02, v28;
	v58 =	vsel vm14, $0xFFFFFFFF, v2;
	v24 =	vshll.u32 v24, $0x5  }
0x4be: {  	v33 =	vadd.f32 $1.000000000e+00, v30;
	v34 =	vor.u32 v3, v24;
	v29 =	vadd.s32 v29, v24  }
0x4bf: {  	v30 =	vmul.f32 $6.666667010e-02, v30;
	v29 =	vand.u32 $0xFFFFFF80, v29;
	v34 =	vand.u32 $0x6F, v34  }
0x4c0: {  	vm9 =	vge.f32 v22, v32;
	v31 =	vmul.f32 $6.666667010e-02, v56;
	v26 =	vor.u32 v34, v29  }
0x4c1: {  	v27 =	vadd.s32 v58, v27;
	vm15 =	vlt.f32 v19, v28;
	v24 =	vadd.s32 v4, v24  }
0x4c2: {  	v32 =	vsel vm9, $0x1, v2;
	v60 =	vsel vm15, $0xFFFFFFFF, v2;
	vm4 =	vge.f32 v19, v31  }
0x4c3: {  	v57 =	vld [tilespmem:s13+$0xFFFFFF00];
	v33 =	vmul.f32 $6.666667010e-02, v33;
	v23 =	vadd.s32 v60, v23;
	v62 =	vsel vm4, $0x1, v2  }
0x4c4: {  	v59 =	vld [tilespmem:s13+$0xFFFFFF80];
	vm8 =	vlt.f32 v10, v30;
	v27 =	vadd.s32 v32, v27;
	v23 =	vadd.s32 v62, v23  }
0x4c5: {  	v35 =	vsel vm8, $0xFFFFFFFF, v2;
	vm10 =	vge.f32 v10, v33;
	vm12 =	vlt.s32 v23, $0xE;
	[tilespmem:v26+s18+$0x0] =	vst.idx.add.f32.msk $0xffff, v1  }
0x4c6: {  	v21 =	vadd.s32 v35, v21;
	v63 =	vsel vm10, $0x1, v2;
	v23 =	vnsel vm12, $0xE, v23;
	[tilespmem:v24+s19+$0x0] =	vst.idx.add.f32.msk $0xffff, v20  }
0x4c7: {  	vm11 =	vlt.s32 v27, $0xE;
	v23 =	vshll.u32 v23, $0x5;
	v20 =	vadd.s32 v63, v21;
	v21 =	vld [tilespmem:s0+$0x90]  }
0x4c8: {  	v25 =	vtrunc.f32 v25;
	v34 =	vor.u32 v3, v23;
	v24 =	vnsel vm11, $0xE, v27  }
0x4c9: {  	v26 =	vshll.u32 v57, $0x9;
	v27 =	vshll.u32 v59, $0x9;
	v24 =	vshll.u32 v24, $0x5  }
0x4ca: {  	v61 =	vld [tilespmem:s13+$0x0];
	v35 =	vand.u32 $0x6F, v34;
	v27 =	vadd.s32 v27, v23;
	v26 =	vadd.s32 v26, v24  }
0x4cb: {  	v32 =	vor.u32 v3, v24;
	v27 =	vand.u32 $0xFFFFFF80, v27;
	v26 =	vand.u32 $0xFFFFFF80, v26  }
0x4cc: {  	v28 =	vand.u32 $0x6F, v32;
	v27 =	vor.u32 v35, v27;
	v21 =	vsub.f32 $0.0e+00, v21  }
0x4cd: {  	v39 =	vcvt.s32.f32 v12;
	v25 =	vcvt.f32.s32 v25;
	v26 =	vor.u32 v28, v26  }
0x4ce: {  	vm13 =	vlt.s32 v20, $0xE;
	v24 =	vadd.s32 v4, v24;
	v21 =	vmul.f32 $1.442695020e+00, v21  }
0x4cf: {  	v33 =	vshll.u32 v61, $0x9;
	v23 =	vadd.s32 v4, v23;
	v20 =	vnsel vm13, $0xE, v20  }
0x4d0: {  	vm14 =	vlt.s32 v25, $0xE;
	v20 =	vshll.u32 v20, $0x5;
	(erf) = vpow2.f32 v21  }
0x4d1: {  	v25 =	vnsel vm14, $0xE, v25;
	v36 =	vor.u32 v3, v20;
	v29 =	vadd.s32 v33, v20;
	[tilespmem:v27+s18+$0x0] =	vst.idx.add.f32.msk $0xffff, v1  }
0x4d2: {  	v37 =	vand.u32 $0xFFFFFF80, v29;
	v29 =	vadd.f32 $1.000000000e+00, v38;
	[tilespmem:v26+s18+$0x0] =	vst.idx.add.f32.msk $0xffff, v1;
	v26 =	vmul.f32 $6.666667010e-02, v38  }
0x4d3: {  	v21 =	vand.u32 $0x6F, v36;
	[tilespmem:v24+s19+$0x0] =	vst.idx.add.f32.msk $0xffff, v22;
	v22 =	vmul.f32 $6.666667010e-02, v39;
	v24 =	vadd.f32 $1.000000000e+00, v39  }
0x4d4: {  	v27 =	vmul.f32 $6.666667010e-02, v29;
	[tilespmem:v23+s19+$0x0] =	vst.idx.add.f32.msk $0xffff, v19;
	v21 =	vor.u32 v21, v37;
	vm15 =	vlt.f32 v16, v26  }
0x4d5: {  	v23 =	vld [tilespmem:s0+$0xFFFFFF10];
	v19 =	vmul.f32 $6.666667010e-02, v24;
	vm4 =	vlt.f32 v7, v22;
	v22 =	vcvt.s32.f32 v25  }
0x4d6: {  	s30 =	simm.s32 $0x500;
	v20 =	vadd.s32 v4, v20;
	vm5 =	vge.f32 v16, v27;
	v27 =	vld [tilespmem:s0+$0xFFFFFF90];
	v24 =	vsel vm15, $0xFFFFFFFF, v2  }
0x4d7: {  	v40 =	vld [tilespmem:s30+$0x80];
	vm6 =	vge.f32 v7, v19;
	v19 =	vmul.f32 $6.666667010e-02, v22;
	v22 =	vadd.f32 $1.000000000e+00, v22  }
0x4d8: {  	v42 =	vsel vm5, $0x1, v2;
	v11 =	vadd.s32 v24, v11  }
0x4d9: {  	v26 =	vsel vm4, $0xFFFFFFFF, v2;
	v11 =	vadd.s32 v42, v11;
	v22 =	vmul.f32 $6.666667010e-02, v22;
	[tilespmem:v21+s18+$0x0] =	vst.idx.add.f32.msk $0xffff, v1;
	v41 =	vpop (erf)  }
0x4da: {  	vm7 =	vlt.f32 v8, v19;
	v19 =	vsub.f32 $0.0e+00, v23;
	v21 =	vld [tilespmem:s30+$0xFFFFFF80];
	v29 =	vadd.f32 $1.000000000e+00, v41  }
0x4db: {  	v12 =	vadd.s32 v26, v12;
	[tilespmem:v20+s19+$0x0] =	vst.idx.add.f32.msk $0xffff, v10;
	v20 =	vsub.f32 $0.0e+00, v27;
	vm8 =	vge.f32 v8, v22  }
0x4dc: {  	v23 =	vld [tilespmem:s30+$0x0];
	v22 =	vsub.f32 $0.0e+00, v40;
	v19 =	vmul.f32 $1.442695020e+00, v19;
	(erf) = vrcp.f32 v29  }
0x4dd: {  	v24 =	vsel vm6, $0x1, v2;
	vm9 =	vlt.s32 v11, $0xE;
	v20 =	vmul.f32 $1.442695020e+00, v20  }
0x4de: {  	v10 =	vsel vm7, $0xFFFFFFFF, v2;
	v22 =	vmul.f32 $1.442695020e+00, v22;
	(erf) = vpow2.f32 v19  }
0x4df: {  	v12 =	vadd.s32 v24, v12;
	v10 =	vadd.s32 v10, v25;
	v25 =	vld [tilespmem:s0+$0x10];
	(erf) = vpow2.f32 v20  }
0x4e0: {  	v24 =	vld [tilespmem:s30+$0xFFFFFF00];
	v11 =	vnsel vm9, $0xE, v11;
	v19 =	vsel vm8, $0x1, v2;
	(erf) = vpow2.f32 v22  }
0x4e1: {  	v26 =	vld [tilespmem:s13+$0xFFFFFF10];
	v22 =	vshll.u32 v11, $0x5;
	v11 =	vsub.f32 $0.0e+00, v21;
	v21 =	vsub.f32 $0.0e+00, v23  }
0x4e2: {  	vm10 =	vlt.s32 v12, $0xE;
	v10 =	vadd.s32 v19, v10  }
0x4e3: {  	v12 =	vnsel vm10, $0xE, v12;
	vm11 =	vlt.s32 v10, $0xE  }
0x4e4: {  	v25 =	vsub.f32 $0.0e+00, v25;
	v20 =	vshll.u32 v12, $0x5;
	v23 =	vld [tilespmem:s13+$0x10];
	v10 =	vnsel vm11, $0xE, v10  }
0x4e5: {  	v19 =	vshll.u32 v10, $0x5;
	v10 =	vsub.f32 $0.0e+00, v24;
	v24 =	vmul.f32 $1.442695020e+00, v21;
	v21 =	vpop (erf)  }
0x4e6: {  	v12 =	vmul.f32 $1.442695020e+00, v11;
	v11 =	vshll.u32 v26, $0x9;
	v26 =	vmul.f32 $1.500000000e+01, v21  }
0x4e7: {  	v43 =	vmul.f32 $1.442695020e+00, v10  }
0x4e8: {  	v25 =	vmul.f32 $1.442695020e+00, v25;
	v14 =	vadd.s32 v14, v20;
	(erf) = vpow2.f32 v12  }
0x4e9: {  	v12 =	vshll.u32 v23, $0x9;
	(erf) = vpow2.f32 v43;
	v23 =	vtrunc.f32 v26  }
0x4ea: {  	v27 =	vld [tilespmem:s13+$0xFFFFFF90];
	v13 =	vadd.s32 v13, v22;
	v14 =	vand.u32 $0xFFFFFF80, v14;
	v23 =	vcvt.f32.s32 v23;
	v26 =	vpop (erf)  }
0x4eb: {  	v44 =	vand.u32 $0xFFFFFF80, v13;
	(erf) = vpow2.f32 v24;
	v24 =	vadd.f32 $1.000000000e+00, v26;
	v26 =	vpop (erf)  }
0x4ec: {  	(erf) = vpow2.f32 v25;
	vm12 =	vlt.s32 v23, $0xE;
	v26 =	vadd.f32 $1.000000000e+00, v26  }
0x4ed: {  	v9 =	vadd.s32 v9, v19;
	v25 =	vpop (erf);
	v23 =	vnsel vm12, $0xE, v23;
	(erf) = vrcp.f32 v24  }
0x4ee: {  	v25 =	vadd.f32 $1.000000000e+00, v25;
	(erf) = vrcp.f32 v26;
	v26 =	vcvt.s32.f32 v23  }
0x4ef: {  	v10 =	vshll.u32 v27, $0x9;
	v27 =	vor.u32 v5, v22;
	v46 =	vand.u32 $0xFFFFFF80, v9  }
0x4f0: {  	v27 =	vand.u32 $0x7F, v27;
	(erf) = vrcp.f32 v25;
	v13 =	vadd.f32 $1.000000000e+00, v26  }
0x4f1: {  	v28 =	vor.u32 v27, v44;
	v24 =	vor.u32 v5, v20;
	v45 =	vpop (erf);
	v26 =	vmul.f32 $6.666667010e-02, v26  }
0x4f2: {  	v24 =	vand.u32 $0x7F, v24;
	v29 =	vadd.f32 $1.000000000e+00, v45;
	v9 =	vpop (erf);
	v13 =	vmul.f32 $6.666667010e-02, v13  }
0x4f3: {  	v48 =	vld [tilespmem:s13+$0x90];
	v25 =	vor.u32 v5, v19;
	v9 =	vadd.f32 $1.000000000e+00, v9;
	vm13 =	vlt.f32 v21, v26  }
0x4f4: {  	v25 =	vand.u32 $0x7F, v25;
	vm14 =	vge.f32 v21, v13;
	v13 =	vsel vm13, $0xFFFFFFFF, v2  }
0x4f5: {  	v47 =	vpop (erf);
	(erf) = vrcp.f32 v9;
	v27 =	vor.u32 v25, v46;
	v13 =	vadd.s32 v13, v23  }
0x4f6: {  	v49 =	vpop (erf);
	v26 =	vadd.f32 $1.000000000e+00, v47;
	(erf) = vrcp.f32 v29;
	v50 =	vsel vm14, $0x1, v2  }
0x4f7: {  	v29 =	vor.u32 v24, v14;
	v23 =	vadd.f32 $1.000000000e+00, v49;
	v9 =	vpop (erf);
	v51 =	vadd.s32 v50, v13  }
0x4f8: {  	v24 =	vshll.u32 v48, $0x9;
	(erf) = vrcp.f32 v26;
	vm15 =	vlt.s32 v51, $0xE;
	v13 =	vpop (erf)  }
0x4f9: {  	(erf) = vrcp.f32 v23;
	v25 =	vmul.f32 $1.500000000e+01, v9;
	v26 =	vnsel vm15, $0xE, v51;
	v32 =	vpop (erf)  }
0x4fa: {  	v14 =	vshll.u32 v26, $0x5;
	v52 =	vmul.f32 $1.500000000e+01, v13;
	v23 =	vmul.f32 $1.500000000e+01, v32  }
0x4fb: {  	v25 =	vtrunc.f32 v25;
	v26 =	vor.u32 v5, v14;
	v24 =	vadd.s32 v24, v14  }
0x4fc: {  	v24 =	vand.u32 $0xFFFFFF80, v24;
	v26 =	vand.u32 $0x7F, v26;
	v23 =	vtrunc.f32 v23  }
0x4fd: {  	v31 =	vor.u32 v26, v24;
	v24 =	vcvt.f32.s32 v25;
	v25 =	vtrunc.f32 v52  }
0x4fe: {  	v23 =	vcvt.f32.s32 v23  }
0x4ff: {  	v36 =	vadd.s32 v6, v22;
	v33 =	vadd.s32 v6, v14;
	v26 =	vpop (erf)  }
0x500: {  	v55 =	vcvt.f32.s32 v25;
	vm4 =	vlt.s32 v23, $0xE;
	v14 =	vmul.f32 $1.500000000e+01, v26;
	v25 =	vpop (erf)  }
0x501: {  	vm5 =	vlt.s32 v24, $0xE;
	v53 =	vnsel vm4, $0xE, v23;
	v37 =	vmul.f32 $1.500000000e+01, v25  }
0x502: {  	s0 =	simm.s32 $0x8500;
	vm6 =	vlt.s32 v55, $0xE;
	v22 =	vpop (erf);
	v54 =	vcvt.s32.f32 v53;
	v14 =	vtrunc.f32 v14  }
0x503: {  	v56 =	vld [tilespmem:s0+$0x80];
	v23 =	vnsel vm5, $0xE, v24;
	v24 =	vmul.f32 $1.500000000e+01, v22;
	v14 =	vcvt.f32.s32 v14  }
0x504: {  	v47 =	vld [tilespmem:s0+$0xFFFFFF80];
	v37 =	vtrunc.f32 v37;
	v38 =	vadd.f32 $1.000000000e+00, v54;
	v34 =	vmul.f32 $6.666667010e-02, v54  }
0x505: {  	[tilespmem:v31+s20+$0x0] =	vst.idx.add.f32.msk $0xffff, v1;
	v39 =	vtrunc.f32 v24;
	v24 =	vnsel vm6, $0xE, v55;
	v37 =	vcvt.f32.s32 v37  }
0x506: {  	[tilespmem:v33+s21+$0x0] =	vst.idx.add.f32.msk $0xffff, v21;
	vm9 =	vlt.s32 v14, $0xE;
	v58 =	vcvt.f32.s32 v39;
	v21 =	vcvt.s32.f32 v24  }
0x507: {  	v38 =	vmul.f32 $6.666667010e-02, v38;
	vm7 =	vlt.f32 v32, v34;
	v14 =	vnsel vm9, $0xE, v14  }
0x508: {  	vm10 =	vlt.s32 v37, $0xE;
	v34 =	vshll.u32 v56, $0x9;
	v57 =	vsel vm7, $0xFFFFFFFF, v2  }
0x509: {  	vm12 =	vlt.s32 v58, $0xE;
	v37 =	vnsel vm10, $0xE, v37;
	v59 =	vcvt.s32.f32 v14  }
0x50a: {  	vm8 =	vge.f32 v32, v38;
	v30 =	vadd.s32 v57, v53;
	v60 =	vcvt.s32.f32 v37  }
0x50b: {  	v35 =	vnsel vm12, $0xE, v58;
	v53 =	vshll.u32 v47, $0x9;
	v38 =	vsel vm8, $0x1, v2  }
0x50c: {  	v41 =	vmul.f32 $6.666667010e-02, v59;
	v61 =	vcvt.s32.f32 v35;
	v30 =	vadd.s32 v38, v30  }
0x50d: {  	v42 =	vmul.f32 $6.666667010e-02, v60;
	v38 =	vadd.f32 $1.000000000e+00, v59;
	vm11 =	vlt.s32 v30, $0xE  }
0x50e: {  	v39 =	vadd.f32 $1.000000000e+00, v60;
	vm13 =	vlt.f32 v26, v41;
	v30 =	vnsel vm11, $0xE, v30  }
0x50f: {  	v63 =	vld [tilespmem:s0+$0xFFFFFF00];
	v62 =	vadd.f32 $1.000000000e+00, v61;
	vm14 =	vlt.f32 v25, v42;
	v30 =	vshll.u32 v30, $0x5  }
0x510: {  	v50 =	vld [tilespmem:s0+$0x0];
	v41 =	vsel vm13, $0xFFFFFFFF, v2;
	v40 =	vor.u32 v3, v30;
	v34 =	vadd.s32 v34, v30  }
0x511: {  	v38 =	vmul.f32 $6.666667010e-02, v38;
	v34 =	vand.u32 $0xFFFFFF80, v34;
	v40 =	vand.u32 $0x6F, v40  }
0x512: {  	v39 =	vmul.f32 $6.666667010e-02, v39;
	v42 =	vsel vm14, $0xFFFFFFFF, v2;
	v34 =	vor.u32 v40, v34  }
0x513: {  	v14 =	vadd.s32 v41, v14;
	v45 =	vmul.f32 $6.666667010e-02, v62;
	v30 =	vadd.s32 v4, v30  }
0x514: {  	v37 =	vadd.s32 v42, v37;
	vm15 =	vge.f32 v26, v38;
	vm5 =	vge.f32 v25, v39  }
0x515: {  	v42 =	vshll.u32 v63, $0x9;
	v38 =	vshll.u32 v50, $0x9;
	v48 =	vsel vm5, $0x1, v2  }
0x516: {  	vm6 =	vge.f32 v22, v45;
	v40 =	vmul.f32 $6.666667010e-02, v61;
	v37 =	vadd.s32 v48, v37  }
0x517: {  	v46 =	vsel vm15, $0x1, v2;
	v51 =	vsel vm6, $0x1, v2;
	vm8 =	vlt.s32 v37, $0xE;
	[tilespmem:v34+s18+$0x0] =	vst.idx.add.f32.msk $0xffff, v1  }
0x518: {  	vm4 =	vlt.f32 v22, v40;
	v40 =	vadd.s32 v46, v14;
	v37 =	vnsel vm8, $0xE, v37;
	[tilespmem:v30+s19+$0x0] =	vst.idx.add.f32.msk $0xffff, v32  }
0x519: {  	v14 =	vsel vm4, $0xFFFFFFFF, v2;
	vm7 =	vlt.s32 v40, $0xE;
	v37 =	vshll.u32 v37, $0x5;
	v32 =	vld [tilespmem:s30+$0x90]  }
0x51a: {  	v35 =	vadd.s32 v14, v35;
	v52 =	vnsel vm7, $0xE, v40;
	v55 =	vor.u32 v3, v37  }
0x51b: {  	v39 =	vadd.s32 v53, v37;
	v60 =	vadd.s32 v4, v37;
	v35 =	vadd.s32 v51, v35  }
0x51c: {  	v57 =	vand.u32 $0xFFFFFF80, v39;
	v58 =	vand.u32 $0x6F, v55;
	v14 =	vpop (erf);
	vm9 =	vlt.s32 v35, $0xE  }
0x51d: {  	[tilespmem:v28+s20+$0x0] =	vst.idx.add.f32.msk $0xffff, v1;
	v30 =	vshll.u32 v52, $0x5;
	v28 =	vor.u32 v58, v57;
	v49 =	vmul.f32 $1.500000000e+01, v14  }
0x51e: {  	[tilespmem:v18+s20+$0x0] =	vst.idx.add.f32.msk $0xffff, v1;
	v35 =	vnsel vm9, $0xE, v35;
	v54 =	vadd.s32 v42, v30;
	v32 =	vsub.f32 $0.0e+00, v32  }
0x51f: {  	[tilespmem:v17+s21+$0x0] =	vst.idx.add.f32.msk $0xffff, v15;
	v18 =	vor.u32 v3, v30;
	v35 =	vshll.u32 v35, $0x5;
	v15 =	vand.u32 $0xFFFFFF80, v54  }
0x520: {  	v18 =	vand.u32 $0x6F, v18;
	v56 =	vor.u32 v3, v35;
	v32 =	vmul.f32 $1.442695020e+00, v32  }
0x521: {  	v17 =	vadd.s32 v38, v35;
	v15 =	vor.u32 v18, v15;
	v18 =	vtrunc.f32 v49  }
0x522: {  	[tilespmem:v27+s20+$0x0] =	vst.idx.add.f32.msk $0xffff, v1;
	v17 =	vand.u32 $0xFFFFFF80, v17;
	v59 =	vand.u32 $0x6F, v56;
	(erf) = vpow2.f32 v32  }
0x523: {  	[tilespmem:v29+s20+$0x0] =	vst.idx.add.f32.msk $0xffff, v1;
	v62 =	vcvt.f32.s32 v18;
	v29 =	vor.u32 v59, v17;
	v17 =	vcvt.s32.f32 v23  }
0x524: {  	v27 =	vadd.s32 v4, v30;
	v61 =	vadd.s32 v4, v35;
	v18 =	vadd.s32 v6, v20  }
0x525: {  	[tilespmem:v36+s21+$0x0] =	vst.idx.add.f32.msk $0xffff, v16;
	vm10 =	vlt.s32 v62, $0xE;
	v16 =	vmul.f32 $6.666667010e-02, v17;
	v20 =	vadd.f32 $1.000000000e+00, v17  }
0x526: {  	v17 =	vadd.s32 v6, v19;
	v19 =	vadd.f32 $1.000000000e+00, v21;
	[tilespmem:v15+s18+$0x0] =	vst.idx.add.f32.msk $0xffff, v1;
	v15 =	vmul.f32 $6.666667010e-02, v21  }
0x527: {  	[tilespmem:v28+s18+$0x0] =	vst.idx.add.f32.msk $0xffff, v1;
	v20 =	vmul.f32 $6.666667010e-02, v20;
	vm11 =	vlt.f32 v9, v16;
	v16 =	vnsel vm10, $0xE, v62  }
0x528: {  	[tilespmem:v60+s19+$0x0] =	vst.idx.add.f32.msk $0xffff, v25;
	v19 =	vmul.f32 $6.666667010e-02, v19;
	vm12 =	vlt.f32 v13, v15;
	v15 =	vcvt.s32.f32 v16  }
0x529: {  	[tilespmem:v27+s19+$0x0] =	vst.idx.add.f32.msk $0xffff, v26;
	vm13 =	vge.f32 v9, v20;
	v20 =	vsel vm11, $0xFFFFFFFF, v2;
	v21 =	vsel vm12, $0xFFFFFFFF, v2  }
0x52a: {  	[tilespmem:v29+s18+$0x0] =	vst.idx.add.f32.msk $0xffff, v1;
	vm14 =	vge.f32 v13, v19;
	v26 =	vmul.f32 $6.666667010e-02, v15;
	v27 =	vadd.f32 $1.000000000e+00, v15  }
0x52b: {  	[tilespmem:v61+s19+$0x0] =	vst.idx.add.f32.msk $0xffff, v22;
	v63 =	vsel vm13, $0x1, v2;
	v20 =	vadd.s32 v20, v23;
	v19 =	vsel vm14, $0x1, v2;
	v22 =	vpop (erf)  }
0x52c: {  	v15 =	vld [tilespmem:s30+$0xFFFFFF10];
	v23 =	vmul.f32 $6.666667010e-02, v27;
	vm15 =	vlt.f32 v14, v26;
	v25 =	vadd.f32 $1.000000000e+00, v22  }
0x52d: {  	s31 =	simm.s32 $0x10;
	s1 =	simm.s32 $0x700;
	v21 =	vadd.s32 v21, v24;
	v20 =	vadd.s32 v63, v20;
	v24 =	vsel vm15, $0xFFFFFFFF, v2;
	v22 =	vld [tilespmem:s30+$0xFFFFFF90]  }
.LBB2_3:
0x52e: {  	v26 =	vld [tilespmem:s1+$0x80];
	(erf) = vrcp.f32 v25;
	vm0 =	vge.f32 v14, v23;
	v16 =	vadd.s32 v24, v16  }
0x52f: {  	vm1 =	vlt.s32 v20, $0xE;
	v19 =	vadd.s32 v19, v21;
	v23 =	vld [tilespmem:s1+$0xFFFFFF80];
	v21 =	vsel vm0, $0x1, v2  }
0x530: {  	s31 =	sadd.s32 $0x8, s31;
	v20 =	vnsel vm1, $0xE, v20;
	vm0 =	vlt.s32 v19, $0xE;
	v24 =	vld [tilespmem:s1+$0x0];
	v16 =	vadd.s32 v21, v16  }
0x531: {  	p0 =	slt.u32 s31, $0xF8;
	v25 =	vnsel vm0, $0xE, v19;
	v21 =	vld [tilespmem:s1+$0xFFFFFF00];
	v15 =	vsub.f32 $0.0e+00, v15;
	vm0 =	vlt.s32 v16, $0xE  }
0x532: {  	v19 =	vshll.u32 v20, $0x5;
	v22 =	vsub.f32 $0.0e+00, v22;
	v27 =	vld [tilespmem:s30+$0x10];
	v16 =	vnsel vm0, $0xE, v16;
	s30 =	smov.u32 s1  }
0x533: {  	v20 =	vsub.f32 $0.0e+00, v26;
	v26 =	vld [tilespmem:s0+$0xFFFFFF10];
	v28 =	vmul.f32 $1.442695020e+00, v15;
	v15 =	vshll.u32 v25, $0x5  }
0x534: {  	v16 =	vshll.u32 v16, $0x5;
	v23 =	vsub.f32 $0.0e+00, v23;
	v25 =	vld [tilespmem:s0+$0xFFFFFF90];
	v22 =	vmul.f32 $1.442695020e+00, v22  }
0x535: {  	v24 =	vsub.f32 $0.0e+00, v24;
	v20 =	vmul.f32 $1.442695020e+00, v20;
	v29 =	vld [tilespmem:s0+$0x10];
	(erf) = vpow2.f32 v28  }
0x536: {  	v21 =	vsub.f32 $0.0e+00, v21;
	v23 =	vmul.f32 $1.442695020e+00, v23;
	(erf) = vpow2.f32 v22;
	[tilespmem:v18+s21+$0x0] =	vst.idx.add.f32.msk $0xffff, v7;
	v7 =	vmovc v13  }
0x537: {  	v13 =	vmul.f32 $1.442695020e+00, v24;
	(erf) = vpow2.f32 v20;
	v20 =	vsub.f32 $0.0e+00, v27;
	v18 =	vpop (erf);
	[tilespmem:v17+s21+$0x0] =	vst.idx.add.f32.msk $0xffff, v8  }
0x538: {  	v8 =	vmovc v14;
	v17 =	vmul.f32 $1.442695020e+00, v21;
	v21 =	vshll.u32 v26, $0x9;
	v22 =	vmul.f32 $1.500000000e+01, v18  }
0x539: {  	(erf) = vpow2.f32 v23;
	v14 =	vshll.u32 v25, $0x9;
	v20 =	vmul.f32 $1.442695020e+00, v20  }
0x53a: {  	(erf) = vpow2.f32 v17;
	v17 =	vshll.u32 v29, $0x9;
	v22 =	vtrunc.f32 v22  }
0x53b: {  	(erf) = vpow2.f32 v13;
	v13 =	vcvt.f32.s32 v22;
	v22 =	vor.u32 v5, v19  }
0x53c: {  	v23 =	vor.u32 v5, v15;
	(erf) = vpow2.f32 v20;
	v20 =	vadd.s32 v11, v19;
	v11 =	vmovc v21  }
0x53d: {  	v24 =	vor.u32 v5, v16;
	v21 =	vadd.s32 v10, v15;
	v10 =	vmovc v14;
	vm0 =	vlt.s32 v13, $0xE  }
0x53e: {  	v25 =	vadd.s32 v12, v16;
	v20 =	vand.u32 $0xFFFFFF80, v20;
	v13 =	vnsel vm0, $0xE, v13;
	v14 =	vpop (erf)  }
0x53f: {  	v22 =	vand.u32 $0x7F, v22;
	v0 =	vadd.f32 $1.000000000e+00, v14;
	v14 =	vcvt.s32.f32 v13;
	v26 =	vpop (erf)  }
0x540: {  	v23 =	vand.u32 $0x7F, v23;
	v21 =	vand.u32 $0xFFFFFF80, v21;
	v27 =	vpop (erf);
	v29 =	vadd.f32 $1.000000000e+00, v26  }
0x541: {  	v12 =	vmovc v17;
	v27 =	vadd.f32 $1.000000000e+00, v27;
	v30 =	vadd.f32 $1.000000000e+00, v14;
	(erf) = vrcp.f32 v0  }
0x542: {  	v25 =	vand.u32 $0xFFFFFF80, v25;
	v14 =	vmul.f32 $6.666667010e-02, v14;
	v17 =	vpop (erf);
	(erf) = vrcp.f32 v29  }
0x543: {  	v17 =	vadd.f32 $1.000000000e+00, v17;
	v26 =	vpop (erf);
	(erf) = vrcp.f32 v27;
	v27 =	vmul.f32 $6.666667010e-02, v30  }
0x544: {  	vm0 =	vlt.f32 v18, v14;
	v14 =	vand.u32 $0x7F, v24;
	v26 =	vadd.f32 $1.000000000e+00, v26;
	v28 =	vpop (erf)  }
0x545: {  	v24 =	vadd.f32 $1.000000000e+00, v28;
	v28 =	vld [tilespmem:s0+$0x90];
	vm1 =	vge.f32 v18, v27;
	v27 =	vsel vm0, $0xFFFFFFFF, v2;
	v29 =	vpop (erf)  }
0x546: {  	(erf) = vrcp.f32 v26;
	v26 =	vsel vm1, $0x1, v2;
	v13 =	vadd.s32 v27, v13  }
0x547: {  	(erf) = vrcp.f32 v17;
	v17 =	vadd.f32 $1.000000000e+00, v29;
	v13 =	vadd.s32 v26, v13  }
0x548: {  	v20 =	vor.u32 v22, v20;
	(erf) = vrcp.f32 v24;
	vm0 =	vlt.s32 v13, $0xE  }
0x549: {  	v21 =	vor.u32 v23, v21;
	v27 =	vnsel vm0, $0xE, v13;
	(erf) = vrcp.f32 v17  }
0x54a: {  	v14 =	vor.u32 v14, v25;
	v22 =	vshll.u32 v27, $0x5;
	v0 =	vshll.u32 v28, $0x9;
	v24 =	vpop (erf)  }
0x54b: {  	v23 =	vmul.f32 $1.500000000e+01, v24;
	v25 =	vor.u32 v5, v22;
	v26 =	vadd.s32 v0, v22;
	v13 =	vpop (erf)  }
0x54c: {  	v17 =	vpop (erf);
	v27 =	vmul.f32 $1.500000000e+01, v13;
	v26 =	vand.u32 $0xFFFFFF80, v26;
	v25 =	vand.u32 $0x7F, v25  }
0x54d: {  	v28 =	vmul.f32 $1.500000000e+01, v17;
	v0 =	vtrunc.f32 v23;
	v25 =	vor.u32 v25, v26;
	[tilespmem:v20+s20+$0x0] =	vst.idx.add.f32.msk $0xffff, v1  }
0x54e: {  	v26 =	vcvt.f32.s32 v0;
	v20 =	vtrunc.f32 v27;
	v27 =	vadd.s32 v6, v22;
	[tilespmem:v21+s20+$0x0] =	vst.idx.add.f32.msk $0xffff, v1  }
0x54f: {  	v29 =	vadd.s32 v6, v19;
	v21 =	vtrunc.f32 v28;
	v23 =	vpop (erf);
	v28 =	vcvt.f32.s32 v20;
	[tilespmem:v14+s20+$0x0] =	vst.idx.add.f32.msk $0xffff, v1  }
0x550: {  	v0 =	vmul.f32 $1.500000000e+01, v23;
	v21 =	vcvt.f32.s32 v21;
	v22 =	vpop (erf);
	vm0 =	vlt.s32 v26, $0xE  }
0x551: {  	v30 =	vmul.f32 $1.500000000e+01, v22;
	v20 =	vpop (erf);
	v19 =	vnsel vm0, $0xE, v26;
	vm0 =	vlt.s32 v28, $0xE  }
0x552: {  	v26 =	vtrunc.f32 v0;
	v31 =	vmul.f32 $1.500000000e+01, v20;
	vm1 =	vlt.s32 v21, $0xE;
	[tilespmem:v25+s20+$0x0] =	vst.idx.add.f32.msk $0xffff, v1;
	v14 =	vpop (erf)  }
0x553: {  	v25 =	vcvt.f32.s32 v26;
	v26 =	vtrunc.f32 v30;
	v30 =	vnsel vm1, $0xE, v21;
	[tilespmem:v27+s21+$0x0] =	vst.idx.add.f32.msk $0xffff, v18  }
0x554: {  	v21 =	vnsel vm0, $0xE, v28;
	v18 =	vtrunc.f32 v31;
	v27 =	vcvt.s32.f32 v30;
	[tilespmem:v29+s21+$0x0] =	vst.idx.add.f32.msk $0xffff, v9;
	v9 =	vmovc v24  }
0x555: {  	v24 =	vcvt.f32.s32 v26;
	vm0 =	vlt.s32 v25, $0xE;
	v18 =	vcvt.f32.s32 v18  }
0x556: {  	v28 =	vmul.f32 $1.500000000e+01, v14;
	v25 =	vnsel vm0, $0xE, v25;
	v26 =	vadd.f32 $1.000000000e+00, v27  }
0x557: {  	vm0 =	vlt.s32 v24, $0xE;
	v27 =	vmul.f32 $6.666667010e-02, v27;
	vm1 =	vlt.s32 v18, $0xE  }
0x558: {  	v24 =	vnsel vm0, $0xE, v24;
	v18 =	vnsel vm1, $0xE, v18;
	v26 =	vmul.f32 $6.666667010e-02, v26  }
0x559: {  	s0 =	sadd.s32 $0x200, s0;
	v29 =	vcvt.s32.f32 v25;
	v31 =	vcvt.s32.f32 v24;
	vm0 =	vlt.f32 v17, v27  }
0x55a: {  	v27 =	vcvt.s32.f32 v18;
	v32 =	vld [tilespmem:s0+$0x80];
	vm1 =	vge.f32 v17, v26;
	v26 =	vsel vm0, $0xFFFFFFFF, v2  }
0x55b: {  	v34 =	vadd.f32 $1.000000000e+00, v29;
	v33 =	vld [tilespmem:s0+$0xFFFFFF00];
	v35 =	vsel vm1, $0x1, v2;
	v26 =	vadd.s32 v26, v30  }
0x55c: {  	v36 =	vadd.f32 $1.000000000e+00, v31;
	v37 =	vadd.f32 $1.000000000e+00, v27;
	v30 =	vld [tilespmem:s0+$0xFFFFFF80];
	v26 =	vadd.s32 v35, v26  }
0x55d: {  	v29 =	vmul.f32 $6.666667010e-02, v29;
	v31 =	vmul.f32 $6.666667010e-02, v31;
	v35 =	vld [tilespmem:s0+$0x0];
	vm0 =	vlt.s32 v26, $0xE  }
0x55e: {  	v34 =	vmul.f32 $6.666667010e-02, v34;
	v27 =	vmul.f32 $6.666667010e-02, v27;
	v26 =	vnsel vm0, $0xE, v26  }
0x55f: {  	v36 =	vmul.f32 $6.666667010e-02, v36;
	v26 =	vshll.u32 v26, $0x5;
	v32 =	vshll.u32 v32, $0x9  }
0x560: {  	v37 =	vmul.f32 $6.666667010e-02, v37;
	v38 =	vor.u32 v3, v26;
	v32 =	vadd.s32 v32, v26  }
0x561: {  	vm0 =	vlt.f32 v23, v29;
	v29 =	vand.u32 $0xFFFFFF80, v32;
	v32 =	vand.u32 $0x6F, v38  }
0x562: {  	vm1 =	vlt.f32 v22, v31;
	vm2 =	vlt.f32 v20, v27;
	v27 =	vor.u32 v32, v29  }
0x563: {  	vm3 =	vge.f32 v23, v34;
	vm4 =	vge.f32 v22, v36;
	v26 =	vadd.s32 v4, v26  }
0x564: {  	v31 =	vsel vm1, $0xFFFFFFFF, v2;
	v29 =	vsel vm0, $0xFFFFFFFF, v2;
	vm0 =	vge.f32 v20, v37  }
0x565: {  	v36 =	vsel vm2, $0xFFFFFFFF, v2;
	v34 =	vsel vm4, $0x1, v2;
	v32 =	vsel vm3, $0x1, v2  }
0x566: {  	v24 =	vadd.s32 v31, v24;
	v25 =	vadd.s32 v29, v25;
	v29 =	vsel vm0, $0x1, v2  }
0x567: {  	v18 =	vadd.s32 v36, v18;
	v31 =	vshll.u32 v33, $0x9;
	v25 =	vadd.s32 v32, v25;
	[tilespmem:v27+s18+$0x0] =	vst.idx.add.f32.msk $0xffff, v1  }
0x568: {  	v24 =	vadd.s32 v34, v24;
	v18 =	vadd.s32 v29, v18;
	vm0 =	vlt.s32 v25, $0xE;
	[tilespmem:v26+s19+$0x0] =	vst.idx.add.f32.msk $0xffff, v17  }
0x569: {  	vm1 =	vlt.s32 v18, $0xE;
	v17 =	vnsel vm0, $0xE, v25;
	vm0 =	vlt.s32 v24, $0xE;
	v25 =	vld [tilespmem:s1+$0x90]  }
0x56a: {  	v18 =	vnsel vm1, $0xE, v18;
	v17 =	vshll.u32 v17, $0x5;
	v24 =	vnsel vm0, $0xE, v24  }
0x56b: {  	v18 =	vshll.u32 v18, $0x5;
	v26 =	vshll.u32 v30, $0x9;
	v24 =	vshll.u32 v24, $0x5  }
0x56c: {  	v30 =	vshll.u32 v35, $0x9;
	v27 =	vor.u32 v3, v17;
	v29 =	vadd.s32 v31, v17  }
0x56d: {  	v32 =	vor.u32 v3, v18;
	v31 =	vor.u32 v3, v24;
	v26 =	vadd.s32 v26, v24  }
0x56e: {  	v30 =	vadd.s32 v30, v18;
	v29 =	vand.u32 $0xFFFFFF80, v29;
	v25 =	vsub.f32 $0.0e+00, v25  }
0x56f: {  	v27 =	vand.u32 $0x6F, v27;
	v26 =	vand.u32 $0xFFFFFF80, v26;
	v31 =	vand.u32 $0x6F, v31  }
0x570: {  	v32 =	vand.u32 $0x6F, v32;
	v30 =	vand.u32 $0xFFFFFF80, v30;
	v25 =	vmul.f32 $1.442695020e+00, v25  }
0x571: {  	v27 =	vor.u32 v27, v29;
	v29 =	vor.u32 v32, v30;
	v26 =	vor.u32 v31, v26  }
0x572: {  	v24 =	vadd.s32 v4, v24;
	v30 =	vadd.s32 v4, v17;
	(erf) = vpow2.f32 v25  }
0x573: {  	v17 =	vcvt.s32.f32 v19;
	v25 =	vadd.s32 v4, v18;
	v18 =	vtrunc.f32 v28  }
0x574: {  	v28 =	vcvt.s32.f32 v21;
	v31 =	vcvt.f32.s32 v18;
	v18 =	vadd.s32 v6, v15  }
0x575: {  	v32 =	vadd.f32 $1.000000000e+00, v17;
	v15 =	vmul.f32 $6.666667010e-02, v17;
	v17 =	vadd.s32 v6, v16  }
0x576: {  	vm0 =	vlt.s32 v31, $0xE;
	[tilespmem:v27+s18+$0x0] =	vst.idx.add.f32.msk $0xffff, v1;
	v27 =	vmul.f32 $6.666667010e-02, v28;
	v28 =	vadd.f32 $1.000000000e+00, v28  }
0x577: {  	vm1 =	vlt.f32 v9, v15;
	v16 =	vnsel vm0, $0xE, v31;
	[tilespmem:v30+s19+$0x0] =	vst.idx.add.f32.msk $0xffff, v23;
	v23 =	vmul.f32 $6.666667010e-02, v32  }
0x578: {  	[tilespmem:v26+s18+$0x0] =	vst.idx.add.f32.msk $0xffff, v1;
	v15 =	vmul.f32 $6.666667010e-02, v28;
	vm0 =	vlt.f32 v13, v27;
	v26 =	vcvt.s32.f32 v16  }
.Ltmp2:
0x579: {  	[tilespmem:v24+s19+$0x0] =	vst.idx.add.f32.msk $0xffff, v22;
	vm2 =	vge.f32 v9, v23;
	v22 =	vsel vm1, $0xFFFFFFFF, v2;
	v24 =	vsel vm0, $0xFFFFFFFF, v2;
	(pc) =	sbr.rel @p0 .LBB2_3-.Ltmp2, $4  }
0x57a: {  	[tilespmem:v29+s18+$0x0] =	vst.idx.add.f32.msk $0xffff, v1;
	vm0 =	vge.f32 v13, v15;
	v27 =	vmul.f32 $6.666667010e-02, v26;
	v23 =	vadd.f32 $1.000000000e+00, v26  }
0x57b: {  	v26 =	vsel vm2, $0x1, v2;
	v28 =	vadd.s32 v22, v19;
	[tilespmem:v25+s19+$0x0] =	vst.idx.add.f32.msk $0xffff, v20;
	v20 =	vpop (erf);
	v19 =	vsel vm0, $0x1, v2  }
0x57c: {  	v15 =	vld [tilespmem:s1+$0xFFFFFF10];
	v25 =	vadd.f32 $1.000000000e+00, v20;
	v23 =	vmul.f32 $6.666667010e-02, v23;
	vm0 =	vlt.f32 v14, v27  }
0x57d: {  	v21 =	vadd.s32 v24, v21;
	s1 =	sadd.s32 $0x200, s1;
	v20 =	vadd.s32 v26, v28;
	v22 =	vld [tilespmem:s30+$0xFFFFFF90];
	v24 =	vsel vm0, $0xFFFFFFFF, v2  }
0x57e: {  	_ =	sdelay $0x2  }
0x57f: {  	v15 =	vsub.f32 $0.0e+00, v15  }
0x580: {  	(erf) = vrcp.f32 v25;
	v25 =	vld [tilespmem:s30+$0x10];
	v22 =	vsub.f32 $0.0e+00, v22  }
0x581: {  	v15 =	vmul.f32 $1.442695020e+00, v15  }
0x582: {  	v22 =	vmul.f32 $1.442695020e+00, v22  }
0x583: {  	(erf) = vpow2.f32 v15  }
0x584: {  	(erf) = vpow2.f32 v22  }
0x585: {  	v15 =	vsub.f32 $0.0e+00, v25;
	_ =	sdelay $0x1  }
0x586: {  	v19 =	vadd.s32 v19, v21;
	v22 =	vmul.f32 $1.442695020e+00, v15  }
0x587: {  	vm0 =	vge.f32 v14, v23;
	vm1 =	vlt.s32 v20, $0xE;
	vm15 =	vlt.s32 v19, $0xE  }
0x588: {  	v20 =	vnsel vm1, $0xE, v20;
	v19 =	vnsel vm15, $0xE, v19;
	v15 =	vpop (erf);
	(erf) = vpow2.f32 v22  }
0x589: {  	v20 =	vshll.u32 v20, $0x5;
	v19 =	vshll.u32 v19, $0x5;
	v23 =	vmul.f32 $1.500000000e+01, v15  }
0x58a: {  	v16 =	vadd.s32 v24, v16;
	v11 =	vadd.s32 v11, v20;
	v29 =	vor.u32 v5, v19  }
0x58b: {  	v21 =	vld [tilespmem:s0+$0xFFFFFF10];
	v10 =	vadd.s32 v10, v19;
	v11 =	vand.u32 $0xFFFFFF80, v11;
	v23 =	vtrunc.f32 v23;
	v25 =	vpop (erf)  }
0x58c: {  	v24 =	vld [tilespmem:s0+$0xFFFFFF90];
	v22 =	vsel vm0, $0x1, v2;
	v23 =	vcvt.f32.s32 v23;
	v25 =	vadd.f32 $1.000000000e+00, v25;
	v26 =	vpop (erf)  }
0x58d: {  	v19 =	vadd.s32 v6, v19;
	v16 =	vadd.s32 v22, v16;
	v26 =	vadd.f32 $1.000000000e+00, v26  }
0x58e: {  	vm4 =	vlt.s32 v16, $0xE;
	vm5 =	vlt.s32 v23, $0xE;
	(erf) = vrcp.f32 v25  }
0x58f: {  	v16 =	vnsel vm4, $0xE, v16;
	v23 =	vnsel vm5, $0xE, v23;
	(erf) = vrcp.f32 v26  }
0x590: {  	v21 =	vshll.u32 v21, $0x9;
	v22 =	vld [tilespmem:s0+$0x10];
	v16 =	vshll.u32 v16, $0x5;
	v27 =	vcvt.s32.f32 v23  }
0x591: {  	v24 =	vshll.u32 v24, $0x9;
	v10 =	vand.u32 $0xFFFFFF80, v10;
	v30 =	vor.u32 v5, v16;
	v26 =	vpop (erf)  }
0x592: {  	v12 =	vadd.s32 v12, v16;
	v28 =	vadd.f32 $1.000000000e+00, v27;
	v26 =	vadd.f32 $1.000000000e+00, v26  }
0x593: {  	v16 =	vadd.s32 v6, v16;
	v25 =	vor.u32 v5, v20;
	v27 =	vmul.f32 $6.666667010e-02, v27  }
0x594: {  	v25 =	vand.u32 $0x7F, v25;
	v28 =	vmul.f32 $6.666667010e-02, v28;
	(erf) = vrcp.f32 v26  }
0x595: {  	v22 =	vshll.u32 v22, $0x9;
	v12 =	vand.u32 $0xFFFFFF80, v12;
	vm6 =	vlt.f32 v15, v27;
	v27 =	vld [tilespmem:s0+$0x90]  }
0x596: {  	v11 =	vor.u32 v25, v11;
	vm7 =	vge.f32 v15, v28;
	v26 =	vsel vm6, $0xFFFFFFFF, v2  }
0x597: {  	v28 =	vsel vm7, $0x1, v2;
	v23 =	vadd.s32 v26, v23;
	v26 =	vand.u32 $0x7F, v29;
	v25 =	vpop (erf)  }
0x598: {  	v23 =	vadd.s32 v28, v23;
	v10 =	vor.u32 v26, v10;
	v26 =	vmul.f32 $1.500000000e+01, v25;
	v63 =	vpop (erf)  }
0x599: {  	v62 =	vand.u32 $0x7F, v30;
	vm8 =	vlt.s32 v23, $0xE;
	v38 =	vmul.f32 $1.500000000e+01, v63  }
0x59a: {  	v27 =	vshll.u32 v27, $0x9;
	v23 =	vnsel vm8, $0xE, v23;
	v26 =	vtrunc.f32 v26  }
0x59b: {  	v23 =	vshll.u32 v23, $0x5;
	v26 =	vcvt.f32.s32 v26;
	v28 =	vtrunc.f32 v38  }
0x59c: {  	v12 =	vor.u32 v62, v12;
	v27 =	vadd.s32 v27, v23;
	v28 =	vcvt.f32.s32 v28  }
0x59d: {  	v39 =	vor.u32 v5, v23;
	v27 =	vand.u32 $0xFFFFFF80, v27;
	v31 =	vpop (erf);
	vm9 =	vlt.s32 v26, $0xE  }
0x59e: {  	v32 =	vmul.f32 $1.500000000e+01, v31;
	v26 =	vnsel vm9, $0xE, v26;
	vm10 =	vlt.s32 v28, $0xE  }
0x59f: {  	v30 =	vand.u32 $0x7F, v39;
	v28 =	vnsel vm10, $0xE, v28;
	v41 =	vcvt.s32.f32 v26  }
0x5a0: {  	v27 =	vor.u32 v30, v27;
	v40 =	vtrunc.f32 v32;
	v33 =	vcvt.s32.f32 v28  }
0x5a1: {  	v30 =	vcvt.f32.s32 v40;
	v34 =	vmul.f32 $6.666667010e-02, v41;
	v32 =	vadd.f32 $1.000000000e+00, v41  }
0x5a2: {  	v20 =	vadd.s32 v6, v20;
	v35 =	vmul.f32 $6.666667010e-02, v33;
	v33 =	vadd.f32 $1.000000000e+00, v33  }
0x5a3: {  	vm11 =	vlt.s32 v30, $0xE;
	v32 =	vmul.f32 $6.666667010e-02, v32;
	vm12 =	vlt.f32 v25, v34  }
0x5a4: {  	v30 =	vnsel vm11, $0xE, v30;
	v33 =	vmul.f32 $6.666667010e-02, v33;
	vm13 =	vlt.f32 v63, v35  }
0x5a5: {  	v42 =	vsel vm12, $0xFFFFFFFF, v2;
	v36 =	vcvt.s32.f32 v30;
	vm2 =	vge.f32 v25, v32  }
0x5a6: {  	v35 =	vsel vm13, $0xFFFFFFFF, v2;
	v26 =	vadd.s32 v42, v26;
	vm14 =	vge.f32 v63, v33  }
0x5a7: {  	v45 =	vsel vm2, $0x1, v2;
	v28 =	vadd.s32 v35, v28;
	v43 =	vadd.f32 $1.000000000e+00, v36  }
0x5a8: {  	v44 =	vmul.f32 $6.666667010e-02, v36;
	v47 =	vsel vm14, $0x1, v2;
	v26 =	vadd.s32 v45, v26  }
0x5a9: {  	v23 =	vadd.s32 v6, v23;
	v28 =	vadd.s32 v47, v28;
	vm5 =	vlt.s32 v26, $0xE  }
0x5aa: {  	[tilespmem:v18+s21+$0x0] =	vst.idx.add.f32.msk $0xffff, v7;
	v46 =	vmul.f32 $6.666667010e-02, v43;
	vm15 =	vlt.f32 v31, v44;
	vm6 =	vlt.s32 v28, $0xE  }
0x5ab: {  	[tilespmem:v17+s21+$0x0] =	vst.idx.add.f32.msk $0xffff, v8;
	v8 =	vnsel vm5, $0xE, v26;
	v33 =	vsel vm15, $0xFFFFFFFF, v2;
	v17 =	vnsel vm6, $0xE, v28  }
0x5ac: {  	[tilespmem:v11+s20+$0x0] =	vst.idx.add.f32.msk $0xffff, v1;
	v8 =	vshll.u32 v8, $0x5;
	vm4 =	vge.f32 v31, v46;
	v30 =	vadd.s32 v33, v30  }
0x5ad: {  	[tilespmem:v10+s20+$0x0] =	vst.idx.add.f32.msk $0xffff, v1;
	v11 =	vshll.u32 v17, $0x5;
	v10 =	vor.u32 v5, v8;
	v32 =	vsel vm4, $0x1, v2  }
0x5ae: {  	v17 =	vadd.s32 v21, v8;
	v8 =	vadd.s32 v6, v8;
	v7 =	vadd.s32 v32, v30  }
0x5af: {  	v18 =	vor.u32 v5, v11;
	v21 =	vadd.s32 v24, v11;
	vm7 =	vlt.s32 v7, $0xE  }
0x5b0: {  	[tilespmem:v12+s20+$0x0] =	vst.idx.add.f32.msk $0xffff, v1;
	v12 =	vand.u32 $0xFFFFFF80, v17;
	v10 =	vand.u32 $0x7F, v10;
	v7 =	vnsel vm7, $0xE, v7  }
0x5b1: {  	[tilespmem:v16+s21+$0x0] =	vst.idx.add.f32.msk $0xffff, v14;
	v21 =	vand.u32 $0xFFFFFF80, v21;
	v10 =	vor.u32 v10, v12;
	v7 =	vshll.u32 v7, $0x5  }
0x5b2: {  	[tilespmem:v27+s20+$0x0] =	vst.idx.add.f32.msk $0xffff, v1;
	v18 =	vand.u32 $0x7F, v18;
	v24 =	vor.u32 v5, v7;
	v17 =	vadd.s32 v22, v7  }
0x5b3: {  	[tilespmem:v23+s21+$0x0] =	vst.idx.add.f32.msk $0xffff, v15;
	v12 =	vand.u32 $0xFFFFFF80, v17;
	v15 =	vand.u32 $0x7F, v24;
	v17 =	vor.u32 v18, v21  }
0x5b4: {  	[tilespmem:v20+s21+$0x0] =	vst.idx.add.f32.msk $0xffff, v9;
	v9 =	vor.u32 v15, v12  }
0x5b5: {  	[tilespmem:v19+s21+$0x0] =	vst.idx.add.f32.msk $0xffff, v13;
	v11 =	vadd.s32 v6, v11  }
0x5b6: {  	v7 =	vadd.s32 v6, v7;
	[tilespmem:v10+s20+$0x0] =	vst.idx.add.f32.msk $0xffff, v1  }
0x5b7: {  	[tilespmem:v8+s21+$0x0] =	vst.idx.add.f32.msk $0xffff, v25  }
0x5b8: {  	[tilespmem:v17+s20+$0x0] =	vst.idx.add.f32.msk $0xffff, v1  }
0x5b9: {  	s30 =	sshll.u32 s29, $0xC;
	p0 =	seq.s32 s29, $0x7F;
	[tilespmem:v9+s20+$0x0] =	vst.idx.add.f32.msk $0xffff, v1  }
0x5ba: {  	s0 =	sadd.s32 @!p0 s30, s9;
	[tilespmem:v11+s21+$0x0] =	vst.idx.add.f32.msk $0xffff, v63  }
0x5bb: {  	s13 =	simm.s32 @!p0 $0x0;
	s1 =	sadd.s32 @!p0 s3, s0;
	[tilespmem:v7+s21+$0x0] =	vst.idx.add.f32.msk $0xffff, v31  }
0x5bc: {  	[tilespmem:s13], [sflag:$0x1] =	stream.linear.gather @!p0 [hbm4b:s1+s13], $0x4000, $0x38;
	[tilespmem:$0x11800] =	vst v63  }
0x5bd: {  	s0 =	sadd.s32 @!p0 s4, s0;
	s1 =	simm.s32 @!p0 $0x8000  }
0x5be: {  	[tilespmem:s1], [sflag:$0x3] =	stream.linear.gather @!p0 [hbm4b:s0+s13], $0x4000, $0x38;
	[tilespmem:$0x11800] =	vst v63  }
0x5bf: {  	_ =	swait.ge [sflag:s22], $0x4000  }
0x5c0: {  	[sflag:s22] =	ssyncset.done $0x0  }
0x5c1: {  	[sflag:s22] =	ssyncadd.s32 $0xFFFFC000  }
0x5c2: {  	_ =	swait.ge [sflag:s23], $0x4000  }
0x5c3: {  	[sflag:s23] =	ssyncset.done $0x0  }
0x5c4: {  	s13 =	simm.s32 $0x4100;
	[sflag:s23] =	ssyncadd.s32 $0xFFFFC000  }
0x5c5: {  	v7 =	vld [tilespmem:s13+$0x80];
	_ =	sdelay $0x4  }
0x5c6: {  	v7 =	vsub.f32 $0.0e+00, v7;
	_ =	sdelay $0x1  }
0x5c7: {  	v8 =	vld [tilespmem:s13+$0xFFFFFF80];
	v7 =	vmul.f32 $1.442695020e+00, v7;
	_ =	sdelay $0x1  }
0x5c8: {  	(erf) = vpow2.f32 v7  }
0x5c9: {  	v7 =	vld [tilespmem:s13+$0xFFFFFF00]  }
0x5ca: {  	v9 =	vld [tilespmem:s13+$0x0]  }
0x5cb: {  	v8 =	vsub.f32 $0.0e+00, v8;
	_ =	sdelay $0x1  }
0x5cc: {  	v8 =	vmul.f32 $1.442695020e+00, v8  }
0x5cd: {  	v7 =	vsub.f32 $0.0e+00, v7  }
0x5ce: {  	v9 =	vsub.f32 $0.0e+00, v9  }
0x5cf: {  	v7 =	vmul.f32 $1.442695020e+00, v7  }
0x5d0: {  	v9 =	vmul.f32 $1.442695020e+00, v9;
	(erf) = vpow2.f32 v8;
	v8 =	vpop (erf)  }
0x5d1: {  	(erf) = vpow2.f32 v7;
	v7 =	vadd.f32 $1.000000000e+00, v8  }
0x5d2: {  	(erf) = vpow2.f32 v9  }
0x5d3: {  	(erf) = vrcp.f32 v7;
	_ =	sdelay $0x5  }
0x5d4: {  	v7 =	vpop (erf)  }
0x5d5: {  	v8 =	vpop (erf)  }
0x5d6: {  	v9 =	vpop (erf)  }
0x5d7: {  	v8 =	vadd.f32 $1.000000000e+00, v8;
	v10 =	vpop (erf)  }
0x5d8: {  	v7 =	vadd.f32 $1.000000000e+00, v7;
	v11 =	vmul.f32 $1.500000000e+01, v10  }
0x5d9: {  	(erf) = vrcp.f32 v8  }
0x5da: {  	(erf) = vrcp.f32 v7;
	v7 =	vtrunc.f32 v11  }
0x5db: {  	v7 =	vcvt.f32.s32 v7  }
0x5dc: {  	v8 =	vadd.f32 $1.000000000e+00, v9  }
0x5dd: {  	vm8 =	vlt.s32 v7, $0xE  }
0x5de: {  	(erf) = vrcp.f32 v8;
	v7 =	vnsel vm8, $0xE, v7  }
0x5df: {  	v8 =	vcvt.s32.f32 v7;
	_ =	sdelay $0x1  }
0x5e0: {  	v9 =	vadd.f32 $1.000000000e+00, v8  }
0x5e1: {  	v8 =	vmul.f32 $6.666667010e-02, v8  }
0x5e2: {  	v9 =	vmul.f32 $6.666667010e-02, v9  }
0x5e3: {  	s1 =	simm.s32 $0xC100;
	vm9 =	vlt.f32 v10, v8  }
0x5e4: {  	v15 =	vld [tilespmem:s1+$0x80];
	v11 =	vpop (erf);
	vm10 =	vge.f32 v10, v9;
	v9 =	vsel vm9, $0xFFFFFFFF, v2  }
0x5e5: {  	v12 =	vmul.f32 $1.500000000e+01, v11;
	v13 =	vpop (erf);
	v17 =	vsel vm10, $0x1, v2;
	v7 =	vadd.s32 v9, v7  }
0x5e6: {  	v14 =	vmul.f32 $1.500000000e+01, v13;
	v8 =	vpop (erf);
	v7 =	vadd.s32 v17, v7  }
0x5e7: {  	v12 =	vtrunc.f32 v12;
	v16 =	vmul.f32 $1.500000000e+01, v8;
	vm11 =	vlt.s32 v7, $0xE  }
0x5e8: {  	v9 =	vcvt.f32.s32 v12;
	v12 =	vtrunc.f32 v14;
	v7 =	vnsel vm11, $0xE, v7  }
0x5e9: {  	v15 =	vshll.u32 v15, $0x9;
	v12 =	vcvt.f32.s32 v12;
	v7 =	vshll.u32 v7, $0x5  }
0x5ea: {  	v14 =	vtrunc.f32 v16;
	v16 =	vor.u32 v3, v7;
	v15 =	vadd.s32 v15, v7  }
0x5eb: {  	vm12 =	vlt.s32 v9, $0xE;
	v15 =	vand.u32 $0xFFFFFF80, v15;
	v16 =	vand.u32 $0x6F, v16  }
0x5ec: {  	v14 =	vcvt.f32.s32 v14;
	vm13 =	vlt.s32 v12, $0xE;
	v15 =	vor.u32 v16, v15  }
0x5ed: {  	v9 =	vnsel vm12, $0xE, v9;
	v12 =	vnsel vm13, $0xE, v12;
	v7 =	vadd.s32 v4, v7  }
0x5ee: {  	v17 =	vcvt.s32.f32 v12;
	v16 =	vcvt.s32.f32 v9  }
0x5ef: {  	vm14 =	vlt.s32 v14, $0xE  }
0x5f0: {  	v21 =	vld [tilespmem:s1+$0xFFFFFF00];
	v20 =	vadd.f32 $1.000000000e+00, v17;
	v17 =	vmul.f32 $6.666667010e-02, v17;
	v19 =	vadd.f32 $1.000000000e+00, v16  }
0x5f1: {  	v14 =	vnsel vm14, $0xE, v14;
	v16 =	vmul.f32 $6.666667010e-02, v16;
	[tilespmem:v15+s18+$0x0] =	vst.idx.add.f32.msk $0xffff, v1  }
0x5f2: {  	v20 =	vmul.f32 $6.666667010e-02, v20;
	vm6 =	vlt.f32 v13, v17;
	v19 =	vmul.f32 $6.666667010e-02, v19;
	[tilespmem:v7+s19+$0x0] =	vst.idx.add.f32.msk $0xffff, v10  }
0x5f3: {  	v18 =	vcvt.s32.f32 v14;
	v17 =	vsel vm6, $0xFFFFFFFF, v2;
	vm15 =	vlt.f32 v11, v16;
	v7 =	vld [tilespmem:s13+$0x90]  }
0x5f4: {  	vm3 =	vge.f32 v13, v20;
	v16 =	vsel vm15, $0xFFFFFFFF, v2;
	vm7 =	vge.f32 v11, v19  }
0x5f5: {  	v12 =	vadd.s32 v17, v12;
	v9 =	vadd.s32 v16, v9;
	v19 =	vsel vm7, $0x1, v2  }
0x5f6: {  	v17 =	vshll.u32 v21, $0x9;
	v20 =	vsel vm3, $0x1, v2;
	v9 =	vadd.s32 v19, v9  }
0x5f7: {  	v15 =	vadd.f32 $1.000000000e+00, v18;
	v10 =	vld [tilespmem:s1+$0xFFFFFF80];
	v12 =	vadd.s32 v20, v12;
	vm8 =	vlt.s32 v9, $0xE  }
0x5f8: {  	vm9 =	vlt.s32 v12, $0xE;
	v9 =	vnsel vm8, $0xE, v9;
	v7 =	vsub.f32 $0.0e+00, v7  }
0x5f9: {  	v16 =	vmul.f32 $6.666667010e-02, v18;
	v12 =	vnsel vm9, $0xE, v12;
	v9 =	vshll.u32 v9, $0x5  }
0x5fa: {  	v18 =	vor.u32 v3, v9;
	v17 =	vadd.s32 v17, v9;
	v7 =	vmul.f32 $1.442695020e+00, v7  }
0x5fb: {  	v12 =	vshll.u32 v12, $0x5;
	v17 =	vand.u32 $0xFFFFFF80, v17;
	v18 =	vand.u32 $0x6F, v18  }
0x5fc: {  	v10 =	vshll.u32 v10, $0x9;
	v17 =	vor.u32 v18, v17;
	(erf) = vpow2.f32 v7  }
0x5fd: {  	v19 =	vor.u32 v3, v12;
	v10 =	vadd.s32 v10, v12;
	v9 =	vadd.s32 v4, v9  }
0x5fe: {  	v15 =	vmul.f32 $6.666667010e-02, v15;
	v7 =	vand.u32 $0xFFFFFF80, v10;
	v10 =	vand.u32 $0x6F, v19  }
0x5ff: {  	vm10 =	vlt.f32 v8, v16;
	v7 =	vor.u32 v10, v7  }
0x600: {  	vm11 =	vge.f32 v8, v15;
	v15 =	vsel vm10, $0xFFFFFFFF, v2;
	v10 =	vadd.s32 v4, v12;
	v12 =	vld [tilespmem:s1+$0x0]  }
0x601: {  	v16 =	vsel vm11, $0x1, v2;
	v14 =	vadd.s32 v15, v14;
	[tilespmem:v17+s18+$0x0] =	vst.idx.add.f32.msk $0xffff, v1  }
0x602: {  	v14 =	vadd.s32 v16, v14;
	[tilespmem:v9+s19+$0x0] =	vst.idx.add.f32.msk $0xffff, v11  }
0x603: {  	vm12 =	vlt.s32 v14, $0xE;
	v11 =	vld [tilespmem:s13+$0xFFFFFF10]  }
0x604: {  	[tilespmem:v7+s18+$0x0] =	vst.idx.add.f32.msk $0xffff, v1;
	v7 =	vnsel vm12, $0xE, v14  }
0x605: {  	s0 =	simm.s32 $0x4300;
	v9 =	vshll.u32 v12, $0x9;
	[tilespmem:v10+s19+$0x0] =	vst.idx.add.f32.msk $0xffff, v13;
	v7 =	vshll.u32 v7, $0x5;
	v10 =	vpop (erf)  }
0x606: {  	v15 =	vld [tilespmem:s0+$0xFFFFFF00];
	v12 =	vor.u32 v3, v7;
	v9 =	vadd.s32 v9, v7;
	v10 =	vadd.f32 $1.000000000e+00, v10  }
0x607: {  	v13 =	vld [tilespmem:s13+$0xFFFFFF90];
	v9 =	vand.u32 $0xFFFFFF80, v9;
	v12 =	vand.u32 $0x6F, v12  }
0x608: {  	v14 =	vld [tilespmem:s0+$0x80];
	v9 =	vor.u32 v12, v9;
	(erf) = vrcp.f32 v10  }
0x609: {  	v7 =	vadd.s32 v4, v7;
	v12 =	vld [tilespmem:s0+$0x0];
	v11 =	vsub.f32 $0.0e+00, v11  }
0x60a: {  	v10 =	vld [tilespmem:s0+$0xFFFFFF80]  }
0x60b: {  	v11 =	vmul.f32 $1.442695020e+00, v11  }
0x60c: {  	v13 =	vsub.f32 $0.0e+00, v13  }
0x60d: {  	v14 =	vsub.f32 $0.0e+00, v14;
	(erf) = vpow2.f32 v11;
	[tilespmem:v9+s18+$0x0] =	vst.idx.add.f32.msk $0xffff, v1  }
0x60e: {  	v9 =	vmul.f32 $1.442695020e+00, v13;
	v11 =	vsub.f32 $0.0e+00, v12;
	v12 =	vsub.f32 $0.0e+00, v15;
	[tilespmem:v7+s19+$0x0] =	vst.idx.add.f32.msk $0xffff, v8  }
0x60f: {  	v8 =	vmul.f32 $1.442695020e+00, v14;
	v7 =	vsub.f32 $0.0e+00, v10;
	v10 =	vld [tilespmem:s13+$0x10]  }
0x610: {  	(erf) = vpow2.f32 v9;
	v9 =	vmul.f32 $1.442695020e+00, v12  }
0x611: {  	(erf) = vpow2.f32 v8;
	v7 =	vmul.f32 $1.442695020e+00, v7;
	v15 =	vpop (erf)  }
0x612: {  	v8 =	vmul.f32 $1.442695020e+00, v11;
	v11 =	vmul.f32 $1.500000000e+01, v15  }
0x613: {  	(erf) = vpow2.f32 v7  }
0x614: {  	(erf) = vpow2.f32 v9;
	v7 =	vsub.f32 $0.0e+00, v10;
	v9 =	vtrunc.f32 v11  }
0x615: {  	(erf) = vpow2.f32 v8;
	v8 =	vcvt.f32.s32 v9  }
0x616: {  	v7 =	vmul.f32 $1.442695020e+00, v7  }
0x617: {  	vm13 =	vlt.s32 v8, $0xE  }
0x618: {  	v9 =	vpop (erf);
	(erf) = vpow2.f32 v7;
	v7 =	vnsel vm13, $0xE, v8  }
0x619: {  	v8 =	vadd.f32 $1.000000000e+00, v9;
	v10 =	vcvt.s32.f32 v7  }
0x61a: {  	v9 =	vpop (erf)  }
0x61b: {  	v11 =	vpop (erf);
	v9 =	vadd.f32 $1.000000000e+00, v9;
	(erf) = vrcp.f32 v8;
	v8 =	vadd.f32 $1.000000000e+00, v10  }
0x61c: {  	v11 =	vadd.f32 $1.000000000e+00, v11;
	v12 =	vpop (erf);
	v10 =	vmul.f32 $6.666667010e-02, v10  }
0x61d: {  	(erf) = vrcp.f32 v9;
	v13 =	vpop (erf);
	v8 =	vmul.f32 $6.666667010e-02, v8  }
0x61e: {  	v16 =	vld [tilespmem:s1+$0x10];
	(erf) = vrcp.f32 v11;
	v13 =	vadd.f32 $1.000000000e+00, v13;
	v14 =	vpop (erf);
	vm14 =	vlt.f32 v15, v10  }
0x61f: {  	v9 =	vld [tilespmem:s1+$0xFFFFFF10];
	v10 =	vadd.f32 $1.000000000e+00, v14;
	vm15 =	vge.f32 v15, v8;
	v8 =	vsel vm14, $0xFFFFFFFF, v2  }
0x620: {  	v17 =	vld [tilespmem:s1+$0x90];
	(erf) = vrcp.f32 v13;
	v14 =	vsel vm15, $0x1, v2;
	v7 =	vadd.s32 v8, v7  }
0x621: {  	v12 =	vadd.f32 $1.000000000e+00, v12;
	v11 =	vld [tilespmem:s1+$0xFFFFFF90];
	v7 =	vadd.s32 v14, v7  }
0x622: {  	v8 =	vpop (erf);
	vm4 =	vlt.s32 v7, $0xE  }
0x623: {  	(erf) = vrcp.f32 v12;
	v8 =	vadd.f32 $1.000000000e+00, v8;
	v7 =	vnsel vm4, $0xE, v7  }
0x624: {  	v13 =	vshll.u32 v9, $0x9;
	(erf) = vrcp.f32 v10;
	v9 =	vshll.u32 v16, $0x9;
	v16 =	vpop (erf)  }
0x625: {  	v10 =	vmul.f32 $1.500000000e+01, v16;
	(erf) = vrcp.f32 v8;
	v8 =	vshll.u32 v7, $0x5  }
0x626: {  	v14 =	vshll.u32 v11, $0x9;
	v11 =	vshll.u32 v17, $0x9;
	v7 =	vpop (erf);
	v12 =	vor.u32 v5, v8  }
0x627: {  	v11 =	vadd.s32 v11, v8;
	v10 =	vtrunc.f32 v10;
	v20 =	vpop (erf);
	v17 =	vmul.f32 $1.500000000e+01, v7  }
0x628: {  	v11 =	vand.u32 $0xFFFFFF80, v11;
	v12 =	vand.u32 $0x7F, v12;
	v19 =	vmul.f32 $1.500000000e+01, v20  }
0x629: {  	v21 =	vcvt.f32.s32 v10;
	v18 =	vor.u32 v12, v11;
	v22 =	vpop (erf);
	v10 =	vtrunc.f32 v17  }
0x62a: {  	v17 =	vadd.s32 v6, v8;
	v8 =	vmul.f32 $1.500000000e+01, v22;
	v11 =	vtrunc.f32 v19  }
0x62b: {  	v12 =	vcvt.f32.s32 v11  }
0x62c: {  	vm5 =	vlt.s32 v21, $0xE;
	v23 =	vcvt.f32.s32 v10;
	v8 =	vtrunc.f32 v8  }
0x62d: {  	s13 =	simm.s32 $0xC300;
	v11 =	vnsel vm5, $0xE, v21;
	v19 =	vpop (erf);
	v8 =	vcvt.f32.s32 v8;
	vm6 =	vlt.s32 v12, $0xE  }
0x62e: {  	v49 =	vld [tilespmem:s13+$0x80];
	v39 =	vcvt.s32.f32 v11;
	v24 =	vmul.f32 $1.500000000e+01, v19;
	v10 =	vpop (erf);
	v25 =	vnsel vm6, $0xE, v12  }
0x62f: {  	vm7 =	vlt.s32 v23, $0xE;
	v21 =	vmul.f32 $1.500000000e+01, v10;
	v26 =	vcvt.s32.f32 v25  }
0x630: {  	v12 =	vnsel vm7, $0xE, v23;
	vm8 =	vlt.s32 v8, $0xE;
	v24 =	vtrunc.f32 v24  }
0x631: {  	v21 =	vtrunc.f32 v21;
	v23 =	vcvt.f32.s32 v24;
	v24 =	vadd.f32 $1.000000000e+00, v26  }
0x632: {  	v27 =	vnsel vm8, $0xE, v8;
	v21 =	vcvt.f32.s32 v21;
	v8 =	vmul.f32 $6.666667010e-02, v26  }
0x633: {  	v29 =	vshll.u32 v49, $0x9;
	v26 =	vcvt.s32.f32 v27;
	v24 =	vmul.f32 $6.666667010e-02, v24  }
0x634: {  	vm9 =	vlt.s32 v23, $0xE;
	vm10 =	vlt.s32 v21, $0xE;
	vm11 =	vlt.f32 v20, v8  }
0x635: {  	v23 =	vnsel vm9, $0xE, v23;
	vm12 =	vge.f32 v20, v24;
	v24 =	vsel vm11, $0xFFFFFFFF, v2  }
0x636: {  	v52 =	vadd.f32 $1.000000000e+00, v26;
	v51 =	vsel vm12, $0x1, v2;
	v24 =	vadd.s32 v24, v25  }
0x637: {  	v26 =	vmul.f32 $6.666667010e-02, v26;
	v21 =	vnsel vm10, $0xE, v21;
	v24 =	vadd.s32 v51, v24  }
0x638: {  	v48 =	vcvt.s32.f32 v23;
	v50 =	vcvt.s32.f32 v21;
	vm13 =	vlt.s32 v24, $0xE  }
0x639: {  	v8 =	vpop (erf);
	v32 =	vmul.f32 $6.666667010e-02, v52;
	vm14 =	vlt.f32 v22, v26;
	v24 =	vnsel vm13, $0xE, v24  }
0x63a: {  	v25 =	vmul.f32 $1.500000000e+01, v8;
	v53 =	vadd.f32 $1.000000000e+00, v48;
	v24 =	vshll.u32 v24, $0x5  }
0x63b: {  	v28 =	vmul.f32 $6.666667010e-02, v48;
	v55 =	vor.u32 v3, v24;
	v29 =	vadd.s32 v29, v24  }
0x63c: {  	v57 =	vsel vm14, $0xFFFFFFFF, v2;
	v29 =	vand.u32 $0xFFFFFF80, v29;
	v34 =	vand.u32 $0x6F, v55  }
0x63d: {  	v54 =	vadd.f32 $1.000000000e+00, v50;
	v30 =	vmul.f32 $6.666667010e-02, v50;
	v26 =	vor.u32 v34, v29  }
0x63e: {  	vm9 =	vge.f32 v22, v32;
	v31 =	vmul.f32 $6.666667010e-02, v53;
	v24 =	vadd.s32 v4, v24  }
0x63f: {  	v27 =	vadd.s32 v57, v27;
	vm15 =	vlt.f32 v19, v28;
	v32 =	vsel vm9, $0x1, v2  }
0x640: {  	v56 =	vld [tilespmem:s13+$0xFFFFFF00];
	v33 =	vmul.f32 $6.666667010e-02, v54;
	v59 =	vsel vm15, $0xFFFFFFFF, v2;
	vm4 =	vge.f32 v19, v31  }
0x641: {  	v58 =	vld [tilespmem:s13+$0xFFFFFF80];
	vm8 =	vlt.f32 v10, v30;
	v23 =	vadd.s32 v59, v23;
	v61 =	vsel vm4, $0x1, v2  }
0x642: {  	v62 =	vsel vm8, $0xFFFFFFFF, v2;
	vm10 =	vge.f32 v10, v33;
	v23 =	vadd.s32 v61, v23;
	[tilespmem:v26+s18+$0x0] =	vst.idx.add.f32.msk $0xffff, v1  }
0x643: {  	v21 =	vadd.s32 v62, v21;
	v63 =	vsel vm10, $0x1, v2;
	vm12 =	vlt.s32 v23, $0xE;
	[tilespmem:v24+s19+$0x0] =	vst.idx.add.f32.msk $0xffff, v20  }
0x644: {  	v27 =	vadd.s32 v32, v27;
	v23 =	vnsel vm12, $0xE, v23;
	v20 =	vadd.s32 v63, v21;
	v21 =	vld [tilespmem:s0+$0x90]  }
0x645: {  	v25 =	vtrunc.f32 v25;
	vm11 =	vlt.s32 v27, $0xE;
	v23 =	vshll.u32 v23, $0x5  }
0x646: {  	v25 =	vcvt.f32.s32 v25;
	v35 =	vor.u32 v3, v23;
	v24 =	vnsel vm11, $0xE, v27  }
0x647: {  	v60 =	vld [tilespmem:s13+$0x0];
	v36 =	vand.u32 $0x6F, v35;
	v27 =	vshll.u32 v58, $0x9;
	v24 =	vshll.u32 v24, $0x5  }
0x648: {  	v26 =	vshll.u32 v56, $0x9;
	v27 =	vadd.s32 v27, v23;
	v32 =	vor.u32 v3, v24  }
0x649: {  	v26 =	vadd.s32 v26, v24;
	v27 =	vand.u32 $0xFFFFFF80, v27;
	v21 =	vsub.f32 $0.0e+00, v21  }
0x64a: {  	v26 =	vand.u32 $0xFFFFFF80, v26;
	v28 =	vand.u32 $0x6F, v32;
	v27 =	vor.u32 v36, v27  }
0x64b: {  	vm13 =	vlt.s32 v20, $0xE;
	v26 =	vor.u32 v28, v26;
	v21 =	vmul.f32 $1.442695020e+00, v21  }
0x64c: {  	v34 =	vshll.u32 v60, $0x9;
	v23 =	vadd.s32 v4, v23;
	v20 =	vnsel vm13, $0xE, v20  }
0x64d: {  	v24 =	vadd.s32 v4, v24;
	v20 =	vshll.u32 v20, $0x5;
	(erf) = vpow2.f32 v21  }
0x64e: {  	v29 =	vadd.s32 v34, v20  }
0x64f: {  	vm14 =	vlt.s32 v25, $0xE;
	v38 =	vand.u32 $0xFFFFFF80, v29;
	v29 =	vadd.f32 $1.000000000e+00, v39;
	[tilespmem:v27+s18+$0x0] =	vst.idx.add.f32.msk $0xffff, v1  }
0x650: {  	v40 =	vcvt.s32.f32 v12;
	v25 =	vnsel vm14, $0xE, v25;
	v37 =	vor.u32 v3, v20;
	[tilespmem:v26+s18+$0x0] =	vst.idx.add.f32.msk $0xffff, v1  }
0x651: {  	v20 =	vadd.s32 v4, v20;
	v27 =	vmul.f32 $6.666667010e-02, v29;
	v26 =	vmul.f32 $6.666667010e-02, v39;
	[tilespmem:v23+s19+$0x0] =	vst.idx.add.f32.msk $0xffff, v19  }
0x652: {  	v21 =	vand.u32 $0x6F, v37;
	[tilespmem:v24+s19+$0x0] =	vst.idx.add.f32.msk $0xffff, v22;
	v22 =	vmul.f32 $6.666667010e-02, v40;
	v24 =	vadd.f32 $1.000000000e+00, v40  }
0x653: {  	vm5 =	vge.f32 v16, v27;
	v21 =	vor.u32 v21, v38;
	vm15 =	vlt.f32 v16, v26  }
0x654: {  	v23 =	vld [tilespmem:s0+$0xFFFFFF10];
	v19 =	vmul.f32 $6.666667010e-02, v24;
	vm4 =	vlt.f32 v7, v22;
	v22 =	vcvt.s32.f32 v25  }
0x655: {  	v43 =	vsel vm5, $0x1, v2;
	v24 =	vsel vm15, $0xFFFFFFFF, v2;
	v26 =	vsel vm4, $0xFFFFFFFF, v2  }
0x656: {  	s31 =	simm.s32 $0x4500;
	v27 =	vld [tilespmem:s0+$0xFFFFFF90];
	v11 =	vadd.s32 v24, v11;
	vm6 =	vge.f32 v7, v19;
	v19 =	vmul.f32 $6.666667010e-02, v22;
	v42 =	vpop (erf)  }
0x657: {  	v41 =	vld [tilespmem:s31+$0x80];
	v22 =	vadd.f32 $1.000000000e+00, v22;
	v11 =	vadd.s32 v43, v11;
	v29 =	vadd.f32 $1.000000000e+00, v42  }
0x658: {  	v12 =	vadd.s32 v26, v12;
	v24 =	vsel vm6, $0x1, v2;
	vm9 =	vlt.s32 v11, $0xE;
	[tilespmem:v21+s18+$0x0] =	vst.idx.add.f32.msk $0xffff, v1  }
0x659: {  	vm7 =	vlt.f32 v8, v19;
	v19 =	vsub.f32 $0.0e+00, v23;
	v21 =	vld [tilespmem:s31+$0xFFFFFF80];
	(erf) = vrcp.f32 v29  }
0x65a: {  	v22 =	vmul.f32 $6.666667010e-02, v22;
	v23 =	vld [tilespmem:s31+$0x0];
	v12 =	vadd.s32 v24, v12;
	v11 =	vnsel vm9, $0xE, v11  }
0x65b: {  	[tilespmem:v20+s19+$0x0] =	vst.idx.add.f32.msk $0xffff, v10;
	v10 =	vsel vm7, $0xFFFFFFFF, v2;
	v20 =	vsub.f32 $0.0e+00, v27;
	v19 =	vmul.f32 $1.442695020e+00, v19  }
0x65c: {  	v24 =	vld [tilespmem:s31+$0xFFFFFF00];
	vm8 =	vge.f32 v8, v22;
	v22 =	vsub.f32 $0.0e+00, v41;
	v10 =	vadd.s32 v10, v25  }
0x65d: {  	v25 =	vld [tilespmem:s0+$0x10];
	v20 =	vmul.f32 $1.442695020e+00, v20;
	(erf) = vpow2.f32 v19;
	v19 =	vsel vm8, $0x1, v2  }
0x65e: {  	v26 =	vld [tilespmem:s13+$0xFFFFFF10];
	vm10 =	vlt.s32 v12, $0xE;
	v21 =	vsub.f32 $0.0e+00, v21;
	v10 =	vadd.s32 v19, v10  }
0x65f: {  	v22 =	vmul.f32 $1.442695020e+00, v22;
	(erf) = vpow2.f32 v20;
	vm11 =	vlt.s32 v10, $0xE  }
0x660: {  	v12 =	vnsel vm10, $0xE, v12;
	v27 =	vld [tilespmem:s13+$0x10];
	v23 =	vsub.f32 $0.0e+00, v23;
	v10 =	vnsel vm11, $0xE, v10  }
0x661: {  	(erf) = vpow2.f32 v22;
	v19 =	vshll.u32 v10, $0x5;
	v10 =	vsub.f32 $0.0e+00, v24  }
0x662: {  	v20 =	vshll.u32 v12, $0x5;
	v12 =	vmul.f32 $1.442695020e+00, v21;
	v24 =	vsub.f32 $0.0e+00, v25;
	v21 =	vpop (erf)  }
0x663: {  	v25 =	vmul.f32 $1.442695020e+00, v10;
	v10 =	vshll.u32 v26, $0x9;
	v26 =	vmul.f32 $1.500000000e+01, v21  }
0x664: {  	v23 =	vmul.f32 $1.442695020e+00, v23;
	v22 =	vshll.u32 v11, $0x5;
	(erf) = vpow2.f32 v12  }
0x665: {  	v14 =	vadd.s32 v14, v20;
	v12 =	vshll.u32 v27, $0x9;
	(erf) = vpow2.f32 v25  }
0x666: {  	v27 =	vor.u32 v5, v22;
	v24 =	vmul.f32 $1.442695020e+00, v24;
	v25 =	vtrunc.f32 v26  }
0x667: {  	v13 =	vadd.s32 v13, v22;
	(erf) = vpow2.f32 v23;
	v23 =	vcvt.f32.s32 v25;
	v26 =	vpop (erf)  }
0x668: {  	v44 =	vand.u32 $0xFFFFFF80, v13;
	v27 =	vand.u32 $0x7F, v27;
	v25 =	vadd.f32 $1.000000000e+00, v26;
	v26 =	vpop (erf)  }
0x669: {  	(erf) = vpow2.f32 v24;
	vm12 =	vlt.s32 v23, $0xE;
	v26 =	vadd.f32 $1.000000000e+00, v26  }
0x66a: {  	v9 =	vadd.s32 v9, v19;
	v24 =	vpop (erf);
	v23 =	vnsel vm12, $0xE, v23;
	(erf) = vrcp.f32 v25  }
0x66b: {  	v24 =	vadd.f32 $1.000000000e+00, v24;
	(erf) = vrcp.f32 v26;
	v26 =	vcvt.s32.f32 v23  }
0x66c: {  	v14 =	vand.u32 $0xFFFFFF80, v14;
	v28 =	vor.u32 v27, v44  }
0x66d: {  	v25 =	vor.u32 v5, v20;
	v45 =	vpop (erf);
	(erf) = vrcp.f32 v24;
	v13 =	vadd.f32 $1.000000000e+00, v26  }
0x66e: {  	v46 =	vand.u32 $0xFFFFFF80, v9;
	v25 =	vand.u32 $0x7F, v25;
	v9 =	vpop (erf);
	v26 =	vmul.f32 $6.666667010e-02, v26  }
0x66f: {  	v24 =	vor.u32 v5, v19;
	v9 =	vadd.f32 $1.000000000e+00, v9;
	v13 =	vmul.f32 $6.666667010e-02, v13  }
0x670: {  	v48 =	vld [tilespmem:s13+$0x90];
	v29 =	vadd.f32 $1.000000000e+00, v45;
	v24 =	vand.u32 $0x7F, v24;
	vm13 =	vlt.f32 v21, v26  }
0x671: {  	v47 =	vpop (erf);
	(erf) = vrcp.f32 v9;
	vm14 =	vge.f32 v21, v13;
	v13 =	vsel vm13, $0xFFFFFFFF, v2  }
0x672: {  	v27 =	vor.u32 v24, v46;
	v50 =	vsel vm14, $0x1, v2;
	v13 =	vadd.s32 v13, v23  }
0x673: {  	v49 =	vpop (erf);
	v26 =	vadd.f32 $1.000000000e+00, v47;
	(erf) = vrcp.f32 v29;
	v51 =	vadd.s32 v50, v13  }
0x674: {  	v29 =	vor.u32 v25, v14;
	v23 =	vadd.f32 $1.000000000e+00, v49;
	v9 =	vpop (erf);
	vm15 =	vlt.s32 v51, $0xE  }
0x675: {  	v25 =	vshll.u32 v48, $0x9;
	(erf) = vrcp.f32 v26;
	v13 =	vpop (erf);
	v26 =	vnsel vm15, $0xE, v51  }
0x676: {  	v11 =	vld [tilespmem:s13+$0xFFFFFF90];
	(erf) = vrcp.f32 v23;
	v32 =	vpop (erf);
	v14 =	vshll.u32 v26, $0x5;
	v52 =	vmul.f32 $1.500000000e+01, v13  }
0x677: {  	v23 =	vmul.f32 $1.500000000e+01, v32;
	v26 =	vor.u32 v5, v14;
	v25 =	vadd.s32 v25, v14  }
0x678: {  	v24 =	vmul.f32 $1.500000000e+01, v9;
	v25 =	vand.u32 $0xFFFFFF80, v25;
	v26 =	vand.u32 $0x7F, v26  }
0x679: {  	v23 =	vtrunc.f32 v23;
	v31 =	vor.u32 v26, v25;
	v25 =	vtrunc.f32 v52  }
0x67a: {  	v36 =	vadd.s32 v6, v22;
	v24 =	vtrunc.f32 v24;
	v23 =	vcvt.f32.s32 v23  }
0x67b: {  	v11 =	vshll.u32 v11, $0x9;
	v24 =	vcvt.f32.s32 v24;
	v33 =	vadd.s32 v6, v14;
	v26 =	vpop (erf)  }
0x67c: {  	v55 =	vcvt.f32.s32 v25;
	vm4 =	vlt.s32 v23, $0xE;
	v14 =	vmul.f32 $1.500000000e+01, v26;
	v25 =	vpop (erf)  }
0x67d: {  	vm5 =	vlt.s32 v24, $0xE;
	v53 =	vnsel vm4, $0xE, v23;
	v37 =	vmul.f32 $1.500000000e+01, v25  }
0x67e: {  	s0 =	simm.s32 $0xC500;
	vm6 =	vlt.s32 v55, $0xE;
	v22 =	vpop (erf);
	v54 =	vcvt.s32.f32 v53;
	v14 =	vtrunc.f32 v14  }
0x67f: {  	v56 =	vld [tilespmem:s0+$0x80];
	v23 =	vnsel vm5, $0xE, v24;
	v24 =	vmul.f32 $1.500000000e+01, v22;
	v14 =	vcvt.f32.s32 v14  }
0x680: {  	v47 =	vld [tilespmem:s0+$0xFFFFFF80];
	v37 =	vtrunc.f32 v37;
	v38 =	vadd.f32 $1.000000000e+00, v54;
	v34 =	vmul.f32 $6.666667010e-02, v54  }
0x681: {  	[tilespmem:v31+s20+$0x0] =	vst.idx.add.f32.msk $0xffff, v1;
	v39 =	vtrunc.f32 v24;
	v24 =	vnsel vm6, $0xE, v55;
	v37 =	vcvt.f32.s32 v37  }
0x682: {  	[tilespmem:v33+s21+$0x0] =	vst.idx.add.f32.msk $0xffff, v21;
	vm9 =	vlt.s32 v14, $0xE;
	v58 =	vcvt.f32.s32 v39;
	v21 =	vcvt.s32.f32 v24  }
0x683: {  	v38 =	vmul.f32 $6.666667010e-02, v38;
	vm7 =	vlt.f32 v32, v34;
	v14 =	vnsel vm9, $0xE, v14  }
0x684: {  	vm10 =	vlt.s32 v37, $0xE;
	v34 =	vshll.u32 v56, $0x9;
	v57 =	vsel vm7, $0xFFFFFFFF, v2  }
0x685: {  	vm12 =	vlt.s32 v58, $0xE;
	v37 =	vnsel vm10, $0xE, v37;
	v59 =	vcvt.s32.f32 v14  }
0x686: {  	vm8 =	vge.f32 v32, v38;
	v30 =	vadd.s32 v57, v53;
	v60 =	vcvt.s32.f32 v37  }
0x687: {  	v35 =	vnsel vm12, $0xE, v58;
	v53 =	vshll.u32 v47, $0x9;
	v38 =	vsel vm8, $0x1, v2  }
0x688: {  	v41 =	vmul.f32 $6.666667010e-02, v59;
	v61 =	vcvt.s32.f32 v35;
	v30 =	vadd.s32 v38, v30  }
0x689: {  	v42 =	vmul.f32 $6.666667010e-02, v60;
	v38 =	vadd.f32 $1.000000000e+00, v59;
	vm11 =	vlt.s32 v30, $0xE  }
0x68a: {  	v39 =	vadd.f32 $1.000000000e+00, v60;
	vm13 =	vlt.f32 v26, v41;
	v30 =	vnsel vm11, $0xE, v30  }
0x68b: {  	v63 =	vld [tilespmem:s0+$0xFFFFFF00];
	v62 =	vadd.f32 $1.000000000e+00, v61;
	vm14 =	vlt.f32 v25, v42;
	v30 =	vshll.u32 v30, $0x5  }
0x68c: {  	v50 =	vld [tilespmem:s0+$0x0];
	v41 =	vsel vm13, $0xFFFFFFFF, v2;
	v40 =	vor.u32 v3, v30;
	v34 =	vadd.s32 v34, v30  }
0x68d: {  	v38 =	vmul.f32 $6.666667010e-02, v38;
	v34 =	vand.u32 $0xFFFFFF80, v34;
	v40 =	vand.u32 $0x6F, v40  }
0x68e: {  	v39 =	vmul.f32 $6.666667010e-02, v39;
	v42 =	vsel vm14, $0xFFFFFFFF, v2;
	v34 =	vor.u32 v40, v34  }
0x68f: {  	v14 =	vadd.s32 v41, v14;
	v45 =	vmul.f32 $6.666667010e-02, v62;
	v30 =	vadd.s32 v4, v30  }
0x690: {  	v37 =	vadd.s32 v42, v37;
	vm15 =	vge.f32 v26, v38;
	vm5 =	vge.f32 v25, v39  }
0x691: {  	v42 =	vshll.u32 v63, $0x9;
	v38 =	vshll.u32 v50, $0x9;
	v48 =	vsel vm5, $0x1, v2  }
0x692: {  	vm6 =	vge.f32 v22, v45;
	v40 =	vmul.f32 $6.666667010e-02, v61;
	v37 =	vadd.s32 v48, v37  }
0x693: {  	v46 =	vsel vm15, $0x1, v2;
	v51 =	vsel vm6, $0x1, v2;
	vm8 =	vlt.s32 v37, $0xE;
	[tilespmem:v34+s18+$0x0] =	vst.idx.add.f32.msk $0xffff, v1  }
0x694: {  	vm4 =	vlt.f32 v22, v40;
	v40 =	vadd.s32 v46, v14;
	v37 =	vnsel vm8, $0xE, v37;
	[tilespmem:v30+s19+$0x0] =	vst.idx.add.f32.msk $0xffff, v32  }
0x695: {  	v14 =	vsel vm4, $0xFFFFFFFF, v2;
	vm7 =	vlt.s32 v40, $0xE;
	v37 =	vshll.u32 v37, $0x5;
	v32 =	vld [tilespmem:s31+$0x90]  }
0x696: {  	v35 =	vadd.s32 v14, v35;
	v52 =	vnsel vm7, $0xE, v40;
	v55 =	vor.u32 v3, v37  }
0x697: {  	v39 =	vadd.s32 v53, v37;
	v60 =	vadd.s32 v4, v37;
	v35 =	vadd.s32 v51, v35  }
0x698: {  	v57 =	vand.u32 $0xFFFFFF80, v39;
	v58 =	vand.u32 $0x6F, v55;
	v14 =	vpop (erf);
	vm9 =	vlt.s32 v35, $0xE  }
0x699: {  	[tilespmem:v28+s20+$0x0] =	vst.idx.add.f32.msk $0xffff, v1;
	v30 =	vshll.u32 v52, $0x5;
	v28 =	vor.u32 v58, v57;
	v49 =	vmul.f32 $1.500000000e+01, v14  }
0x69a: {  	[tilespmem:v18+s20+$0x0] =	vst.idx.add.f32.msk $0xffff, v1;
	v35 =	vnsel vm9, $0xE, v35;
	v54 =	vadd.s32 v42, v30;
	v32 =	vsub.f32 $0.0e+00, v32  }
0x69b: {  	[tilespmem:v17+s21+$0x0] =	vst.idx.add.f32.msk $0xffff, v15;
	v18 =	vor.u32 v3, v30;
	v35 =	vshll.u32 v35, $0x5;
	v15 =	vand.u32 $0xFFFFFF80, v54  }
0x69c: {  	v18 =	vand.u32 $0x6F, v18;
	v56 =	vor.u32 v3, v35;
	v32 =	vmul.f32 $1.442695020e+00, v32  }
0x69d: {  	v17 =	vadd.s32 v38, v35;
	v15 =	vor.u32 v18, v15;
	v18 =	vtrunc.f32 v49  }
0x69e: {  	[tilespmem:v27+s20+$0x0] =	vst.idx.add.f32.msk $0xffff, v1;
	v17 =	vand.u32 $0xFFFFFF80, v17;
	v59 =	vand.u32 $0x6F, v56;
	(erf) = vpow2.f32 v32  }
0x69f: {  	[tilespmem:v29+s20+$0x0] =	vst.idx.add.f32.msk $0xffff, v1;
	v62 =	vcvt.f32.s32 v18;
	v29 =	vor.u32 v59, v17;
	v17 =	vcvt.s32.f32 v23  }
0x6a0: {  	v27 =	vadd.s32 v4, v30;
	v61 =	vadd.s32 v4, v35;
	v18 =	vadd.s32 v6, v20  }
0x6a1: {  	[tilespmem:v36+s21+$0x0] =	vst.idx.add.f32.msk $0xffff, v16;
	vm10 =	vlt.s32 v62, $0xE;
	v16 =	vmul.f32 $6.666667010e-02, v17;
	v20 =	vadd.f32 $1.000000000e+00, v17  }
0x6a2: {  	v17 =	vadd.s32 v6, v19;
	v19 =	vadd.f32 $1.000000000e+00, v21;
	[tilespmem:v15+s18+$0x0] =	vst.idx.add.f32.msk $0xffff, v1;
	v15 =	vmul.f32 $6.666667010e-02, v21  }
0x6a3: {  	[tilespmem:v28+s18+$0x0] =	vst.idx.add.f32.msk $0xffff, v1;
	v20 =	vmul.f32 $6.666667010e-02, v20;
	vm11 =	vlt.f32 v9, v16;
	v16 =	vnsel vm10, $0xE, v62  }
0x6a4: {  	[tilespmem:v60+s19+$0x0] =	vst.idx.add.f32.msk $0xffff, v25;
	v19 =	vmul.f32 $6.666667010e-02, v19;
	vm12 =	vlt.f32 v13, v15;
	v15 =	vcvt.s32.f32 v16  }
0x6a5: {  	[tilespmem:v27+s19+$0x0] =	vst.idx.add.f32.msk $0xffff, v26;
	vm13 =	vge.f32 v9, v20;
	v20 =	vsel vm11, $0xFFFFFFFF, v2;
	v21 =	vsel vm12, $0xFFFFFFFF, v2  }
0x6a6: {  	[tilespmem:v29+s18+$0x0] =	vst.idx.add.f32.msk $0xffff, v1;
	vm14 =	vge.f32 v13, v19;
	v26 =	vmul.f32 $6.666667010e-02, v15;
	v27 =	vadd.f32 $1.000000000e+00, v15  }
0x6a7: {  	[tilespmem:v61+s19+$0x0] =	vst.idx.add.f32.msk $0xffff, v22;
	v63 =	vsel vm13, $0x1, v2;
	v20 =	vadd.s32 v20, v23;
	v19 =	vsel vm14, $0x1, v2;
	v22 =	vpop (erf)  }
0x6a8: {  	v15 =	vld [tilespmem:s31+$0xFFFFFF10];
	v23 =	vmul.f32 $6.666667010e-02, v27;
	vm15 =	vlt.f32 v14, v26;
	v25 =	vadd.f32 $1.000000000e+00, v22  }
0x6a9: {  	s1 =	simm.s32 $0x10;
	s13 =	simm.s32 $0x4700;
	v21 =	vadd.s32 v21, v24;
	v20 =	vadd.s32 v63, v20;
	v24 =	vsel vm15, $0xFFFFFFFF, v2;
	v22 =	vld [tilespmem:s31+$0xFFFFFF90]  }
.LBB2_5:
0x6aa: {  	v26 =	vld [tilespmem:s13+$0x80];
	(erf) = vrcp.f32 v25;
	vm0 =	vge.f32 v14, v23;
	v16 =	vadd.s32 v24, v16  }
0x6ab: {  	vm1 =	vlt.s32 v20, $0xE;
	v19 =	vadd.s32 v19, v21;
	v23 =	vld [tilespmem:s13+$0xFFFFFF80];
	v21 =	vsel vm0, $0x1, v2  }
0x6ac: {  	s1 =	sadd.s32 $0x8, s1;
	v20 =	vnsel vm1, $0xE, v20;
	vm0 =	vlt.s32 v19, $0xE;
	v24 =	vld [tilespmem:s13+$0x0];
	v16 =	vadd.s32 v21, v16  }
0x6ad: {  	p1 =	slt.u32 s1, $0xF8;
	v25 =	vnsel vm0, $0xE, v19;
	v21 =	vld [tilespmem:s13+$0xFFFFFF00];
	v15 =	vsub.f32 $0.0e+00, v15;
	vm0 =	vlt.s32 v16, $0xE  }
0x6ae: {  	v19 =	vshll.u32 v20, $0x5;
	v22 =	vsub.f32 $0.0e+00, v22;
	v27 =	vld [tilespmem:s31+$0x10];
	v16 =	vnsel vm0, $0xE, v16;
	s31 =	smov.u32 s13  }
0x6af: {  	v20 =	vsub.f32 $0.0e+00, v26;
	v26 =	vld [tilespmem:s0+$0xFFFFFF10];
	v28 =	vmul.f32 $1.442695020e+00, v15;
	v15 =	vshll.u32 v25, $0x5  }
0x6b0: {  	v16 =	vshll.u32 v16, $0x5;
	v23 =	vsub.f32 $0.0e+00, v23;
	v25 =	vld [tilespmem:s0+$0xFFFFFF90];
	v22 =	vmul.f32 $1.442695020e+00, v22  }
0x6b1: {  	v24 =	vsub.f32 $0.0e+00, v24;
	v20 =	vmul.f32 $1.442695020e+00, v20;
	v29 =	vld [tilespmem:s0+$0x10];
	(erf) = vpow2.f32 v28  }
0x6b2: {  	v21 =	vsub.f32 $0.0e+00, v21;
	v23 =	vmul.f32 $1.442695020e+00, v23;
	(erf) = vpow2.f32 v22;
	[tilespmem:v18+s21+$0x0] =	vst.idx.add.f32.msk $0xffff, v7;
	v7 =	vmovc v13  }
0x6b3: {  	v13 =	vmul.f32 $1.442695020e+00, v24;
	(erf) = vpow2.f32 v20;
	v20 =	vsub.f32 $0.0e+00, v27;
	v18 =	vpop (erf);
	[tilespmem:v17+s21+$0x0] =	vst.idx.add.f32.msk $0xffff, v8  }
0x6b4: {  	v8 =	vmovc v14;
	v17 =	vmul.f32 $1.442695020e+00, v21;
	v21 =	vshll.u32 v26, $0x9;
	v22 =	vmul.f32 $1.500000000e+01, v18  }
0x6b5: {  	(erf) = vpow2.f32 v23;
	v14 =	vshll.u32 v25, $0x9;
	v20 =	vmul.f32 $1.442695020e+00, v20  }
0x6b6: {  	(erf) = vpow2.f32 v17;
	v17 =	vshll.u32 v29, $0x9;
	v22 =	vtrunc.f32 v22  }
0x6b7: {  	(erf) = vpow2.f32 v13;
	v13 =	vcvt.f32.s32 v22;
	v22 =	vor.u32 v5, v19  }
0x6b8: {  	v23 =	vor.u32 v5, v15;
	(erf) = vpow2.f32 v20;
	v20 =	vadd.s32 v10, v19;
	v10 =	vmovc v21  }
0x6b9: {  	v24 =	vor.u32 v5, v16;
	v21 =	vadd.s32 v11, v15;
	v11 =	vmovc v14;
	vm0 =	vlt.s32 v13, $0xE  }
0x6ba: {  	v25 =	vadd.s32 v12, v16;
	v20 =	vand.u32 $0xFFFFFF80, v20;
	v13 =	vnsel vm0, $0xE, v13;
	v14 =	vpop (erf)  }
0x6bb: {  	v22 =	vand.u32 $0x7F, v22;
	v0 =	vadd.f32 $1.000000000e+00, v14;
	v14 =	vcvt.s32.f32 v13;
	v26 =	vpop (erf)  }
0x6bc: {  	v23 =	vand.u32 $0x7F, v23;
	v21 =	vand.u32 $0xFFFFFF80, v21;
	v27 =	vpop (erf);
	v29 =	vadd.f32 $1.000000000e+00, v26  }
0x6bd: {  	v12 =	vmovc v17;
	v27 =	vadd.f32 $1.000000000e+00, v27;
	v30 =	vadd.f32 $1.000000000e+00, v14;
	(erf) = vrcp.f32 v0  }
0x6be: {  	v25 =	vand.u32 $0xFFFFFF80, v25;
	v14 =	vmul.f32 $6.666667010e-02, v14;
	v17 =	vpop (erf);
	(erf) = vrcp.f32 v29  }
0x6bf: {  	v17 =	vadd.f32 $1.000000000e+00, v17;
	v26 =	vpop (erf);
	(erf) = vrcp.f32 v27;
	v27 =	vmul.f32 $6.666667010e-02, v30  }
0x6c0: {  	vm0 =	vlt.f32 v18, v14;
	v14 =	vand.u32 $0x7F, v24;
	v26 =	vadd.f32 $1.000000000e+00, v26;
	v28 =	vpop (erf)  }
0x6c1: {  	v24 =	vadd.f32 $1.000000000e+00, v28;
	v28 =	vld [tilespmem:s0+$0x90];
	vm1 =	vge.f32 v18, v27;
	v27 =	vsel vm0, $0xFFFFFFFF, v2;
	v29 =	vpop (erf)  }
0x6c2: {  	(erf) = vrcp.f32 v26;
	v26 =	vsel vm1, $0x1, v2;
	v13 =	vadd.s32 v27, v13  }
0x6c3: {  	(erf) = vrcp.f32 v17;
	v17 =	vadd.f32 $1.000000000e+00, v29;
	v13 =	vadd.s32 v26, v13  }
0x6c4: {  	v20 =	vor.u32 v22, v20;
	(erf) = vrcp.f32 v24;
	vm0 =	vlt.s32 v13, $0xE  }
0x6c5: {  	v21 =	vor.u32 v23, v21;
	v27 =	vnsel vm0, $0xE, v13;
	(erf) = vrcp.f32 v17  }
0x6c6: {  	v14 =	vor.u32 v14, v25;
	v22 =	vshll.u32 v27, $0x5;
	v0 =	vshll.u32 v28, $0x9;
	v24 =	vpop (erf)  }
0x6c7: {  	v23 =	vmul.f32 $1.500000000e+01, v24;
	v25 =	vor.u32 v5, v22;
	v26 =	vadd.s32 v0, v22;
	v13 =	vpop (erf)  }
0x6c8: {  	v17 =	vpop (erf);
	v27 =	vmul.f32 $1.500000000e+01, v13;
	v26 =	vand.u32 $0xFFFFFF80, v26;
	v25 =	vand.u32 $0x7F, v25  }
0x6c9: {  	v28 =	vmul.f32 $1.500000000e+01, v17;
	v0 =	vtrunc.f32 v23;
	v25 =	vor.u32 v25, v26;
	[tilespmem:v20+s20+$0x0] =	vst.idx.add.f32.msk $0xffff, v1  }
0x6ca: {  	v26 =	vcvt.f32.s32 v0;
	v20 =	vtrunc.f32 v27;
	v27 =	vadd.s32 v6, v22;
	[tilespmem:v21+s20+$0x0] =	vst.idx.add.f32.msk $0xffff, v1  }
0x6cb: {  	v29 =	vadd.s32 v6, v19;
	v21 =	vtrunc.f32 v28;
	v23 =	vpop (erf);
	v28 =	vcvt.f32.s32 v20;
	[tilespmem:v14+s20+$0x0] =	vst.idx.add.f32.msk $0xffff, v1  }
0x6cc: {  	v0 =	vmul.f32 $1.500000000e+01, v23;
	v21 =	vcvt.f32.s32 v21;
	v22 =	vpop (erf);
	vm0 =	vlt.s32 v26, $0xE  }
0x6cd: {  	v30 =	vmul.f32 $1.500000000e+01, v22;
	v20 =	vpop (erf);
	v19 =	vnsel vm0, $0xE, v26;
	vm0 =	vlt.s32 v28, $0xE  }
0x6ce: {  	v26 =	vtrunc.f32 v0;
	v31 =	vmul.f32 $1.500000000e+01, v20;
	vm1 =	vlt.s32 v21, $0xE;
	[tilespmem:v25+s20+$0x0] =	vst.idx.add.f32.msk $0xffff, v1;
	v14 =	vpop (erf)  }
0x6cf: {  	v25 =	vcvt.f32.s32 v26;
	v26 =	vtrunc.f32 v30;
	v30 =	vnsel vm1, $0xE, v21;
	[tilespmem:v27+s21+$0x0] =	vst.idx.add.f32.msk $0xffff, v18  }
0x6d0: {  	v21 =	vnsel vm0, $0xE, v28;
	v18 =	vtrunc.f32 v31;
	v27 =	vcvt.s32.f32 v30;
	[tilespmem:v29+s21+$0x0] =	vst.idx.add.f32.msk $0xffff, v9;
	v9 =	vmovc v24  }
0x6d1: {  	v24 =	vcvt.f32.s32 v26;
	vm0 =	vlt.s32 v25, $0xE;
	v18 =	vcvt.f32.s32 v18  }
0x6d2: {  	v28 =	vmul.f32 $1.500000000e+01, v14;
	v25 =	vnsel vm0, $0xE, v25;
	v26 =	vadd.f32 $1.000000000e+00, v27  }
0x6d3: {  	vm0 =	vlt.s32 v24, $0xE;
	v27 =	vmul.f32 $6.666667010e-02, v27;
	vm1 =	vlt.s32 v18, $0xE  }
0x6d4: {  	v24 =	vnsel vm0, $0xE, v24;
	v18 =	vnsel vm1, $0xE, v18;
	v26 =	vmul.f32 $6.666667010e-02, v26  }
0x6d5: {  	s0 =	sadd.s32 $0x200, s0;
	v29 =	vcvt.s32.f32 v25;
	v31 =	vcvt.s32.f32 v24;
	vm0 =	vlt.f32 v17, v27  }
0x6d6: {  	v27 =	vcvt.s32.f32 v18;
	v32 =	vld [tilespmem:s0+$0x80];
	vm1 =	vge.f32 v17, v26;
	v26 =	vsel vm0, $0xFFFFFFFF, v2  }
0x6d7: {  	v34 =	vadd.f32 $1.000000000e+00, v29;
	v33 =	vld [tilespmem:s0+$0xFFFFFF00];
	v35 =	vsel vm1, $0x1, v2;
	v26 =	vadd.s32 v26, v30  }
0x6d8: {  	v36 =	vadd.f32 $1.000000000e+00, v31;
	v37 =	vadd.f32 $1.000000000e+00, v27;
	v30 =	vld [tilespmem:s0+$0xFFFFFF80];
	v26 =	vadd.s32 v35, v26  }
0x6d9: {  	v29 =	vmul.f32 $6.666667010e-02, v29;
	v31 =	vmul.f32 $6.666667010e-02, v31;
	v35 =	vld [tilespmem:s0+$0x0];
	vm0 =	vlt.s32 v26, $0xE  }
0x6da: {  	v34 =	vmul.f32 $6.666667010e-02, v34;
	v27 =	vmul.f32 $6.666667010e-02, v27;
	v26 =	vnsel vm0, $0xE, v26  }
0x6db: {  	v36 =	vmul.f32 $6.666667010e-02, v36;
	v26 =	vshll.u32 v26, $0x5;
	v32 =	vshll.u32 v32, $0x9  }
0x6dc: {  	v37 =	vmul.f32 $6.666667010e-02, v37;
	v38 =	vor.u32 v3, v26;
	v32 =	vadd.s32 v32, v26  }
0x6dd: {  	vm0 =	vlt.f32 v23, v29;
	v29 =	vand.u32 $0xFFFFFF80, v32;
	v32 =	vand.u32 $0x6F, v38  }
0x6de: {  	vm1 =	vlt.f32 v22, v31;
	vm2 =	vlt.f32 v20, v27;
	v27 =	vor.u32 v32, v29  }
0x6df: {  	vm3 =	vge.f32 v23, v34;
	vm4 =	vge.f32 v22, v36;
	v26 =	vadd.s32 v4, v26  }
0x6e0: {  	v31 =	vsel vm1, $0xFFFFFFFF, v2;
	v29 =	vsel vm0, $0xFFFFFFFF, v2;
	vm0 =	vge.f32 v20, v37  }
0x6e1: {  	v36 =	vsel vm2, $0xFFFFFFFF, v2;
	v34 =	vsel vm4, $0x1, v2;
	v32 =	vsel vm3, $0x1, v2  }
0x6e2: {  	v24 =	vadd.s32 v31, v24;
	v25 =	vadd.s32 v29, v25;
	v29 =	vsel vm0, $0x1, v2  }
0x6e3: {  	v18 =	vadd.s32 v36, v18;
	v31 =	vshll.u32 v33, $0x9;
	v25 =	vadd.s32 v32, v25;
	[tilespmem:v27+s18+$0x0] =	vst.idx.add.f32.msk $0xffff, v1  }
0x6e4: {  	v24 =	vadd.s32 v34, v24;
	v18 =	vadd.s32 v29, v18;
	vm0 =	vlt.s32 v25, $0xE;
	[tilespmem:v26+s19+$0x0] =	vst.idx.add.f32.msk $0xffff, v17  }
0x6e5: {  	vm1 =	vlt.s32 v18, $0xE;
	v17 =	vnsel vm0, $0xE, v25;
	vm0 =	vlt.s32 v24, $0xE;
	v25 =	vld [tilespmem:s13+$0x90]  }
0x6e6: {  	v18 =	vnsel vm1, $0xE, v18;
	v17 =	vshll.u32 v17, $0x5;
	v24 =	vnsel vm0, $0xE, v24  }
0x6e7: {  	v18 =	vshll.u32 v18, $0x5;
	v26 =	vshll.u32 v30, $0x9;
	v24 =	vshll.u32 v24, $0x5  }
0x6e8: {  	v30 =	vshll.u32 v35, $0x9;
	v27 =	vor.u32 v3, v17;
	v29 =	vadd.s32 v31, v17  }
0x6e9: {  	v32 =	vor.u32 v3, v18;
	v31 =	vor.u32 v3, v24;
	v26 =	vadd.s32 v26, v24  }
0x6ea: {  	v30 =	vadd.s32 v30, v18;
	v29 =	vand.u32 $0xFFFFFF80, v29;
	v25 =	vsub.f32 $0.0e+00, v25  }
0x6eb: {  	v27 =	vand.u32 $0x6F, v27;
	v26 =	vand.u32 $0xFFFFFF80, v26;
	v31 =	vand.u32 $0x6F, v31  }
0x6ec: {  	v32 =	vand.u32 $0x6F, v32;
	v30 =	vand.u32 $0xFFFFFF80, v30;
	v25 =	vmul.f32 $1.442695020e+00, v25  }
0x6ed: {  	v27 =	vor.u32 v27, v29;
	v29 =	vor.u32 v32, v30;
	v26 =	vor.u32 v31, v26  }
0x6ee: {  	v24 =	vadd.s32 v4, v24;
	v30 =	vadd.s32 v4, v17;
	(erf) = vpow2.f32 v25  }
0x6ef: {  	v17 =	vcvt.s32.f32 v19;
	v25 =	vadd.s32 v4, v18;
	v18 =	vtrunc.f32 v28  }
0x6f0: {  	v28 =	vcvt.s32.f32 v21;
	v31 =	vcvt.f32.s32 v18;
	v18 =	vadd.s32 v6, v15  }
0x6f1: {  	v32 =	vadd.f32 $1.000000000e+00, v17;
	v15 =	vmul.f32 $6.666667010e-02, v17;
	v17 =	vadd.s32 v6, v16  }
0x6f2: {  	vm0 =	vlt.s32 v31, $0xE;
	[tilespmem:v27+s18+$0x0] =	vst.idx.add.f32.msk $0xffff, v1;
	v27 =	vmul.f32 $6.666667010e-02, v28;
	v28 =	vadd.f32 $1.000000000e+00, v28  }
0x6f3: {  	vm1 =	vlt.f32 v9, v15;
	v16 =	vnsel vm0, $0xE, v31;
	[tilespmem:v30+s19+$0x0] =	vst.idx.add.f32.msk $0xffff, v23;
	v23 =	vmul.f32 $6.666667010e-02, v32  }
0x6f4: {  	[tilespmem:v26+s18+$0x0] =	vst.idx.add.f32.msk $0xffff, v1;
	v15 =	vmul.f32 $6.666667010e-02, v28;
	vm0 =	vlt.f32 v13, v27;
	v26 =	vcvt.s32.f32 v16  }
.Ltmp3:
0x6f5: {  	[tilespmem:v24+s19+$0x0] =	vst.idx.add.f32.msk $0xffff, v22;
	vm2 =	vge.f32 v9, v23;
	v22 =	vsel vm1, $0xFFFFFFFF, v2;
	v24 =	vsel vm0, $0xFFFFFFFF, v2;
	(pc) =	sbr.rel @p1 .LBB2_5-.Ltmp3, $4  }
0x6f6: {  	[tilespmem:v29+s18+$0x0] =	vst.idx.add.f32.msk $0xffff, v1;
	vm0 =	vge.f32 v13, v15;
	v27 =	vmul.f32 $6.666667010e-02, v26;
	v23 =	vadd.f32 $1.000000000e+00, v26  }
0x6f7: {  	v26 =	vsel vm2, $0x1, v2;
	v28 =	vadd.s32 v22, v19;
	[tilespmem:v25+s19+$0x0] =	vst.idx.add.f32.msk $0xffff, v20;
	v20 =	vpop (erf);
	v19 =	vsel vm0, $0x1, v2  }
0x6f8: {  	v15 =	vld [tilespmem:s13+$0xFFFFFF10];
	v25 =	vadd.f32 $1.000000000e+00, v20;
	v23 =	vmul.f32 $6.666667010e-02, v23;
	vm0 =	vlt.f32 v14, v27  }
0x6f9: {  	v21 =	vadd.s32 v24, v21;
	s13 =	sadd.s32 $0x200, s13;
	v20 =	vadd.s32 v26, v28;
	v22 =	vld [tilespmem:s31+$0xFFFFFF90];
	v24 =	vsel vm0, $0xFFFFFFFF, v2  }
0x6fa: {  	v26 =	vld [tilespmem:s31+$0x10];
	_ =	sdelay $0x1  }
0x6fb: {  	(erf) = vrcp.f32 v25  }
0x6fc: {  	v15 =	vsub.f32 $0.0e+00, v15  }
0x6fd: {  	v22 =	vsub.f32 $0.0e+00, v22  }
0x6fe: {  	v15 =	vmul.f32 $1.442695020e+00, v15;
	v40 =	vsub.f32 $0.0e+00, v26  }
0x6ff: {  	v22 =	vmul.f32 $1.442695020e+00, v22  }
0x700: {  	(erf) = vpow2.f32 v15;
	v41 =	vmul.f32 $1.442695020e+00, v40  }
0x701: {  	(erf) = vpow2.f32 v22  }
0x702: {  	(erf) = vpow2.f32 v41;
	_ =	sdelay $0x1  }
0x703: {  	vm0 =	vge.f32 v14, v23;
	v16 =	vadd.s32 v24, v16;
	vm1 =	vlt.s32 v20, $0xE;
	v15 =	vpop (erf)  }
0x704: {  	v19 =	vadd.s32 v19, v21;
	v43 =	vsel vm0, $0x1, v2;
	v42 =	vmul.f32 $1.500000000e+01, v15  }
0x705: {  	v20 =	vnsel vm1, $0xE, v20;
	vm11 =	vlt.s32 v19, $0xE;
	v16 =	vadd.s32 v43, v16  }
0x706: {  	v19 =	vnsel vm11, $0xE, v19;
	v20 =	vshll.u32 v20, $0x5;
	v22 =	vtrunc.f32 v42  }
0x707: {  	vm12 =	vlt.s32 v16, $0xE;
	v19 =	vshll.u32 v19, $0x5;
	v44 =	vcvt.f32.s32 v22  }
0x708: {  	v50 =	vor.u32 v5, v20;
	v10 =	vadd.s32 v10, v20;
	v20 =	vadd.s32 v6, v20;
	v45 =	vpop (erf)  }
0x709: {  	v16 =	vnsel vm12, $0xE, v16;
	vm13 =	vlt.s32 v44, $0xE;
	v22 =	vadd.f32 $1.000000000e+00, v45;
	v46 =	vpop (erf)  }
0x70a: {  	v56 =	vld [tilespmem:s0+$0x90];
	v52 =	vor.u32 v5, v19;
	v21 =	vnsel vm13, $0xE, v44;
	v23 =	vadd.f32 $1.000000000e+00, v46;
	v47 =	vpop (erf)  }
0x70b: {  	v49 =	vcvt.s32.f32 v21;
	(erf) = vrcp.f32 v22;
	v48 =	vadd.f32 $1.000000000e+00, v47  }
0x70c: {  	v11 =	vadd.s32 v11, v19;
	v10 =	vand.u32 $0xFFFFFF80, v10;
	(erf) = vrcp.f32 v23  }
0x70d: {  	[tilespmem:v18+s21+$0x0] =	vst.idx.add.f32.msk $0xffff, v7;
	v7 =	vadd.s32 v6, v19;
	v51 =	vadd.f32 $1.000000000e+00, v49;
	(erf) = vrcp.f32 v48  }
0x70e: {  	v35 =	vld [tilespmem:s0+$0xFFFFFF10];
	v16 =	vshll.u32 v16, $0x5;
	v11 =	vand.u32 $0xFFFFFF80, v11;
	v55 =	vand.u32 $0x7F, v52  }
0x70f: {  	v25 =	vshll.u32 v56, $0x9;
	v53 =	vor.u32 v5, v16;
	v42 =	vld [tilespmem:s0+$0xFFFFFF90];
	v23 =	vmul.f32 $6.666667010e-02, v51  }
0x710: {  	[tilespmem:v17+s21+$0x0] =	vst.idx.add.f32.msk $0xffff, v8;
	v12 =	vadd.s32 v12, v16;
	v11 =	vor.u32 v55, v11;
	v24 =	vmul.f32 $6.666667010e-02, v49  }
0x711: {  	v8 =	vadd.s32 v6, v16;
	v12 =	vand.u32 $0xFFFFFF80, v12;
	v44 =	vld [tilespmem:s0+$0x10];
	vm15 =	vge.f32 v15, v23  }
0x712: {  	v57 =	vand.u32 $0x7F, v53;
	vm14 =	vlt.f32 v15, v24;
	v27 =	vsel vm15, $0x1, v2  }
0x713: {  	v12 =	vor.u32 v57, v12;
	v45 =	vshll.u32 v35, $0x9;
	v54 =	vsel vm14, $0xFFFFFFFF, v2  }
0x714: {  	v46 =	vshll.u32 v42, $0x9;
	v22 =	vand.u32 $0x7F, v50;
	v21 =	vadd.s32 v54, v21;
	v26 =	vpop (erf)  }
0x715: {  	v10 =	vor.u32 v22, v10;
	v21 =	vadd.s32 v27, v21;
	v58 =	vmul.f32 $1.500000000e+01, v26;
	v27 =	vpop (erf)  }
0x716: {  	v47 =	vshll.u32 v44, $0x9;
	vm4 =	vlt.s32 v21, $0xE;
	v59 =	vmul.f32 $1.500000000e+01, v27;
	v28 =	vpop (erf)  }
0x717: {  	v21 =	vnsel vm4, $0xE, v21;
	v22 =	vtrunc.f32 v58;
	v29 =	vmul.f32 $1.500000000e+01, v28  }
0x718: {  	v21 =	vshll.u32 v21, $0x5;
	v22 =	vcvt.f32.s32 v22;
	v24 =	vtrunc.f32 v59  }
0x719: {  	v62 =	vor.u32 v5, v21;
	v60 =	vcvt.f32.s32 v24;
	v61 =	vtrunc.f32 v29  }
0x71a: {  	v25 =	vadd.s32 v25, v21;
	vm5 =	vlt.s32 v22, $0xE;
	v24 =	vcvt.f32.s32 v61  }
0x71b: {  	v21 =	vadd.s32 v6, v21;
	v22 =	vnsel vm5, $0xE, v22;
	vm6 =	vlt.s32 v60, $0xE  }
0x71c: {  	v23 =	vnsel vm6, $0xE, v60;
	v30 =	vcvt.s32.f32 v22;
	vm7 =	vlt.s32 v24, $0xE  }
0x71d: {  	v25 =	vand.u32 $0xFFFFFF80, v25;
	v31 =	vcvt.s32.f32 v23;
	v24 =	vnsel vm7, $0xE, v24  }
0x71e: {  	v29 =	vand.u32 $0x7F, v62;
	v32 =	vadd.f32 $1.000000000e+00, v30;
	v33 =	vcvt.s32.f32 v24  }
0x71f: {  	v30 =	vmul.f32 $6.666667010e-02, v30;
	v34 =	vmul.f32 $6.666667010e-02, v31;
	v31 =	vadd.f32 $1.000000000e+00, v31  }
0x720: {  	v25 =	vor.u32 v29, v25;
	v63 =	vmul.f32 $6.666667010e-02, v32;
	v39 =	vmul.f32 $6.666667010e-02, v33  }
0x721: {  	vm8 =	vlt.f32 v26, v30;
	v41 =	vadd.f32 $1.000000000e+00, v33;
	v40 =	vmul.f32 $6.666667010e-02, v31  }
0x722: {  	vm9 =	vlt.f32 v27, v34;
	v43 =	vsel vm8, $0xFFFFFFFF, v2;
	vm10 =	vlt.f32 v28, v39  }
0x723: {  	v36 =	vsel vm9, $0xFFFFFFFF, v2;
	v31 =	vmul.f32 $6.666667010e-02, v41;
	v22 =	vadd.s32 v43, v22  }
0x724: {  	vm11 =	vge.f32 v26, v63;
	v37 =	vsel vm10, $0xFFFFFFFF, v2;
	v23 =	vadd.s32 v36, v23  }
0x725: {  	vm12 =	vge.f32 v27, v40;
	v29 =	vsel vm11, $0x1, v2;
	v24 =	vadd.s32 v37, v24  }
0x726: {  	vm2 =	vge.f32 v28, v31;
	v30 =	vsel vm12, $0x1, v2;
	v22 =	vadd.s32 v29, v22  }
0x727: {  	v31 =	vsel vm2, $0x1, v2;
	v23 =	vadd.s32 v30, v23;
	vm13 =	vlt.s32 v22, $0xE  }
0x728: {  	v24 =	vadd.s32 v31, v24;
	v48 =	vnsel vm13, $0xE, v22;
	vm14 =	vlt.s32 v23, $0xE  }
0x729: {  	[tilespmem:v11+s20+$0x0] =	vst.idx.add.f32.msk $0xffff, v1;
	v49 =	vnsel vm14, $0xE, v23;
	vm15 =	vlt.s32 v24, $0xE;
	v50 =	vshll.u32 v48, $0x5  }
0x72a: {  	[tilespmem:v7+s21+$0x0] =	vst.idx.add.f32.msk $0xffff, v13;
	v51 =	vnsel vm15, $0xE, v24;
	v16 =	vshll.u32 v49, $0x5;
	v53 =	vor.u32 v5, v50  }
0x72b: {  	[tilespmem:v12+s20+$0x0] =	vst.idx.add.f32.msk $0xffff, v1;
	v18 =	vadd.s32 v45, v50;
	v52 =	vshll.u32 v51, $0x5;
	v54 =	vor.u32 v5, v16  }
0x72c: {  	[tilespmem:v8+s21+$0x0] =	vst.idx.add.f32.msk $0xffff, v14;
	v55 =	vadd.s32 v46, v16;
	v57 =	vand.u32 $0xFFFFFF80, v18;
	v17 =	vand.u32 $0x7F, v53  }
0x72d: {  	[tilespmem:v10+s20+$0x0] =	vst.idx.add.f32.msk $0xffff, v1;
	v22 =	vand.u32 $0xFFFFFF80, v55;
	v19 =	vand.u32 $0x7F, v54;
	v12 =	vor.u32 v17, v57  }
0x72e: {  	v56 =	vor.u32 v5, v52;
	v58 =	vadd.s32 v47, v52;
	v61 =	vor.u32 v19, v22  }
0x72f: {  	[tilespmem:v20+s21+$0x0] =	vst.idx.add.f32.msk $0xffff, v9;
	v7 =	vadd.s32 v6, v50;
	v59 =	vand.u32 $0xFFFFFF80, v58;
	v60 =	vand.u32 $0x7F, v56  }
0x730: {  	[tilespmem:v25+s20+$0x0] =	vst.idx.add.f32.msk $0xffff, v1;
	v62 =	vor.u32 v60, v59  }
0x731: {  	[tilespmem:v21+s21+$0x0] =	vst.idx.add.f32.msk $0xffff, v15;
	v8 =	vadd.s32 v6, v16  }
0x732: {  	v63 =	vadd.s32 v6, v52;
	[tilespmem:v12+s20+$0x0] =	vst.idx.add.f32.msk $0xffff, v1  }
.Ltmp4:
0x733: {  	[tilespmem:v61+s20+$0x0] =	vst.idx.add.f32.msk $0xffff, v1;
	(pc) =	sbr.rel @p0 .LBB2_8-.Ltmp4, $4  }
0x734: {  	[tilespmem:v7+s21+$0x0] =	vst.idx.add.f32.msk $0xffff, v26  }
0x735: {  	[tilespmem:v62+s20+$0x0] =	vst.idx.add.f32.msk $0xffff, v1  }
0x736: {  	[tilespmem:v8+s21+$0x0] =	vst.idx.add.f32.msk $0xffff, v27  }
0x737: {  	[tilespmem:v63+s21+$0x0] =	vst.idx.add.f32.msk $0xffff, v28  }
.Ltmp5:
0x738: {  	s0 =	sadd.s32 s30, s10;
	(pc) =	sbr.rel .LBB2_2-.Ltmp5, $4  }
0x739: {  	s1 =	sadd.s32 s3, s0  }
0x73a: {  	[tilespmem:s14], [sflag:$0x2] =	stream.linear.gather [hbm4b:s1+s2], $0x4000, $0x38;
	[tilespmem:$0x11800] =	vst v63  }
0x73b: {  	s29 =	sadd.s32 $0x1, s29;
	s0 =	sadd.s32 s4, s0  }
0x73c: {  	[tilespmem:s15], [sflag:$0x4] =	stream.linear.gather [hbm4b:s0+s2], $0x4000, $0x38;
	[tilespmem:$0x11800] =	vst v63  }
.LBB2_9:
0x73d: {  	_ =	sfence.sel $0x180000  }
0x73e: {  	[bflag:$0x0] =	sbarrier.arrive $0xFFFF  }
0x73f: {  	_ =	strace $0x90000047  }
0x740: {  	s0 =	stileid.u32;
	[bflag:$0x2] =	sbarrier.arrive $0xFFFF  }
0x741: {  	p0 =	sne.s32 s0, $0x0;
	s0 =	rddreg [dreg:$0x1]  }
0x742: {  	s0 =	sadd.s32 @!p0 $0x100000, s0  }
0x743: {  	[sflag:s0] =	ssyncadd.tile.s32 @!p0 $0x1;
	_ =	shalt  }
.Lfunc_end2:
_tile_overlayer_lowered:
.L_overlay_start_2:
0x744: {  	(tag) =	ssettag $0x2  }
0x745: {  	s0 =	rddreg [dreg:$0x0];
	s2 =	stileid.u32  }
0x746: {  	s1 =	rddreg [dreg:$0x1];
	p0 =	sne.s32 s2, $0x0  }
0x747: {  	s3 =	rddreg [dreg:$0x2];
	[bflag:$0x3] =	sbarrier.arrive $0xFFFF;
	s2 =	simm.s32 @!p0 $0x1C05  }
0x748: {  	[timem:s3], [sflag:s2] =	dma.local @!p0 [hbm:s0], s1  }
0x749: {  	s0 =	simm.s32 @!p0 $0x5  }
0x74a: {  	_ =	swait.ge @!p0 [sflag:s0], s1  }
0x74b: {  	s1 =	ssub.s32 @!p0 $0x0, s1;
	[sflag:s0] =	ssyncset.done @!p0 $0x0  }
0x74c: {  	[sflag:s0] =	ssyncadd.s32 @!p0 s1  }
0x74d: {  	[bflag:$0x3] =	sbarrier.arrive $0xFFFF  }
0x74e: {  	_ =	shalt  }

</sc_bundles>
